<compile_context>
chip_gen: v7x
topology: tpu7x:2x2x1
jax: 0.10.2.dev20260603
libtpu: 0.0.44.dev20260713+nightly
codegen_flags: <defaults>
</compile_context>

<pallas_src>
import functools

import jax
import jax.numpy as jnp
import numpy as np
from jax import lax
from jax.experimental import pallas as pl
from jax.experimental.pallas import tpu as pltpu
from jax.experimental.pallas import tpu_sc as plsc

NUM_CLASSES = 20000
BANK = 10
NQ = 5
NS = 2
D = 128
RPL = NQ * NS
B = 16
L = 50
T = 256
LPW = 2
AW = L // LPW
SLAB = LPW * RPL * B

_WIDX = (np.arange(AW, dtype=np.int32)[:, None] * (LPW * RPL)
         + np.arange(32, dtype=np.int32)[None, :] % (LPW * RPL)
         ).reshape(AW, 1, 32)


def _sc_gather_add(table, vw, labT, widx):
    mesh = plsc.VectorSubcoreMesh(core_axis_name="c", subcore_axis_name="s")

    @functools.partial(
        pl.kernel,
        mesh=mesh,
        out_type=jax.ShapeDtypeStruct((L * RPL * B, D), jnp.float32),
        scratch_types=[
            pltpu.VMEM((LPW, B), jnp.int32),
            pltpu.VMEM((NQ, LPW * B), jnp.int32),
            pltpu.VMEM((1, 32), jnp.int32),
            pltpu.VMEM((LPW * B, NS, D), jnp.float32),
            pltpu.VMEM((LPW * B, NS, D), jnp.float32),
            pltpu.VMEM((32, D), jnp.float32),
            pltpu.VMEM((SLAB, D), jnp.float32),
            pltpu.SemaphoreType.DMA,
            pltpu.SemaphoreType.DMA,
            pltpu.SemaphoreType.DMA,
        ],
    )
    def k(table_hbm, vw_hbm, labT_hbm, widx_hbm, out_hbm,
          lab_v, idx_v, widx_v, rows_a, rows_b, wrows_v, acc_v,
          sem_a, sem_b, wsem):
        wid = lax.axis_index("s") * 2 + lax.axis_index("c")

        @pl.when(wid < AW)
        def _():
            pltpu.sync_copy(labT_hbm.at[wid], lab_v)
            pltpu.sync_copy(widx_hbm.at[wid], widx_v)
            wcopy = pltpu.async_copy(vw_hbm.at[widx_v.at[0]], wrows_v, wsem)
            for kk in range(NQ):
                for c in range(LPW):
                    idx_v[kk, pl.ds(c * B, B)] = lab_v[c] * BANK + kk
            bufs = (rows_a, rows_b)
            sems = (sem_a, sem_b)

            def gather(kk):
                return pltpu.async_copy(table_hbm.at[idx_v.at[kk]],
                                        bufs[kk % 2], sems[kk % 2])

            def densify_add(kk, i):
                rows = bufs[kk % 2]
                for c in range(LPW):
                    for s in range(NS):
                        lt = c * RPL + kk * NS + s
                        for j in range(D // 16):
                            sl = pl.ds(j * 16, 16)
                            acc_v[lt * B + i, sl] = (
                                wrows_v[lt, sl] + rows[c * B + i, s, sl])

            copies = [gather(0), gather(1)]
            wcopy.wait()
            for kk in range(NQ):
                copies[kk].wait()
                lax.fori_loop(
                    0, B, lambda i, _, kk=kk: (densify_add(kk, i), 0)[1], 0)
                if kk + 2 < NQ:
                    copies.append(gather(kk + 2))
            pltpu.sync_copy(acc_v, out_hbm.at[pl.ds(wid * SLAB, SLAB)])

    return k(table, vw, labT, widx)


def _tc_mask(locT):
    def body(loc_ref, m_ref):
        m = (loc_ref[...] != 0).astype(jnp.float32)
        m_ref[...] = jnp.broadcast_to(m[:, None, :, :],
                                      (L, RPL, B, T)).reshape(L * RPL, B, T)

    return pl.pallas_call(
        body,
        grid=(1,),
        in_specs=[pl.BlockSpec((L, B, T), lambda g: (0, 0, 0))],
        out_specs=pl.BlockSpec((L * RPL, B, T), lambda g: (0, 0, 0)),
        out_shape=jax.ShapeDtypeStruct((L * RPL, B, T), jnp.float32),
    )(locT)


def kernel(batched_label_list, batched_location_map, query_bank, vision_weight):
    table = query_bank.reshape(NUM_CLASSES * BANK, NS, D)

    labT = batched_label_list.astype(jnp.int32).T.reshape(AW, LPW, B)
    q2d = _sc_gather_add(table, vision_weight, labT, jnp.asarray(_WIDX))
    locT = batched_location_map.transpose(1, 0, 2)
    maskT = _tc_mask(locT)

    return (
        q2d.reshape(L * RPL, B, D).transpose(1, 0, 2),
        maskT.transpose(1, 0, 2),
        jnp.ones((B, L), dtype=jnp.int32),
    )

# --- scband reference (transcript-rebuilt; emitter-appended) ---
"""Pipeline reference for scband-query-selector-52415780880963 (READ-ONLY COPY).

The authoritative reference and input builder live on the scoring server;
editing this copy changes nothing except your own understanding.
"""

import jax, jax.numpy as jnp
import numpy as np

NUM_CLASSES = 20000
BANK_PER_CLASS = 10
NUM_SCALE = 2
QUERY_DIM = 128
NQ = 5  # num_query_per_class (eval mode: deterministic, sorted indices -> first NQ)
T = 256  # num text tokens
B = 16
L = 50  # labels per image


def setup_inputs(seed: int = 0) -> dict:
    key = jax.random.key(seed)
    k1, k2, k3 = jax.random.split(key, 3)
    labels = jax.random.randint(k1, (B, L), 0, NUM_CLASSES)
    # location maps are one-hot-ish sparse masks over text tokens
    location_map = (jax.random.uniform(k2, (B, L, T)) < 0.1).astype(jnp.float32)
    # learned params: query bank [num_classes, bank_per_class, num_scale, query_dim]
    query_bank = jax.random.normal(k3, (NUM_CLASSES, BANK_PER_CLASS, NUM_SCALE, QUERY_DIM), dtype=jnp.float32)
    # tunable vision linear weight (original inits to zeros)
    vision_weight = jnp.zeros((1000, QUERY_DIM), dtype=jnp.float32)
    return {
        'batched_label_list': labels,
        'batched_location_map': location_map,
        'query_bank': query_bank,
        'vision_weight': vision_weight,
    }


def reference(batched_label_list, batched_location_map, query_bank, vision_weight):
    # Eval-mode (not training): num_queries = min(num_total, num_query_per_class), idx sorted
    # -> deterministically take the first NQ candidate queries per class.
    # gather per-class queries: [B, L, BANK, NS, D]
    q = jnp.take(query_bank, batched_label_list, axis=0)
    q = q[:, :, :NQ]  # [B, L, NQ, NS, D]
    # per-label flatten(0,1) of [NQ, NS, D] -> [NQ*NS, D], then concat over labels
    n_tok = L * NQ * NUM_SCALE
    q = q.reshape(B, n_tok, QUERY_DIM)
    # ADD_VISION_LAYER: add tunable weight rows to the stacked queries
    q = q + vision_weight[:n_tok][None, :, :]
    # attention mask: each label's loc_map expanded to its NQ*NS query tokens
    mask = jnp.repeat(batched_location_map, NQ * NUM_SCALE, axis=1)  # [B, n_tok, T]
    mask = (mask != 0).astype(jnp.float32)
    # every label has vision queries in this deterministic path
    has_vision_query = jnp.ones((B, L), dtype=jnp.int32)
    return (q, mask, has_vision_query)

if __name__ == "__main__":
    import jax
    _d = setup_inputs()
    print(jax.jit(kernel)(*tuple(_d.values())))

</pallas_src>

<mosaic_0001>
#map = affine_map<(d0, d1) -> (0, 0, 0)>
#map1 = affine_map<(d0, d1) -> (0, 0)>
module attributes {stable_mosaic.version = 14 : i64} {
  func.func @k(%arg0: i32, %arg1: i32, %arg2: memref<200000x2x128xf32, #tpu.memory_space<hbm>>, %arg3: memref<1000x128xf32, #tpu.memory_space<hbm>>, %arg4: memref<25x2x16xi32, #tpu.memory_space<hbm>>, %arg5: memref<25x1x32xi32, #tpu.memory_space<hbm>>, %arg6: memref<8000x128xf32, #tpu.memory_space<hbm>>, %arg7: memref<2x16xi32, #tpu.memory_space<vmem>>, %arg8: memref<5x32xi32, #tpu.memory_space<vmem>>, %arg9: memref<1x32xi32, #tpu.memory_space<vmem>>, %arg10: memref<32x2x128xf32, #tpu.memory_space<vmem>>, %arg11: memref<32x2x128xf32, #tpu.memory_space<vmem>>, %arg12: memref<32x128xf32, #tpu.memory_space<vmem>>, %arg13: memref<320x128xf32, #tpu.memory_space<vmem>>, %arg14: memref<!tpu.dma_semaphore, #tpu.memory_space<semaphore_mem>>, %arg15: memref<!tpu.dma_semaphore, #tpu.memory_space<semaphore_mem>>, %arg16: memref<!tpu.dma_semaphore, #tpu.memory_space<semaphore_mem>>) attributes {dimension_semantics = [#tpu.dimension_semantics<core_parallel>, #tpu.dimension_semantics<subcore_parallel>], iteration_bounds = array<i64: 2, 16>, scalar_prefetch = 0 : i64, scratch_operands = 10 : i64, tpu.core_type = #tpu.core_type<sc_vector_subcore>, window_params = [{transform_indices = #map}, {transform_indices = #map1}, {transform_indices = #map}, {transform_indices = #map}, {transform_indices = #map1}]} {
    %mul3A = arith.constant 2 : i32
    %mul3A_0 = arith.muli %arg1, %mul3A : i32
    %add3A = arith.addi %mul3A_0, %arg0 : i32
    %lt3A = arith.constant 25 : i32
    %lt3A_1 = arith.cmpi slt, %add3A, %lt3A : i32
    %convert_element_type3A = arith.extui %lt3A_1 : i1 to i32
    %cond3A = arith.constant 0 : i32
    %cond3A_2 = arith.cmpi ne, %convert_element_type3A, %cond3A : i32
    scf.if %cond3A_2 {
      "tpu.region"() ({
        %run_scoped3A = tpu.sem_alloc : memref<!tpu.dma_semaphore, #tpu.memory_space<semaphore_mem>>
        %dma_start3A_299 = arith.constant 0 : i32
        %dma_start3A_300 = arith.constant 0 : i32
        %dma_start3A_301 = tpu.memref_slice %arg4[%add3A, %dma_start3A_299, %dma_start3A_300] : memref<25x2x16xi32, #tpu.memory_space<hbm>> -> memref<1x2x16xi32, #tpu.memory_space<hbm>>
        %dma_start3A_302 = tpu.memref_squeeze %dma_start3A_301 : memref<1x2x16xi32, #tpu.memory_space<hbm>> -> memref<2x16xi32, #tpu.memory_space<hbm>>
        %dma_start3A_303 = arith.constant 0 : i32
        %dma_start3A_304 = arith.constant 0 : i32
        %dma_start3A_305 = tpu.memref_slice %arg4[%add3A, %dma_start3A_303, %dma_start3A_304] : memref<25x2x16xi32, #tpu.memory_space<hbm>> -> memref<1x2x16xi32, #tpu.memory_space<hbm>>
        %dma_start3A_306 = tpu.memref_squeeze %dma_start3A_305 : memref<1x2x16xi32, #tpu.memory_space<hbm>> -> memref<2x16xi32, #tpu.memory_space<hbm>>
        tpu.enqueue_dma source(%dma_start3A_306 : memref<2x16xi32, #tpu.memory_space<hbm>>) target(%arg7 : memref<2x16xi32, #tpu.memory_space<vmem>>) target_semaphore(%run_scoped3A : memref<!tpu.dma_semaphore, #tpu.memory_space<semaphore_mem>>)
        %dma_wait3A_307 = arith.constant 0 : i32
        %dma_wait3A_308 = arith.constant 0 : i32
        %dma_wait3A_309 = tpu.memref_slice %arg4[%add3A, %dma_wait3A_307, %dma_wait3A_308] : memref<25x2x16xi32, #tpu.memory_space<hbm>> -> memref<1x2x16xi32, #tpu.memory_space<hbm>>
        %dma_wait3A_310 = tpu.memref_squeeze %dma_wait3A_309 : memref<1x2x16xi32, #tpu.memory_space<hbm>> -> memref<2x16xi32, #tpu.memory_space<hbm>>
        %dma_wait3A_311 = arith.constant 0 : i32
        %dma_wait3A_312 = arith.constant 0 : i32
        %dma_wait3A_313 = tpu.memref_slice %arg4[%add3A, %dma_wait3A_311, %dma_wait3A_312] : memref<25x2x16xi32, #tpu.memory_space<hbm>> -> memref<1x2x16xi32, #tpu.memory_space<hbm>>
        %dma_wait3A_314 = tpu.memref_squeeze %dma_wait3A_313 : memref<1x2x16xi32, #tpu.memory_space<hbm>> -> memref<2x16xi32, #tpu.memory_space<hbm>>
        tpu.wait_dma2 semaphore(%run_scoped3A : memref<!tpu.dma_semaphore, #tpu.memory_space<semaphore_mem>>) src(%dma_wait3A_314 : memref<2x16xi32, #tpu.memory_space<hbm>>) dst(%arg7 : memref<2x16xi32, #tpu.memory_space<vmem>>)
        tpu.yield
      }) : () -> ()
      "tpu.region"() ({
        %run_scoped3A = tpu.sem_alloc : memref<!tpu.dma_semaphore, #tpu.memory_space<semaphore_mem>>
        %dma_start3A_299 = arith.constant 0 : i32
        %dma_start3A_300 = arith.constant 0 : i32
        %dma_start3A_301 = tpu.memref_slice %arg5[%add3A, %dma_start3A_299, %dma_start3A_300] : memref<25x1x32xi32, #tpu.memory_space<hbm>> -> memref<1x1x32xi32, #tpu.memory_space<hbm>>
        %dma_start3A_302 = tpu.memref_squeeze %dma_start3A_301 : memref<1x1x32xi32, #tpu.memory_space<hbm>> -> memref<1x32xi32, #tpu.memory_space<hbm>>
        %dma_start3A_303 = arith.constant 0 : i32
        %dma_start3A_304 = arith.constant 0 : i32
        %dma_start3A_305 = tpu.memref_slice %arg5[%add3A, %dma_start3A_303, %dma_start3A_304] : memref<25x1x32xi32, #tpu.memory_space<hbm>> -> memref<1x1x32xi32, #tpu.memory_space<hbm>>
        %dma_start3A_306 = tpu.memref_squeeze %dma_start3A_305 : memref<1x1x32xi32, #tpu.memory_space<hbm>> -> memref<1x32xi32, #tpu.memory_space<hbm>>
        tpu.enqueue_dma source(%dma_start3A_306 : memref<1x32xi32, #tpu.memory_space<hbm>>) target(%arg9 : memref<1x32xi32, #tpu.memory_space<vmem>>) target_semaphore(%run_scoped3A : memref<!tpu.dma_semaphore, #tpu.memory_space<semaphore_mem>>)
        %dma_wait3A_307 = arith.constant 0 : i32
        %dma_wait3A_308 = arith.constant 0 : i32
        %dma_wait3A_309 = tpu.memref_slice %arg5[%add3A, %dma_wait3A_307, %dma_wait3A_308] : memref<25x1x32xi32, #tpu.memory_space<hbm>> -> memref<1x1x32xi32, #tpu.memory_space<hbm>>
        %dma_wait3A_310 = tpu.memref_squeeze %dma_wait3A_309 : memref<1x1x32xi32, #tpu.memory_space<hbm>> -> memref<1x32xi32, #tpu.memory_space<hbm>>
        %dma_wait3A_311 = arith.constant 0 : i32
        %dma_wait3A_312 = arith.constant 0 : i32
        %dma_wait3A_313 = tpu.memref_slice %arg5[%add3A, %dma_wait3A_311, %dma_wait3A_312] : memref<25x1x32xi32, #tpu.memory_space<hbm>> -> memref<1x1x32xi32, #tpu.memory_space<hbm>>
        %dma_wait3A_314 = tpu.memref_squeeze %dma_wait3A_313 : memref<1x1x32xi32, #tpu.memory_space<hbm>> -> memref<1x32xi32, #tpu.memory_space<hbm>>
        tpu.wait_dma2 semaphore(%run_scoped3A : memref<!tpu.dma_semaphore, #tpu.memory_space<semaphore_mem>>) src(%dma_wait3A_314 : memref<1x32xi32, #tpu.memory_space<hbm>>) dst(%arg9 : memref<1x32xi32, #tpu.memory_space<vmem>>)
        tpu.yield
      }) : () -> ()
      %dma_start3A = arith.constant 0 : i32
      %dma_start3A_3 = arith.constant 0 : i32
      %dma_start3A_4 = tpu.memref_slice %arg9[%dma_start3A, %dma_start3A_3] : memref<1x32xi32, #tpu.memory_space<vmem>> -> memref<1x32xi32, #tpu.memory_space<vmem>>
      %dma_start3A_5 = tpu.memref_squeeze %dma_start3A_4 : memref<1x32xi32, #tpu.memory_space<vmem>> -> memref<32xi32, #tpu.memory_space<vmem>>
      %dma_start3A_6 = arith.constant 0 : i32
      %dma_start3A_7 = arith.constant 0 : i32
      %dma_start3A_8 = tpu.memref_slice %arg3[%dma_start3A_6, %dma_start3A_7] : memref<1000x128xf32, #tpu.memory_space<hbm>> -> memref<1000x128xf32, #tpu.memory_space<hbm>>
      tpu.enqueue_indirect_dma source(%dma_start3A_8 : memref<1000x128xf32, #tpu.memory_space<hbm>>) target(%arg12 : memref<32x128xf32, #tpu.memory_space<vmem>>) offsets(%dma_start3A_5 : memref<32xi32, #tpu.memory_space<vmem>>) semaphore(%arg16 : memref<!tpu.dma_semaphore, #tpu.memory_space<semaphore_mem>>)
      %get3A = arith.constant 0 : i32
      %get3A_9 = arith.index_cast %get3A : i32 to index
      %get3A_10 = arith.constant 0 : index
      %get3A_11 = tpu.vector_load %arg7[%get3A_9, %get3A_10] {strides = array<i32>} : memref<2x16xi32, #tpu.memory_space<vmem>>, vector<1x16xi32>,
      %get3A_12 = vector.shape_cast %get3A_11 : vector<1x16xi32> to vector<16xi32>
      %mul3A_13 = arith.constant 10 : i32
      %mul3A_14 = vector.broadcast %mul3A_13 : i32 to vector<16xi32>
      %mul3A_15 = arith.muli %get3A_12, %mul3A_14 : vector<16xi32>
      %add3A_16 = arith.constant 0 : i32
      %add3A_17 = vector.broadcast %add3A_16 : i32 to vector<16xi32>
      %add3A_18 = arith.addi %mul3A_15, %add3A_17 : vector<16xi32>
      %swap3A = arith.constant 0 : i32
      %swap3A_19 = arith.index_cast %swap3A : i32 to index
      %swap3A_20 = arith.constant 0 : index
      %swap3A_21 = tpu.vector_load %arg8[%swap3A_19, %swap3A_20] {strides = array<i32>} : memref<5x32xi32, #tpu.memory_space<vmem>>, vector<1x16xi32>,
      %swap3A_22 = vector.shape_cast %swap3A_21 : vector<1x16xi32> to vector<16xi32>
      %swap3A_23 = vector.shape_cast %add3A_18 : vector<16xi32> to vector<1x16xi32>
      tpu.vector_store %arg8[%swap3A_19, %swap3A_20], %swap3A_23 {strides = array<i32>} : memref<5x32xi32, #tpu.memory_space<vmem>>, vector<1x16xi32>,
      %get3A_24 = arith.constant 1 : i32
      %get3A_25 = arith.index_cast %get3A_24 : i32 to index
      %get3A_26 = arith.constant 0 : index
      %get3A_27 = tpu.vector_load %arg7[%get3A_25, %get3A_26] {strides = array<i32>} : memref<2x16xi32, #tpu.memory_space<vmem>>, vector<1x16xi32>,
      %get3A_28 = vector.shape_cast %get3A_27 : vector<1x16xi32> to vector<16xi32>
      %mul3A_29 = arith.constant 10 : i32
      %mul3A_30 = vector.broadcast %mul3A_29 : i32 to vector<16xi32>
      %mul3A_31 = arith.muli %get3A_28, %mul3A_30 : vector<16xi32>
      %add3A_32 = arith.constant 0 : i32
      %add3A_33 = vector.broadcast %add3A_32 : i32 to vector<16xi32>
      %add3A_34 = arith.addi %mul3A_31, %add3A_33 : vector<16xi32>
      %swap3A_35 = arith.constant 0 : i32
      %swap3A_36 = arith.index_cast %swap3A_35 : i32 to index
      %swap3A_37 = arith.constant 16 : index
      %swap3A_38 = tpu.vector_load %arg8[%swap3A_36, %swap3A_37] {strides = array<i32>} : memref<5x32xi32, #tpu.memory_space<vmem>>, vector<1x16xi32>,
      %swap3A_39 = vector.shape_cast %swap3A_38 : vector<1x16xi32> to vector<16xi32>
      %swap3A_40 = vector.shape_cast %add3A_34 : vector<16xi32> to vector<1x16xi32>
      tpu.vector_store %arg8[%swap3A_36, %swap3A_37], %swap3A_40 {strides = array<i32>} : memref<5x32xi32, #tpu.memory_space<vmem>>, vector<1x16xi32>,
      %get3A_41 = arith.constant 0 : i32
      %get3A_42 = arith.index_cast %get3A_41 : i32 to index
      %get3A_43 = arith.constant 0 : index
      %get3A_44 = tpu.vector_load %arg7[%get3A_42, %get3A_43] {strides = array<i32>} : memref<2x16xi32, #tpu.memory_space<vmem>>, vector<1x16xi32>,
      %get3A_45 = vector.shape_cast %get3A_44 : vector<1x16xi32> to vector<16xi32>
      %mul3A_46 = arith.constant 10 : i32
      %mul3A_47 = vector.broadcast %mul3A_46 : i32 to vector<16xi32>
      %mul3A_48 = arith.muli %get3A_45, %mul3A_47 : vector<16xi32>
      %add3A_49 = arith.constant 1 : i32
      %add3A_50 = vector.broadcast %add3A_49 : i32 to vector<16xi32>
      %add3A_51 = arith.addi %mul3A_48, %add3A_50 : vector<16xi32>
      %swap3A_52 = arith.constant 1 : i32
      %swap3A_53 = arith.index_cast %swap3A_52 : i32 to index
      %swap3A_54 = arith.constant 0 : index
      %swap3A_55 = tpu.vector_load %arg8[%swap3A_53, %swap3A_54] {strides = array<i32>} : memref<5x32xi32, #tpu.memory_space<vmem>>, vector<1x16xi32>,
      %swap3A_56 = vector.shape_cast %swap3A_55 : vector<1x16xi32> to vector<16xi32>
      %swap3A_57 = vector.shape_cast %add3A_51 : vector<16xi32> to vector<1x16xi32>
      tpu.vector_store %arg8[%swap3A_53, %swap3A_54], %swap3A_57 {strides = array<i32>} : memref<5x32xi32, #tpu.memory_space<vmem>>, vector<1x16xi32>,
      %get3A_58 = arith.constant 1 : i32
      %get3A_59 = arith.index_cast %get3A_58 : i32 to index
      %get3A_60 = arith.constant 0 : index
      %get3A_61 = tpu.vector_load %arg7[%get3A_59, %get3A_60] {strides = array<i32>} : memref<2x16xi32, #tpu.memory_space<vmem>>, vector<1x16xi32>,
      %get3A_62 = vector.shape_cast %get3A_61 : vector<1x16xi32> to vector<16xi32>
      %mul3A_63 = arith.constant 10 : i32
      %mul3A_64 = vector.broadcast %mul3A_63 : i32 to vector<16xi32>
      %mul3A_65 = arith.muli %get3A_62, %mul3A_64 : vector<16xi32>
      %add3A_66 = arith.constant 1 : i32
      %add3A_67 = vector.broadcast %add3A_66 : i32 to vector<16xi32>
      %add3A_68 = arith.addi %mul3A_65, %add3A_67 : vector<16xi32>
      %swap3A_69 = arith.constant 1 : i32
      %swap3A_70 = arith.index_cast %swap3A_69 : i32 to index
      %swap3A_71 = arith.constant 16 : index
      %swap3A_72 = tpu.vector_load %arg8[%swap3A_70, %swap3A_71] {strides = array<i32>} : memref<5x32xi32, #tpu.memory_space<vmem>>, vector<1x16xi32>,
      %swap3A_73 = vector.shape_cast %swap3A_72 : vector<1x16xi32> to vector<16xi32>
      %swap3A_74 = vector.shape_cast %add3A_68 : vector<16xi32> to vector<1x16xi32>
      tpu.vector_store %arg8[%swap3A_70, %swap3A_71], %swap3A_74 {strides = array<i32>} : memref<5x32xi32, #tpu.memory_space<vmem>>, vector<1x16xi32>,
      %get3A_75 = arith.constant 0 : i32
      %get3A_76 = arith.index_cast %get3A_75 : i32 to index
      %get3A_77 = arith.constant 0 : index
      %get3A_78 = tpu.vector_load %arg7[%get3A_76, %get3A_77] {strides = array<i32>} : memref<2x16xi32, #tpu.memory_space<vmem>>, vector<1x16xi32>,
      %get3A_79 = vector.shape_cast %get3A_78 : vector<1x16xi32> to vector<16xi32>
      %mul3A_80 = arith.constant 10 : i32
      %mul3A_81 = vector.broadcast %mul3A_80 : i32 to vector<16xi32>
      %mul3A_82 = arith.muli %get3A_79, %mul3A_81 : vector<16xi32>
      %add3A_83 = arith.constant 2 : i32
      %add3A_84 = vector.broadcast %add3A_83 : i32 to vector<16xi32>
      %add3A_85 = arith.addi %mul3A_82, %add3A_84 : vector<16xi32>
      %swap3A_86 = arith.constant 2 : i32
      %swap3A_87 = arith.index_cast %swap3A_86 : i32 to index
      %swap3A_88 = arith.constant 0 : index
      %swap3A_89 = tpu.vector_load %arg8[%swap3A_87, %swap3A_88] {strides = array<i32>} : memref<5x32xi32, #tpu.memory_space<vmem>>, vector<1x16xi32>,
      %swap3A_90 = vector.shape_cast %swap3A_89 : vector<1x16xi32> to vector<16xi32>
      %swap3A_91 = vector.shape_cast %add3A_85 : vector<16xi32> to vector<1x16xi32>
      tpu.vector_store %arg8[%swap3A_87, %swap3A_88], %swap3A_91 {strides = array<i32>} : memref<5x32xi32, #tpu.memory_space<vmem>>, vector<1x16xi32>,
      %get3A_92 = arith.constant 1 : i32
      %get3A_93 = arith.index_cast %get3A_92 : i32 to index
      %get3A_94 = arith.constant 0 : index
      %get3A_95 = tpu.vector_load %arg7[%get3A_93, %get3A_94] {strides = array<i32>} : memref<2x16xi32, #tpu.memory_space<vmem>>, vector<1x16xi32>,
      %get3A_96 = vector.shape_cast %get3A_95 : vector<1x16xi32> to vector<16xi32>
      %mul3A_97 = arith.constant 10 : i32
      %mul3A_98 = vector.broadcast %mul3A_97 : i32 to vector<16xi32>
      %mul3A_99 = arith.muli %get3A_96, %mul3A_98 : vector<16xi32>
      %add3A_100 = arith.constant 2 : i32
      %add3A_101 = vector.broadcast %add3A_100 : i32 to vector<16xi32>
      %add3A_102 = arith.addi %mul3A_99, %add3A_101 : vector<16xi32>
      %swap3A_103 = arith.constant 2 : i32
      %swap3A_104 = arith.index_cast %swap3A_103 : i32 to index
      %swap3A_105 = arith.constant 16 : index
      %swap3A_106 = tpu.vector_load %arg8[%swap3A_104, %swap3A_105] {strides = array<i32>} : memref<5x32xi32, #tpu.memory_space<vmem>>, vector<1x16xi32>,
      %swap3A_107 = vector.shape_cast %swap3A_106 : vector<1x16xi32> to vector<16xi32>
      %swap3A_108 = vector.shape_cast %add3A_102 : vector<16xi32> to vector<1x16xi32>
      tpu.vector_store %arg8[%swap3A_104, %swap3A_105], %swap3A_108 {strides = array<i32>} : memref<5x32xi32, #tpu.memory_space<vmem>>, vector<1x16xi32>,
      %get3A_109 = arith.constant 0 : i32
      %get3A_110 = arith.index_cast %get3A_109 : i32 to index
      %get3A_111 = arith.constant 0 : index
      %get3A_112 = tpu.vector_load %arg7[%get3A_110, %get3A_111] {strides = array<i32>} : memref<2x16xi32, #tpu.memory_space<vmem>>, vector<1x16xi32>,
      %get3A_113 = vector.shape_cast %get3A_112 : vector<1x16xi32> to vector<16xi32>
      %mul3A_114 = arith.constant 10 : i32
      %mul3A_115 = vector.broadcast %mul3A_114 : i32 to vector<16xi32>
      %mul3A_116 = arith.muli %get3A_113, %mul3A_115 : vector<16xi32>
      %add3A_117 = arith.constant 3 : i32
      %add3A_118 = vector.broadcast %add3A_117 : i32 to vector<16xi32>
      %add3A_119 = arith.addi %mul3A_116, %add3A_118 : vector<16xi32>
      %swap3A_120 = arith.constant 3 : i32
      %swap3A_121 = arith.index_cast %swap3A_120 : i32 to index
      %swap3A_122 = arith.constant 0 : index
      %swap3A_123 = tpu.vector_load %arg8[%swap3A_121, %swap3A_122] {strides = array<i32>} : memref<5x32xi32, #tpu.memory_space<vmem>>, vector<1x16xi32>,
      %swap3A_124 = vector.shape_cast %swap3A_123 : vector<1x16xi32> to vector<16xi32>
      %swap3A_125 = vector.shape_cast %add3A_119 : vector<16xi32> to vector<1x16xi32>
      tpu.vector_store %arg8[%swap3A_121, %swap3A_122], %swap3A_125 {strides = array<i32>} : memref<5x32xi32, #tpu.memory_space<vmem>>, vector<1x16xi32>,
      %get3A_126 = arith.constant 1 : i32
      %get3A_127 = arith.index_cast %get3A_126 : i32 to index
      %get3A_128 = arith.constant 0 : index
      %get3A_129 = tpu.vector_load %arg7[%get3A_127, %get3A_128] {strides = array<i32>} : memref<2x16xi32, #tpu.memory_space<vmem>>, vector<1x16xi32>,
      %get3A_130 = vector.shape_cast %get3A_129 : vector<1x16xi32> to vector<16xi32>
      %mul3A_131 = arith.constant 10 : i32
      %mul3A_132 = vector.broadcast %mul3A_131 : i32 to vector<16xi32>
      %mul3A_133 = arith.muli %get3A_130, %mul3A_132 : vector<16xi32>
      %add3A_134 = arith.constant 3 : i32
      %add3A_135 = vector.broadcast %add3A_134 : i32 to vector<16xi32>
      %add3A_136 = arith.addi %mul3A_133, %add3A_135 : vector<16xi32>
      %swap3A_137 = arith.constant 3 : i32
      %swap3A_138 = arith.index_cast %swap3A_137 : i32 to index
      %swap3A_139 = arith.constant 16 : index
      %swap3A_140 = tpu.vector_load %arg8[%swap3A_138, %swap3A_139] {strides = array<i32>} : memref<5x32xi32, #tpu.memory_space<vmem>>, vector<1x16xi32>,
      %swap3A_141 = vector.shape_cast %swap3A_140 : vector<1x16xi32> to vector<16xi32>
      %swap3A_142 = vector.shape_cast %add3A_136 : vector<16xi32> to vector<1x16xi32>
      tpu.vector_store %arg8[%swap3A_138, %swap3A_139], %swap3A_142 {strides = array<i32>} : memref<5x32xi32, #tpu.memory_space<vmem>>, vector<1x16xi32>,
      %get3A_143 = arith.constant 0 : i32
      %get3A_144 = arith.index_cast %get3A_143 : i32 to index
      %get3A_145 = arith.constant 0 : index
      %get3A_146 = tpu.vector_load %arg7[%get3A_144, %get3A_145] {strides = array<i32>} : memref<2x16xi32, #tpu.memory_space<vmem>>, vector<1x16xi32>,
      %get3A_147 = vector.shape_cast %get3A_146 : vector<1x16xi32> to vector<16xi32>
      %mul3A_148 = arith.constant 10 : i32
      %mul3A_149 = vector.broadcast %mul3A_148 : i32 to vector<16xi32>
      %mul3A_150 = arith.muli %get3A_147, %mul3A_149 : vector<16xi32>
      %add3A_151 = arith.constant 4 : i32
      %add3A_152 = vector.broadcast %add3A_151 : i32 to vector<16xi32>
      %add3A_153 = arith.addi %mul3A_150, %add3A_152 : vector<16xi32>
      %swap3A_154 = arith.constant 4 : i32
      %swap3A_155 = arith.index_cast %swap3A_154 : i32 to index
      %swap3A_156 = arith.constant 0 : index
      %swap3A_157 = tpu.vector_load %arg8[%swap3A_155, %swap3A_156] {strides = array<i32>} : memref<5x32xi32, #tpu.memory_space<vmem>>, vector<1x16xi32>,
      %swap3A_158 = vector.shape_cast %swap3A_157 : vector<1x16xi32> to vector<16xi32>
      %swap3A_159 = vector.shape_cast %add3A_153 : vector<16xi32> to vector<1x16xi32>
      tpu.vector_store %arg8[%swap3A_155, %swap3A_156], %swap3A_159 {strides = array<i32>} : memref<5x32xi32, #tpu.memory_space<vmem>>, vector<1x16xi32>,
      %get3A_160 = arith.constant 1 : i32
      %get3A_161 = arith.index_cast %get3A_160 : i32 to index
      %get3A_162 = arith.constant 0 : index
      %get3A_163 = tpu.vector_load %arg7[%get3A_161, %get3A_162] {strides = array<i32>} : memref<2x16xi32, #tpu.memory_space<vmem>>, vector<1x16xi32>,
      %get3A_164 = vector.shape_cast %get3A_163 : vector<1x16xi32> to vector<16xi32>
      %mul3A_165 = arith.constant 10 : i32
      %mul3A_166 = vector.broadcast %mul3A_165 : i32 to vector<16xi32>
      %mul3A_167 = arith.muli %get3A_164, %mul3A_166 : vector<16xi32>
      %add3A_168 = arith.constant 4 : i32
      %add3A_169 = vector.broadcast %add3A_168 : i32 to vector<16xi32>
      %add3A_170 = arith.addi %mul3A_167, %add3A_169 : vector<16xi32>
      %swap3A_171 = arith.constant 4 : i32
      %swap3A_172 = arith.index_cast %swap3A_171 : i32 to index
      %swap3A_173 = arith.constant 16 : index
      %swap3A_174 = tpu.vector_load %arg8[%swap3A_172, %swap3A_173] {strides = array<i32>} : memref<5x32xi32, #tpu.memory_space<vmem>>, vector<1x16xi32>,
      %swap3A_175 = vector.shape_cast %swap3A_174 : vector<1x16xi32> to vector<16xi32>
      %swap3A_176 = vector.shape_cast %add3A_170 : vector<16xi32> to vector<1x16xi32>
      tpu.vector_store %arg8[%swap3A_172, %swap3A_173], %swap3A_176 {strides = array<i32>} : memref<5x32xi32, #tpu.memory_space<vmem>>, vector<1x16xi32>,
      %dma_start3A_177 = arith.constant 0 : i32
      %dma_start3A_178 = arith.constant 0 : i32
      %dma_start3A_179 = tpu.memref_slice %arg8[%dma_start3A_177, %dma_start3A_178] : memref<5x32xi32, #tpu.memory_space<vmem>> -> memref<1x32xi32, #tpu.memory_space<vmem>>
      %dma_start3A_180 = tpu.memref_squeeze %dma_start3A_179 : memref<1x32xi32, #tpu.memory_space<vmem>> -> memref<32xi32, #tpu.memory_space<vmem>>
      %dma_start3A_181 = arith.constant 0 : i32
      %dma_start3A_182 = arith.constant 0 : i32
      %dma_start3A_183 = arith.constant 0 : i32
      %dma_start3A_184 = tpu.memref_slice %arg2[%dma_start3A_181, %dma_start3A_182, %dma_start3A_183] : memref<200000x2x128xf32, #tpu.memory_space<hbm>> -> memref<200000x2x128xf32, #tpu.memory_space<hbm>>
      tpu.enqueue_indirect_dma source(%dma_start3A_184 : memref<200000x2x128xf32, #tpu.memory_space<hbm>>) target(%arg10 : memref<32x2x128xf32, #tpu.memory_space<vmem>>) offsets(%dma_start3A_180 : memref<32xi32, #tpu.memory_space<vmem>>) semaphore(%arg14 : memref<!tpu.dma_semaphore, #tpu.memory_space<semaphore_mem>>)
      %dma_start3A_185 = arith.constant 1 : i32
      %dma_start3A_186 = arith.constant 0 : i32
      %dma_start3A_187 = tpu.memref_slice %arg8[%dma_start3A_185, %dma_start3A_186] : memref<5x32xi32, #tpu.memory_space<vmem>> -> memref<1x32xi32, #tpu.memory_space<vmem>>
      %dma_start3A_188 = tpu.memref_squeeze %dma_start3A_187 : memref<1x32xi32, #tpu.memory_space<vmem>> -> memref<32xi32, #tpu.memory_space<vmem>>
      %dma_start3A_189 = arith.constant 0 : i32
      %dma_start3A_190 = arith.constant 0 : i32
      %dma_start3A_191 = arith.constant 0 : i32
      %dma_start3A_192 = tpu.memref_slice %arg2[%dma_start3A_189, %dma_start3A_190, %dma_start3A_191] : memref<200000x2x128xf32, #tpu.memory_space<hbm>> -> memref<200000x2x128xf32, #tpu.memory_space<hbm>>
      tpu.enqueue_indirect_dma source(%dma_start3A_192 : memref<200000x2x128xf32, #tpu.memory_space<hbm>>) target(%arg11 : memref<32x2x128xf32, #tpu.memory_space<vmem>>) offsets(%dma_start3A_188 : memref<32xi32, #tpu.memory_space<vmem>>) semaphore(%arg15 : memref<!tpu.dma_semaphore, #tpu.memory_space<semaphore_mem>>)
      %dma_wait3A = arith.constant 0 : i32
      %dma_wait3A_193 = arith.constant 0 : i32
      %dma_wait3A_194 = tpu.memref_slice %arg9[%dma_wait3A, %dma_wait3A_193] : memref<1x32xi32, #tpu.memory_space<vmem>> -> memref<1x32xi32, #tpu.memory_space<vmem>>
      %dma_wait3A_195 = tpu.memref_squeeze %dma_wait3A_194 : memref<1x32xi32, #tpu.memory_space<vmem>> -> memref<32xi32, #tpu.memory_space<vmem>>
      %dma_wait3A_196 = arith.constant 0 : i32
      %dma_wait3A_197 = arith.constant 0 : i32
      %dma_wait3A_198 = tpu.memref_slice %arg3[%dma_wait3A_196, %dma_wait3A_197] : memref<1000x128xf32, #tpu.memory_space<hbm>> -> memref<1000x128xf32, #tpu.memory_space<hbm>>
      tpu.wait_indirect_dma semaphore(%arg16 : memref<!tpu.dma_semaphore, #tpu.memory_space<semaphore_mem>>) src(%dma_wait3A_198 : memref<1000x128xf32, #tpu.memory_space<hbm>>) dst(%arg12 : memref<32x128xf32, #tpu.memory_space<vmem>>)
      %dma_wait3A_199 = arith.constant 0 : i32
      %dma_wait3A_200 = arith.constant 0 : i32
      %dma_wait3A_201 = tpu.memref_slice %arg8[%dma_wait3A_199, %dma_wait3A_200] : memref<5x32xi32, #tpu.memory_space<vmem>> -> memref<1x32xi32, #tpu.memory_space<vmem>>
      %dma_wait3A_202 = tpu.memref_squeeze %dma_wait3A_201 : memref<1x32xi32, #tpu.memory_space<vmem>> -> memref<32xi32, #tpu.memory_space<vmem>>
      %dma_wait3A_203 = arith.constant 0 : i32
      %dma_wait3A_204 = arith.constant 0 : i32
      %dma_wait3A_205 = arith.constant 0 : i32
      %dma_wait3A_206 = tpu.memref_slice %arg2[%dma_wait3A_203, %dma_wait3A_204, %dma_wait3A_205] : memref<200000x2x128xf32, #tpu.memory_space<hbm>> -> memref<200000x2x128xf32, #tpu.memory_space<hbm>>
      tpu.wait_indirect_dma semaphore(%arg14 : memref<!tpu.dma_semaphore, #tpu.memory_space<semaphore_mem>>) src(%dma_wait3A_206 : memref<200000x2x128xf32, #tpu.memory_space<hbm>>) dst(%arg10 : memref<32x2x128xf32, #tpu.memory_space<vmem>>)
      %scan3A = arith.constant 0 : i32
      %scan3A_207 = arith.constant 0 : i32
      %scan3A_208 = arith.constant 16 : i32
      %scan3A_209 = arith.addi %scan3A_207, %scan3A_208 : i32
      %scan3A_210 = arith.constant 1 : i32
      %scan3A_211 = scf.for %scan3A_299 = %scan3A_207 to %scan3A_209 step %scan3A_210 iter_args(%scan3A_300 = %scan3A) -> (i32)  : i32 {
        %get3A_301 = arith.constant 0 : i32
        %get3A_302 = arith.index_cast %get3A_301 : i32 to index
        %get3A_303 = arith.constant 0 : index
        %get3A_304 = tpu.vector_load %arg12[%get3A_302, %get3A_303] {strides = array<i32>} : memref<32x128xf32, #tpu.memory_space<vmem>>, vector<1x16xf32>,
        %get3A_305 = vector.shape_cast %get3A_304 : vector<1x16xf32> to vector<16xf32>
        %add3A_306 = arith.constant 0 : i32
        %add3A_307 = arith.addi %add3A_306, %scan3A_299 : i32
        %get3A_308 = arith.constant 0 : i32
        %get3A_309 = arith.index_cast %add3A_307 : i32 to index
        %get3A_310 = arith.index_cast %get3A_308 : i32 to index
        %get3A_311 = arith.constant 0 : index
        %get3A_312 = tpu.vector_load %arg10[%get3A_309, %get3A_310, %get3A_311] {strides = array<i32>} : memref<32x2x128xf32, #tpu.memory_space<vmem>>, vector<1x1x16xf32>,
        %get3A_313 = vector.shape_cast %get3A_312 : vector<1x1x16xf32> to vector<16xf32>
        %add3A_314 = arith.addf %get3A_305, %get3A_313 : vector<16xf32>
        %add3A_315 = arith.constant 0 : i32
        %add3A_316 = arith.addi %add3A_315, %scan3A_299 : i32
        %swap3A_317 = arith.index_cast %add3A_316 : i32 to index
        %swap3A_318 = arith.constant 0 : index
        %swap3A_319 = tpu.vector_load %arg13[%swap3A_317, %swap3A_318] {strides = array<i32>} : memref<320x128xf32, #tpu.memory_space<vmem>>, vector<1x16xf32>,
        %swap3A_320 = vector.shape_cast %swap3A_319 : vector<1x16xf32> to vector<16xf32>
        %swap3A_321 = vector.shape_cast %add3A_314 : vector<16xf32> to vector<1x16xf32>
        tpu.vector_store %arg13[%swap3A_317, %swap3A_318], %swap3A_321 {strides = array<i32>} : memref<320x128xf32, #tpu.memory_space<vmem>>, vector<1x16xf32>,
        %get3A_322 = arith.constant 0 : i32
        %get3A_323 = arith.index_cast %get3A_322 : i32 to index
        %get3A_324 = arith.constant 16 : index
        %get3A_325 = tpu.vector_load %arg12[%get3A_323, %get3A_324] {strides = array<i32>} : memref<32x128xf32, #tpu.memory_space<vmem>>, vector<1x16xf32>,
        %get3A_326 = vector.shape_cast %get3A_325 : vector<1x16xf32> to vector<16xf32>
        %add3A_327 = arith.constant 0 : i32
        %add3A_328 = arith.addi %add3A_327, %scan3A_299 : i32
        %get3A_329 = arith.constant 0 : i32
        %get3A_330 = arith.index_cast %add3A_328 : i32 to index
        %get3A_331 = arith.index_cast %get3A_329 : i32 to index
        %get3A_332 = arith.constant 16 : index
        %get3A_333 = tpu.vector_load %arg10[%get3A_330, %get3A_331, %get3A_332] {strides = array<i32>} : memref<32x2x128xf32, #tpu.memory_space<vmem>>, vector<1x1x16xf32>,
        %get3A_334 = vector.shape_cast %get3A_333 : vector<1x1x16xf32> to vector<16xf32>
        %add3A_335 = arith.addf %get3A_326, %get3A_334 : vector<16xf32>
        %add3A_336 = arith.constant 0 : i32
        %add3A_337 = arith.addi %add3A_336, %scan3A_299 : i32
        %swap3A_338 = arith.index_cast %add3A_337 : i32 to index
        %swap3A_339 = arith.constant 16 : index
        %swap3A_340 = tpu.vector_load %arg13[%swap3A_338, %swap3A_339] {strides = array<i32>} : memref<320x128xf32, #tpu.memory_space<vmem>>, vector<1x16xf32>,
        %swap3A_341 = vector.shape_cast %swap3A_340 : vector<1x16xf32> to vector<16xf32>
        %swap3A_342 = vector.shape_cast %add3A_335 : vector<16xf32> to vector<1x16xf32>
        tpu.vector_store %arg13[%swap3A_338, %swap3A_339], %swap3A_342 {strides = array<i32>} : memref<320x128xf32, #tpu.memory_space<vmem>>, vector<1x16xf32>,
        %get3A_343 = arith.constant 0 : i32
        %get3A_344 = arith.index_cast %get3A_343 : i32 to index
        %get3A_345 = arith.constant 32 : index
        %get3A_346 = tpu.vector_load %arg12[%get3A_344, %get3A_345] {strides = array<i32>} : memref<32x128xf32, #tpu.memory_space<vmem>>, vector<1x16xf32>,
        %get3A_347 = vector.shape_cast %get3A_346 : vector<1x16xf32> to vector<16xf32>
        %add3A_348 = arith.constant 0 : i32
        %add3A_349 = arith.addi %add3A_348, %scan3A_299 : i32
        %get3A_350 = arith.constant 0 : i32
        %get3A_351 = arith.index_cast %add3A_349 : i32 to index
        %get3A_352 = arith.index_cast %get3A_350 : i32 to index
        %get3A_353 = arith.constant 32 : index
        %get3A_354 = tpu.vector_load %arg10[%get3A_351, %get3A_352, %get3A_353] {strides = array<i32>} : memref<32x2x128xf32, #tpu.memory_space<vmem>>, vector<1x1x16xf32>,
        %get3A_355 = vector.shape_cast %get3A_354 : vector<1x1x16xf32> to vector<16xf32>
        %add3A_356 = arith.addf %get3A_347, %get3A_355 : vector<16xf32>
        %add3A_357 = arith.constant 0 : i32
        %add3A_358 = arith.addi %add3A_357, %scan3A_299 : i32
        %swap3A_359 = arith.index_cast %add3A_358 : i32 to index
        %swap3A_360 = arith.constant 32 : index
        %swap3A_361 = tpu.vector_load %arg13[%swap3A_359, %swap3A_360] {strides = array<i32>} : memref<320x128xf32, #tpu.memory_space<vmem>>, vector<1x16xf32>,
        %swap3A_362 = vector.shape_cast %swap3A_361 : vector<1x16xf32> to vector<16xf32>
        %swap3A_363 = vector.shape_cast %add3A_356 : vector<16xf32> to vector<1x16xf32>
        tpu.vector_store %arg13[%swap3A_359, %swap3A_360], %swap3A_363 {strides = array<i32>} : memref<320x128xf32, #tpu.memory_space<vmem>>, vector<1x16xf32>,
        %get3A_364 = arith.constant 0 : i32
        %get3A_365 = arith.index_cast %get3A_364 : i32 to index
        %get3A_366 = arith.constant 48 : index
        %get3A_367 = tpu.vector_load %arg12[%get3A_365, %get3A_366] {strides = array<i32>} : memref<32x128xf32, #tpu.memory_space<vmem>>, vector<1x16xf32>,
        %get3A_368 = vector.shape_cast %get3A_367 : vector<1x16xf32> to vector<16xf32>
        %add3A_369 = arith.constant 0 : i32
        %add3A_370 = arith.addi %add3A_369, %scan3A_299 : i32
        %get3A_371 = arith.constant 0 : i32
        %get3A_372 = arith.index_cast %add3A_370 : i32 to index
        %get3A_373 = arith.index_cast %get3A_371 : i32 to index
        %get3A_374 = arith.constant 48 : index
        %get3A_375 = tpu.vector_load %arg10[%get3A_372, %get3A_373, %get3A_374] {strides = array<i32>} : memref<32x2x128xf32, #tpu.memory_space<vmem>>, vector<1x1x16xf32>,
        %get3A_376 = vector.shape_cast %get3A_375 : vector<1x1x16xf32> to vector<16xf32>
        %add3A_377 = arith.addf %get3A_368, %get3A_376 : vector<16xf32>
        %add3A_378 = arith.constant 0 : i32
        %add3A_379 = arith.addi %add3A_378, %scan3A_299 : i32
        %swap3A_380 = arith.index_cast %add3A_379 : i32 to index
        %swap3A_381 = arith.constant 48 : index
        %swap3A_382 = tpu.vector_load %arg13[%swap3A_380, %swap3A_381] {strides = array<i32>} : memref<320x128xf32, #tpu.memory_space<vmem>>, vector<1x16xf32>,
        %swap3A_383 = vector.shape_cast %swap3A_382 : vector<1x16xf32> to vector<16xf32>
        %swap3A_384 = vector.shape_cast %add3A_377 : vector<16xf32> to vector<1x16xf32>
        tpu.vector_store %arg13[%swap3A_380, %swap3A_381], %swap3A_384 {strides = array<i32>} : memref<320x128xf32, #tpu.memory_space<vmem>>, vector<1x16xf32>,
        %get3A_385 = arith.constant 0 : i32
        %get3A_386 = arith.index_cast %get3A_385 : i32 to index
        %get3A_387 = arith.constant 64 : index
        %get3A_388 = tpu.vector_load %arg12[%get3A_386, %get3A_387] {strides = array<i32>} : memref<32x128xf32, #tpu.memory_space<vmem>>, vector<1x16xf32>,
        %get3A_389 = vector.shape_cast %get3A_388 : vector<1x16xf32> to vector<16xf32>
        %add3A_390 = arith.constant 0 : i32
        %add3A_391 = arith.addi %add3A_390, %scan3A_299 : i32
        %get3A_392 = arith.constant 0 : i32
        %get3A_393 = arith.index_cast %add3A_391 : i32 to index
        %get3A_394 = arith.index_cast %get3A_392 : i32 to index
        %get3A_395 = arith.constant 64 : index
        %get3A_396 = tpu.vector_load %arg10[%get3A_393, %get3A_394, %get3A_395] {strides = array<i32>} : memref<32x2x128xf32, #tpu.memory_space<vmem>>, vector<1x1x16xf32>,
        %get3A_397 = vector.shape_cast %get3A_396 : vector<1x1x16xf32> to vector<16xf32>
        %add3A_398 = arith.addf %get3A_389, %get3A_397 : vector<16xf32>
        %add3A_399 = arith.constant 0 : i32
        %add3A_400 = arith.addi %add3A_399, %scan3A_299 : i32
        %swap3A_401 = arith.index_cast %add3A_400 : i32 to index
        %swap3A_402 = arith.constant 64 : index
        %swap3A_403 = tpu.vector_load %arg13[%swap3A_401, %swap3A_402] {strides = array<i32>} : memref<320x128xf32, #tpu.memory_space<vmem>>, vector<1x16xf32>,
        %swap3A_404 = vector.shape_cast %swap3A_403 : vector<1x16xf32> to vector<16xf32>
        %swap3A_405 = vector.shape_cast %add3A_398 : vector<16xf32> to vector<1x16xf32>
        tpu.vector_store %arg13[%swap3A_401, %swap3A_402], %swap3A_405 {strides = array<i32>} : memref<320x128xf32, #tpu.memory_space<vmem>>, vector<1x16xf32>,
        %get3A_406 = arith.constant 0 : i32
        %get3A_407 = arith.index_cast %get3A_406 : i32 to index
        %get3A_408 = arith.constant 80 : index
        %get3A_409 = tpu.vector_load %arg12[%get3A_407, %get3A_408] {strides = array<i32>} : memref<32x128xf32, #tpu.memory_space<vmem>>, vector<1x16xf32>,
        %get3A_410 = vector.shape_cast %get3A_409 : vector<1x16xf32> to vector<16xf32>
        %add3A_411 = arith.constant 0 : i32
        %add3A_412 = arith.addi %add3A_411, %scan3A_299 : i32
        %get3A_413 = arith.constant 0 : i32
        %get3A_414 = arith.index_cast %add3A_412 : i32 to index
        %get3A_415 = arith.index_cast %get3A_413 : i32 to index
        %get3A_416 = arith.constant 80 : index
        %get3A_417 = tpu.vector_load %arg10[%get3A_414, %get3A_415, %get3A_416] {strides = array<i32>} : memref<32x2x128xf32, #tpu.memory_space<vmem>>, vector<1x1x16xf32>,
        %get3A_418 = vector.shape_cast %get3A_417 : vector<1x1x16xf32> to vector<16xf32>
        %add3A_419 = arith.addf %get3A_410, %get3A_418 : vector<16xf32>
        %add3A_420 = arith.constant 0 : i32
        %add3A_421 = arith.addi %add3A_420, %scan3A_299 : i32
        %swap3A_422 = arith.index_cast %add3A_421 : i32 to index
        %swap3A_423 = arith.constant 80 : index
        %swap3A_424 = tpu.vector_load %arg13[%swap3A_422, %swap3A_423] {strides = array<i32>} : memref<320x128xf32, #tpu.memory_space<vmem>>, vector<1x16xf32>,
        %swap3A_425 = vector.shape_cast %swap3A_424 : vector<1x16xf32> to vector<16xf32>
        %swap3A_426 = vector.shape_cast %add3A_419 : vector<16xf32> to vector<1x16xf32>
        tpu.vector_store %arg13[%swap3A_422, %swap3A_423], %swap3A_426 {strides = array<i32>} : memref<320x128xf32, #tpu.memory_space<vmem>>, vector<1x16xf32>,
        %get3A_427 = arith.constant 0 : i32
        %get3A_428 = arith.index_cast %get3A_427 : i32 to index
        %get3A_429 = arith.constant 96 : index
        %get3A_430 = tpu.vector_load %arg12[%get3A_428, %get3A_429] {strides = array<i32>} : memref<32x128xf32, #tpu.memory_space<vmem>>, vector<1x16xf32>,
        %get3A_431 = vector.shape_cast %get3A_430 : vector<1x16xf32> to vector<16xf32>
        %add3A_432 = arith.constant 0 : i32
        %add3A_433 = arith.addi %add3A_432, %scan3A_299 : i32
        %get3A_434 = arith.constant 0 : i32
        %get3A_435 = arith.index_cast %add3A_433 : i32 to index
        %get3A_436 = arith.index_cast %get3A_434 : i32 to index
        %get3A_437 = arith.constant 96 : index
        %get3A_438 = tpu.vector_load %arg10[%get3A_435, %get3A_436, %get3A_437] {strides = array<i32>} : memref<32x2x128xf32, #tpu.memory_space<vmem>>, vector<1x1x16xf32>,
        %get3A_439 = vector.shape_cast %get3A_438 : vector<1x1x16xf32> to vector<16xf32>
        %add3A_440 = arith.addf %get3A_431, %get3A_439 : vector<16xf32>
        %add3A_441 = arith.constant 0 : i32
        %add3A_442 = arith.addi %add3A_441, %scan3A_299 : i32
        %swap3A_443 = arith.index_cast %add3A_442 : i32 to index
        %swap3A_444 = arith.constant 96 : index
        %swap3A_445 = tpu.vector_load %arg13[%swap3A_443, %swap3A_444] {strides = array<i32>} : memref<320x128xf32, #tpu.memory_space<vmem>>, vector<1x16xf32>,
        %swap3A_446 = vector.shape_cast %swap3A_445 : vector<1x16xf32> to vector<16xf32>
        %swap3A_447 = vector.shape_cast %add3A_440 : vector<16xf32> to vector<1x16xf32>
        tpu.vector_store %arg13[%swap3A_443, %swap3A_444], %swap3A_447 {strides = array<i32>} : memref<320x128xf32, #tpu.memory_space<vmem>>, vector<1x16xf32>,
        %get3A_448 = arith.constant 0 : i32
        %get3A_449 = arith.index_cast %get3A_448 : i32 to index
        %get3A_450 = arith.constant 112 : index
        %get3A_451 = tpu.vector_load %arg12[%get3A_449, %get3A_450] {strides = array<i32>} : memref<32x128xf32, #tpu.memory_space<vmem>>, vector<1x16xf32>,
        %get3A_452 = vector.shape_cast %get3A_451 : vector<1x16xf32> to vector<16xf32>
        %add3A_453 = arith.constant 0 : i32
        %add3A_454 = arith.addi %add3A_453, %scan3A_299 : i32
        %get3A_455 = arith.constant 0 : i32
        %get3A_456 = arith.index_cast %add3A_454 : i32 to index
        %get3A_457 = arith.index_cast %get3A_455 : i32 to index
        %get3A_458 = arith.constant 112 : index
        %get3A_459 = tpu.vector_load %arg10[%get3A_456, %get3A_457, %get3A_458] {strides = array<i32>} : memref<32x2x128xf32, #tpu.memory_space<vmem>>, vector<1x1x16xf32>,
        %get3A_460 = vector.shape_cast %get3A_459 : vector<1x1x16xf32> to vector<16xf32>
        %add3A_461 = arith.addf %get3A_452, %get3A_460 : vector<16xf32>
        %add3A_462 = arith.constant 0 : i32
        %add3A_463 = arith.addi %add3A_462, %scan3A_299 : i32
        %swap3A_464 = arith.index_cast %add3A_463 : i32 to index
        %swap3A_465 = arith.constant 112 : index
        %swap3A_466 = tpu.vector_load %arg13[%swap3A_464, %swap3A_465] {strides = array<i32>} : memref<320x128xf32, #tpu.memory_space<vmem>>, vector<1x16xf32>,
        %swap3A_467 = vector.shape_cast %swap3A_466 : vector<1x16xf32> to vector<16xf32>
        %swap3A_468 = vector.shape_cast %add3A_461 : vector<16xf32> to vector<1x16xf32>
        tpu.vector_store %arg13[%swap3A_464, %swap3A_465], %swap3A_468 {strides = array<i32>} : memref<320x128xf32, #tpu.memory_space<vmem>>, vector<1x16xf32>,
        %get3A_469 = arith.constant 1 : i32
        %get3A_470 = arith.index_cast %get3A_469 : i32 to index
        %get3A_471 = arith.constant 0 : index
        %get3A_472 = tpu.vector_load %arg12[%get3A_470, %get3A_471] {strides = array<i32>} : memref<32x128xf32, #tpu.memory_space<vmem>>, vector<1x16xf32>,
        %get3A_473 = vector.shape_cast %get3A_472 : vector<1x16xf32> to vector<16xf32>
        %add3A_474 = arith.constant 0 : i32
        %add3A_475 = arith.addi %add3A_474, %scan3A_299 : i32
        %get3A_476 = arith.constant 1 : i32
        %get3A_477 = arith.index_cast %add3A_475 : i32 to index
        %get3A_478 = arith.index_cast %get3A_476 : i32 to index
        %get3A_479 = arith.constant 0 : index
        %get3A_480 = tpu.vector_load %arg10[%get3A_477, %get3A_478, %get3A_479] {strides = array<i32>} : memref<32x2x128xf32, #tpu.memory_space<vmem>>, vector<1x1x16xf32>,
        %get3A_481 = vector.shape_cast %get3A_480 : vector<1x1x16xf32> to vector<16xf32>
        %add3A_482 = arith.addf %get3A_473, %get3A_481 : vector<16xf32>
        %add3A_483 = arith.constant 16 : i32
        %add3A_484 = arith.addi %add3A_483, %scan3A_299 : i32
        %swap3A_485 = arith.index_cast %add3A_484 : i32 to index
        %swap3A_486 = arith.constant 0 : index
        %swap3A_487 = tpu.vector_load %arg13[%swap3A_485, %swap3A_486] {strides = array<i32>} : memref<320x128xf32, #tpu.memory_space<vmem>>, vector<1x16xf32>,
        %swap3A_488 = vector.shape_cast %swap3A_487 : vector<1x16xf32> to vector<16xf32>
        %swap3A_489 = vector.shape_cast %add3A_482 : vector<16xf32> to vector<1x16xf32>
        tpu.vector_store %arg13[%swap3A_485, %swap3A_486], %swap3A_489 {strides = array<i32>} : memref<320x128xf32, #tpu.memory_space<vmem>>, vector<1x16xf32>,
        %get3A_490 = arith.constant 1 : i32
        %get3A_491 = arith.index_cast %get3A_490 : i32 to index
        %get3A_492 = arith.constant 16 : index
        %get3A_493 = tpu.vector_load %arg12[%get3A_491, %get3A_492] {strides = array<i32>} : memref<32x128xf32, #tpu.memory_space<vmem>>, vector<1x16xf32>,
        %get3A_494 = vector.shape_cast %get3A_493 : vector<1x16xf32> to vector<16xf32>
        %add3A_495 = arith.constant 0 : i32
        %add3A_496 = arith.addi %add3A_495, %scan3A_299 : i32
        %get3A_497 = arith.constant 1 : i32
        %get3A_498 = arith.index_cast %add3A_496 : i32 to index
        %get3A_499 = arith.index_cast %get3A_497 : i32 to index
        %get3A_500 = arith.constant 16 : index
        %get3A_501 = tpu.vector_load %arg10[%get3A_498, %get3A_499, %get3A_500] {strides = array<i32>} : memref<32x2x128xf32, #tpu.memory_space<vmem>>, vector<1x1x16xf32>,
        %get3A_502 = vector.shape_cast %get3A_501 : vector<1x1x16xf32> to vector<16xf32>
        %add3A_503 = arith.addf %get3A_494, %get3A_502 : vector<16xf32>
        %add3A_504 = arith.constant 16 : i32
        %add3A_505 = arith.addi %add3A_504, %scan3A_299 : i32
        %swap3A_506 = arith.index_cast %add3A_505 : i32 to index
        %swap3A_507 = arith.constant 16 : index
        %swap3A_508 = tpu.vector_load %arg13[%swap3A_506, %swap3A_507] {strides = array<i32>} : memref<320x128xf32, #tpu.memory_space<vmem>>, vector<1x16xf32>,
        %swap3A_509 = vector.shape_cast %swap3A_508 : vector<1x16xf32> to vector<16xf32>
        %swap3A_510 = vector.shape_cast %add3A_503 : vector<16xf32> to vector<1x16xf32>
        tpu.vector_store %arg13[%swap3A_506, %swap3A_507], %swap3A_510 {strides = array<i32>} : memref<320x128xf32, #tpu.memory_space<vmem>>, vector<1x16xf32>,
        %get3A_511 = arith.constant 1 : i32
        %get3A_512 = arith.index_cast %get3A_511 : i32 to index
        %get3A_513 = arith.constant 32 : index
        %get3A_514 = tpu.vector_load %arg12[%get3A_512, %get3A_513] {strides = array<i32>} : memref<32x128xf32, #tpu.memory_space<vmem>>, vector<1x16xf32>,
        %get3A_515 = vector.shape_cast %get3A_514 : vector<1x16xf32> to vector<16xf32>
        %add3A_516 = arith.constant 0 : i32
        %add3A_517 = arith.addi %add3A_516, %scan3A_299 : i32
        %get3A_518 = arith.constant 1 : i32
        %get3A_519 = arith.index_cast %add3A_517 : i32 to index
        %get3A_520 = arith.index_cast %get3A_518 : i32 to index
        %get3A_521 = arith.constant 32 : index
        %get3A_522 = tpu.vector_load %arg10[%get3A_519, %get3A_520, %get3A_521] {strides = array<i32>} : memref<32x2x128xf32, #tpu.memory_space<vmem>>, vector<1x1x16xf32>,
        %get3A_523 = vector.shape_cast %get3A_522 : vector<1x1x16xf32> to vector<16xf32>
        %add3A_524 = arith.addf %get3A_515, %get3A_523 : vector<16xf32>
        %add3A_525 = arith.constant 16 : i32
        %add3A_526 = arith.addi %add3A_525, %scan3A_299 : i32
        %swap3A_527 = arith.index_cast %add3A_526 : i32 to index
        %swap3A_528 = arith.constant 32 : index
        %swap3A_529 = tpu.vector_load %arg13[%swap3A_527, %swap3A_528] {strides = array<i32>} : memref<320x128xf32, #tpu.memory_space<vmem>>, vector<1x16xf32>,
        %swap3A_530 = vector.shape_cast %swap3A_529 : vector<1x16xf32> to vector<16xf32>
        %swap3A_531 = vector.shape_cast %add3A_524 : vector<16xf32> to vector<1x16xf32>
        tpu.vector_store %arg13[%swap3A_527, %swap3A_528], %swap3A_531 {strides = array<i32>} : memref<320x128xf32, #tpu.memory_space<vmem>>, vector<1x16xf32>,
        %get3A_532 = arith.constant 1 : i32
        %get3A_533 = arith.index_cast %get3A_532 : i32 to index
        %get3A_534 = arith.constant 48 : index
        %get3A_535 = tpu.vector_load %arg12[%get3A_533, %get3A_534] {strides = array<i32>} : memref<32x128xf32, #tpu.memory_space<vmem>>, vector<1x16xf32>,
        %get3A_536 = vector.shape_cast %get3A_535 : vector<1x16xf32> to vector<16xf32>
        %add3A_537 = arith.constant 0 : i32
        %add3A_538 = arith.addi %add3A_537, %scan3A_299 : i32
        %get3A_539 = arith.constant 1 : i32
        %get3A_540 = arith.index_cast %add3A_538 : i32 to index
        %get3A_541 = arith.index_cast %get3A_539 : i32 to index
        %get3A_542 = arith.constant 48 : index
        %get3A_543 = tpu.vector_load %arg10[%get3A_540, %get3A_541, %get3A_542] {strides = array<i32>} : memref<32x2x128xf32, #tpu.memory_space<vmem>>, vector<1x1x16xf32>,
        %get3A_544 = vector.shape_cast %get3A_543 : vector<1x1x16xf32> to vector<16xf32>
        %add3A_545 = arith.addf %get3A_536, %get3A_544 : vector<16xf32>
        %add3A_546 = arith.constant 16 : i32
        %add3A_547 = arith.addi %add3A_546, %scan3A_299 : i32
        %swap3A_548 = arith.index_cast %add3A_547 : i32 to index
        %swap3A_549 = arith.constant 48 : index
        %swap3A_550 = tpu.vector_load %arg13[%swap3A_548, %swap3A_549] {strides = array<i32>} : memref<320x128xf32, #tpu.memory_space<vmem>>, vector<1x16xf32>,
        %swap3A_551 = vector.shape_cast %swap3A_550 : vector<1x16xf32> to vector<16xf32>
        %swap3A_552 = vector.shape_cast %add3A_545 : vector<16xf32> to vector<1x16xf32>
        tpu.vector_store %arg13[%swap3A_548, %swap3A_549], %swap3A_552 {strides = array<i32>} : memref<320x128xf32, #tpu.memory_space<vmem>>, vector<1x16xf32>,
        %get3A_553 = arith.constant 1 : i32
        %get3A_554 = arith.index_cast %get3A_553 : i32 to index
        %get3A_555 = arith.constant 64 : index
        %get3A_556 = tpu.vector_load %arg12[%get3A_554, %get3A_555] {strides = array<i32>} : memref<32x128xf32, #tpu.memory_space<vmem>>, vector<1x16xf32>,
        %get3A_557 = vector.shape_cast %get3A_556 : vector<1x16xf32> to vector<16xf32>
        %add3A_558 = arith.constant 0 : i32
        %add3A_559 = arith.addi %add3A_558, %scan3A_299 : i32
        %get3A_560 = arith.constant 1 : i32
        %get3A_561 = arith.index_cast %add3A_559 : i32 to index
        %get3A_562 = arith.index_cast %get3A_560 : i32 to index
        %get3A_563 = arith.constant 64 : index
        %get3A_564 = tpu.vector_load %arg10[%get3A_561, %get3A_562, %get3A_563] {strides = array<i32>} : memref<32x2x128xf32, #tpu.memory_space<vmem>>, vector<1x1x16xf32>,
        %get3A_565 = vector.shape_cast %get3A_564 : vector<1x1x16xf32> to vector<16xf32>
        %add3A_566 = arith.addf %get3A_557, %get3A_565 : vector<16xf32>
        %add3A_567 = arith.constant 16 : i32
        %add3A_568 = arith.addi %add3A_567, %scan3A_299 : i32
        %swap3A_569 = arith.index_cast %add3A_568 : i32 to index
        %swap3A_570 = arith.constant 64 : index
        %swap3A_571 = tpu.vector_load %arg13[%swap3A_569, %swap3A_570] {strides = array<i32>} : memref<320x128xf32, #tpu.memory_space<vmem>>, vector<1x16xf32>,
        %swap3A_572 = vector.shape_cast %swap3A_571 : vector<1x16xf32> to vector<16xf32>
        %swap3A_573 = vector.shape_cast %add3A_566 : vector<16xf32> to vector<1x16xf32>
        tpu.vector_store %arg13[%swap3A_569, %swap3A_570], %swap3A_573 {strides = array<i32>} : memref<320x128xf32, #tpu.memory_space<vmem>>, vector<1x16xf32>,
        %get3A_574 = arith.constant 1 : i32
        %get3A_575 = arith.index_cast %get3A_574 : i32 to index
        %get3A_576 = arith.constant 80 : index
        %get3A_577 = tpu.vector_load %arg12[%get3A_575, %get3A_576] {strides = array<i32>} : memref<32x128xf32, #tpu.memory_space<vmem>>, vector<1x16xf32>,
        %get3A_578 = vector.shape_cast %get3A_577 : vector<1x16xf32> to vector<16xf32>
        %add3A_579 = arith.constant 0 : i32
        %add3A_580 = arith.addi %add3A_579, %scan3A_299 : i32
        %get3A_581 = arith.constant 1 : i32
        %get3A_582 = arith.index_cast %add3A_580 : i32 to index
        %get3A_583 = arith.index_cast %get3A_581 : i32 to index
        %get3A_584 = arith.constant 80 : index
        %get3A_585 = tpu.vector_load %arg10[%get3A_582, %get3A_583, %get3A_584] {strides = array<i32>} : memref<32x2x128xf32, #tpu.memory_space<vmem>>, vector<1x1x16xf32>,
        %get3A_586 = vector.shape_cast %get3A_585 : vector<1x1x16xf32> to vector<16xf32>
        %add3A_587 = arith.addf %get3A_578, %get3A_586 : vector<16xf32>
        %add3A_588 = arith.constant 16 : i32
        %add3A_589 = arith.addi %add3A_588, %scan3A_299 : i32
        %swap3A_590 = arith.index_cast %add3A_589 : i32 to index
        %swap3A_591 = arith.constant 80 : index
        %swap3A_592 = tpu.vector_load %arg13[%swap3A_590, %swap3A_591] {strides = array<i32>} : memref<320x128xf32, #tpu.memory_space<vmem>>, vector<1x16xf32>,
        %swap3A_593 = vector.shape_cast %swap3A_592 : vector<1x16xf32> to vector<16xf32>
        %swap3A_594 = vector.shape_cast %add3A_587 : vector<16xf32> to vector<1x16xf32>
        tpu.vector_store %arg13[%swap3A_590, %swap3A_591], %swap3A_594 {strides = array<i32>} : memref<320x128xf32, #tpu.memory_space<vmem>>, vector<1x16xf32>,
        %get3A_595 = arith.constant 1 : i32
        %get3A_596 = arith.index_cast %get3A_595 : i32 to index
        %get3A_597 = arith.constant 96 : index
        %get3A_598 = tpu.vector_load %arg12[%get3A_596, %get3A_597] {strides = array<i32>} : memref<32x128xf32, #tpu.memory_space<vmem>>, vector<1x16xf32>,
        %get3A_599 = vector.shape_cast %get3A_598 : vector<1x16xf32> to vector<16xf32>
        %add3A_600 = arith.constant 0 : i32
        %add3A_601 = arith.addi %add3A_600, %scan3A_299 : i32
        %get3A_602 = arith.constant 1 : i32
        %get3A_603 = arith.index_cast %add3A_601 : i32 to index
        %get3A_604 = arith.index_cast %get3A_602 : i32 to index
        %get3A_605 = arith.constant 96 : index
        %get3A_606 = tpu.vector_load %arg10[%get3A_603, %get3A_604, %get3A_605] {strides = array<i32>} : memref<32x2x128xf32, #tpu.memory_space<vmem>>, vector<1x1x16xf32>,
        %get3A_607 = vector.shape_cast %get3A_606 : vector<1x1x16xf32> to vector<16xf32>
        %add3A_608 = arith.addf %get3A_599, %get3A_607 : vector<16xf32>
        %add3A_609 = arith.constant 16 : i32
        %add3A_610 = arith.addi %add3A_609, %scan3A_299 : i32
        %swap3A_611 = arith.index_cast %add3A_610 : i32 to index
        %swap3A_612 = arith.constant 96 : index
        %swap3A_613 = tpu.vector_load %arg13[%swap3A_611, %swap3A_612] {strides = array<i32>} : memref<320x128xf32, #tpu.memory_space<vmem>>, vector<1x16xf32>,
        %swap3A_614 = vector.shape_cast %swap3A_613 : vector<1x16xf32> to vector<16xf32>
        %swap3A_615 = vector.shape_cast %add3A_608 : vector<16xf32> to vector<1x16xf32>
        tpu.vector_store %arg13[%swap3A_611, %swap3A_612], %swap3A_615 {strides = array<i32>} : memref<320x128xf32, #tpu.memory_space<vmem>>, vector<1x16xf32>,
        %get3A_616 = arith.constant 1 : i32
        %get3A_617 = arith.index_cast %get3A_616 : i32 to index
        %get3A_618 = arith.constant 112 : index
        %get3A_619 = tpu.vector_load %arg12[%get3A_617, %get3A_618] {strides = array<i32>} : memref<32x128xf32, #tpu.memory_space<vmem>>, vector<1x16xf32>,
        %get3A_620 = vector.shape_cast %get3A_619 : vector<1x16xf32> to vector<16xf32>
        %add3A_621 = arith.constant 0 : i32
        %add3A_622 = arith.addi %add3A_621, %scan3A_299 : i32
        %get3A_623 = arith.constant 1 : i32
        %get3A_624 = arith.index_cast %add3A_622 : i32 to index
        %get3A_625 = arith.index_cast %get3A_623 : i32 to index
        %get3A_626 = arith.constant 112 : index
        %get3A_627 = tpu.vector_load %arg10[%get3A_624, %get3A_625, %get3A_626] {strides = array<i32>} : memref<32x2x128xf32, #tpu.memory_space<vmem>>, vector<1x1x16xf32>,
        %get3A_628 = vector.shape_cast %get3A_627 : vector<1x1x16xf32> to vector<16xf32>
        %add3A_629 = arith.addf %get3A_620, %get3A_628 : vector<16xf32>
        %add3A_630 = arith.constant 16 : i32
        %add3A_631 = arith.addi %add3A_630, %scan3A_299 : i32
        %swap3A_632 = arith.index_cast %add3A_631 : i32 to index
        %swap3A_633 = arith.constant 112 : index
        %swap3A_634 = tpu.vector_load %arg13[%swap3A_632, %swap3A_633] {strides = array<i32>} : memref<320x128xf32, #tpu.memory_space<vmem>>, vector<1x16xf32>,
        %swap3A_635 = vector.shape_cast %swap3A_634 : vector<1x16xf32> to vector<16xf32>
        %swap3A_636 = vector.shape_cast %add3A_629 : vector<16xf32> to vector<1x16xf32>
        tpu.vector_store %arg13[%swap3A_632, %swap3A_633], %swap3A_636 {strides = array<i32>} : memref<320x128xf32, #tpu.memory_space<vmem>>, vector<1x16xf32>,
        %get3A_637 = arith.constant 10 : i32
        %get3A_638 = arith.index_cast %get3A_637 : i32 to index
        %get3A_639 = arith.constant 0 : index
        %get3A_640 = tpu.vector_load %arg12[%get3A_638, %get3A_639] {strides = array<i32>} : memref<32x128xf32, #tpu.memory_space<vmem>>, vector<1x16xf32>,
        %get3A_641 = vector.shape_cast %get3A_640 : vector<1x16xf32> to vector<16xf32>
        %add3A_642 = arith.constant 16 : i32
        %add3A_643 = arith.addi %add3A_642, %scan3A_299 : i32
        %get3A_644 = arith.constant 0 : i32
        %get3A_645 = arith.index_cast %add3A_643 : i32 to index
        %get3A_646 = arith.index_cast %get3A_644 : i32 to index
        %get3A_647 = arith.constant 0 : index
        %get3A_648 = tpu.vector_load %arg10[%get3A_645, %get3A_646, %get3A_647] {strides = array<i32>} : memref<32x2x128xf32, #tpu.memory_space<vmem>>, vector<1x1x16xf32>,
        %get3A_649 = vector.shape_cast %get3A_648 : vector<1x1x16xf32> to vector<16xf32>
        %add3A_650 = arith.addf %get3A_641, %get3A_649 : vector<16xf32>
        %add3A_651 = arith.constant 160 : i32
        %add3A_652 = arith.addi %add3A_651, %scan3A_299 : i32
        %swap3A_653 = arith.index_cast %add3A_652 : i32 to index
        %swap3A_654 = arith.constant 0 : index
        %swap3A_655 = tpu.vector_load %arg13[%swap3A_653, %swap3A_654] {strides = array<i32>} : memref<320x128xf32, #tpu.memory_space<vmem>>, vector<1x16xf32>,
        %swap3A_656 = vector.shape_cast %swap3A_655 : vector<1x16xf32> to vector<16xf32>
        %swap3A_657 = vector.shape_cast %add3A_650 : vector<16xf32> to vector<1x16xf32>
        tpu.vector_store %arg13[%swap3A_653, %swap3A_654], %swap3A_657 {strides = array<i32>} : memref<320x128xf32, #tpu.memory_space<vmem>>, vector<1x16xf32>,
        %get3A_658 = arith.constant 10 : i32
        %get3A_659 = arith.index_cast %get3A_658 : i32 to index
        %get3A_660 = arith.constant 16 : index
        %get3A_661 = tpu.vector_load %arg12[%get3A_659, %get3A_660] {strides = array<i32>} : memref<32x128xf32, #tpu.memory_space<vmem>>, vector<1x16xf32>,
        %get3A_662 = vector.shape_cast %get3A_661 : vector<1x16xf32> to vector<16xf32>
        %add3A_663 = arith.constant 16 : i32
        %add3A_664 = arith.addi %add3A_663, %scan3A_299 : i32
        %get3A_665 = arith.constant 0 : i32
        %get3A_666 = arith.index_cast %add3A_664 : i32 to index
        %get3A_667 = arith.index_cast %get3A_665 : i32 to index
        %get3A_668 = arith.constant 16 : index
        %get3A_669 = tpu.vector_load %arg10[%get3A_666, %get3A_667, %get3A_668] {strides = array<i32>} : memref<32x2x128xf32, #tpu.memory_space<vmem>>, vector<1x1x16xf32>,
        %get3A_670 = vector.shape_cast %get3A_669 : vector<1x1x16xf32> to vector<16xf32>
        %add3A_671 = arith.addf %get3A_662, %get3A_670 : vector<16xf32>
        %add3A_672 = arith.constant 160 : i32
        %add3A_673 = arith.addi %add3A_672, %scan3A_299 : i32
        %swap3A_674 = arith.index_cast %add3A_673 : i32 to index
        %swap3A_675 = arith.constant 16 : index
        %swap3A_676 = tpu.vector_load %arg13[%swap3A_674, %swap3A_675] {strides = array<i32>} : memref<320x128xf32, #tpu.memory_space<vmem>>, vector<1x16xf32>,
        %swap3A_677 = vector.shape_cast %swap3A_676 : vector<1x16xf32> to vector<16xf32>
        %swap3A_678 = vector.shape_cast %add3A_671 : vector<16xf32> to vector<1x16xf32>
        tpu.vector_store %arg13[%swap3A_674, %swap3A_675], %swap3A_678 {strides = array<i32>} : memref<320x128xf32, #tpu.memory_space<vmem>>, vector<1x16xf32>,
        %get3A_679 = arith.constant 10 : i32
        %get3A_680 = arith.index_cast %get3A_679 : i32 to index
        %get3A_681 = arith.constant 32 : index
        %get3A_682 = tpu.vector_load %arg12[%get3A_680, %get3A_681] {strides = array<i32>} : memref<32x128xf32, #tpu.memory_space<vmem>>, vector<1x16xf32>,
        %get3A_683 = vector.shape_cast %get3A_682 : vector<1x16xf32> to vector<16xf32>
        %add3A_684 = arith.constant 16 : i32
        %add3A_685 = arith.addi %add3A_684, %scan3A_299 : i32
        %get3A_686 = arith.constant 0 : i32
        %get3A_687 = arith.index_cast %add3A_685 : i32 to index
        %get3A_688 = arith.index_cast %get3A_686 : i32 to index
        %get3A_689 = arith.constant 32 : index
        %get3A_690 = tpu.vector_load %arg10[%get3A_687, %get3A_688, %get3A_689] {strides = array<i32>} : memref<32x2x128xf32, #tpu.memory_space<vmem>>, vector<1x1x16xf32>,
        %get3A_691 = vector.shape_cast %get3A_690 : vector<1x1x16xf32> to vector<16xf32>
        %add3A_692 = arith.addf %get3A_683, %get3A_691 : vector<16xf32>
        %add3A_693 = arith.constant 160 : i32
        %add3A_694 = arith.addi %add3A_693, %scan3A_299 : i32
        %swap3A_695 = arith.index_cast %add3A_694 : i32 to index
        %swap3A_696 = arith.constant 32 : index
        %swap3A_697 = tpu.vector_load %arg13[%swap3A_695, %swap3A_696] {strides = array<i32>} : memref<320x128xf32, #tpu.memory_space<vmem>>, vector<1x16xf32>,
        %swap3A_698 = vector.shape_cast %swap3A_697 : vector<1x16xf32> to vector<16xf32>
        %swap3A_699 = vector.shape_cast %add3A_692 : vector<16xf32> to vector<1x16xf32>
        tpu.vector_store %arg13[%swap3A_695, %swap3A_696], %swap3A_699 {strides = array<i32>} : memref<320x128xf32, #tpu.memory_space<vmem>>, vector<1x16xf32>,
        %get3A_700 = arith.constant 10 : i32
        %get3A_701 = arith.index_cast %get3A_700 : i32 to index
        %get3A_702 = arith.constant 48 : index
        %get3A_703 = tpu.vector_load %arg12[%get3A_701, %get3A_702] {strides = array<i32>} : memref<32x128xf32, #tpu.memory_space<vmem>>, vector<1x16xf32>,
        %get3A_704 = vector.shape_cast %get3A_703 : vector<1x16xf32> to vector<16xf32>
        %add3A_705 = arith.constant 16 : i32
        %add3A_706 = arith.addi %add3A_705, %scan3A_299 : i32
        %get3A_707 = arith.constant 0 : i32
        %get3A_708 = arith.index_cast %add3A_706 : i32 to index
        %get3A_709 = arith.index_cast %get3A_707 : i32 to index
        %get3A_710 = arith.constant 48 : index
        %get3A_711 = tpu.vector_load %arg10[%get3A_708, %get3A_709, %get3A_710] {strides = array<i32>} : memref<32x2x128xf32, #tpu.memory_space<vmem>>, vector<1x1x16xf32>,
        %get3A_712 = vector.shape_cast %get3A_711 : vector<1x1x16xf32> to vector<16xf32>
        %add3A_713 = arith.addf %get3A_704, %get3A_712 : vector<16xf32>
        %add3A_714 = arith.constant 160 : i32
        %add3A_715 = arith.addi %add3A_714, %scan3A_299 : i32
        %swap3A_716 = arith.index_cast %add3A_715 : i32 to index
        %swap3A_717 = arith.constant 48 : index
        %swap3A_718 = tpu.vector_load %arg13[%swap3A_716, %swap3A_717] {strides = array<i32>} : memref<320x128xf32, #tpu.memory_space<vmem>>, vector<1x16xf32>,
        %swap3A_719 = vector.shape_cast %swap3A_718 : vector<1x16xf32> to vector<16xf32>
        %swap3A_720 = vector.shape_cast %add3A_713 : vector<16xf32> to vector<1x16xf32>
        tpu.vector_store %arg13[%swap3A_716, %swap3A_717], %swap3A_720 {strides = array<i32>} : memref<320x128xf32, #tpu.memory_space<vmem>>, vector<1x16xf32>,
        %get3A_721 = arith.constant 10 : i32
        %get3A_722 = arith.index_cast %get3A_721 : i32 to index
        %get3A_723 = arith.constant 64 : index
        %get3A_724 = tpu.vector_load %arg12[%get3A_722, %get3A_723] {strides = array<i32>} : memref<32x128xf32, #tpu.memory_space<vmem>>, vector<1x16xf32>,
        %get3A_725 = vector.shape_cast %get3A_724 : vector<1x16xf32> to vector<16xf32>
        %add3A_726 = arith.constant 16 : i32
        %add3A_727 = arith.addi %add3A_726, %scan3A_299 : i32
        %get3A_728 = arith.constant 0 : i32
        %get3A_729 = arith.index_cast %add3A_727 : i32 to index
        %get3A_730 = arith.index_cast %get3A_728 : i32 to index
        %get3A_731 = arith.constant 64 : index
        %get3A_732 = tpu.vector_load %arg10[%get3A_729, %get3A_730, %get3A_731] {strides = array<i32>} : memref<32x2x128xf32, #tpu.memory_space<vmem>>, vector<1x1x16xf32>,
        %get3A_733 = vector.shape_cast %get3A_732 : vector<1x1x16xf32> to vector<16xf32>
        %add3A_734 = arith.addf %get3A_725, %get3A_733 : vector<16xf32>
        %add3A_735 = arith.constant 160 : i32
        %add3A_736 = arith.addi %add3A_735, %scan3A_299 : i32
        %swap3A_737 = arith.index_cast %add3A_736 : i32 to index
        %swap3A_738 = arith.constant 64 : index
        %swap3A_739 = tpu.vector_load %arg13[%swap3A_737, %swap3A_738] {strides = array<i32>} : memref<320x128xf32, #tpu.memory_space<vmem>>, vector<1x16xf32>,
        %swap3A_740 = vector.shape_cast %swap3A_739 : vector<1x16xf32> to vector<16xf32>
        %swap3A_741 = vector.shape_cast %add3A_734 : vector<16xf32> to vector<1x16xf32>
        tpu.vector_store %arg13[%swap3A_737, %swap3A_738], %swap3A_741 {strides = array<i32>} : memref<320x128xf32, #tpu.memory_space<vmem>>, vector<1x16xf32>,
        %get3A_742 = arith.constant 10 : i32
        %get3A_743 = arith.index_cast %get3A_742 : i32 to index
        %get3A_744 = arith.constant 80 : index
        %get3A_745 = tpu.vector_load %arg12[%get3A_743, %get3A_744] {strides = array<i32>} : memref<32x128xf32, #tpu.memory_space<vmem>>, vector<1x16xf32>,
        %get3A_746 = vector.shape_cast %get3A_745 : vector<1x16xf32> to vector<16xf32>
        %add3A_747 = arith.constant 16 : i32
        %add3A_748 = arith.addi %add3A_747, %scan3A_299 : i32
        %get3A_749 = arith.constant 0 : i32
        %get3A_750 = arith.index_cast %add3A_748 : i32 to index
        %get3A_751 = arith.index_cast %get3A_749 : i32 to index
        %get3A_752 = arith.constant 80 : index
        %get3A_753 = tpu.vector_load %arg10[%get3A_750, %get3A_751, %get3A_752] {strides = array<i32>} : memref<32x2x128xf32, #tpu.memory_space<vmem>>, vector<1x1x16xf32>,
        %get3A_754 = vector.shape_cast %get3A_753 : vector<1x1x16xf32> to vector<16xf32>
        %add3A_755 = arith.addf %get3A_746, %get3A_754 : vector<16xf32>
        %add3A_756 = arith.constant 160 : i32
        %add3A_757 = arith.addi %add3A_756, %scan3A_299 : i32
        %swap3A_758 = arith.index_cast %add3A_757 : i32 to index
        %swap3A_759 = arith.constant 80 : index
        %swap3A_760 = tpu.vector_load %arg13[%swap3A_758, %swap3A_759] {strides = array<i32>} : memref<320x128xf32, #tpu.memory_space<vmem>>, vector<1x16xf32>,
        %swap3A_761 = vector.shape_cast %swap3A_760 : vector<1x16xf32> to vector<16xf32>
        %swap3A_762 = vector.shape_cast %add3A_755 : vector<16xf32> to vector<1x16xf32>
        tpu.vector_store %arg13[%swap3A_758, %swap3A_759], %swap3A_762 {strides = array<i32>} : memref<320x128xf32, #tpu.memory_space<vmem>>, vector<1x16xf32>,
        %get3A_763 = arith.constant 10 : i32
        %get3A_764 = arith.index_cast %get3A_763 : i32 to index
        %get3A_765 = arith.constant 96 : index
        %get3A_766 = tpu.vector_load %arg12[%get3A_764, %get3A_765] {strides = array<i32>} : memref<32x128xf32, #tpu.memory_space<vmem>>, vector<1x16xf32>,
        %get3A_767 = vector.shape_cast %get3A_766 : vector<1x16xf32> to vector<16xf32>
        %add3A_768 = arith.constant 16 : i32
        %add3A_769 = arith.addi %add3A_768, %scan3A_299 : i32
        %get3A_770 = arith.constant 0 : i32
        %get3A_771 = arith.index_cast %add3A_769 : i32 to index
        %get3A_772 = arith.index_cast %get3A_770 : i32 to index
        %get3A_773 = arith.constant 96 : index
        %get3A_774 = tpu.vector_load %arg10[%get3A_771, %get3A_772, %get3A_773] {strides = array<i32>} : memref<32x2x128xf32, #tpu.memory_space<vmem>>, vector<1x1x16xf32>,
        %get3A_775 = vector.shape_cast %get3A_774 : vector<1x1x16xf32> to vector<16xf32>
        %add3A_776 = arith.addf %get3A_767, %get3A_775 : vector<16xf32>
        %add3A_777 = arith.constant 160 : i32
        %add3A_778 = arith.addi %add3A_777, %scan3A_299 : i32
        %swap3A_779 = arith.index_cast %add3A_778 : i32 to index
        %swap3A_780 = arith.constant 96 : index
        %swap3A_781 = tpu.vector_load %arg13[%swap3A_779, %swap3A_780] {strides = array<i32>} : memref<320x128xf32, #tpu.memory_space<vmem>>, vector<1x16xf32>,
        %swap3A_782 = vector.shape_cast %swap3A_781 : vector<1x16xf32> to vector<16xf32>
        %swap3A_783 = vector.shape_cast %add3A_776 : vector<16xf32> to vector<1x16xf32>
        tpu.vector_store %arg13[%swap3A_779, %swap3A_780], %swap3A_783 {strides = array<i32>} : memref<320x128xf32, #tpu.memory_space<vmem>>, vector<1x16xf32>,
        %get3A_784 = arith.constant 10 : i32
        %get3A_785 = arith.index_cast %get3A_784 : i32 to index
        %get3A_786 = arith.constant 112 : index
        %get3A_787 = tpu.vector_load %arg12[%get3A_785, %get3A_786] {strides = array<i32>} : memref<32x128xf32, #tpu.memory_space<vmem>>, vector<1x16xf32>,
        %get3A_788 = vector.shape_cast %get3A_787 : vector<1x16xf32> to vector<16xf32>
        %add3A_789 = arith.constant 16 : i32
        %add3A_790 = arith.addi %add3A_789, %scan3A_299 : i32
        %get3A_791 = arith.constant 0 : i32
        %get3A_792 = arith.index_cast %add3A_790 : i32 to index
        %get3A_793 = arith.index_cast %get3A_791 : i32 to index
        %get3A_794 = arith.constant 112 : index
        %get3A_795 = tpu.vector_load %arg10[%get3A_792, %get3A_793, %get3A_794] {strides = array<i32>} : memref<32x2x128xf32, #tpu.memory_space<vmem>>, vector<1x1x16xf32>,
        %get3A_796 = vector.shape_cast %get3A_795 : vector<1x1x16xf32> to vector<16xf32>
        %add3A_797 = arith.addf %get3A_788, %get3A_796 : vector<16xf32>
        %add3A_798 = arith.constant 160 : i32
        %add3A_799 = arith.addi %add3A_798, %scan3A_299 : i32
        %swap3A_800 = arith.index_cast %add3A_799 : i32 to index
        %swap3A_801 = arith.constant 112 : index
        %swap3A_802 = tpu.vector_load %arg13[%swap3A_800, %swap3A_801] {strides = array<i32>} : memref<320x128xf32, #tpu.memory_space<vmem>>, vector<1x16xf32>,
        %swap3A_803 = vector.shape_cast %swap3A_802 : vector<1x16xf32> to vector<16xf32>
        %swap3A_804 = vector.shape_cast %add3A_797 : vector<16xf32> to vector<1x16xf32>
        tpu.vector_store %arg13[%swap3A_800, %swap3A_801], %swap3A_804 {strides = array<i32>} : memref<320x128xf32, #tpu.memory_space<vmem>>, vector<1x16xf32>,
        %get3A_805 = arith.constant 11 : i32
        %get3A_806 = arith.index_cast %get3A_805 : i32 to index
        %get3A_807 = arith.constant 0 : index
        %get3A_808 = tpu.vector_load %arg12[%get3A_806, %get3A_807] {strides = array<i32>} : memref<32x128xf32, #tpu.memory_space<vmem>>, vector<1x16xf32>,
        %get3A_809 = vector.shape_cast %get3A_808 : vector<1x16xf32> to vector<16xf32>
        %add3A_810 = arith.constant 16 : i32
        %add3A_811 = arith.addi %add3A_810, %scan3A_299 : i32
        %get3A_812 = arith.constant 1 : i32
        %get3A_813 = arith.index_cast %add3A_811 : i32 to index
        %get3A_814 = arith.index_cast %get3A_812 : i32 to index
        %get3A_815 = arith.constant 0 : index
        %get3A_816 = tpu.vector_load %arg10[%get3A_813, %get3A_814, %get3A_815] {strides = array<i32>} : memref<32x2x128xf32, #tpu.memory_space<vmem>>, vector<1x1x16xf32>,
        %get3A_817 = vector.shape_cast %get3A_816 : vector<1x1x16xf32> to vector<16xf32>
        %add3A_818 = arith.addf %get3A_809, %get3A_817 : vector<16xf32>
        %add3A_819 = arith.constant 176 : i32
        %add3A_820 = arith.addi %add3A_819, %scan3A_299 : i32
        %swap3A_821 = arith.index_cast %add3A_820 : i32 to index
        %swap3A_822 = arith.constant 0 : index
        %swap3A_823 = tpu.vector_load %arg13[%swap3A_821, %swap3A_822] {strides = array<i32>} : memref<320x128xf32, #tpu.memory_space<vmem>>, vector<1x16xf32>,
        %swap3A_824 = vector.shape_cast %swap3A_823 : vector<1x16xf32> to vector<16xf32>
        %swap3A_825 = vector.shape_cast %add3A_818 : vector<16xf32> to vector<1x16xf32>
        tpu.vector_store %arg13[%swap3A_821, %swap3A_822], %swap3A_825 {strides = array<i32>} : memref<320x128xf32, #tpu.memory_space<vmem>>, vector<1x16xf32>,
        %get3A_826 = arith.constant 11 : i32
        %get3A_827 = arith.index_cast %get3A_826 : i32 to index
        %get3A_828 = arith.constant 16 : index
        %get3A_829 = tpu.vector_load %arg12[%get3A_827, %get3A_828] {strides = array<i32>} : memref<32x128xf32, #tpu.memory_space<vmem>>, vector<1x16xf32>,
        %get3A_830 = vector.shape_cast %get3A_829 : vector<1x16xf32> to vector<16xf32>
        %add3A_831 = arith.constant 16 : i32
        %add3A_832 = arith.addi %add3A_831, %scan3A_299 : i32
        %get3A_833 = arith.constant 1 : i32
        %get3A_834 = arith.index_cast %add3A_832 : i32 to index
        %get3A_835 = arith.index_cast %get3A_833 : i32 to index
        %get3A_836 = arith.constant 16 : index
        %get3A_837 = tpu.vector_load %arg10[%get3A_834, %get3A_835, %get3A_836] {strides = array<i32>} : memref<32x2x128xf32, #tpu.memory_space<vmem>>, vector<1x1x16xf32>,
        %get3A_838 = vector.shape_cast %get3A_837 : vector<1x1x16xf32> to vector<16xf32>
        %add3A_839 = arith.addf %get3A_830, %get3A_838 : vector<16xf32>
        %add3A_840 = arith.constant 176 : i32
        %add3A_841 = arith.addi %add3A_840, %scan3A_299 : i32
        %swap3A_842 = arith.index_cast %add3A_841 : i32 to index
        %swap3A_843 = arith.constant 16 : index
        %swap3A_844 = tpu.vector_load %arg13[%swap3A_842, %swap3A_843] {strides = array<i32>} : memref<320x128xf32, #tpu.memory_space<vmem>>, vector<1x16xf32>,
        %swap3A_845 = vector.shape_cast %swap3A_844 : vector<1x16xf32> to vector<16xf32>
        %swap3A_846 = vector.shape_cast %add3A_839 : vector<16xf32> to vector<1x16xf32>
        tpu.vector_store %arg13[%swap3A_842, %swap3A_843], %swap3A_846 {strides = array<i32>} : memref<320x128xf32, #tpu.memory_space<vmem>>, vector<1x16xf32>,
        %get3A_847 = arith.constant 11 : i32
        %get3A_848 = arith.index_cast %get3A_847 : i32 to index
        %get3A_849 = arith.constant 32 : index
        %get3A_850 = tpu.vector_load %arg12[%get3A_848, %get3A_849] {strides = array<i32>} : memref<32x128xf32, #tpu.memory_space<vmem>>, vector<1x16xf32>,
        %get3A_851 = vector.shape_cast %get3A_850 : vector<1x16xf32> to vector<16xf32>
        %add3A_852 = arith.constant 16 : i32
        %add3A_853 = arith.addi %add3A_852, %scan3A_299 : i32
        %get3A_854 = arith.constant 1 : i32
        %get3A_855 = arith.index_cast %add3A_853 : i32 to index
        %get3A_856 = arith.index_cast %get3A_854 : i32 to index
        %get3A_857 = arith.constant 32 : index
        %get3A_858 = tpu.vector_load %arg10[%get3A_855, %get3A_856, %get3A_857] {strides = array<i32>} : memref<32x2x128xf32, #tpu.memory_space<vmem>>, vector<1x1x16xf32>,
        %get3A_859 = vector.shape_cast %get3A_858 : vector<1x1x16xf32> to vector<16xf32>
        %add3A_860 = arith.addf %get3A_851, %get3A_859 : vector<16xf32>
        %add3A_861 = arith.constant 176 : i32
        %add3A_862 = arith.addi %add3A_861, %scan3A_299 : i32
        %swap3A_863 = arith.index_cast %add3A_862 : i32 to index
        %swap3A_864 = arith.constant 32 : index
        %swap3A_865 = tpu.vector_load %arg13[%swap3A_863, %swap3A_864] {strides = array<i32>} : memref<320x128xf32, #tpu.memory_space<vmem>>, vector<1x16xf32>,
        %swap3A_866 = vector.shape_cast %swap3A_865 : vector<1x16xf32> to vector<16xf32>
        %swap3A_867 = vector.shape_cast %add3A_860 : vector<16xf32> to vector<1x16xf32>
        tpu.vector_store %arg13[%swap3A_863, %swap3A_864], %swap3A_867 {strides = array<i32>} : memref<320x128xf32, #tpu.memory_space<vmem>>, vector<1x16xf32>,
        %get3A_868 = arith.constant 11 : i32
        %get3A_869 = arith.index_cast %get3A_868 : i32 to index
        %get3A_870 = arith.constant 48 : index
        %get3A_871 = tpu.vector_load %arg12[%get3A_869, %get3A_870] {strides = array<i32>} : memref<32x128xf32, #tpu.memory_space<vmem>>, vector<1x16xf32>,
        %get3A_872 = vector.shape_cast %get3A_871 : vector<1x16xf32> to vector<16xf32>
        %add3A_873 = arith.constant 16 : i32
        %add3A_874 = arith.addi %add3A_873, %scan3A_299 : i32
        %get3A_875 = arith.constant 1 : i32
        %get3A_876 = arith.index_cast %add3A_874 : i32 to index
        %get3A_877 = arith.index_cast %get3A_875 : i32 to index
        %get3A_878 = arith.constant 48 : index
        %get3A_879 = tpu.vector_load %arg10[%get3A_876, %get3A_877, %get3A_878] {strides = array<i32>} : memref<32x2x128xf32, #tpu.memory_space<vmem>>, vector<1x1x16xf32>,
        %get3A_880 = vector.shape_cast %get3A_879 : vector<1x1x16xf32> to vector<16xf32>
        %add3A_881 = arith.addf %get3A_872, %get3A_880 : vector<16xf32>
        %add3A_882 = arith.constant 176 : i32
        %add3A_883 = arith.addi %add3A_882, %scan3A_299 : i32
        %swap3A_884 = arith.index_cast %add3A_883 : i32 to index
        %swap3A_885 = arith.constant 48 : index
        %swap3A_886 = tpu.vector_load %arg13[%swap3A_884, %swap3A_885] {strides = array<i32>} : memref<320x128xf32, #tpu.memory_space<vmem>>, vector<1x16xf32>,
        %swap3A_887 = vector.shape_cast %swap3A_886 : vector<1x16xf32> to vector<16xf32>
        %swap3A_888 = vector.shape_cast %add3A_881 : vector<16xf32> to vector<1x16xf32>
        tpu.vector_store %arg13[%swap3A_884, %swap3A_885], %swap3A_888 {strides = array<i32>} : memref<320x128xf32, #tpu.memory_space<vmem>>, vector<1x16xf32>,
        %get3A_889 = arith.constant 11 : i32
        %get3A_890 = arith.index_cast %get3A_889 : i32 to index
        %get3A_891 = arith.constant 64 : index
        %get3A_892 = tpu.vector_load %arg12[%get3A_890, %get3A_891] {strides = array<i32>} : memref<32x128xf32, #tpu.memory_space<vmem>>, vector<1x16xf32>,
        %get3A_893 = vector.shape_cast %get3A_892 : vector<1x16xf32> to vector<16xf32>
        %add3A_894 = arith.constant 16 : i32
        %add3A_895 = arith.addi %add3A_894, %scan3A_299 : i32
        %get3A_896 = arith.constant 1 : i32
        %get3A_897 = arith.index_cast %add3A_895 : i32 to index
        %get3A_898 = arith.index_cast %get3A_896 : i32 to index
        %get3A_899 = arith.constant 64 : index
        %get3A_900 = tpu.vector_load %arg10[%get3A_897, %get3A_898, %get3A_899] {strides = array<i32>} : memref<32x2x128xf32, #tpu.memory_space<vmem>>, vector<1x1x16xf32>,
        %get3A_901 = vector.shape_cast %get3A_900 : vector<1x1x16xf32> to vector<16xf32>
        %add3A_902 = arith.addf %get3A_893, %get3A_901 : vector<16xf32>
        %add3A_903 = arith.constant 176 : i32
        %add3A_904 = arith.addi %add3A_903, %scan3A_299 : i32
        %swap3A_905 = arith.index_cast %add3A_904 : i32 to index
        %swap3A_906 = arith.constant 64 : index
        %swap3A_907 = tpu.vector_load %arg13[%swap3A_905, %swap3A_906] {strides = array<i32>} : memref<320x128xf32, #tpu.memory_space<vmem>>, vector<1x16xf32>,
        %swap3A_908 = vector.shape_cast %swap3A_907 : vector<1x16xf32> to vector<16xf32>
        %swap3A_909 = vector.shape_cast %add3A_902 : vector<16xf32> to vector<1x16xf32>
        tpu.vector_store %arg13[%swap3A_905, %swap3A_906], %swap3A_909 {strides = array<i32>} : memref<320x128xf32, #tpu.memory_space<vmem>>, vector<1x16xf32>,
        %get3A_910 = arith.constant 11 : i32
        %get3A_911 = arith.index_cast %get3A_910 : i32 to index
        %get3A_912 = arith.constant 80 : index
        %get3A_913 = tpu.vector_load %arg12[%get3A_911, %get3A_912] {strides = array<i32>} : memref<32x128xf32, #tpu.memory_space<vmem>>, vector<1x16xf32>,
        %get3A_914 = vector.shape_cast %get3A_913 : vector<1x16xf32> to vector<16xf32>
        %add3A_915 = arith.constant 16 : i32
        %add3A_916 = arith.addi %add3A_915, %scan3A_299 : i32
        %get3A_917 = arith.constant 1 : i32
        %get3A_918 = arith.index_cast %add3A_916 : i32 to index
        %get3A_919 = arith.index_cast %get3A_917 : i32 to index
        %get3A_920 = arith.constant 80 : index
        %get3A_921 = tpu.vector_load %arg10[%get3A_918, %get3A_919, %get3A_920] {strides = array<i32>} : memref<32x2x128xf32, #tpu.memory_space<vmem>>, vector<1x1x16xf32>,
        %get3A_922 = vector.shape_cast %get3A_921 : vector<1x1x16xf32> to vector<16xf32>
        %add3A_923 = arith.addf %get3A_914, %get3A_922 : vector<16xf32>
        %add3A_924 = arith.constant 176 : i32
        %add3A_925 = arith.addi %add3A_924, %scan3A_299 : i32
        %swap3A_926 = arith.index_cast %add3A_925 : i32 to index
        %swap3A_927 = arith.constant 80 : index
        %swap3A_928 = tpu.vector_load %arg13[%swap3A_926, %swap3A_927] {strides = array<i32>} : memref<320x128xf32, #tpu.memory_space<vmem>>, vector<1x16xf32>,
        %swap3A_929 = vector.shape_cast %swap3A_928 : vector<1x16xf32> to vector<16xf32>
        %swap3A_930 = vector.shape_cast %add3A_923 : vector<16xf32> to vector<1x16xf32>
        tpu.vector_store %arg13[%swap3A_926, %swap3A_927], %swap3A_930 {strides = array<i32>} : memref<320x128xf32, #tpu.memory_space<vmem>>, vector<1x16xf32>,
        %get3A_931 = arith.constant 11 : i32
        %get3A_932 = arith.index_cast %get3A_931 : i32 to index
        %get3A_933 = arith.constant 96 : index
        %get3A_934 = tpu.vector_load %arg12[%get3A_932, %get3A_933] {strides = array<i32>} : memref<32x128xf32, #tpu.memory_space<vmem>>, vector<1x16xf32>,
        %get3A_935 = vector.shape_cast %get3A_934 : vector<1x16xf32> to vector<16xf32>
        %add3A_936 = arith.constant 16 : i32
        %add3A_937 = arith.addi %add3A_936, %scan3A_299 : i32
        %get3A_938 = arith.constant 1 : i32
        %get3A_939 = arith.index_cast %add3A_937 : i32 to index
        %get3A_940 = arith.index_cast %get3A_938 : i32 to index
        %get3A_941 = arith.constant 96 : index
        %get3A_942 = tpu.vector_load %arg10[%get3A_939, %get3A_940, %get3A_941] {strides = array<i32>} : memref<32x2x128xf32, #tpu.memory_space<vmem>>, vector<1x1x16xf32>,
        %get3A_943 = vector.shape_cast %get3A_942 : vector<1x1x16xf32> to vector<16xf32>
        %add3A_944 = arith.addf %get3A_935, %get3A_943 : vector<16xf32>
        %add3A_945 = arith.constant 176 : i32
        %add3A_946 = arith.addi %add3A_945, %scan3A_299 : i32
        %swap3A_947 = arith.index_cast %add3A_946 : i32 to index
        %swap3A_948 = arith.constant 96 : index
        %swap3A_949 = tpu.vector_load %arg13[%swap3A_947, %swap3A_948] {strides = array<i32>} : memref<320x128xf32, #tpu.memory_space<vmem>>, vector<1x16xf32>,
        %swap3A_950 = vector.shape_cast %swap3A_949 : vector<1x16xf32> to vector<16xf32>
        %swap3A_951 = vector.shape_cast %add3A_944 : vector<16xf32> to vector<1x16xf32>
        tpu.vector_store %arg13[%swap3A_947, %swap3A_948], %swap3A_951 {strides = array<i32>} : memref<320x128xf32, #tpu.memory_space<vmem>>, vector<1x16xf32>,
        %get3A_952 = arith.constant 11 : i32
        %get3A_953 = arith.index_cast %get3A_952 : i32 to index
        %get3A_954 = arith.constant 112 : index
        %get3A_955 = tpu.vector_load %arg12[%get3A_953, %get3A_954] {strides = array<i32>} : memref<32x128xf32, #tpu.memory_space<vmem>>, vector<1x16xf32>,
        %get3A_956 = vector.shape_cast %get3A_955 : vector<1x16xf32> to vector<16xf32>
        %add3A_957 = arith.constant 16 : i32
        %add3A_958 = arith.addi %add3A_957, %scan3A_299 : i32
        %get3A_959 = arith.constant 1 : i32
        %get3A_960 = arith.index_cast %add3A_958 : i32 to index
        %get3A_961 = arith.index_cast %get3A_959 : i32 to index
        %get3A_962 = arith.constant 112 : index
        %get3A_963 = tpu.vector_load %arg10[%get3A_960, %get3A_961, %get3A_962] {strides = array<i32>} : memref<32x2x128xf32, #tpu.memory_space<vmem>>, vector<1x1x16xf32>,
        %get3A_964 = vector.shape_cast %get3A_963 : vector<1x1x16xf32> to vector<16xf32>
        %add3A_965 = arith.addf %get3A_956, %get3A_964 : vector<16xf32>
        %add3A_966 = arith.constant 176 : i32
        %add3A_967 = arith.addi %add3A_966, %scan3A_299 : i32
        %swap3A_968 = arith.index_cast %add3A_967 : i32 to index
        %swap3A_969 = arith.constant 112 : index
        %swap3A_970 = tpu.vector_load %arg13[%swap3A_968, %swap3A_969] {strides = array<i32>} : memref<320x128xf32, #tpu.memory_space<vmem>>, vector<1x16xf32>,
        %swap3A_971 = vector.shape_cast %swap3A_970 : vector<1x16xf32> to vector<16xf32>
        %swap3A_972 = vector.shape_cast %add3A_965 : vector<16xf32> to vector<1x16xf32>
        tpu.vector_store %arg13[%swap3A_968, %swap3A_969], %swap3A_972 {strides = array<i32>} : memref<320x128xf32, #tpu.memory_space<vmem>>, vector<1x16xf32>,
        %scan3A_973 = arith.constant 0 : i32
        scf.yield %scan3A_973 : i32
      }
      %scan3A_212 = arith.constant 16 : i32
      %dma_start3A_213 = arith.constant 2 : i32
      %dma_start3A_214 = arith.constant 0 : i32
      %dma_start3A_215 = tpu.memref_slice %arg8[%dma_start3A_213, %dma_start3A_214] : memref<5x32xi32, #tpu.memory_space<vmem>> -> memref<1x32xi32, #tpu.memory_space<vmem>>
      %dma_start3A_216 = tpu.memref_squeeze %dma_start3A_215 : memref<1x32xi32, #tpu.memory_space<vmem>> -> memref<32xi32, #tpu.memory_space<vmem>>
      %dma_start3A_217 = arith.constant 0 : i32
      %dma_start3A_218 = arith.constant 0 : i32
      %dma_start3A_219 = arith.constant 0 : i32
      %dma_start3A_220 = tpu.memref_slice %arg2[%dma_start3A_217, %dma_start3A_218, %dma_start3A_219] : memref<200000x2x128xf32, #tpu.memory_space<hbm>> -> memref<200000x2x128xf32, #tpu.memory_space<hbm>>
      tpu.enqueue_indirect_dma source(%dma_start3A_220 : memref<200000x2x128xf32, #tpu.memory_space<hbm>>) target(%arg10 : memref<32x2x128xf32, #tpu.memory_space<vmem>>) offsets(%dma_start3A_216 : memref<32xi32, #tpu.memory_space<vmem>>) semaphore(%arg14 : memref<!tpu.dma_semaphore, #tpu.memory_space<semaphore_mem>>)
      %dma_wait3A_221 = arith.constant 1 : i32
      %dma_wait3A_222 = arith.constant 0 : i32
      %dma_wait3A_223 = tpu.memref_slice %arg8[%dma_wait3A_221, %dma_wait3A_222] : memref<5x32xi32, #tpu.memory_space<vmem>> -> memref<1x32xi32, #tpu.memory_space<vmem>>
      %dma_wait3A_224 = tpu.memref_squeeze %dma_wait3A_223 : memref<1x32xi32, #tpu.memory_space<vmem>> -> memref<32xi32, #tpu.memory_space<vmem>>
      %dma_wait3A_225 = arith.constant 0 : i32
      %dma_wait3A_226 = arith.constant 0 : i32
      %dma_wait3A_227 = arith.constant 0 : i32
      %dma_wait3A_228 = tpu.memref_slice %arg2[%dma_wait3A_225, %dma_wait3A_226, %dma_wait3A_227] : memref<200000x2x128xf32, #tpu.memory_space<hbm>> -> memref<200000x2x128xf32, #tpu.memory_space<hbm>>
      tpu.wait_indirect_dma semaphore(%arg15 : memref<!tpu.dma_semaphore, #tpu.memory_space<semaphore_mem>>) src(%dma_wait3A_228 : memref<200000x2x128xf32, #tpu.memory_space<hbm>>) dst(%arg11 : memref<32x2x128xf32, #tpu.memory_space<vmem>>)
      %scan3A_229 = arith.constant 0 : i32
      %scan3A_230 = arith.constant 0 : i32
      %scan3A_231 = arith.constant 16 : i32
      %scan3A_232 = arith.addi %scan3A_230, %scan3A_231 : i32
      %scan3A_233 = arith.constant 1 : i32
      %scan3A_234 = scf.for %scan3A_299 = %scan3A_230 to %scan3A_232 step %scan3A_233 iter_args(%scan3A_300 = %scan3A_229) -> (i32)  : i32 {
        %get3A_301 = arith.constant 2 : i32
        %get3A_302 = arith.index_cast %get3A_301 : i32 to index
        %get3A_303 = arith.constant 0 : index
        %get3A_304 = tpu.vector_load %arg12[%get3A_302, %get3A_303] {strides = array<i32>} : memref<32x128xf32, #tpu.memory_space<vmem>>, vector<1x16xf32>,
        %get3A_305 = vector.shape_cast %get3A_304 : vector<1x16xf32> to vector<16xf32>
        %add3A_306 = arith.constant 0 : i32
        %add3A_307 = arith.addi %add3A_306, %scan3A_299 : i32
        %get3A_308 = arith.constant 0 : i32
        %get3A_309 = arith.index_cast %add3A_307 : i32 to index
        %get3A_310 = arith.index_cast %get3A_308 : i32 to index
        %get3A_311 = arith.constant 0 : index
        %get3A_312 = tpu.vector_load %arg11[%get3A_309, %get3A_310, %get3A_311] {strides = array<i32>} : memref<32x2x128xf32, #tpu.memory_space<vmem>>, vector<1x1x16xf32>,
        %get3A_313 = vector.shape_cast %get3A_312 : vector<1x1x16xf32> to vector<16xf32>
        %add3A_314 = arith.addf %get3A_305, %get3A_313 : vector<16xf32>
        %add3A_315 = arith.constant 32 : i32
        %add3A_316 = arith.addi %add3A_315, %scan3A_299 : i32
        %swap3A_317 = arith.index_cast %add3A_316 : i32 to index
        %swap3A_318 = arith.constant 0 : index
        %swap3A_319 = tpu.vector_load %arg13[%swap3A_317, %swap3A_318] {strides = array<i32>} : memref<320x128xf32, #tpu.memory_space<vmem>>, vector<1x16xf32>,
        %swap3A_320 = vector.shape_cast %swap3A_319 : vector<1x16xf32> to vector<16xf32>
        %swap3A_321 = vector.shape_cast %add3A_314 : vector<16xf32> to vector<1x16xf32>
        tpu.vector_store %arg13[%swap3A_317, %swap3A_318], %swap3A_321 {strides = array<i32>} : memref<320x128xf32, #tpu.memory_space<vmem>>, vector<1x16xf32>,
        %get3A_322 = arith.constant 2 : i32
        %get3A_323 = arith.index_cast %get3A_322 : i32 to index
        %get3A_324 = arith.constant 16 : index
        %get3A_325 = tpu.vector_load %arg12[%get3A_323, %get3A_324] {strides = array<i32>} : memref<32x128xf32, #tpu.memory_space<vmem>>, vector<1x16xf32>,
        %get3A_326 = vector.shape_cast %get3A_325 : vector<1x16xf32> to vector<16xf32>
        %add3A_327 = arith.constant 0 : i32
        %add3A_328 = arith.addi %add3A_327, %scan3A_299 : i32
        %get3A_329 = arith.constant 0 : i32
        %get3A_330 = arith.index_cast %add3A_328 : i32 to index
        %get3A_331 = arith.index_cast %get3A_329 : i32 to index
        %get3A_332 = arith.constant 16 : index
        %get3A_333 = tpu.vector_load %arg11[%get3A_330, %get3A_331, %get3A_332] {strides = array<i32>} : memref<32x2x128xf32, #tpu.memory_space<vmem>>, vector<1x1x16xf32>,
        %get3A_334 = vector.shape_cast %get3A_333 : vector<1x1x16xf32> to vector<16xf32>
        %add3A_335 = arith.addf %get3A_326, %get3A_334 : vector<16xf32>
        %add3A_336 = arith.constant 32 : i32
        %add3A_337 = arith.addi %add3A_336, %scan3A_299 : i32
        %swap3A_338 = arith.index_cast %add3A_337 : i32 to index
        %swap3A_339 = arith.constant 16 : index
        %swap3A_340 = tpu.vector_load %arg13[%swap3A_338, %swap3A_339] {strides = array<i32>} : memref<320x128xf32, #tpu.memory_space<vmem>>, vector<1x16xf32>,
        %swap3A_341 = vector.shape_cast %swap3A_340 : vector<1x16xf32> to vector<16xf32>
        %swap3A_342 = vector.shape_cast %add3A_335 : vector<16xf32> to vector<1x16xf32>
        tpu.vector_store %arg13[%swap3A_338, %swap3A_339], %swap3A_342 {strides = array<i32>} : memref<320x128xf32, #tpu.memory_space<vmem>>, vector<1x16xf32>,
        %get3A_343 = arith.constant 2 : i32
        %get3A_344 = arith.index_cast %get3A_343 : i32 to index
        %get3A_345 = arith.constant 32 : index
        %get3A_346 = tpu.vector_load %arg12[%get3A_344, %get3A_345] {strides = array<i32>} : memref<32x128xf32, #tpu.memory_space<vmem>>, vector<1x16xf32>,
        %get3A_347 = vector.shape_cast %get3A_346 : vector<1x16xf32> to vector<16xf32>
        %add3A_348 = arith.constant 0 : i32
        %add3A_349 = arith.addi %add3A_348, %scan3A_299 : i32
        %get3A_350 = arith.constant 0 : i32
        %get3A_351 = arith.index_cast %add3A_349 : i32 to index
        %get3A_352 = arith.index_cast %get3A_350 : i32 to index
        %get3A_353 = arith.constant 32 : index
        %get3A_354 = tpu.vector_load %arg11[%get3A_351, %get3A_352, %get3A_353] {strides = array<i32>} : memref<32x2x128xf32, #tpu.memory_space<vmem>>, vector<1x1x16xf32>,
        %get3A_355 = vector.shape_cast %get3A_354 : vector<1x1x16xf32> to vector<16xf32>
        %add3A_356 = arith.addf %get3A_347, %get3A_355 : vector<16xf32>
        %add3A_357 = arith.constant 32 : i32
        %add3A_358 = arith.addi %add3A_357, %scan3A_299 : i32
        %swap3A_359 = arith.index_cast %add3A_358 : i32 to index
        %swap3A_360 = arith.constant 32 : index
        %swap3A_361 = tpu.vector_load %arg13[%swap3A_359, %swap3A_360] {strides = array<i32>} : memref<320x128xf32, #tpu.memory_space<vmem>>, vector<1x16xf32>,
        %swap3A_362 = vector.shape_cast %swap3A_361 : vector<1x16xf32> to vector<16xf32>
        %swap3A_363 = vector.shape_cast %add3A_356 : vector<16xf32> to vector<1x16xf32>
        tpu.vector_store %arg13[%swap3A_359, %swap3A_360], %swap3A_363 {strides = array<i32>} : memref<320x128xf32, #tpu.memory_space<vmem>>, vector<1x16xf32>,
        %get3A_364 = arith.constant 2 : i32
        %get3A_365 = arith.index_cast %get3A_364 : i32 to index
        %get3A_366 = arith.constant 48 : index
        %get3A_367 = tpu.vector_load %arg12[%get3A_365, %get3A_366] {strides = array<i32>} : memref<32x128xf32, #tpu.memory_space<vmem>>, vector<1x16xf32>,
        %get3A_368 = vector.shape_cast %get3A_367 : vector<1x16xf32> to vector<16xf32>
        %add3A_369 = arith.constant 0 : i32
        %add3A_370 = arith.addi %add3A_369, %scan3A_299 : i32
        %get3A_371 = arith.constant 0 : i32
        %get3A_372 = arith.index_cast %add3A_370 : i32 to index
        %get3A_373 = arith.index_cast %get3A_371 : i32 to index
        %get3A_374 = arith.constant 48 : index
        %get3A_375 = tpu.vector_load %arg11[%get3A_372, %get3A_373, %get3A_374] {strides = array<i32>} : memref<32x2x128xf32, #tpu.memory_space<vmem>>, vector<1x1x16xf32>,
        %get3A_376 = vector.shape_cast %get3A_375 : vector<1x1x16xf32> to vector<16xf32>
        %add3A_377 = arith.addf %get3A_368, %get3A_376 : vector<16xf32>
        %add3A_378 = arith.constant 32 : i32
        %add3A_379 = arith.addi %add3A_378, %scan3A_299 : i32
        %swap3A_380 = arith.index_cast %add3A_379 : i32 to index
        %swap3A_381 = arith.constant 48 : index
        %swap3A_382 = tpu.vector_load %arg13[%swap3A_380, %swap3A_381] {strides = array<i32>} : memref<320x128xf32, #tpu.memory_space<vmem>>, vector<1x16xf32>,
        %swap3A_383 = vector.shape_cast %swap3A_382 : vector<1x16xf32> to vector<16xf32>
        %swap3A_384 = vector.shape_cast %add3A_377 : vector<16xf32> to vector<1x16xf32>
        tpu.vector_store %arg13[%swap3A_380, %swap3A_381], %swap3A_384 {strides = array<i32>} : memref<320x128xf32, #tpu.memory_space<vmem>>, vector<1x16xf32>,
        %get3A_385 = arith.constant 2 : i32
        %get3A_386 = arith.index_cast %get3A_385 : i32 to index
        %get3A_387 = arith.constant 64 : index
        %get3A_388 = tpu.vector_load %arg12[%get3A_386, %get3A_387] {strides = array<i32>} : memref<32x128xf32, #tpu.memory_space<vmem>>, vector<1x16xf32>,
        %get3A_389 = vector.shape_cast %get3A_388 : vector<1x16xf32> to vector<16xf32>
        %add3A_390 = arith.constant 0 : i32
        %add3A_391 = arith.addi %add3A_390, %scan3A_299 : i32
        %get3A_392 = arith.constant 0 : i32
        %get3A_393 = arith.index_cast %add3A_391 : i32 to index
        %get3A_394 = arith.index_cast %get3A_392 : i32 to index
        %get3A_395 = arith.constant 64 : index
        %get3A_396 = tpu.vector_load %arg11[%get3A_393, %get3A_394, %get3A_395] {strides = array<i32>} : memref<32x2x128xf32, #tpu.memory_space<vmem>>, vector<1x1x16xf32>,
        %get3A_397 = vector.shape_cast %get3A_396 : vector<1x1x16xf32> to vector<16xf32>
        %add3A_398 = arith.addf %get3A_389, %get3A_397 : vector<16xf32>
        %add3A_399 = arith.constant 32 : i32
        %add3A_400 = arith.addi %add3A_399, %scan3A_299 : i32
        %swap3A_401 = arith.index_cast %add3A_400 : i32 to index
        %swap3A_402 = arith.constant 64 : index
        %swap3A_403 = tpu.vector_load %arg13[%swap3A_401, %swap3A_402] {strides = array<i32>} : memref<320x128xf32, #tpu.memory_space<vmem>>, vector<1x16xf32>,
        %swap3A_404 = vector.shape_cast %swap3A_403 : vector<1x16xf32> to vector<16xf32>
        %swap3A_405 = vector.shape_cast %add3A_398 : vector<16xf32> to vector<1x16xf32>
        tpu.vector_store %arg13[%swap3A_401, %swap3A_402], %swap3A_405 {strides = array<i32>} : memref<320x128xf32, #tpu.memory_space<vmem>>, vector<1x16xf32>,
        %get3A_406 = arith.constant 2 : i32
        %get3A_407 = arith.index_cast %get3A_406 : i32 to index
        %get3A_408 = arith.constant 80 : index
        %get3A_409 = tpu.vector_load %arg12[%get3A_407, %get3A_408] {strides = array<i32>} : memref<32x128xf32, #tpu.memory_space<vmem>>, vector<1x16xf32>,
        %get3A_410 = vector.shape_cast %get3A_409 : vector<1x16xf32> to vector<16xf32>
        %add3A_411 = arith.constant 0 : i32
        %add3A_412 = arith.addi %add3A_411, %scan3A_299 : i32
        %get3A_413 = arith.constant 0 : i32
        %get3A_414 = arith.index_cast %add3A_412 : i32 to index
        %get3A_415 = arith.index_cast %get3A_413 : i32 to index
        %get3A_416 = arith.constant 80 : index
        %get3A_417 = tpu.vector_load %arg11[%get3A_414, %get3A_415, %get3A_416] {strides = array<i32>} : memref<32x2x128xf32, #tpu.memory_space<vmem>>, vector<1x1x16xf32>,
        %get3A_418 = vector.shape_cast %get3A_417 : vector<1x1x16xf32> to vector<16xf32>
        %add3A_419 = arith.addf %get3A_410, %get3A_418 : vector<16xf32>
        %add3A_420 = arith.constant 32 : i32
        %add3A_421 = arith.addi %add3A_420, %scan3A_299 : i32
        %swap3A_422 = arith.index_cast %add3A_421 : i32 to index
        %swap3A_423 = arith.constant 80 : index
        %swap3A_424 = tpu.vector_load %arg13[%swap3A_422, %swap3A_423] {strides = array<i32>} : memref<320x128xf32, #tpu.memory_space<vmem>>, vector<1x16xf32>,
        %swap3A_425 = vector.shape_cast %swap3A_424 : vector<1x16xf32> to vector<16xf32>
        %swap3A_426 = vector.shape_cast %add3A_419 : vector<16xf32> to vector<1x16xf32>
        tpu.vector_store %arg13[%swap3A_422, %swap3A_423], %swap3A_426 {strides = array<i32>} : memref<320x128xf32, #tpu.memory_space<vmem>>, vector<1x16xf32>,
        %get3A_427 = arith.constant 2 : i32
        %get3A_428 = arith.index_cast %get3A_427 : i32 to index
        %get3A_429 = arith.constant 96 : index
        %get3A_430 = tpu.vector_load %arg12[%get3A_428, %get3A_429] {strides = array<i32>} : memref<32x128xf32, #tpu.memory_space<vmem>>, vector<1x16xf32>,
        %get3A_431 = vector.shape_cast %get3A_430 : vector<1x16xf32> to vector<16xf32>
        %add3A_432 = arith.constant 0 : i32
        %add3A_433 = arith.addi %add3A_432, %scan3A_299 : i32
        %get3A_434 = arith.constant 0 : i32
        %get3A_435 = arith.index_cast %add3A_433 : i32 to index
        %get3A_436 = arith.index_cast %get3A_434 : i32 to index
        %get3A_437 = arith.constant 96 : index
        %get3A_438 = tpu.vector_load %arg11[%get3A_435, %get3A_436, %get3A_437] {strides = array<i32>} : memref<32x2x128xf32, #tpu.memory_space<vmem>>, vector<1x1x16xf32>,
        %get3A_439 = vector.shape_cast %get3A_438 : vector<1x1x16xf32> to vector<16xf32>
        %add3A_440 = arith.addf %get3A_431, %get3A_439 : vector<16xf32>
        %add3A_441 = arith.constant 32 : i32
        %add3A_442 = arith.addi %add3A_441, %scan3A_299 : i32
        %swap3A_443 = arith.index_cast %add3A_442 : i32 to index
        %swap3A_444 = arith.constant 96 : index
        %swap3A_445 = tpu.vector_load %arg13[%swap3A_443, %swap3A_444] {strides = array<i32>} : memref<320x128xf32, #tpu.memory_space<vmem>>, vector<1x16xf32>,
        %swap3A_446 = vector.shape_cast %swap3A_445 : vector<1x16xf32> to vector<16xf32>
        %swap3A_447 = vector.shape_cast %add3A_440 : vector<16xf32> to vector<1x16xf32>
        tpu.vector_store %arg13[%swap3A_443, %swap3A_444], %swap3A_447 {strides = array<i32>} : memref<320x128xf32, #tpu.memory_space<vmem>>, vector<1x16xf32>,
        %get3A_448 = arith.constant 2 : i32
        %get3A_449 = arith.index_cast %get3A_448 : i32 to index
        %get3A_450 = arith.constant 112 : index
        %get3A_451 = tpu.vector_load %arg12[%get3A_449, %get3A_450] {strides = array<i32>} : memref<32x128xf32, #tpu.memory_space<vmem>>, vector<1x16xf32>,
        %get3A_452 = vector.shape_cast %get3A_451 : vector<1x16xf32> to vector<16xf32>
        %add3A_453 = arith.constant 0 : i32
        %add3A_454 = arith.addi %add3A_453, %scan3A_299 : i32
        %get3A_455 = arith.constant 0 : i32
        %get3A_456 = arith.index_cast %add3A_454 : i32 to index
        %get3A_457 = arith.index_cast %get3A_455 : i32 to index
        %get3A_458 = arith.constant 112 : index
        %get3A_459 = tpu.vector_load %arg11[%get3A_456, %get3A_457, %get3A_458] {strides = array<i32>} : memref<32x2x128xf32, #tpu.memory_space<vmem>>, vector<1x1x16xf32>,
        %get3A_460 = vector.shape_cast %get3A_459 : vector<1x1x16xf32> to vector<16xf32>
        %add3A_461 = arith.addf %get3A_452, %get3A_460 : vector<16xf32>
        %add3A_462 = arith.constant 32 : i32
        %add3A_463 = arith.addi %add3A_462, %scan3A_299 : i32
        %swap3A_464 = arith.index_cast %add3A_463 : i32 to index
        %swap3A_465 = arith.constant 112 : index
        %swap3A_466 = tpu.vector_load %arg13[%swap3A_464, %swap3A_465] {strides = array<i32>} : memref<320x128xf32, #tpu.memory_space<vmem>>, vector<1x16xf32>,
        %swap3A_467 = vector.shape_cast %swap3A_466 : vector<1x16xf32> to vector<16xf32>
        %swap3A_468 = vector.shape_cast %add3A_461 : vector<16xf32> to vector<1x16xf32>
        tpu.vector_store %arg13[%swap3A_464, %swap3A_465], %swap3A_468 {strides = array<i32>} : memref<320x128xf32, #tpu.memory_space<vmem>>, vector<1x16xf32>,
        %get3A_469 = arith.constant 3 : i32
        %get3A_470 = arith.index_cast %get3A_469 : i32 to index
        %get3A_471 = arith.constant 0 : index
        %get3A_472 = tpu.vector_load %arg12[%get3A_470, %get3A_471] {strides = array<i32>} : memref<32x128xf32, #tpu.memory_space<vmem>>, vector<1x16xf32>,
        %get3A_473 = vector.shape_cast %get3A_472 : vector<1x16xf32> to vector<16xf32>
        %add3A_474 = arith.constant 0 : i32
        %add3A_475 = arith.addi %add3A_474, %scan3A_299 : i32
        %get3A_476 = arith.constant 1 : i32
        %get3A_477 = arith.index_cast %add3A_475 : i32 to index
        %get3A_478 = arith.index_cast %get3A_476 : i32 to index
        %get3A_479 = arith.constant 0 : index
        %get3A_480 = tpu.vector_load %arg11[%get3A_477, %get3A_478, %get3A_479] {strides = array<i32>} : memref<32x2x128xf32, #tpu.memory_space<vmem>>, vector<1x1x16xf32>,
        %get3A_481 = vector.shape_cast %get3A_480 : vector<1x1x16xf32> to vector<16xf32>
        %add3A_482 = arith.addf %get3A_473, %get3A_481 : vector<16xf32>
        %add3A_483 = arith.constant 48 : i32
        %add3A_484 = arith.addi %add3A_483, %scan3A_299 : i32
        %swap3A_485 = arith.index_cast %add3A_484 : i32 to index
        %swap3A_486 = arith.constant 0 : index
        %swap3A_487 = tpu.vector_load %arg13[%swap3A_485, %swap3A_486] {strides = array<i32>} : memref<320x128xf32, #tpu.memory_space<vmem>>, vector<1x16xf32>,
        %swap3A_488 = vector.shape_cast %swap3A_487 : vector<1x16xf32> to vector<16xf32>
        %swap3A_489 = vector.shape_cast %add3A_482 : vector<16xf32> to vector<1x16xf32>
        tpu.vector_store %arg13[%swap3A_485, %swap3A_486], %swap3A_489 {strides = array<i32>} : memref<320x128xf32, #tpu.memory_space<vmem>>, vector<1x16xf32>,
        %get3A_490 = arith.constant 3 : i32
        %get3A_491 = arith.index_cast %get3A_490 : i32 to index
        %get3A_492 = arith.constant 16 : index
        %get3A_493 = tpu.vector_load %arg12[%get3A_491, %get3A_492] {strides = array<i32>} : memref<32x128xf32, #tpu.memory_space<vmem>>, vector<1x16xf32>,
        %get3A_494 = vector.shape_cast %get3A_493 : vector<1x16xf32> to vector<16xf32>
        %add3A_495 = arith.constant 0 : i32
        %add3A_496 = arith.addi %add3A_495, %scan3A_299 : i32
        %get3A_497 = arith.constant 1 : i32
        %get3A_498 = arith.index_cast %add3A_496 : i32 to index
        %get3A_499 = arith.index_cast %get3A_497 : i32 to index
        %get3A_500 = arith.constant 16 : index
        %get3A_501 = tpu.vector_load %arg11[%get3A_498, %get3A_499, %get3A_500] {strides = array<i32>} : memref<32x2x128xf32, #tpu.memory_space<vmem>>, vector<1x1x16xf32>,
        %get3A_502 = vector.shape_cast %get3A_501 : vector<1x1x16xf32> to vector<16xf32>
        %add3A_503 = arith.addf %get3A_494, %get3A_502 : vector<16xf32>
        %add3A_504 = arith.constant 48 : i32
        %add3A_505 = arith.addi %add3A_504, %scan3A_299 : i32
        %swap3A_506 = arith.index_cast %add3A_505 : i32 to index
        %swap3A_507 = arith.constant 16 : index
        %swap3A_508 = tpu.vector_load %arg13[%swap3A_506, %swap3A_507] {strides = array<i32>} : memref<320x128xf32, #tpu.memory_space<vmem>>, vector<1x16xf32>,
        %swap3A_509 = vector.shape_cast %swap3A_508 : vector<1x16xf32> to vector<16xf32>
        %swap3A_510 = vector.shape_cast %add3A_503 : vector<16xf32> to vector<1x16xf32>
        tpu.vector_store %arg13[%swap3A_506, %swap3A_507], %swap3A_510 {strides = array<i32>} : memref<320x128xf32, #tpu.memory_space<vmem>>, vector<1x16xf32>,
        %get3A_511 = arith.constant 3 : i32
        %get3A_512 = arith.index_cast %get3A_511 : i32 to index
        %get3A_513 = arith.constant 32 : index
        %get3A_514 = tpu.vector_load %arg12[%get3A_512, %get3A_513] {strides = array<i32>} : memref<32x128xf32, #tpu.memory_space<vmem>>, vector<1x16xf32>,
        %get3A_515 = vector.shape_cast %get3A_514 : vector<1x16xf32> to vector<16xf32>
        %add3A_516 = arith.constant 0 : i32
        %add3A_517 = arith.addi %add3A_516, %scan3A_299 : i32
        %get3A_518 = arith.constant 1 : i32
        %get3A_519 = arith.index_cast %add3A_517 : i32 to index
        %get3A_520 = arith.index_cast %get3A_518 : i32 to index
        %get3A_521 = arith.constant 32 : index
        %get3A_522 = tpu.vector_load %arg11[%get3A_519, %get3A_520, %get3A_521] {strides = array<i32>} : memref<32x2x128xf32, #tpu.memory_space<vmem>>, vector<1x1x16xf32>,
        %get3A_523 = vector.shape_cast %get3A_522 : vector<1x1x16xf32> to vector<16xf32>
        %add3A_524 = arith.addf %get3A_515, %get3A_523 : vector<16xf32>
        %add3A_525 = arith.constant 48 : i32
        %add3A_526 = arith.addi %add3A_525, %scan3A_299 : i32
        %swap3A_527 = arith.index_cast %add3A_526 : i32 to index
        %swap3A_528 = arith.constant 32 : index
        %swap3A_529 = tpu.vector_load %arg13[%swap3A_527, %swap3A_528] {strides = array<i32>} : memref<320x128xf32, #tpu.memory_space<vmem>>, vector<1x16xf32>,
        %swap3A_530 = vector.shape_cast %swap3A_529 : vector<1x16xf32> to vector<16xf32>
        %swap3A_531 = vector.shape_cast %add3A_524 : vector<16xf32> to vector<1x16xf32>
        tpu.vector_store %arg13[%swap3A_527, %swap3A_528], %swap3A_531 {strides = array<i32>} : memref<320x128xf32, #tpu.memory_space<vmem>>, vector<1x16xf32>,
        %get3A_532 = arith.constant 3 : i32
        %get3A_533 = arith.index_cast %get3A_532 : i32 to index
        %get3A_534 = arith.constant 48 : index
        %get3A_535 = tpu.vector_load %arg12[%get3A_533, %get3A_534] {strides = array<i32>} : memref<32x128xf32, #tpu.memory_space<vmem>>, vector<1x16xf32>,
        %get3A_536 = vector.shape_cast %get3A_535 : vector<1x16xf32> to vector<16xf32>
        %add3A_537 = arith.constant 0 : i32
        %add3A_538 = arith.addi %add3A_537, %scan3A_299 : i32
        %get3A_539 = arith.constant 1 : i32
        %get3A_540 = arith.index_cast %add3A_538 : i32 to index
        %get3A_541 = arith.index_cast %get3A_539 : i32 to index
        %get3A_542 = arith.constant 48 : index
        %get3A_543 = tpu.vector_load %arg11[%get3A_540, %get3A_541, %get3A_542] {strides = array<i32>} : memref<32x2x128xf32, #tpu.memory_space<vmem>>, vector<1x1x16xf32>,
        %get3A_544 = vector.shape_cast %get3A_543 : vector<1x1x16xf32> to vector<16xf32>
        %add3A_545 = arith.addf %get3A_536, %get3A_544 : vector<16xf32>
        %add3A_546 = arith.constant 48 : i32
        %add3A_547 = arith.addi %add3A_546, %scan3A_299 : i32
        %swap3A_548 = arith.index_cast %add3A_547 : i32 to index
        %swap3A_549 = arith.constant 48 : index
        %swap3A_550 = tpu.vector_load %arg13[%swap3A_548, %swap3A_549] {strides = array<i32>} : memref<320x128xf32, #tpu.memory_space<vmem>>, vector<1x16xf32>,
        %swap3A_551 = vector.shape_cast %swap3A_550 : vector<1x16xf32> to vector<16xf32>
        %swap3A_552 = vector.shape_cast %add3A_545 : vector<16xf32> to vector<1x16xf32>
        tpu.vector_store %arg13[%swap3A_548, %swap3A_549], %swap3A_552 {strides = array<i32>} : memref<320x128xf32, #tpu.memory_space<vmem>>, vector<1x16xf32>,
        %get3A_553 = arith.constant 3 : i32
        %get3A_554 = arith.index_cast %get3A_553 : i32 to index
        %get3A_555 = arith.constant 64 : index
        %get3A_556 = tpu.vector_load %arg12[%get3A_554, %get3A_555] {strides = array<i32>} : memref<32x128xf32, #tpu.memory_space<vmem>>, vector<1x16xf32>,
        %get3A_557 = vector.shape_cast %get3A_556 : vector<1x16xf32> to vector<16xf32>
        %add3A_558 = arith.constant 0 : i32
        %add3A_559 = arith.addi %add3A_558, %scan3A_299 : i32
        %get3A_560 = arith.constant 1 : i32
        %get3A_561 = arith.index_cast %add3A_559 : i32 to index
        %get3A_562 = arith.index_cast %get3A_560 : i32 to index
        %get3A_563 = arith.constant 64 : index
        %get3A_564 = tpu.vector_load %arg11[%get3A_561, %get3A_562, %get3A_563] {strides = array<i32>} : memref<32x2x128xf32, #tpu.memory_space<vmem>>, vector<1x1x16xf32>,
        %get3A_565 = vector.shape_cast %get3A_564 : vector<1x1x16xf32> to vector<16xf32>
        %add3A_566 = arith.addf %get3A_557, %get3A_565 : vector<16xf32>
        %add3A_567 = arith.constant 48 : i32
        %add3A_568 = arith.addi %add3A_567, %scan3A_299 : i32
        %swap3A_569 = arith.index_cast %add3A_568 : i32 to index
        %swap3A_570 = arith.constant 64 : index
        %swap3A_571 = tpu.vector_load %arg13[%swap3A_569, %swap3A_570] {strides = array<i32>} : memref<320x128xf32, #tpu.memory_space<vmem>>, vector<1x16xf32>,
        %swap3A_572 = vector.shape_cast %swap3A_571 : vector<1x16xf32> to vector<16xf32>
        %swap3A_573 = vector.shape_cast %add3A_566 : vector<16xf32> to vector<1x16xf32>
        tpu.vector_store %arg13[%swap3A_569, %swap3A_570], %swap3A_573 {strides = array<i32>} : memref<320x128xf32, #tpu.memory_space<vmem>>, vector<1x16xf32>,
        %get3A_574 = arith.constant 3 : i32
        %get3A_575 = arith.index_cast %get3A_574 : i32 to index
        %get3A_576 = arith.constant 80 : index
        %get3A_577 = tpu.vector_load %arg12[%get3A_575, %get3A_576] {strides = array<i32>} : memref<32x128xf32, #tpu.memory_space<vmem>>, vector<1x16xf32>,
        %get3A_578 = vector.shape_cast %get3A_577 : vector<1x16xf32> to vector<16xf32>
        %add3A_579 = arith.constant 0 : i32
        %add3A_580 = arith.addi %add3A_579, %scan3A_299 : i32
        %get3A_581 = arith.constant 1 : i32
        %get3A_582 = arith.index_cast %add3A_580 : i32 to index
        %get3A_583 = arith.index_cast %get3A_581 : i32 to index
        %get3A_584 = arith.constant 80 : index
        %get3A_585 = tpu.vector_load %arg11[%get3A_582, %get3A_583, %get3A_584] {strides = array<i32>} : memref<32x2x128xf32, #tpu.memory_space<vmem>>, vector<1x1x16xf32>,
        %get3A_586 = vector.shape_cast %get3A_585 : vector<1x1x16xf32> to vector<16xf32>
        %add3A_587 = arith.addf %get3A_578, %get3A_586 : vector<16xf32>
        %add3A_588 = arith.constant 48 : i32
        %add3A_589 = arith.addi %add3A_588, %scan3A_299 : i32
        %swap3A_590 = arith.index_cast %add3A_589 : i32 to index
        %swap3A_591 = arith.constant 80 : index
        %swap3A_592 = tpu.vector_load %arg13[%swap3A_590, %swap3A_591] {strides = array<i32>} : memref<320x128xf32, #tpu.memory_space<vmem>>, vector<1x16xf32>,
        %swap3A_593 = vector.shape_cast %swap3A_592 : vector<1x16xf32> to vector<16xf32>
        %swap3A_594 = vector.shape_cast %add3A_587 : vector<16xf32> to vector<1x16xf32>
        tpu.vector_store %arg13[%swap3A_590, %swap3A_591], %swap3A_594 {strides = array<i32>} : memref<320x128xf32, #tpu.memory_space<vmem>>, vector<1x16xf32>,
        %get3A_595 = arith.constant 3 : i32
        %get3A_596 = arith.index_cast %get3A_595 : i32 to index
        %get3A_597 = arith.constant 96 : index
        %get3A_598 = tpu.vector_load %arg12[%get3A_596, %get3A_597] {strides = array<i32>} : memref<32x128xf32, #tpu.memory_space<vmem>>, vector<1x16xf32>,
        %get3A_599 = vector.shape_cast %get3A_598 : vector<1x16xf32> to vector<16xf32>
        %add3A_600 = arith.constant 0 : i32
        %add3A_601 = arith.addi %add3A_600, %scan3A_299 : i32
        %get3A_602 = arith.constant 1 : i32
        %get3A_603 = arith.index_cast %add3A_601 : i32 to index
        %get3A_604 = arith.index_cast %get3A_602 : i32 to index
        %get3A_605 = arith.constant 96 : index
        %get3A_606 = tpu.vector_load %arg11[%get3A_603, %get3A_604, %get3A_605] {strides = array<i32>} : memref<32x2x128xf32, #tpu.memory_space<vmem>>, vector<1x1x16xf32>,
        %get3A_607 = vector.shape_cast %get3A_606 : vector<1x1x16xf32> to vector<16xf32>
        %add3A_608 = arith.addf %get3A_599, %get3A_607 : vector<16xf32>
        %add3A_609 = arith.constant 48 : i32
        %add3A_610 = arith.addi %add3A_609, %scan3A_299 : i32
        %swap3A_611 = arith.index_cast %add3A_610 : i32 to index
        %swap3A_612 = arith.constant 96 : index
        %swap3A_613 = tpu.vector_load %arg13[%swap3A_611, %swap3A_612] {strides = array<i32>} : memref<320x128xf32, #tpu.memory_space<vmem>>, vector<1x16xf32>,
        %swap3A_614 = vector.shape_cast %swap3A_613 : vector<1x16xf32> to vector<16xf32>
        %swap3A_615 = vector.shape_cast %add3A_608 : vector<16xf32> to vector<1x16xf32>
        tpu.vector_store %arg13[%swap3A_611, %swap3A_612], %swap3A_615 {strides = array<i32>} : memref<320x128xf32, #tpu.memory_space<vmem>>, vector<1x16xf32>,
        %get3A_616 = arith.constant 3 : i32
        %get3A_617 = arith.index_cast %get3A_616 : i32 to index
        %get3A_618 = arith.constant 112 : index
        %get3A_619 = tpu.vector_load %arg12[%get3A_617, %get3A_618] {strides = array<i32>} : memref<32x128xf32, #tpu.memory_space<vmem>>, vector<1x16xf32>,
        %get3A_620 = vector.shape_cast %get3A_619 : vector<1x16xf32> to vector<16xf32>
        %add3A_621 = arith.constant 0 : i32
        %add3A_622 = arith.addi %add3A_621, %scan3A_299 : i32
        %get3A_623 = arith.constant 1 : i32
        %get3A_624 = arith.index_cast %add3A_622 : i32 to index
        %get3A_625 = arith.index_cast %get3A_623 : i32 to index
        %get3A_626 = arith.constant 112 : index
        %get3A_627 = tpu.vector_load %arg11[%get3A_624, %get3A_625, %get3A_626] {strides = array<i32>} : memref<32x2x128xf32, #tpu.memory_space<vmem>>, vector<1x1x16xf32>,
        %get3A_628 = vector.shape_cast %get3A_627 : vector<1x1x16xf32> to vector<16xf32>
        %add3A_629 = arith.addf %get3A_620, %get3A_628 : vector<16xf32>
        %add3A_630 = arith.constant 48 : i32
        %add3A_631 = arith.addi %add3A_630, %scan3A_299 : i32
        %swap3A_632 = arith.index_cast %add3A_631 : i32 to index
        %swap3A_633 = arith.constant 112 : index
        %swap3A_634 = tpu.vector_load %arg13[%swap3A_632, %swap3A_633] {strides = array<i32>} : memref<320x128xf32, #tpu.memory_space<vmem>>, vector<1x16xf32>,
        %swap3A_635 = vector.shape_cast %swap3A_634 : vector<1x16xf32> to vector<16xf32>
        %swap3A_636 = vector.shape_cast %add3A_629 : vector<16xf32> to vector<1x16xf32>
        tpu.vector_store %arg13[%swap3A_632, %swap3A_633], %swap3A_636 {strides = array<i32>} : memref<320x128xf32, #tpu.memory_space<vmem>>, vector<1x16xf32>,
        %get3A_637 = arith.constant 12 : i32
        %get3A_638 = arith.index_cast %get3A_637 : i32 to index
        %get3A_639 = arith.constant 0 : index
        %get3A_640 = tpu.vector_load %arg12[%get3A_638, %get3A_639] {strides = array<i32>} : memref<32x128xf32, #tpu.memory_space<vmem>>, vector<1x16xf32>,
        %get3A_641 = vector.shape_cast %get3A_640 : vector<1x16xf32> to vector<16xf32>
        %add3A_642 = arith.constant 16 : i32
        %add3A_643 = arith.addi %add3A_642, %scan3A_299 : i32
        %get3A_644 = arith.constant 0 : i32
        %get3A_645 = arith.index_cast %add3A_643 : i32 to index
        %get3A_646 = arith.index_cast %get3A_644 : i32 to index
        %get3A_647 = arith.constant 0 : index
        %get3A_648 = tpu.vector_load %arg11[%get3A_645, %get3A_646, %get3A_647] {strides = array<i32>} : memref<32x2x128xf32, #tpu.memory_space<vmem>>, vector<1x1x16xf32>,
        %get3A_649 = vector.shape_cast %get3A_648 : vector<1x1x16xf32> to vector<16xf32>
        %add3A_650 = arith.addf %get3A_641, %get3A_649 : vector<16xf32>
        %add3A_651 = arith.constant 192 : i32
        %add3A_652 = arith.addi %add3A_651, %scan3A_299 : i32
        %swap3A_653 = arith.index_cast %add3A_652 : i32 to index
        %swap3A_654 = arith.constant 0 : index
        %swap3A_655 = tpu.vector_load %arg13[%swap3A_653, %swap3A_654] {strides = array<i32>} : memref<320x128xf32, #tpu.memory_space<vmem>>, vector<1x16xf32>,
        %swap3A_656 = vector.shape_cast %swap3A_655 : vector<1x16xf32> to vector<16xf32>
        %swap3A_657 = vector.shape_cast %add3A_650 : vector<16xf32> to vector<1x16xf32>
        tpu.vector_store %arg13[%swap3A_653, %swap3A_654], %swap3A_657 {strides = array<i32>} : memref<320x128xf32, #tpu.memory_space<vmem>>, vector<1x16xf32>,
        %get3A_658 = arith.constant 12 : i32
        %get3A_659 = arith.index_cast %get3A_658 : i32 to index
        %get3A_660 = arith.constant 16 : index
        %get3A_661 = tpu.vector_load %arg12[%get3A_659, %get3A_660] {strides = array<i32>} : memref<32x128xf32, #tpu.memory_space<vmem>>, vector<1x16xf32>,
        %get3A_662 = vector.shape_cast %get3A_661 : vector<1x16xf32> to vector<16xf32>
        %add3A_663 = arith.constant 16 : i32
        %add3A_664 = arith.addi %add3A_663, %scan3A_299 : i32
        %get3A_665 = arith.constant 0 : i32
        %get3A_666 = arith.index_cast %add3A_664 : i32 to index
        %get3A_667 = arith.index_cast %get3A_665 : i32 to index
        %get3A_668 = arith.constant 16 : index
        %get3A_669 = tpu.vector_load %arg11[%get3A_666, %get3A_667, %get3A_668] {strides = array<i32>} : memref<32x2x128xf32, #tpu.memory_space<vmem>>, vector<1x1x16xf32>,
        %get3A_670 = vector.shape_cast %get3A_669 : vector<1x1x16xf32> to vector<16xf32>
        %add3A_671 = arith.addf %get3A_662, %get3A_670 : vector<16xf32>
        %add3A_672 = arith.constant 192 : i32
        %add3A_673 = arith.addi %add3A_672, %scan3A_299 : i32
        %swap3A_674 = arith.index_cast %add3A_673 : i32 to index
        %swap3A_675 = arith.constant 16 : index
        %swap3A_676 = tpu.vector_load %arg13[%swap3A_674, %swap3A_675] {strides = array<i32>} : memref<320x128xf32, #tpu.memory_space<vmem>>, vector<1x16xf32>,
        %swap3A_677 = vector.shape_cast %swap3A_676 : vector<1x16xf32> to vector<16xf32>
        %swap3A_678 = vector.shape_cast %add3A_671 : vector<16xf32> to vector<1x16xf32>
        tpu.vector_store %arg13[%swap3A_674, %swap3A_675], %swap3A_678 {strides = array<i32>} : memref<320x128xf32, #tpu.memory_space<vmem>>, vector<1x16xf32>,
        %get3A_679 = arith.constant 12 : i32
        %get3A_680 = arith.index_cast %get3A_679 : i32 to index
        %get3A_681 = arith.constant 32 : index
        %get3A_682 = tpu.vector_load %arg12[%get3A_680, %get3A_681] {strides = array<i32>} : memref<32x128xf32, #tpu.memory_space<vmem>>, vector<1x16xf32>,
        %get3A_683 = vector.shape_cast %get3A_682 : vector<1x16xf32> to vector<16xf32>
        %add3A_684 = arith.constant 16 : i32
        %add3A_685 = arith.addi %add3A_684, %scan3A_299 : i32
        %get3A_686 = arith.constant 0 : i32
        %get3A_687 = arith.index_cast %add3A_685 : i32 to index
        %get3A_688 = arith.index_cast %get3A_686 : i32 to index
        %get3A_689 = arith.constant 32 : index
        %get3A_690 = tpu.vector_load %arg11[%get3A_687, %get3A_688, %get3A_689] {strides = array<i32>} : memref<32x2x128xf32, #tpu.memory_space<vmem>>, vector<1x1x16xf32>,
        %get3A_691 = vector.shape_cast %get3A_690 : vector<1x1x16xf32> to vector<16xf32>
        %add3A_692 = arith.addf %get3A_683, %get3A_691 : vector<16xf32>
        %add3A_693 = arith.constant 192 : i32
        %add3A_694 = arith.addi %add3A_693, %scan3A_299 : i32
        %swap3A_695 = arith.index_cast %add3A_694 : i32 to index
        %swap3A_696 = arith.constant 32 : index
        %swap3A_697 = tpu.vector_load %arg13[%swap3A_695, %swap3A_696] {strides = array<i32>} : memref<320x128xf32, #tpu.memory_space<vmem>>, vector<1x16xf32>,
        %swap3A_698 = vector.shape_cast %swap3A_697 : vector<1x16xf32> to vector<16xf32>
        %swap3A_699 = vector.shape_cast %add3A_692 : vector<16xf32> to vector<1x16xf32>
        tpu.vector_store %arg13[%swap3A_695, %swap3A_696], %swap3A_699 {strides = array<i32>} : memref<320x128xf32, #tpu.memory_space<vmem>>, vector<1x16xf32>,
        %get3A_700 = arith.constant 12 : i32
        %get3A_701 = arith.index_cast %get3A_700 : i32 to index
        %get3A_702 = arith.constant 48 : index
        %get3A_703 = tpu.vector_load %arg12[%get3A_701, %get3A_702] {strides = array<i32>} : memref<32x128xf32, #tpu.memory_space<vmem>>, vector<1x16xf32>,
        %get3A_704 = vector.shape_cast %get3A_703 : vector<1x16xf32> to vector<16xf32>
        %add3A_705 = arith.constant 16 : i32
        %add3A_706 = arith.addi %add3A_705, %scan3A_299 : i32
        %get3A_707 = arith.constant 0 : i32
        %get3A_708 = arith.index_cast %add3A_706 : i32 to index
        %get3A_709 = arith.index_cast %get3A_707 : i32 to index
        %get3A_710 = arith.constant 48 : index
        %get3A_711 = tpu.vector_load %arg11[%get3A_708, %get3A_709, %get3A_710] {strides = array<i32>} : memref<32x2x128xf32, #tpu.memory_space<vmem>>, vector<1x1x16xf32>,
        %get3A_712 = vector.shape_cast %get3A_711 : vector<1x1x16xf32> to vector<16xf32>
        %add3A_713 = arith.addf %get3A_704, %get3A_712 : vector<16xf32>
        %add3A_714 = arith.constant 192 : i32
        %add3A_715 = arith.addi %add3A_714, %scan3A_299 : i32
        %swap3A_716 = arith.index_cast %add3A_715 : i32 to index
        %swap3A_717 = arith.constant 48 : index
        %swap3A_718 = tpu.vector_load %arg13[%swap3A_716, %swap3A_717] {strides = array<i32>} : memref<320x128xf32, #tpu.memory_space<vmem>>, vector<1x16xf32>,
        %swap3A_719 = vector.shape_cast %swap3A_718 : vector<1x16xf32> to vector<16xf32>
        %swap3A_720 = vector.shape_cast %add3A_713 : vector<16xf32> to vector<1x16xf32>
        tpu.vector_store %arg13[%swap3A_716, %swap3A_717], %swap3A_720 {strides = array<i32>} : memref<320x128xf32, #tpu.memory_space<vmem>>, vector<1x16xf32>,
        %get3A_721 = arith.constant 12 : i32
        %get3A_722 = arith.index_cast %get3A_721 : i32 to index
        %get3A_723 = arith.constant 64 : index
        %get3A_724 = tpu.vector_load %arg12[%get3A_722, %get3A_723] {strides = array<i32>} : memref<32x128xf32, #tpu.memory_space<vmem>>, vector<1x16xf32>,
        %get3A_725 = vector.shape_cast %get3A_724 : vector<1x16xf32> to vector<16xf32>
        %add3A_726 = arith.constant 16 : i32
        %add3A_727 = arith.addi %add3A_726, %scan3A_299 : i32
        %get3A_728 = arith.constant 0 : i32
        %get3A_729 = arith.index_cast %add3A_727 : i32 to index
        %get3A_730 = arith.index_cast %get3A_728 : i32 to index
        %get3A_731 = arith.constant 64 : index
        %get3A_732 = tpu.vector_load %arg11[%get3A_729, %get3A_730, %get3A_731] {strides = array<i32>} : memref<32x2x128xf32, #tpu.memory_space<vmem>>, vector<1x1x16xf32>,
        %get3A_733 = vector.shape_cast %get3A_732 : vector<1x1x16xf32> to vector<16xf32>
        %add3A_734 = arith.addf %get3A_725, %get3A_733 : vector<16xf32>
        %add3A_735 = arith.constant 192 : i32
        %add3A_736 = arith.addi %add3A_735, %scan3A_299 : i32
        %swap3A_737 = arith.index_cast %add3A_736 : i32 to index
        %swap3A_738 = arith.constant 64 : index
        %swap3A_739 = tpu.vector_load %arg13[%swap3A_737, %swap3A_738] {strides = array<i32>} : memref<320x128xf32, #tpu.memory_space<vmem>>, vector<1x16xf32>,
        %swap3A_740 = vector.shape_cast %swap3A_739 : vector<1x16xf32> to vector<16xf32>
        %swap3A_741 = vector.shape_cast %add3A_734 : vector<16xf32> to vector<1x16xf32>
        tpu.vector_store %arg13[%swap3A_737, %swap3A_738], %swap3A_741 {strides = array<i32>} : memref<320x128xf32, #tpu.memory_space<vmem>>, vector<1x16xf32>,
        %get3A_742 = arith.constant 12 : i32
        %get3A_743 = arith.index_cast %get3A_742 : i32 to index
        %get3A_744 = arith.constant 80 : index
        %get3A_745 = tpu.vector_load %arg12[%get3A_743, %get3A_744] {strides = array<i32>} : memref<32x128xf32, #tpu.memory_space<vmem>>, vector<1x16xf32>,
        %get3A_746 = vector.shape_cast %get3A_745 : vector<1x16xf32> to vector<16xf32>
        %add3A_747 = arith.constant 16 : i32
        %add3A_748 = arith.addi %add3A_747, %scan3A_299 : i32
        %get3A_749 = arith.constant 0 : i32
        %get3A_750 = arith.index_cast %add3A_748 : i32 to index
        %get3A_751 = arith.index_cast %get3A_749 : i32 to index
        %get3A_752 = arith.constant 80 : index
        %get3A_753 = tpu.vector_load %arg11[%get3A_750, %get3A_751, %get3A_752] {strides = array<i32>} : memref<32x2x128xf32, #tpu.memory_space<vmem>>, vector<1x1x16xf32>,
        %get3A_754 = vector.shape_cast %get3A_753 : vector<1x1x16xf32> to vector<16xf32>
        %add3A_755 = arith.addf %get3A_746, %get3A_754 : vector<16xf32>
        %add3A_756 = arith.constant 192 : i32
        %add3A_757 = arith.addi %add3A_756, %scan3A_299 : i32
        %swap3A_758 = arith.index_cast %add3A_757 : i32 to index
        %swap3A_759 = arith.constant 80 : index
        %swap3A_760 = tpu.vector_load %arg13[%swap3A_758, %swap3A_759] {strides = array<i32>} : memref<320x128xf32, #tpu.memory_space<vmem>>, vector<1x16xf32>,
        %swap3A_761 = vector.shape_cast %swap3A_760 : vector<1x16xf32> to vector<16xf32>
        %swap3A_762 = vector.shape_cast %add3A_755 : vector<16xf32> to vector<1x16xf32>
        tpu.vector_store %arg13[%swap3A_758, %swap3A_759], %swap3A_762 {strides = array<i32>} : memref<320x128xf32, #tpu.memory_space<vmem>>, vector<1x16xf32>,
        %get3A_763 = arith.constant 12 : i32
        %get3A_764 = arith.index_cast %get3A_763 : i32 to index
        %get3A_765 = arith.constant 96 : index
        %get3A_766 = tpu.vector_load %arg12[%get3A_764, %get3A_765] {strides = array<i32>} : memref<32x128xf32, #tpu.memory_space<vmem>>, vector<1x16xf32>,
        %get3A_767 = vector.shape_cast %get3A_766 : vector<1x16xf32> to vector<16xf32>
        %add3A_768 = arith.constant 16 : i32
        %add3A_769 = arith.addi %add3A_768, %scan3A_299 : i32
        %get3A_770 = arith.constant 0 : i32
        %get3A_771 = arith.index_cast %add3A_769 : i32 to index
        %get3A_772 = arith.index_cast %get3A_770 : i32 to index
        %get3A_773 = arith.constant 96 : index
        %get3A_774 = tpu.vector_load %arg11[%get3A_771, %get3A_772, %get3A_773] {strides = array<i32>} : memref<32x2x128xf32, #tpu.memory_space<vmem>>, vector<1x1x16xf32>,
        %get3A_775 = vector.shape_cast %get3A_774 : vector<1x1x16xf32> to vector<16xf32>
        %add3A_776 = arith.addf %get3A_767, %get3A_775 : vector<16xf32>
        %add3A_777 = arith.constant 192 : i32
        %add3A_778 = arith.addi %add3A_777, %scan3A_299 : i32
        %swap3A_779 = arith.index_cast %add3A_778 : i32 to index
        %swap3A_780 = arith.constant 96 : index
        %swap3A_781 = tpu.vector_load %arg13[%swap3A_779, %swap3A_780] {strides = array<i32>} : memref<320x128xf32, #tpu.memory_space<vmem>>, vector<1x16xf32>,
        %swap3A_782 = vector.shape_cast %swap3A_781 : vector<1x16xf32> to vector<16xf32>
        %swap3A_783 = vector.shape_cast %add3A_776 : vector<16xf32> to vector<1x16xf32>
        tpu.vector_store %arg13[%swap3A_779, %swap3A_780], %swap3A_783 {strides = array<i32>} : memref<320x128xf32, #tpu.memory_space<vmem>>, vector<1x16xf32>,
        %get3A_784 = arith.constant 12 : i32
        %get3A_785 = arith.index_cast %get3A_784 : i32 to index
        %get3A_786 = arith.constant 112 : index
        %get3A_787 = tpu.vector_load %arg12[%get3A_785, %get3A_786] {strides = array<i32>} : memref<32x128xf32, #tpu.memory_space<vmem>>, vector<1x16xf32>,
        %get3A_788 = vector.shape_cast %get3A_787 : vector<1x16xf32> to vector<16xf32>
        %add3A_789 = arith.constant 16 : i32
        %add3A_790 = arith.addi %add3A_789, %scan3A_299 : i32
        %get3A_791 = arith.constant 0 : i32
        %get3A_792 = arith.index_cast %add3A_790 : i32 to index
        %get3A_793 = arith.index_cast %get3A_791 : i32 to index
        %get3A_794 = arith.constant 112 : index
        %get3A_795 = tpu.vector_load %arg11[%get3A_792, %get3A_793, %get3A_794] {strides = array<i32>} : memref<32x2x128xf32, #tpu.memory_space<vmem>>, vector<1x1x16xf32>,
        %get3A_796 = vector.shape_cast %get3A_795 : vector<1x1x16xf32> to vector<16xf32>
        %add3A_797 = arith.addf %get3A_788, %get3A_796 : vector<16xf32>
        %add3A_798 = arith.constant 192 : i32
        %add3A_799 = arith.addi %add3A_798, %scan3A_299 : i32
        %swap3A_800 = arith.index_cast %add3A_799 : i32 to index
        %swap3A_801 = arith.constant 112 : index
        %swap3A_802 = tpu.vector_load %arg13[%swap3A_800, %swap3A_801] {strides = array<i32>} : memref<320x128xf32, #tpu.memory_space<vmem>>, vector<1x16xf32>,
        %swap3A_803 = vector.shape_cast %swap3A_802 : vector<1x16xf32> to vector<16xf32>
        %swap3A_804 = vector.shape_cast %add3A_797 : vector<16xf32> to vector<1x16xf32>
        tpu.vector_store %arg13[%swap3A_800, %swap3A_801], %swap3A_804 {strides = array<i32>} : memref<320x128xf32, #tpu.memory_space<vmem>>, vector<1x16xf32>,
        %get3A_805 = arith.constant 13 : i32
        %get3A_806 = arith.index_cast %get3A_805 : i32 to index
        %get3A_807 = arith.constant 0 : index
        %get3A_808 = tpu.vector_load %arg12[%get3A_806, %get3A_807] {strides = array<i32>} : memref<32x128xf32, #tpu.memory_space<vmem>>, vector<1x16xf32>,
        %get3A_809 = vector.shape_cast %get3A_808 : vector<1x16xf32> to vector<16xf32>
        %add3A_810 = arith.constant 16 : i32
        %add3A_811 = arith.addi %add3A_810, %scan3A_299 : i32
        %get3A_812 = arith.constant 1 : i32
        %get3A_813 = arith.index_cast %add3A_811 : i32 to index
        %get3A_814 = arith.index_cast %get3A_812 : i32 to index
        %get3A_815 = arith.constant 0 : index
        %get3A_816 = tpu.vector_load %arg11[%get3A_813, %get3A_814, %get3A_815] {strides = array<i32>} : memref<32x2x128xf32, #tpu.memory_space<vmem>>, vector<1x1x16xf32>,
        %get3A_817 = vector.shape_cast %get3A_816 : vector<1x1x16xf32> to vector<16xf32>
        %add3A_818 = arith.addf %get3A_809, %get3A_817 : vector<16xf32>
        %add3A_819 = arith.constant 208 : i32
        %add3A_820 = arith.addi %add3A_819, %scan3A_299 : i32
        %swap3A_821 = arith.index_cast %add3A_820 : i32 to index
        %swap3A_822 = arith.constant 0 : index
        %swap3A_823 = tpu.vector_load %arg13[%swap3A_821, %swap3A_822] {strides = array<i32>} : memref<320x128xf32, #tpu.memory_space<vmem>>, vector<1x16xf32>,
        %swap3A_824 = vector.shape_cast %swap3A_823 : vector<1x16xf32> to vector<16xf32>
        %swap3A_825 = vector.shape_cast %add3A_818 : vector<16xf32> to vector<1x16xf32>
        tpu.vector_store %arg13[%swap3A_821, %swap3A_822], %swap3A_825 {strides = array<i32>} : memref<320x128xf32, #tpu.memory_space<vmem>>, vector<1x16xf32>,
        %get3A_826 = arith.constant 13 : i32
        %get3A_827 = arith.index_cast %get3A_826 : i32 to index
        %get3A_828 = arith.constant 16 : index
        %get3A_829 = tpu.vector_load %arg12[%get3A_827, %get3A_828] {strides = array<i32>} : memref<32x128xf32, #tpu.memory_space<vmem>>, vector<1x16xf32>,
        %get3A_830 = vector.shape_cast %get3A_829 : vector<1x16xf32> to vector<16xf32>
        %add3A_831 = arith.constant 16 : i32
        %add3A_832 = arith.addi %add3A_831, %scan3A_299 : i32
        %get3A_833 = arith.constant 1 : i32
        %get3A_834 = arith.index_cast %add3A_832 : i32 to index
        %get3A_835 = arith.index_cast %get3A_833 : i32 to index
        %get3A_836 = arith.constant 16 : index
        %get3A_837 = tpu.vector_load %arg11[%get3A_834, %get3A_835, %get3A_836] {strides = array<i32>} : memref<32x2x128xf32, #tpu.memory_space<vmem>>, vector<1x1x16xf32>,
        %get3A_838 = vector.shape_cast %get3A_837 : vector<1x1x16xf32> to vector<16xf32>
        %add3A_839 = arith.addf %get3A_830, %get3A_838 : vector<16xf32>
        %add3A_840 = arith.constant 208 : i32
        %add3A_841 = arith.addi %add3A_840, %scan3A_299 : i32
        %swap3A_842 = arith.index_cast %add3A_841 : i32 to index
        %swap3A_843 = arith.constant 16 : index
        %swap3A_844 = tpu.vector_load %arg13[%swap3A_842, %swap3A_843] {strides = array<i32>} : memref<320x128xf32, #tpu.memory_space<vmem>>, vector<1x16xf32>,
        %swap3A_845 = vector.shape_cast %swap3A_844 : vector<1x16xf32> to vector<16xf32>
        %swap3A_846 = vector.shape_cast %add3A_839 : vector<16xf32> to vector<1x16xf32>
        tpu.vector_store %arg13[%swap3A_842, %swap3A_843], %swap3A_846 {strides = array<i32>} : memref<320x128xf32, #tpu.memory_space<vmem>>, vector<1x16xf32>,
        %get3A_847 = arith.constant 13 : i32
        %get3A_848 = arith.index_cast %get3A_847 : i32 to index
        %get3A_849 = arith.constant 32 : index
        %get3A_850 = tpu.vector_load %arg12[%get3A_848, %get3A_849] {strides = array<i32>} : memref<32x128xf32, #tpu.memory_space<vmem>>, vector<1x16xf32>,
        %get3A_851 = vector.shape_cast %get3A_850 : vector<1x16xf32> to vector<16xf32>
        %add3A_852 = arith.constant 16 : i32
        %add3A_853 = arith.addi %add3A_852, %scan3A_299 : i32
        %get3A_854 = arith.constant 1 : i32
        %get3A_855 = arith.index_cast %add3A_853 : i32 to index
        %get3A_856 = arith.index_cast %get3A_854 : i32 to index
        %get3A_857 = arith.constant 32 : index
        %get3A_858 = tpu.vector_load %arg11[%get3A_855, %get3A_856, %get3A_857] {strides = array<i32>} : memref<32x2x128xf32, #tpu.memory_space<vmem>>, vector<1x1x16xf32>,
        %get3A_859 = vector.shape_cast %get3A_858 : vector<1x1x16xf32> to vector<16xf32>
        %add3A_860 = arith.addf %get3A_851, %get3A_859 : vector<16xf32>
        %add3A_861 = arith.constant 208 : i32
        %add3A_862 = arith.addi %add3A_861, %scan3A_299 : i32
        %swap3A_863 = arith.index_cast %add3A_862 : i32 to index
        %swap3A_864 = arith.constant 32 : index
        %swap3A_865 = tpu.vector_load %arg13[%swap3A_863, %swap3A_864] {strides = array<i32>} : memref<320x128xf32, #tpu.memory_space<vmem>>, vector<1x16xf32>,
        %swap3A_866 = vector.shape_cast %swap3A_865 : vector<1x16xf32> to vector<16xf32>
        %swap3A_867 = vector.shape_cast %add3A_860 : vector<16xf32> to vector<1x16xf32>
        tpu.vector_store %arg13[%swap3A_863, %swap3A_864], %swap3A_867 {strides = array<i32>} : memref<320x128xf32, #tpu.memory_space<vmem>>, vector<1x16xf32>,
        %get3A_868 = arith.constant 13 : i32
        %get3A_869 = arith.index_cast %get3A_868 : i32 to index
        %get3A_870 = arith.constant 48 : index
        %get3A_871 = tpu.vector_load %arg12[%get3A_869, %get3A_870] {strides = array<i32>} : memref<32x128xf32, #tpu.memory_space<vmem>>, vector<1x16xf32>,
        %get3A_872 = vector.shape_cast %get3A_871 : vector<1x16xf32> to vector<16xf32>
        %add3A_873 = arith.constant 16 : i32
        %add3A_874 = arith.addi %add3A_873, %scan3A_299 : i32
        %get3A_875 = arith.constant 1 : i32
        %get3A_876 = arith.index_cast %add3A_874 : i32 to index
        %get3A_877 = arith.index_cast %get3A_875 : i32 to index
        %get3A_878 = arith.constant 48 : index
        %get3A_879 = tpu.vector_load %arg11[%get3A_876, %get3A_877, %get3A_878] {strides = array<i32>} : memref<32x2x128xf32, #tpu.memory_space<vmem>>, vector<1x1x16xf32>,
        %get3A_880 = vector.shape_cast %get3A_879 : vector<1x1x16xf32> to vector<16xf32>
        %add3A_881 = arith.addf %get3A_872, %get3A_880 : vector<16xf32>
        %add3A_882 = arith.constant 208 : i32
        %add3A_883 = arith.addi %add3A_882, %scan3A_299 : i32
        %swap3A_884 = arith.index_cast %add3A_883 : i32 to index
        %swap3A_885 = arith.constant 48 : index
        %swap3A_886 = tpu.vector_load %arg13[%swap3A_884, %swap3A_885] {strides = array<i32>} : memref<320x128xf32, #tpu.memory_space<vmem>>, vector<1x16xf32>,
        %swap3A_887 = vector.shape_cast %swap3A_886 : vector<1x16xf32> to vector<16xf32>
        %swap3A_888 = vector.shape_cast %add3A_881 : vector<16xf32> to vector<1x16xf32>
        tpu.vector_store %arg13[%swap3A_884, %swap3A_885], %swap3A_888 {strides = array<i32>} : memref<320x128xf32, #tpu.memory_space<vmem>>, vector<1x16xf32>,
        %get3A_889 = arith.constant 13 : i32
        %get3A_890 = arith.index_cast %get3A_889 : i32 to index
        %get3A_891 = arith.constant 64 : index
        %get3A_892 = tpu.vector_load %arg12[%get3A_890, %get3A_891] {strides = array<i32>} : memref<32x128xf32, #tpu.memory_space<vmem>>, vector<1x16xf32>,
        %get3A_893 = vector.shape_cast %get3A_892 : vector<1x16xf32> to vector<16xf32>
        %add3A_894 = arith.constant 16 : i32
        %add3A_895 = arith.addi %add3A_894, %scan3A_299 : i32
        %get3A_896 = arith.constant 1 : i32
        %get3A_897 = arith.index_cast %add3A_895 : i32 to index
        %get3A_898 = arith.index_cast %get3A_896 : i32 to index
        %get3A_899 = arith.constant 64 : index
        %get3A_900 = tpu.vector_load %arg11[%get3A_897, %get3A_898, %get3A_899] {strides = array<i32>} : memref<32x2x128xf32, #tpu.memory_space<vmem>>, vector<1x1x16xf32>,
        %get3A_901 = vector.shape_cast %get3A_900 : vector<1x1x16xf32> to vector<16xf32>
        %add3A_902 = arith.addf %get3A_893, %get3A_901 : vector<16xf32>
        %add3A_903 = arith.constant 208 : i32
        %add3A_904 = arith.addi %add3A_903, %scan3A_299 : i32
        %swap3A_905 = arith.index_cast %add3A_904 : i32 to index
        %swap3A_906 = arith.constant 64 : index
        %swap3A_907 = tpu.vector_load %arg13[%swap3A_905, %swap3A_906] {strides = array<i32>} : memref<320x128xf32, #tpu.memory_space<vmem>>, vector<1x16xf32>,
        %swap3A_908 = vector.shape_cast %swap3A_907 : vector<1x16xf32> to vector<16xf32>
        %swap3A_909 = vector.shape_cast %add3A_902 : vector<16xf32> to vector<1x16xf32>
        tpu.vector_store %arg13[%swap3A_905, %swap3A_906], %swap3A_909 {strides = array<i32>} : memref<320x128xf32, #tpu.memory_space<vmem>>, vector<1x16xf32>,
        %get3A_910 = arith.constant 13 : i32
        %get3A_911 = arith.index_cast %get3A_910 : i32 to index
        %get3A_912 = arith.constant 80 : index
        %get3A_913 = tpu.vector_load %arg12[%get3A_911, %get3A_912] {strides = array<i32>} : memref<32x128xf32, #tpu.memory_space<vmem>>, vector<1x16xf32>,
        %get3A_914 = vector.shape_cast %get3A_913 : vector<1x16xf32> to vector<16xf32>
        %add3A_915 = arith.constant 16 : i32
        %add3A_916 = arith.addi %add3A_915, %scan3A_299 : i32
        %get3A_917 = arith.constant 1 : i32
        %get3A_918 = arith.index_cast %add3A_916 : i32 to index
        %get3A_919 = arith.index_cast %get3A_917 : i32 to index
        %get3A_920 = arith.constant 80 : index
        %get3A_921 = tpu.vector_load %arg11[%get3A_918, %get3A_919, %get3A_920] {strides = array<i32>} : memref<32x2x128xf32, #tpu.memory_space<vmem>>, vector<1x1x16xf32>,
        %get3A_922 = vector.shape_cast %get3A_921 : vector<1x1x16xf32> to vector<16xf32>
        %add3A_923 = arith.addf %get3A_914, %get3A_922 : vector<16xf32>
        %add3A_924 = arith.constant 208 : i32
        %add3A_925 = arith.addi %add3A_924, %scan3A_299 : i32
        %swap3A_926 = arith.index_cast %add3A_925 : i32 to index
        %swap3A_927 = arith.constant 80 : index
        %swap3A_928 = tpu.vector_load %arg13[%swap3A_926, %swap3A_927] {strides = array<i32>} : memref<320x128xf32, #tpu.memory_space<vmem>>, vector<1x16xf32>,
        %swap3A_929 = vector.shape_cast %swap3A_928 : vector<1x16xf32> to vector<16xf32>
        %swap3A_930 = vector.shape_cast %add3A_923 : vector<16xf32> to vector<1x16xf32>
        tpu.vector_store %arg13[%swap3A_926, %swap3A_927], %swap3A_930 {strides = array<i32>} : memref<320x128xf32, #tpu.memory_space<vmem>>, vector<1x16xf32>,
        %get3A_931 = arith.constant 13 : i32
        %get3A_932 = arith.index_cast %get3A_931 : i32 to index
        %get3A_933 = arith.constant 96 : index
        %get3A_934 = tpu.vector_load %arg12[%get3A_932, %get3A_933] {strides = array<i32>} : memref<32x128xf32, #tpu.memory_space<vmem>>, vector<1x16xf32>,
        %get3A_935 = vector.shape_cast %get3A_934 : vector<1x16xf32> to vector<16xf32>
        %add3A_936 = arith.constant 16 : i32
        %add3A_937 = arith.addi %add3A_936, %scan3A_299 : i32
        %get3A_938 = arith.constant 1 : i32
        %get3A_939 = arith.index_cast %add3A_937 : i32 to index
        %get3A_940 = arith.index_cast %get3A_938 : i32 to index
        %get3A_941 = arith.constant 96 : index
        %get3A_942 = tpu.vector_load %arg11[%get3A_939, %get3A_940, %get3A_941] {strides = array<i32>} : memref<32x2x128xf32, #tpu.memory_space<vmem>>, vector<1x1x16xf32>,
        %get3A_943 = vector.shape_cast %get3A_942 : vector<1x1x16xf32> to vector<16xf32>
        %add3A_944 = arith.addf %get3A_935, %get3A_943 : vector<16xf32>
        %add3A_945 = arith.constant 208 : i32
        %add3A_946 = arith.addi %add3A_945, %scan3A_299 : i32
        %swap3A_947 = arith.index_cast %add3A_946 : i32 to index
        %swap3A_948 = arith.constant 96 : index
        %swap3A_949 = tpu.vector_load %arg13[%swap3A_947, %swap3A_948] {strides = array<i32>} : memref<320x128xf32, #tpu.memory_space<vmem>>, vector<1x16xf32>,
        %swap3A_950 = vector.shape_cast %swap3A_949 : vector<1x16xf32> to vector<16xf32>
        %swap3A_951 = vector.shape_cast %add3A_944 : vector<16xf32> to vector<1x16xf32>
        tpu.vector_store %arg13[%swap3A_947, %swap3A_948], %swap3A_951 {strides = array<i32>} : memref<320x128xf32, #tpu.memory_space<vmem>>, vector<1x16xf32>,
        %get3A_952 = arith.constant 13 : i32
        %get3A_953 = arith.index_cast %get3A_952 : i32 to index
        %get3A_954 = arith.constant 112 : index
        %get3A_955 = tpu.vector_load %arg12[%get3A_953, %get3A_954] {strides = array<i32>} : memref<32x128xf32, #tpu.memory_space<vmem>>, vector<1x16xf32>,
        %get3A_956 = vector.shape_cast %get3A_955 : vector<1x16xf32> to vector<16xf32>
        %add3A_957 = arith.constant 16 : i32
        %add3A_958 = arith.addi %add3A_957, %scan3A_299 : i32
        %get3A_959 = arith.constant 1 : i32
        %get3A_960 = arith.index_cast %add3A_958 : i32 to index
        %get3A_961 = arith.index_cast %get3A_959 : i32 to index
        %get3A_962 = arith.constant 112 : index
        %get3A_963 = tpu.vector_load %arg11[%get3A_960, %get3A_961, %get3A_962] {strides = array<i32>} : memref<32x2x128xf32, #tpu.memory_space<vmem>>, vector<1x1x16xf32>,
        %get3A_964 = vector.shape_cast %get3A_963 : vector<1x1x16xf32> to vector<16xf32>
        %add3A_965 = arith.addf %get3A_956, %get3A_964 : vector<16xf32>
        %add3A_966 = arith.constant 208 : i32
        %add3A_967 = arith.addi %add3A_966, %scan3A_299 : i32
        %swap3A_968 = arith.index_cast %add3A_967 : i32 to index
        %swap3A_969 = arith.constant 112 : index
        %swap3A_970 = tpu.vector_load %arg13[%swap3A_968, %swap3A_969] {strides = array<i32>} : memref<320x128xf32, #tpu.memory_space<vmem>>, vector<1x16xf32>,
        %swap3A_971 = vector.shape_cast %swap3A_970 : vector<1x16xf32> to vector<16xf32>
        %swap3A_972 = vector.shape_cast %add3A_965 : vector<16xf32> to vector<1x16xf32>
        tpu.vector_store %arg13[%swap3A_968, %swap3A_969], %swap3A_972 {strides = array<i32>} : memref<320x128xf32, #tpu.memory_space<vmem>>, vector<1x16xf32>,
        %scan3A_973 = arith.constant 0 : i32
        scf.yield %scan3A_973 : i32
      }
      %scan3A_235 = arith.constant 16 : i32
      %dma_start3A_236 = arith.constant 3 : i32
      %dma_start3A_237 = arith.constant 0 : i32
      %dma_start3A_238 = tpu.memref_slice %arg8[%dma_start3A_236, %dma_start3A_237] : memref<5x32xi32, #tpu.memory_space<vmem>> -> memref<1x32xi32, #tpu.memory_space<vmem>>
      %dma_start3A_239 = tpu.memref_squeeze %dma_start3A_238 : memref<1x32xi32, #tpu.memory_space<vmem>> -> memref<32xi32, #tpu.memory_space<vmem>>
      %dma_start3A_240 = arith.constant 0 : i32
      %dma_start3A_241 = arith.constant 0 : i32
      %dma_start3A_242 = arith.constant 0 : i32
      %dma_start3A_243 = tpu.memref_slice %arg2[%dma_start3A_240, %dma_start3A_241, %dma_start3A_242] : memref<200000x2x128xf32, #tpu.memory_space<hbm>> -> memref<200000x2x128xf32, #tpu.memory_space<hbm>>
      tpu.enqueue_indirect_dma source(%dma_start3A_243 : memref<200000x2x128xf32, #tpu.memory_space<hbm>>) target(%arg11 : memref<32x2x128xf32, #tpu.memory_space<vmem>>) offsets(%dma_start3A_239 : memref<32xi32, #tpu.memory_space<vmem>>) semaphore(%arg15 : memref<!tpu.dma_semaphore, #tpu.memory_space<semaphore_mem>>)
      %dma_wait3A_244 = arith.constant 2 : i32
      %dma_wait3A_245 = arith.constant 0 : i32
      %dma_wait3A_246 = tpu.memref_slice %arg8[%dma_wait3A_244, %dma_wait3A_245] : memref<5x32xi32, #tpu.memory_space<vmem>> -> memref<1x32xi32, #tpu.memory_space<vmem>>
      %dma_wait3A_247 = tpu.memref_squeeze %dma_wait3A_246 : memref<1x32xi32, #tpu.memory_space<vmem>> -> memref<32xi32, #tpu.memory_space<vmem>>
      %dma_wait3A_248 = arith.constant 0 : i32
      %dma_wait3A_249 = arith.constant 0 : i32
      %dma_wait3A_250 = arith.constant 0 : i32
      %dma_wait3A_251 = tpu.memref_slice %arg2[%dma_wait3A_248, %dma_wait3A_249, %dma_wait3A_250] : memref<200000x2x128xf32, #tpu.memory_space<hbm>> -> memref<200000x2x128xf32, #tpu.memory_space<hbm>>
      tpu.wait_indirect_dma semaphore(%arg14 : memref<!tpu.dma_semaphore, #tpu.memory_space<semaphore_mem>>) src(%dma_wait3A_251 : memref<200000x2x128xf32, #tpu.memory_space<hbm>>) dst(%arg10 : memref<32x2x128xf32, #tpu.memory_space<vmem>>)
      %scan3A_252 = arith.constant 0 : i32
      %scan3A_253 = arith.constant 0 : i32
      %scan3A_254 = arith.constant 16 : i32
      %scan3A_255 = arith.addi %scan3A_253, %scan3A_254 : i32
      %scan3A_256 = arith.constant 1 : i32
      %scan3A_257 = scf.for %scan3A_299 = %scan3A_253 to %scan3A_255 step %scan3A_256 iter_args(%scan3A_300 = %scan3A_252) -> (i32)  : i32 {
        %get3A_301 = arith.constant 4 : i32
        %get3A_302 = arith.index_cast %get3A_301 : i32 to index
        %get3A_303 = arith.constant 0 : index
        %get3A_304 = tpu.vector_load %arg12[%get3A_302, %get3A_303] {strides = array<i32>} : memref<32x128xf32, #tpu.memory_space<vmem>>, vector<1x16xf32>,
        %get3A_305 = vector.shape_cast %get3A_304 : vector<1x16xf32> to vector<16xf32>
        %add3A_306 = arith.constant 0 : i32
        %add3A_307 = arith.addi %add3A_306, %scan3A_299 : i32
        %get3A_308 = arith.constant 0 : i32
        %get3A_309 = arith.index_cast %add3A_307 : i32 to index
        %get3A_310 = arith.index_cast %get3A_308 : i32 to index
        %get3A_311 = arith.constant 0 : index
        %get3A_312 = tpu.vector_load %arg10[%get3A_309, %get3A_310, %get3A_311] {strides = array<i32>} : memref<32x2x128xf32, #tpu.memory_space<vmem>>, vector<1x1x16xf32>,
        %get3A_313 = vector.shape_cast %get3A_312 : vector<1x1x16xf32> to vector<16xf32>
        %add3A_314 = arith.addf %get3A_305, %get3A_313 : vector<16xf32>
        %add3A_315 = arith.constant 64 : i32
        %add3A_316 = arith.addi %add3A_315, %scan3A_299 : i32
        %swap3A_317 = arith.index_cast %add3A_316 : i32 to index
        %swap3A_318 = arith.constant 0 : index
        %swap3A_319 = tpu.vector_load %arg13[%swap3A_317, %swap3A_318] {strides = array<i32>} : memref<320x128xf32, #tpu.memory_space<vmem>>, vector<1x16xf32>,
        %swap3A_320 = vector.shape_cast %swap3A_319 : vector<1x16xf32> to vector<16xf32>
        %swap3A_321 = vector.shape_cast %add3A_314 : vector<16xf32> to vector<1x16xf32>
        tpu.vector_store %arg13[%swap3A_317, %swap3A_318], %swap3A_321 {strides = array<i32>} : memref<320x128xf32, #tpu.memory_space<vmem>>, vector<1x16xf32>,
        %get3A_322 = arith.constant 4 : i32
        %get3A_323 = arith.index_cast %get3A_322 : i32 to index
        %get3A_324 = arith.constant 16 : index
        %get3A_325 = tpu.vector_load %arg12[%get3A_323, %get3A_324] {strides = array<i32>} : memref<32x128xf32, #tpu.memory_space<vmem>>, vector<1x16xf32>,
        %get3A_326 = vector.shape_cast %get3A_325 : vector<1x16xf32> to vector<16xf32>
        %add3A_327 = arith.constant 0 : i32
        %add3A_328 = arith.addi %add3A_327, %scan3A_299 : i32
        %get3A_329 = arith.constant 0 : i32
        %get3A_330 = arith.index_cast %add3A_328 : i32 to index
        %get3A_331 = arith.index_cast %get3A_329 : i32 to index
        %get3A_332 = arith.constant 16 : index
        %get3A_333 = tpu.vector_load %arg10[%get3A_330, %get3A_331, %get3A_332] {strides = array<i32>} : memref<32x2x128xf32, #tpu.memory_space<vmem>>, vector<1x1x16xf32>,
        %get3A_334 = vector.shape_cast %get3A_333 : vector<1x1x16xf32> to vector<16xf32>
        %add3A_335 = arith.addf %get3A_326, %get3A_334 : vector<16xf32>
        %add3A_336 = arith.constant 64 : i32
        %add3A_337 = arith.addi %add3A_336, %scan3A_299 : i32
        %swap3A_338 = arith.index_cast %add3A_337 : i32 to index
        %swap3A_339 = arith.constant 16 : index
        %swap3A_340 = tpu.vector_load %arg13[%swap3A_338, %swap3A_339] {strides = array<i32>} : memref<320x128xf32, #tpu.memory_space<vmem>>, vector<1x16xf32>,
        %swap3A_341 = vector.shape_cast %swap3A_340 : vector<1x16xf32> to vector<16xf32>
        %swap3A_342 = vector.shape_cast %add3A_335 : vector<16xf32> to vector<1x16xf32>
        tpu.vector_store %arg13[%swap3A_338, %swap3A_339], %swap3A_342 {strides = array<i32>} : memref<320x128xf32, #tpu.memory_space<vmem>>, vector<1x16xf32>,
        %get3A_343 = arith.constant 4 : i32
        %get3A_344 = arith.index_cast %get3A_343 : i32 to index
        %get3A_345 = arith.constant 32 : index
        %get3A_346 = tpu.vector_load %arg12[%get3A_344, %get3A_345] {strides = array<i32>} : memref<32x128xf32, #tpu.memory_space<vmem>>, vector<1x16xf32>,
        %get3A_347 = vector.shape_cast %get3A_346 : vector<1x16xf32> to vector<16xf32>
        %add3A_348 = arith.constant 0 : i32
        %add3A_349 = arith.addi %add3A_348, %scan3A_299 : i32
        %get3A_350 = arith.constant 0 : i32
        %get3A_351 = arith.index_cast %add3A_349 : i32 to index
        %get3A_352 = arith.index_cast %get3A_350 : i32 to index
        %get3A_353 = arith.constant 32 : index
        %get3A_354 = tpu.vector_load %arg10[%get3A_351, %get3A_352, %get3A_353] {strides = array<i32>} : memref<32x2x128xf32, #tpu.memory_space<vmem>>, vector<1x1x16xf32>,
        %get3A_355 = vector.shape_cast %get3A_354 : vector<1x1x16xf32> to vector<16xf32>
        %add3A_356 = arith.addf %get3A_347, %get3A_355 : vector<16xf32>
        %add3A_357 = arith.constant 64 : i32
        %add3A_358 = arith.addi %add3A_357, %scan3A_299 : i32
        %swap3A_359 = arith.index_cast %add3A_358 : i32 to index
        %swap3A_360 = arith.constant 32 : index
        %swap3A_361 = tpu.vector_load %arg13[%swap3A_359, %swap3A_360] {strides = array<i32>} : memref<320x128xf32, #tpu.memory_space<vmem>>, vector<1x16xf32>,
        %swap3A_362 = vector.shape_cast %swap3A_361 : vector<1x16xf32> to vector<16xf32>
        %swap3A_363 = vector.shape_cast %add3A_356 : vector<16xf32> to vector<1x16xf32>
        tpu.vector_store %arg13[%swap3A_359, %swap3A_360], %swap3A_363 {strides = array<i32>} : memref<320x128xf32, #tpu.memory_space<vmem>>, vector<1x16xf32>,
        %get3A_364 = arith.constant 4 : i32
        %get3A_365 = arith.index_cast %get3A_364 : i32 to index
        %get3A_366 = arith.constant 48 : index
        %get3A_367 = tpu.vector_load %arg12[%get3A_365, %get3A_366] {strides = array<i32>} : memref<32x128xf32, #tpu.memory_space<vmem>>, vector<1x16xf32>,
        %get3A_368 = vector.shape_cast %get3A_367 : vector<1x16xf32> to vector<16xf32>
        %add3A_369 = arith.constant 0 : i32
        %add3A_370 = arith.addi %add3A_369, %scan3A_299 : i32
        %get3A_371 = arith.constant 0 : i32
        %get3A_372 = arith.index_cast %add3A_370 : i32 to index
        %get3A_373 = arith.index_cast %get3A_371 : i32 to index
        %get3A_374 = arith.constant 48 : index
        %get3A_375 = tpu.vector_load %arg10[%get3A_372, %get3A_373, %get3A_374] {strides = array<i32>} : memref<32x2x128xf32, #tpu.memory_space<vmem>>, vector<1x1x16xf32>,
        %get3A_376 = vector.shape_cast %get3A_375 : vector<1x1x16xf32> to vector<16xf32>
        %add3A_377 = arith.addf %get3A_368, %get3A_376 : vector<16xf32>
        %add3A_378 = arith.constant 64 : i32
        %add3A_379 = arith.addi %add3A_378, %scan3A_299 : i32
        %swap3A_380 = arith.index_cast %add3A_379 : i32 to index
        %swap3A_381 = arith.constant 48 : index
        %swap3A_382 = tpu.vector_load %arg13[%swap3A_380, %swap3A_381] {strides = array<i32>} : memref<320x128xf32, #tpu.memory_space<vmem>>, vector<1x16xf32>,
        %swap3A_383 = vector.shape_cast %swap3A_382 : vector<1x16xf32> to vector<16xf32>
        %swap3A_384 = vector.shape_cast %add3A_377 : vector<16xf32> to vector<1x16xf32>
        tpu.vector_store %arg13[%swap3A_380, %swap3A_381], %swap3A_384 {strides = array<i32>} : memref<320x128xf32, #tpu.memory_space<vmem>>, vector<1x16xf32>,
        %get3A_385 = arith.constant 4 : i32
        %get3A_386 = arith.index_cast %get3A_385 : i32 to index
        %get3A_387 = arith.constant 64 : index
        %get3A_388 = tpu.vector_load %arg12[%get3A_386, %get3A_387] {strides = array<i32>} : memref<32x128xf32, #tpu.memory_space<vmem>>, vector<1x16xf32>,
        %get3A_389 = vector.shape_cast %get3A_388 : vector<1x16xf32> to vector<16xf32>
        %add3A_390 = arith.constant 0 : i32
        %add3A_391 = arith.addi %add3A_390, %scan3A_299 : i32
        %get3A_392 = arith.constant 0 : i32
        %get3A_393 = arith.index_cast %add3A_391 : i32 to index
        %get3A_394 = arith.index_cast %get3A_392 : i32 to index
        %get3A_395 = arith.constant 64 : index
        %get3A_396 = tpu.vector_load %arg10[%get3A_393, %get3A_394, %get3A_395] {strides = array<i32>} : memref<32x2x128xf32, #tpu.memory_space<vmem>>, vector<1x1x16xf32>,
        %get3A_397 = vector.shape_cast %get3A_396 : vector<1x1x16xf32> to vector<16xf32>
        %add3A_398 = arith.addf %get3A_389, %get3A_397 : vector<16xf32>
        %add3A_399 = arith.constant 64 : i32
        %add3A_400 = arith.addi %add3A_399, %scan3A_299 : i32
        %swap3A_401 = arith.index_cast %add3A_400 : i32 to index
        %swap3A_402 = arith.constant 64 : index
        %swap3A_403 = tpu.vector_load %arg13[%swap3A_401, %swap3A_402] {strides = array<i32>} : memref<320x128xf32, #tpu.memory_space<vmem>>, vector<1x16xf32>,
        %swap3A_404 = vector.shape_cast %swap3A_403 : vector<1x16xf32> to vector<16xf32>
        %swap3A_405 = vector.shape_cast %add3A_398 : vector<16xf32> to vector<1x16xf32>
        tpu.vector_store %arg13[%swap3A_401, %swap3A_402], %swap3A_405 {strides = array<i32>} : memref<320x128xf32, #tpu.memory_space<vmem>>, vector<1x16xf32>,
        %get3A_406 = arith.constant 4 : i32
        %get3A_407 = arith.index_cast %get3A_406 : i32 to index
        %get3A_408 = arith.constant 80 : index
        %get3A_409 = tpu.vector_load %arg12[%get3A_407, %get3A_408] {strides = array<i32>} : memref<32x128xf32, #tpu.memory_space<vmem>>, vector<1x16xf32>,
        %get3A_410 = vector.shape_cast %get3A_409 : vector<1x16xf32> to vector<16xf32>
        %add3A_411 = arith.constant 0 : i32
        %add3A_412 = arith.addi %add3A_411, %scan3A_299 : i32
        %get3A_413 = arith.constant 0 : i32
        %get3A_414 = arith.index_cast %add3A_412 : i32 to index
        %get3A_415 = arith.index_cast %get3A_413 : i32 to index
        %get3A_416 = arith.constant 80 : index
        %get3A_417 = tpu.vector_load %arg10[%get3A_414, %get3A_415, %get3A_416] {strides = array<i32>} : memref<32x2x128xf32, #tpu.memory_space<vmem>>, vector<1x1x16xf32>,
        %get3A_418 = vector.shape_cast %get3A_417 : vector<1x1x16xf32> to vector<16xf32>
        %add3A_419 = arith.addf %get3A_410, %get3A_418 : vector<16xf32>
        %add3A_420 = arith.constant 64 : i32
        %add3A_421 = arith.addi %add3A_420, %scan3A_299 : i32
        %swap3A_422 = arith.index_cast %add3A_421 : i32 to index
        %swap3A_423 = arith.constant 80 : index
        %swap3A_424 = tpu.vector_load %arg13[%swap3A_422, %swap3A_423] {strides = array<i32>} : memref<320x128xf32, #tpu.memory_space<vmem>>, vector<1x16xf32>,
        %swap3A_425 = vector.shape_cast %swap3A_424 : vector<1x16xf32> to vector<16xf32>
        %swap3A_426 = vector.shape_cast %add3A_419 : vector<16xf32> to vector<1x16xf32>
        tpu.vector_store %arg13[%swap3A_422, %swap3A_423], %swap3A_426 {strides = array<i32>} : memref<320x128xf32, #tpu.memory_space<vmem>>, vector<1x16xf32>,
        %get3A_427 = arith.constant 4 : i32
        %get3A_428 = arith.index_cast %get3A_427 : i32 to index
        %get3A_429 = arith.constant 96 : index
        %get3A_430 = tpu.vector_load %arg12[%get3A_428, %get3A_429] {strides = array<i32>} : memref<32x128xf32, #tpu.memory_space<vmem>>, vector<1x16xf32>,
        %get3A_431 = vector.shape_cast %get3A_430 : vector<1x16xf32> to vector<16xf32>
        %add3A_432 = arith.constant 0 : i32
        %add3A_433 = arith.addi %add3A_432, %scan3A_299 : i32
        %get3A_434 = arith.constant 0 : i32
        %get3A_435 = arith.index_cast %add3A_433 : i32 to index
        %get3A_436 = arith.index_cast %get3A_434 : i32 to index
        %get3A_437 = arith.constant 96 : index
        %get3A_438 = tpu.vector_load %arg10[%get3A_435, %get3A_436, %get3A_437] {strides = array<i32>} : memref<32x2x128xf32, #tpu.memory_space<vmem>>, vector<1x1x16xf32>,
        %get3A_439 = vector.shape_cast %get3A_438 : vector<1x1x16xf32> to vector<16xf32>
        %add3A_440 = arith.addf %get3A_431, %get3A_439 : vector<16xf32>
        %add3A_441 = arith.constant 64 : i32
        %add3A_442 = arith.addi %add3A_441, %scan3A_299 : i32
        %swap3A_443 = arith.index_cast %add3A_442 : i32 to index
        %swap3A_444 = arith.constant 96 : index
        %swap3A_445 = tpu.vector_load %arg13[%swap3A_443, %swap3A_444] {strides = array<i32>} : memref<320x128xf32, #tpu.memory_space<vmem>>, vector<1x16xf32>,
        %swap3A_446 = vector.shape_cast %swap3A_445 : vector<1x16xf32> to vector<16xf32>
        %swap3A_447 = vector.shape_cast %add3A_440 : vector<16xf32> to vector<1x16xf32>
        tpu.vector_store %arg13[%swap3A_443, %swap3A_444], %swap3A_447 {strides = array<i32>} : memref<320x128xf32, #tpu.memory_space<vmem>>, vector<1x16xf32>,
        %get3A_448 = arith.constant 4 : i32
        %get3A_449 = arith.index_cast %get3A_448 : i32 to index
        %get3A_450 = arith.constant 112 : index
        %get3A_451 = tpu.vector_load %arg12[%get3A_449, %get3A_450] {strides = array<i32>} : memref<32x128xf32, #tpu.memory_space<vmem>>, vector<1x16xf32>,
        %get3A_452 = vector.shape_cast %get3A_451 : vector<1x16xf32> to vector<16xf32>
        %add3A_453 = arith.constant 0 : i32
        %add3A_454 = arith.addi %add3A_453, %scan3A_299 : i32
        %get3A_455 = arith.constant 0 : i32
        %get3A_456 = arith.index_cast %add3A_454 : i32 to index
        %get3A_457 = arith.index_cast %get3A_455 : i32 to index
        %get3A_458 = arith.constant 112 : index
        %get3A_459 = tpu.vector_load %arg10[%get3A_456, %get3A_457, %get3A_458] {strides = array<i32>} : memref<32x2x128xf32, #tpu.memory_space<vmem>>, vector<1x1x16xf32>,
        %get3A_460 = vector.shape_cast %get3A_459 : vector<1x1x16xf32> to vector<16xf32>
        %add3A_461 = arith.addf %get3A_452, %get3A_460 : vector<16xf32>
        %add3A_462 = arith.constant 64 : i32
        %add3A_463 = arith.addi %add3A_462, %scan3A_299 : i32
        %swap3A_464 = arith.index_cast %add3A_463 : i32 to index
        %swap3A_465 = arith.constant 112 : index
        %swap3A_466 = tpu.vector_load %arg13[%swap3A_464, %swap3A_465] {strides = array<i32>} : memref<320x128xf32, #tpu.memory_space<vmem>>, vector<1x16xf32>,
        %swap3A_467 = vector.shape_cast %swap3A_466 : vector<1x16xf32> to vector<16xf32>
        %swap3A_468 = vector.shape_cast %add3A_461 : vector<16xf32> to vector<1x16xf32>
        tpu.vector_store %arg13[%swap3A_464, %swap3A_465], %swap3A_468 {strides = array<i32>} : memref<320x128xf32, #tpu.memory_space<vmem>>, vector<1x16xf32>,
        %get3A_469 = arith.constant 5 : i32
        %get3A_470 = arith.index_cast %get3A_469 : i32 to index
        %get3A_471 = arith.constant 0 : index
        %get3A_472 = tpu.vector_load %arg12[%get3A_470, %get3A_471] {strides = array<i32>} : memref<32x128xf32, #tpu.memory_space<vmem>>, vector<1x16xf32>,
        %get3A_473 = vector.shape_cast %get3A_472 : vector<1x16xf32> to vector<16xf32>
        %add3A_474 = arith.constant 0 : i32
        %add3A_475 = arith.addi %add3A_474, %scan3A_299 : i32
        %get3A_476 = arith.constant 1 : i32
        %get3A_477 = arith.index_cast %add3A_475 : i32 to index
        %get3A_478 = arith.index_cast %get3A_476 : i32 to index
        %get3A_479 = arith.constant 0 : index
        %get3A_480 = tpu.vector_load %arg10[%get3A_477, %get3A_478, %get3A_479] {strides = array<i32>} : memref<32x2x128xf32, #tpu.memory_space<vmem>>, vector<1x1x16xf32>,
        %get3A_481 = vector.shape_cast %get3A_480 : vector<1x1x16xf32> to vector<16xf32>
        %add3A_482 = arith.addf %get3A_473, %get3A_481 : vector<16xf32>
        %add3A_483 = arith.constant 80 : i32
        %add3A_484 = arith.addi %add3A_483, %scan3A_299 : i32
        %swap3A_485 = arith.index_cast %add3A_484 : i32 to index
        %swap3A_486 = arith.constant 0 : index
        %swap3A_487 = tpu.vector_load %arg13[%swap3A_485, %swap3A_486] {strides = array<i32>} : memref<320x128xf32, #tpu.memory_space<vmem>>, vector<1x16xf32>,
        %swap3A_488 = vector.shape_cast %swap3A_487 : vector<1x16xf32> to vector<16xf32>
        %swap3A_489 = vector.shape_cast %add3A_482 : vector<16xf32> to vector<1x16xf32>
        tpu.vector_store %arg13[%swap3A_485, %swap3A_486], %swap3A_489 {strides = array<i32>} : memref<320x128xf32, #tpu.memory_space<vmem>>, vector<1x16xf32>,
        %get3A_490 = arith.constant 5 : i32
        %get3A_491 = arith.index_cast %get3A_490 : i32 to index
        %get3A_492 = arith.constant 16 : index
        %get3A_493 = tpu.vector_load %arg12[%get3A_491, %get3A_492] {strides = array<i32>} : memref<32x128xf32, #tpu.memory_space<vmem>>, vector<1x16xf32>,
        %get3A_494 = vector.shape_cast %get3A_493 : vector<1x16xf32> to vector<16xf32>
        %add3A_495 = arith.constant 0 : i32
        %add3A_496 = arith.addi %add3A_495, %scan3A_299 : i32
        %get3A_497 = arith.constant 1 : i32
        %get3A_498 = arith.index_cast %add3A_496 : i32 to index
        %get3A_499 = arith.index_cast %get3A_497 : i32 to index
        %get3A_500 = arith.constant 16 : index
        %get3A_501 = tpu.vector_load %arg10[%get3A_498, %get3A_499, %get3A_500] {strides = array<i32>} : memref<32x2x128xf32, #tpu.memory_space<vmem>>, vector<1x1x16xf32>,
        %get3A_502 = vector.shape_cast %get3A_501 : vector<1x1x16xf32> to vector<16xf32>
        %add3A_503 = arith.addf %get3A_494, %get3A_502 : vector<16xf32>
        %add3A_504 = arith.constant 80 : i32
        %add3A_505 = arith.addi %add3A_504, %scan3A_299 : i32
        %swap3A_506 = arith.index_cast %add3A_505 : i32 to index
        %swap3A_507 = arith.constant 16 : index
        %swap3A_508 = tpu.vector_load %arg13[%swap3A_506, %swap3A_507] {strides = array<i32>} : memref<320x128xf32, #tpu.memory_space<vmem>>, vector<1x16xf32>,
        %swap3A_509 = vector.shape_cast %swap3A_508 : vector<1x16xf32> to vector<16xf32>
        %swap3A_510 = vector.shape_cast %add3A_503 : vector<16xf32> to vector<1x16xf32>
        tpu.vector_store %arg13[%swap3A_506, %swap3A_507], %swap3A_510 {strides = array<i32>} : memref<320x128xf32, #tpu.memory_space<vmem>>, vector<1x16xf32>,
        %get3A_511 = arith.constant 5 : i32
        %get3A_512 = arith.index_cast %get3A_511 : i32 to index
        %get3A_513 = arith.constant 32 : index
        %get3A_514 = tpu.vector_load %arg12[%get3A_512, %get3A_513] {strides = array<i32>} : memref<32x128xf32, #tpu.memory_space<vmem>>, vector<1x16xf32>,
        %get3A_515 = vector.shape_cast %get3A_514 : vector<1x16xf32> to vector<16xf32>
        %add3A_516 = arith.constant 0 : i32
        %add3A_517 = arith.addi %add3A_516, %scan3A_299 : i32
        %get3A_518 = arith.constant 1 : i32
        %get3A_519 = arith.index_cast %add3A_517 : i32 to index
        %get3A_520 = arith.index_cast %get3A_518 : i32 to index
        %get3A_521 = arith.constant 32 : index
        %get3A_522 = tpu.vector_load %arg10[%get3A_519, %get3A_520, %get3A_521] {strides = array<i32>} : memref<32x2x128xf32, #tpu.memory_space<vmem>>, vector<1x1x16xf32>,
        %get3A_523 = vector.shape_cast %get3A_522 : vector<1x1x16xf32> to vector<16xf32>
        %add3A_524 = arith.addf %get3A_515, %get3A_523 : vector<16xf32>
        %add3A_525 = arith.constant 80 : i32
        %add3A_526 = arith.addi %add3A_525, %scan3A_299 : i32
        %swap3A_527 = arith.index_cast %add3A_526 : i32 to index
        %swap3A_528 = arith.constant 32 : index
        %swap3A_529 = tpu.vector_load %arg13[%swap3A_527, %swap3A_528] {strides = array<i32>} : memref<320x128xf32, #tpu.memory_space<vmem>>, vector<1x16xf32>,
        %swap3A_530 = vector.shape_cast %swap3A_529 : vector<1x16xf32> to vector<16xf32>
        %swap3A_531 = vector.shape_cast %add3A_524 : vector<16xf32> to vector<1x16xf32>
        tpu.vector_store %arg13[%swap3A_527, %swap3A_528], %swap3A_531 {strides = array<i32>} : memref<320x128xf32, #tpu.memory_space<vmem>>, vector<1x16xf32>,
        %get3A_532 = arith.constant 5 : i32
        %get3A_533 = arith.index_cast %get3A_532 : i32 to index
        %get3A_534 = arith.constant 48 : index
        %get3A_535 = tpu.vector_load %arg12[%get3A_533, %get3A_534] {strides = array<i32>} : memref<32x128xf32, #tpu.memory_space<vmem>>, vector<1x16xf32>,
        %get3A_536 = vector.shape_cast %get3A_535 : vector<1x16xf32> to vector<16xf32>
        %add3A_537 = arith.constant 0 : i32
        %add3A_538 = arith.addi %add3A_537, %scan3A_299 : i32
        %get3A_539 = arith.constant 1 : i32
        %get3A_540 = arith.index_cast %add3A_538 : i32 to index
        %get3A_541 = arith.index_cast %get3A_539 : i32 to index
        %get3A_542 = arith.constant 48 : index
        %get3A_543 = tpu.vector_load %arg10[%get3A_540, %get3A_541, %get3A_542] {strides = array<i32>} : memref<32x2x128xf32, #tpu.memory_space<vmem>>, vector<1x1x16xf32>,
        %get3A_544 = vector.shape_cast %get3A_543 : vector<1x1x16xf32> to vector<16xf32>
        %add3A_545 = arith.addf %get3A_536, %get3A_544 : vector<16xf32>
        %add3A_546 = arith.constant 80 : i32
        %add3A_547 = arith.addi %add3A_546, %scan3A_299 : i32
        %swap3A_548 = arith.index_cast %add3A_547 : i32 to index
        %swap3A_549 = arith.constant 48 : index
        %swap3A_550 = tpu.vector_load %arg13[%swap3A_548, %swap3A_549] {strides = array<i32>} : memref<320x128xf32, #tpu.memory_space<vmem>>, vector<1x16xf32>,
        %swap3A_551 = vector.shape_cast %swap3A_550 : vector<1x16xf32> to vector<16xf32>
        %swap3A_552 = vector.shape_cast %add3A_545 : vector<16xf32> to vector<1x16xf32>
        tpu.vector_store %arg13[%swap3A_548, %swap3A_549], %swap3A_552 {strides = array<i32>} : memref<320x128xf32, #tpu.memory_space<vmem>>, vector<1x16xf32>,
        %get3A_553 = arith.constant 5 : i32
        %get3A_554 = arith.index_cast %get3A_553 : i32 to index
        %get3A_555 = arith.constant 64 : index
        %get3A_556 = tpu.vector_load %arg12[%get3A_554, %get3A_555] {strides = array<i32>} : memref<32x128xf32, #tpu.memory_space<vmem>>, vector<1x16xf32>,
        %get3A_557 = vector.shape_cast %get3A_556 : vector<1x16xf32> to vector<16xf32>
        %add3A_558 = arith.constant 0 : i32
        %add3A_559 = arith.addi %add3A_558, %scan3A_299 : i32
        %get3A_560 = arith.constant 1 : i32
        %get3A_561 = arith.index_cast %add3A_559 : i32 to index
        %get3A_562 = arith.index_cast %get3A_560 : i32 to index
        %get3A_563 = arith.constant 64 : index
        %get3A_564 = tpu.vector_load %arg10[%get3A_561, %get3A_562, %get3A_563] {strides = array<i32>} : memref<32x2x128xf32, #tpu.memory_space<vmem>>, vector<1x1x16xf32>,
        %get3A_565 = vector.shape_cast %get3A_564 : vector<1x1x16xf32> to vector<16xf32>
        %add3A_566 = arith.addf %get3A_557, %get3A_565 : vector<16xf32>
        %add3A_567 = arith.constant 80 : i32
        %add3A_568 = arith.addi %add3A_567, %scan3A_299 : i32
        %swap3A_569 = arith.index_cast %add3A_568 : i32 to index
        %swap3A_570 = arith.constant 64 : index
        %swap3A_571 = tpu.vector_load %arg13[%swap3A_569, %swap3A_570] {strides = array<i32>} : memref<320x128xf32, #tpu.memory_space<vmem>>, vector<1x16xf32>,
        %swap3A_572 = vector.shape_cast %swap3A_571 : vector<1x16xf32> to vector<16xf32>
        %swap3A_573 = vector.shape_cast %add3A_566 : vector<16xf32> to vector<1x16xf32>
        tpu.vector_store %arg13[%swap3A_569, %swap3A_570], %swap3A_573 {strides = array<i32>} : memref<320x128xf32, #tpu.memory_space<vmem>>, vector<1x16xf32>,
        %get3A_574 = arith.constant 5 : i32
        %get3A_575 = arith.index_cast %get3A_574 : i32 to index
        %get3A_576 = arith.constant 80 : index
        %get3A_577 = tpu.vector_load %arg12[%get3A_575, %get3A_576] {strides = array<i32>} : memref<32x128xf32, #tpu.memory_space<vmem>>, vector<1x16xf32>,
        %get3A_578 = vector.shape_cast %get3A_577 : vector<1x16xf32> to vector<16xf32>
        %add3A_579 = arith.constant 0 : i32
        %add3A_580 = arith.addi %add3A_579, %scan3A_299 : i32
        %get3A_581 = arith.constant 1 : i32
        %get3A_582 = arith.index_cast %add3A_580 : i32 to index
        %get3A_583 = arith.index_cast %get3A_581 : i32 to index
        %get3A_584 = arith.constant 80 : index
        %get3A_585 = tpu.vector_load %arg10[%get3A_582, %get3A_583, %get3A_584] {strides = array<i32>} : memref<32x2x128xf32, #tpu.memory_space<vmem>>, vector<1x1x16xf32>,
        %get3A_586 = vector.shape_cast %get3A_585 : vector<1x1x16xf32> to vector<16xf32>
        %add3A_587 = arith.addf %get3A_578, %get3A_586 : vector<16xf32>
        %add3A_588 = arith.constant 80 : i32
        %add3A_589 = arith.addi %add3A_588, %scan3A_299 : i32
        %swap3A_590 = arith.index_cast %add3A_589 : i32 to index
        %swap3A_591 = arith.constant 80 : index
        %swap3A_592 = tpu.vector_load %arg13[%swap3A_590, %swap3A_591] {strides = array<i32>} : memref<320x128xf32, #tpu.memory_space<vmem>>, vector<1x16xf32>,
        %swap3A_593 = vector.shape_cast %swap3A_592 : vector<1x16xf32> to vector<16xf32>
        %swap3A_594 = vector.shape_cast %add3A_587 : vector<16xf32> to vector<1x16xf32>
        tpu.vector_store %arg13[%swap3A_590, %swap3A_591], %swap3A_594 {strides = array<i32>} : memref<320x128xf32, #tpu.memory_space<vmem>>, vector<1x16xf32>,
        %get3A_595 = arith.constant 5 : i32
        %get3A_596 = arith.index_cast %get3A_595 : i32 to index
        %get3A_597 = arith.constant 96 : index
        %get3A_598 = tpu.vector_load %arg12[%get3A_596, %get3A_597] {strides = array<i32>} : memref<32x128xf32, #tpu.memory_space<vmem>>, vector<1x16xf32>,
        %get3A_599 = vector.shape_cast %get3A_598 : vector<1x16xf32> to vector<16xf32>
        %add3A_600 = arith.constant 0 : i32
        %add3A_601 = arith.addi %add3A_600, %scan3A_299 : i32
        %get3A_602 = arith.constant 1 : i32
        %get3A_603 = arith.index_cast %add3A_601 : i32 to index
        %get3A_604 = arith.index_cast %get3A_602 : i32 to index
        %get3A_605 = arith.constant 96 : index
        %get3A_606 = tpu.vector_load %arg10[%get3A_603, %get3A_604, %get3A_605] {strides = array<i32>} : memref<32x2x128xf32, #tpu.memory_space<vmem>>, vector<1x1x16xf32>,
        %get3A_607 = vector.shape_cast %get3A_606 : vector<1x1x16xf32> to vector<16xf32>
        %add3A_608 = arith.addf %get3A_599, %get3A_607 : vector<16xf32>
        %add3A_609 = arith.constant 80 : i32
        %add3A_610 = arith.addi %add3A_609, %scan3A_299 : i32
        %swap3A_611 = arith.index_cast %add3A_610 : i32 to index
        %swap3A_612 = arith.constant 96 : index
        %swap3A_613 = tpu.vector_load %arg13[%swap3A_611, %swap3A_612] {strides = array<i32>} : memref<320x128xf32, #tpu.memory_space<vmem>>, vector<1x16xf32>,
        %swap3A_614 = vector.shape_cast %swap3A_613 : vector<1x16xf32> to vector<16xf32>
        %swap3A_615 = vector.shape_cast %add3A_608 : vector<16xf32> to vector<1x16xf32>
        tpu.vector_store %arg13[%swap3A_611, %swap3A_612], %swap3A_615 {strides = array<i32>} : memref<320x128xf32, #tpu.memory_space<vmem>>, vector<1x16xf32>,
        %get3A_616 = arith.constant 5 : i32
        %get3A_617 = arith.index_cast %get3A_616 : i32 to index
        %get3A_618 = arith.constant 112 : index
        %get3A_619 = tpu.vector_load %arg12[%get3A_617, %get3A_618] {strides = array<i32>} : memref<32x128xf32, #tpu.memory_space<vmem>>, vector<1x16xf32>,
        %get3A_620 = vector.shape_cast %get3A_619 : vector<1x16xf32> to vector<16xf32>
        %add3A_621 = arith.constant 0 : i32
        %add3A_622 = arith.addi %add3A_621, %scan3A_299 : i32
        %get3A_623 = arith.constant 1 : i32
        %get3A_624 = arith.index_cast %add3A_622 : i32 to index
        %get3A_625 = arith.index_cast %get3A_623 : i32 to index
        %get3A_626 = arith.constant 112 : index
        %get3A_627 = tpu.vector_load %arg10[%get3A_624, %get3A_625, %get3A_626] {strides = array<i32>} : memref<32x2x128xf32, #tpu.memory_space<vmem>>, vector<1x1x16xf32>,
        %get3A_628 = vector.shape_cast %get3A_627 : vector<1x1x16xf32> to vector<16xf32>
        %add3A_629 = arith.addf %get3A_620, %get3A_628 : vector<16xf32>
        %add3A_630 = arith.constant 80 : i32
        %add3A_631 = arith.addi %add3A_630, %scan3A_299 : i32
        %swap3A_632 = arith.index_cast %add3A_631 : i32 to index
        %swap3A_633 = arith.constant 112 : index
        %swap3A_634 = tpu.vector_load %arg13[%swap3A_632, %swap3A_633] {strides = array<i32>} : memref<320x128xf32, #tpu.memory_space<vmem>>, vector<1x16xf32>,
        %swap3A_635 = vector.shape_cast %swap3A_634 : vector<1x16xf32> to vector<16xf32>
        %swap3A_636 = vector.shape_cast %add3A_629 : vector<16xf32> to vector<1x16xf32>
        tpu.vector_store %arg13[%swap3A_632, %swap3A_633], %swap3A_636 {strides = array<i32>} : memref<320x128xf32, #tpu.memory_space<vmem>>, vector<1x16xf32>,
        %get3A_637 = arith.constant 14 : i32
        %get3A_638 = arith.index_cast %get3A_637 : i32 to index
        %get3A_639 = arith.constant 0 : index
        %get3A_640 = tpu.vector_load %arg12[%get3A_638, %get3A_639] {strides = array<i32>} : memref<32x128xf32, #tpu.memory_space<vmem>>, vector<1x16xf32>,
        %get3A_641 = vector.shape_cast %get3A_640 : vector<1x16xf32> to vector<16xf32>
        %add3A_642 = arith.constant 16 : i32
        %add3A_643 = arith.addi %add3A_642, %scan3A_299 : i32
        %get3A_644 = arith.constant 0 : i32
        %get3A_645 = arith.index_cast %add3A_643 : i32 to index
        %get3A_646 = arith.index_cast %get3A_644 : i32 to index
        %get3A_647 = arith.constant 0 : index
        %get3A_648 = tpu.vector_load %arg10[%get3A_645, %get3A_646, %get3A_647] {strides = array<i32>} : memref<32x2x128xf32, #tpu.memory_space<vmem>>, vector<1x1x16xf32>,
        %get3A_649 = vector.shape_cast %get3A_648 : vector<1x1x16xf32> to vector<16xf32>
        %add3A_650 = arith.addf %get3A_641, %get3A_649 : vector<16xf32>
        %add3A_651 = arith.constant 224 : i32
        %add3A_652 = arith.addi %add3A_651, %scan3A_299 : i32
        %swap3A_653 = arith.index_cast %add3A_652 : i32 to index
        %swap3A_654 = arith.constant 0 : index
        %swap3A_655 = tpu.vector_load %arg13[%swap3A_653, %swap3A_654] {strides = array<i32>} : memref<320x128xf32, #tpu.memory_space<vmem>>, vector<1x16xf32>,
        %swap3A_656 = vector.shape_cast %swap3A_655 : vector<1x16xf32> to vector<16xf32>
        %swap3A_657 = vector.shape_cast %add3A_650 : vector<16xf32> to vector<1x16xf32>
        tpu.vector_store %arg13[%swap3A_653, %swap3A_654], %swap3A_657 {strides = array<i32>} : memref<320x128xf32, #tpu.memory_space<vmem>>, vector<1x16xf32>,
        %get3A_658 = arith.constant 14 : i32
        %get3A_659 = arith.index_cast %get3A_658 : i32 to index
        %get3A_660 = arith.constant 16 : index
        %get3A_661 = tpu.vector_load %arg12[%get3A_659, %get3A_660] {strides = array<i32>} : memref<32x128xf32, #tpu.memory_space<vmem>>, vector<1x16xf32>,
        %get3A_662 = vector.shape_cast %get3A_661 : vector<1x16xf32> to vector<16xf32>
        %add3A_663 = arith.constant 16 : i32
        %add3A_664 = arith.addi %add3A_663, %scan3A_299 : i32
        %get3A_665 = arith.constant 0 : i32
        %get3A_666 = arith.index_cast %add3A_664 : i32 to index
        %get3A_667 = arith.index_cast %get3A_665 : i32 to index
        %get3A_668 = arith.constant 16 : index
        %get3A_669 = tpu.vector_load %arg10[%get3A_666, %get3A_667, %get3A_668] {strides = array<i32>} : memref<32x2x128xf32, #tpu.memory_space<vmem>>, vector<1x1x16xf32>,
        %get3A_670 = vector.shape_cast %get3A_669 : vector<1x1x16xf32> to vector<16xf32>
        %add3A_671 = arith.addf %get3A_662, %get3A_670 : vector<16xf32>
        %add3A_672 = arith.constant 224 : i32
        %add3A_673 = arith.addi %add3A_672, %scan3A_299 : i32
        %swap3A_674 = arith.index_cast %add3A_673 : i32 to index
        %swap3A_675 = arith.constant 16 : index
        %swap3A_676 = tpu.vector_load %arg13[%swap3A_674, %swap3A_675] {strides = array<i32>} : memref<320x128xf32, #tpu.memory_space<vmem>>, vector<1x16xf32>,
        %swap3A_677 = vector.shape_cast %swap3A_676 : vector<1x16xf32> to vector<16xf32>
        %swap3A_678 = vector.shape_cast %add3A_671 : vector<16xf32> to vector<1x16xf32>
        tpu.vector_store %arg13[%swap3A_674, %swap3A_675], %swap3A_678 {strides = array<i32>} : memref<320x128xf32, #tpu.memory_space<vmem>>, vector<1x16xf32>,
        %get3A_679 = arith.constant 14 : i32
        %get3A_680 = arith.index_cast %get3A_679 : i32 to index
        %get3A_681 = arith.constant 32 : index
        %get3A_682 = tpu.vector_load %arg12[%get3A_680, %get3A_681] {strides = array<i32>} : memref<32x128xf32, #tpu.memory_space<vmem>>, vector<1x16xf32>,
        %get3A_683 = vector.shape_cast %get3A_682 : vector<1x16xf32> to vector<16xf32>
        %add3A_684 = arith.constant 16 : i32
        %add3A_685 = arith.addi %add3A_684, %scan3A_299 : i32
        %get3A_686 = arith.constant 0 : i32
        %get3A_687 = arith.index_cast %add3A_685 : i32 to index
        %get3A_688 = arith.index_cast %get3A_686 : i32 to index
        %get3A_689 = arith.constant 32 : index
        %get3A_690 = tpu.vector_load %arg10[%get3A_687, %get3A_688, %get3A_689] {strides = array<i32>} : memref<32x2x128xf32, #tpu.memory_space<vmem>>, vector<1x1x16xf32>,
        %get3A_691 = vector.shape_cast %get3A_690 : vector<1x1x16xf32> to vector<16xf32>
        %add3A_692 = arith.addf %get3A_683, %get3A_691 : vector<16xf32>
        %add3A_693 = arith.constant 224 : i32
        %add3A_694 = arith.addi %add3A_693, %scan3A_299 : i32
        %swap3A_695 = arith.index_cast %add3A_694 : i32 to index
        %swap3A_696 = arith.constant 32 : index
        %swap3A_697 = tpu.vector_load %arg13[%swap3A_695, %swap3A_696] {strides = array<i32>} : memref<320x128xf32, #tpu.memory_space<vmem>>, vector<1x16xf32>,
        %swap3A_698 = vector.shape_cast %swap3A_697 : vector<1x16xf32> to vector<16xf32>
        %swap3A_699 = vector.shape_cast %add3A_692 : vector<16xf32> to vector<1x16xf32>
        tpu.vector_store %arg13[%swap3A_695, %swap3A_696], %swap3A_699 {strides = array<i32>} : memref<320x128xf32, #tpu.memory_space<vmem>>, vector<1x16xf32>,
        %get3A_700 = arith.constant 14 : i32
        %get3A_701 = arith.index_cast %get3A_700 : i32 to index
        %get3A_702 = arith.constant 48 : index
        %get3A_703 = tpu.vector_load %arg12[%get3A_701, %get3A_702] {strides = array<i32>} : memref<32x128xf32, #tpu.memory_space<vmem>>, vector<1x16xf32>,
        %get3A_704 = vector.shape_cast %get3A_703 : vector<1x16xf32> to vector<16xf32>
        %add3A_705 = arith.constant 16 : i32
        %add3A_706 = arith.addi %add3A_705, %scan3A_299 : i32
        %get3A_707 = arith.constant 0 : i32
        %get3A_708 = arith.index_cast %add3A_706 : i32 to index
        %get3A_709 = arith.index_cast %get3A_707 : i32 to index
        %get3A_710 = arith.constant 48 : index
        %get3A_711 = tpu.vector_load %arg10[%get3A_708, %get3A_709, %get3A_710] {strides = array<i32>} : memref<32x2x128xf32, #tpu.memory_space<vmem>>, vector<1x1x16xf32>,
        %get3A_712 = vector.shape_cast %get3A_711 : vector<1x1x16xf32> to vector<16xf32>
        %add3A_713 = arith.addf %get3A_704, %get3A_712 : vector<16xf32>
        %add3A_714 = arith.constant 224 : i32
        %add3A_715 = arith.addi %add3A_714, %scan3A_299 : i32
        %swap3A_716 = arith.index_cast %add3A_715 : i32 to index
        %swap3A_717 = arith.constant 48 : index
        %swap3A_718 = tpu.vector_load %arg13[%swap3A_716, %swap3A_717] {strides = array<i32>} : memref<320x128xf32, #tpu.memory_space<vmem>>, vector<1x16xf32>,
        %swap3A_719 = vector.shape_cast %swap3A_718 : vector<1x16xf32> to vector<16xf32>
        %swap3A_720 = vector.shape_cast %add3A_713 : vector<16xf32> to vector<1x16xf32>
        tpu.vector_store %arg13[%swap3A_716, %swap3A_717], %swap3A_720 {strides = array<i32>} : memref<320x128xf32, #tpu.memory_space<vmem>>, vector<1x16xf32>,
        %get3A_721 = arith.constant 14 : i32
        %get3A_722 = arith.index_cast %get3A_721 : i32 to index
        %get3A_723 = arith.constant 64 : index
        %get3A_724 = tpu.vector_load %arg12[%get3A_722, %get3A_723] {strides = array<i32>} : memref<32x128xf32, #tpu.memory_space<vmem>>, vector<1x16xf32>,
        %get3A_725 = vector.shape_cast %get3A_724 : vector<1x16xf32> to vector<16xf32>
        %add3A_726 = arith.constant 16 : i32
        %add3A_727 = arith.addi %add3A_726, %scan3A_299 : i32
        %get3A_728 = arith.constant 0 : i32
        %get3A_729 = arith.index_cast %add3A_727 : i32 to index
        %get3A_730 = arith.index_cast %get3A_728 : i32 to index
        %get3A_731 = arith.constant 64 : index
        %get3A_732 = tpu.vector_load %arg10[%get3A_729, %get3A_730, %get3A_731] {strides = array<i32>} : memref<32x2x128xf32, #tpu.memory_space<vmem>>, vector<1x1x16xf32>,
        %get3A_733 = vector.shape_cast %get3A_732 : vector<1x1x16xf32> to vector<16xf32>
        %add3A_734 = arith.addf %get3A_725, %get3A_733 : vector<16xf32>
        %add3A_735 = arith.constant 224 : i32
        %add3A_736 = arith.addi %add3A_735, %scan3A_299 : i32
        %swap3A_737 = arith.index_cast %add3A_736 : i32 to index
        %swap3A_738 = arith.constant 64 : index
        %swap3A_739 = tpu.vector_load %arg13[%swap3A_737, %swap3A_738] {strides = array<i32>} : memref<320x128xf32, #tpu.memory_space<vmem>>, vector<1x16xf32>,
        %swap3A_740 = vector.shape_cast %swap3A_739 : vector<1x16xf32> to vector<16xf32>
        %swap3A_741 = vector.shape_cast %add3A_734 : vector<16xf32> to vector<1x16xf32>
        tpu.vector_store %arg13[%swap3A_737, %swap3A_738], %swap3A_741 {strides = array<i32>} : memref<320x128xf32, #tpu.memory_space<vmem>>, vector<1x16xf32>,
        %get3A_742 = arith.constant 14 : i32
        %get3A_743 = arith.index_cast %get3A_742 : i32 to index
        %get3A_744 = arith.constant 80 : index
        %get3A_745 = tpu.vector_load %arg12[%get3A_743, %get3A_744] {strides = array<i32>} : memref<32x128xf32, #tpu.memory_space<vmem>>, vector<1x16xf32>,
        %get3A_746 = vector.shape_cast %get3A_745 : vector<1x16xf32> to vector<16xf32>
        %add3A_747 = arith.constant 16 : i32
        %add3A_748 = arith.addi %add3A_747, %scan3A_299 : i32
        %get3A_749 = arith.constant 0 : i32
        %get3A_750 = arith.index_cast %add3A_748 : i32 to index
        %get3A_751 = arith.index_cast %get3A_749 : i32 to index
        %get3A_752 = arith.constant 80 : index
        %get3A_753 = tpu.vector_load %arg10[%get3A_750, %get3A_751, %get3A_752] {strides = array<i32>} : memref<32x2x128xf32, #tpu.memory_space<vmem>>, vector<1x1x16xf32>,
        %get3A_754 = vector.shape_cast %get3A_753 : vector<1x1x16xf32> to vector<16xf32>
        %add3A_755 = arith.addf %get3A_746, %get3A_754 : vector<16xf32>
        %add3A_756 = arith.constant 224 : i32
        %add3A_757 = arith.addi %add3A_756, %scan3A_299 : i32
        %swap3A_758 = arith.index_cast %add3A_757 : i32 to index
        %swap3A_759 = arith.constant 80 : index
        %swap3A_760 = tpu.vector_load %arg13[%swap3A_758, %swap3A_759] {strides = array<i32>} : memref<320x128xf32, #tpu.memory_space<vmem>>, vector<1x16xf32>,
        %swap3A_761 = vector.shape_cast %swap3A_760 : vector<1x16xf32> to vector<16xf32>
        %swap3A_762 = vector.shape_cast %add3A_755 : vector<16xf32> to vector<1x16xf32>
        tpu.vector_store %arg13[%swap3A_758, %swap3A_759], %swap3A_762 {strides = array<i32>} : memref<320x128xf32, #tpu.memory_space<vmem>>, vector<1x16xf32>,
        %get3A_763 = arith.constant 14 : i32
        %get3A_764 = arith.index_cast %get3A_763 : i32 to index
        %get3A_765 = arith.constant 96 : index
        %get3A_766 = tpu.vector_load %arg12[%get3A_764, %get3A_765] {strides = array<i32>} : memref<32x128xf32, #tpu.memory_space<vmem>>, vector<1x16xf32>,
        %get3A_767 = vector.shape_cast %get3A_766 : vector<1x16xf32> to vector<16xf32>
        %add3A_768 = arith.constant 16 : i32
        %add3A_769 = arith.addi %add3A_768, %scan3A_299 : i32
        %get3A_770 = arith.constant 0 : i32
        %get3A_771 = arith.index_cast %add3A_769 : i32 to index
        %get3A_772 = arith.index_cast %get3A_770 : i32 to index
        %get3A_773 = arith.constant 96 : index
        %get3A_774 = tpu.vector_load %arg10[%get3A_771, %get3A_772, %get3A_773] {strides = array<i32>} : memref<32x2x128xf32, #tpu.memory_space<vmem>>, vector<1x1x16xf32>,
        %get3A_775 = vector.shape_cast %get3A_774 : vector<1x1x16xf32> to vector<16xf32>
        %add3A_776 = arith.addf %get3A_767, %get3A_775 : vector<16xf32>
        %add3A_777 = arith.constant 224 : i32
        %add3A_778 = arith.addi %add3A_777, %scan3A_299 : i32
        %swap3A_779 = arith.index_cast %add3A_778 : i32 to index
        %swap3A_780 = arith.constant 96 : index
        %swap3A_781 = tpu.vector_load %arg13[%swap3A_779, %swap3A_780] {strides = array<i32>} : memref<320x128xf32, #tpu.memory_space<vmem>>, vector<1x16xf32>,
        %swap3A_782 = vector.shape_cast %swap3A_781 : vector<1x16xf32> to vector<16xf32>
        %swap3A_783 = vector.shape_cast %add3A_776 : vector<16xf32> to vector<1x16xf32>
        tpu.vector_store %arg13[%swap3A_779, %swap3A_780], %swap3A_783 {strides = array<i32>} : memref<320x128xf32, #tpu.memory_space<vmem>>, vector<1x16xf32>,
        %get3A_784 = arith.constant 14 : i32
        %get3A_785 = arith.index_cast %get3A_784 : i32 to index
        %get3A_786 = arith.constant 112 : index
        %get3A_787 = tpu.vector_load %arg12[%get3A_785, %get3A_786] {strides = array<i32>} : memref<32x128xf32, #tpu.memory_space<vmem>>, vector<1x16xf32>,
        %get3A_788 = vector.shape_cast %get3A_787 : vector<1x16xf32> to vector<16xf32>
        %add3A_789 = arith.constant 16 : i32
        %add3A_790 = arith.addi %add3A_789, %scan3A_299 : i32
        %get3A_791 = arith.constant 0 : i32
        %get3A_792 = arith.index_cast %add3A_790 : i32 to index
        %get3A_793 = arith.index_cast %get3A_791 : i32 to index
        %get3A_794 = arith.constant 112 : index
        %get3A_795 = tpu.vector_load %arg10[%get3A_792, %get3A_793, %get3A_794] {strides = array<i32>} : memref<32x2x128xf32, #tpu.memory_space<vmem>>, vector<1x1x16xf32>,
        %get3A_796 = vector.shape_cast %get3A_795 : vector<1x1x16xf32> to vector<16xf32>
        %add3A_797 = arith.addf %get3A_788, %get3A_796 : vector<16xf32>
        %add3A_798 = arith.constant 224 : i32
        %add3A_799 = arith.addi %add3A_798, %scan3A_299 : i32
        %swap3A_800 = arith.index_cast %add3A_799 : i32 to index
        %swap3A_801 = arith.constant 112 : index
        %swap3A_802 = tpu.vector_load %arg13[%swap3A_800, %swap3A_801] {strides = array<i32>} : memref<320x128xf32, #tpu.memory_space<vmem>>, vector<1x16xf32>,
        %swap3A_803 = vector.shape_cast %swap3A_802 : vector<1x16xf32> to vector<16xf32>
        %swap3A_804 = vector.shape_cast %add3A_797 : vector<16xf32> to vector<1x16xf32>
        tpu.vector_store %arg13[%swap3A_800, %swap3A_801], %swap3A_804 {strides = array<i32>} : memref<320x128xf32, #tpu.memory_space<vmem>>, vector<1x16xf32>,
        %get3A_805 = arith.constant 15 : i32
        %get3A_806 = arith.index_cast %get3A_805 : i32 to index
        %get3A_807 = arith.constant 0 : index
        %get3A_808 = tpu.vector_load %arg12[%get3A_806, %get3A_807] {strides = array<i32>} : memref<32x128xf32, #tpu.memory_space<vmem>>, vector<1x16xf32>,
        %get3A_809 = vector.shape_cast %get3A_808 : vector<1x16xf32> to vector<16xf32>
        %add3A_810 = arith.constant 16 : i32
        %add3A_811 = arith.addi %add3A_810, %scan3A_299 : i32
        %get3A_812 = arith.constant 1 : i32
        %get3A_813 = arith.index_cast %add3A_811 : i32 to index
        %get3A_814 = arith.index_cast %get3A_812 : i32 to index
        %get3A_815 = arith.constant 0 : index
        %get3A_816 = tpu.vector_load %arg10[%get3A_813, %get3A_814, %get3A_815] {strides = array<i32>} : memref<32x2x128xf32, #tpu.memory_space<vmem>>, vector<1x1x16xf32>,
        %get3A_817 = vector.shape_cast %get3A_816 : vector<1x1x16xf32> to vector<16xf32>
        %add3A_818 = arith.addf %get3A_809, %get3A_817 : vector<16xf32>
        %add3A_819 = arith.constant 240 : i32
        %add3A_820 = arith.addi %add3A_819, %scan3A_299 : i32
        %swap3A_821 = arith.index_cast %add3A_820 : i32 to index
        %swap3A_822 = arith.constant 0 : index
        %swap3A_823 = tpu.vector_load %arg13[%swap3A_821, %swap3A_822] {strides = array<i32>} : memref<320x128xf32, #tpu.memory_space<vmem>>, vector<1x16xf32>,
        %swap3A_824 = vector.shape_cast %swap3A_823 : vector<1x16xf32> to vector<16xf32>
        %swap3A_825 = vector.shape_cast %add3A_818 : vector<16xf32> to vector<1x16xf32>
        tpu.vector_store %arg13[%swap3A_821, %swap3A_822], %swap3A_825 {strides = array<i32>} : memref<320x128xf32, #tpu.memory_space<vmem>>, vector<1x16xf32>,
        %get3A_826 = arith.constant 15 : i32
        %get3A_827 = arith.index_cast %get3A_826 : i32 to index
        %get3A_828 = arith.constant 16 : index
        %get3A_829 = tpu.vector_load %arg12[%get3A_827, %get3A_828] {strides = array<i32>} : memref<32x128xf32, #tpu.memory_space<vmem>>, vector<1x16xf32>,
        %get3A_830 = vector.shape_cast %get3A_829 : vector<1x16xf32> to vector<16xf32>
        %add3A_831 = arith.constant 16 : i32
        %add3A_832 = arith.addi %add3A_831, %scan3A_299 : i32
        %get3A_833 = arith.constant 1 : i32
        %get3A_834 = arith.index_cast %add3A_832 : i32 to index
        %get3A_835 = arith.index_cast %get3A_833 : i32 to index
        %get3A_836 = arith.constant 16 : index
        %get3A_837 = tpu.vector_load %arg10[%get3A_834, %get3A_835, %get3A_836] {strides = array<i32>} : memref<32x2x128xf32, #tpu.memory_space<vmem>>, vector<1x1x16xf32>,
        %get3A_838 = vector.shape_cast %get3A_837 : vector<1x1x16xf32> to vector<16xf32>
        %add3A_839 = arith.addf %get3A_830, %get3A_838 : vector<16xf32>
        %add3A_840 = arith.constant 240 : i32
        %add3A_841 = arith.addi %add3A_840, %scan3A_299 : i32
        %swap3A_842 = arith.index_cast %add3A_841 : i32 to index
        %swap3A_843 = arith.constant 16 : index
        %swap3A_844 = tpu.vector_load %arg13[%swap3A_842, %swap3A_843] {strides = array<i32>} : memref<320x128xf32, #tpu.memory_space<vmem>>, vector<1x16xf32>,
        %swap3A_845 = vector.shape_cast %swap3A_844 : vector<1x16xf32> to vector<16xf32>
        %swap3A_846 = vector.shape_cast %add3A_839 : vector<16xf32> to vector<1x16xf32>
        tpu.vector_store %arg13[%swap3A_842, %swap3A_843], %swap3A_846 {strides = array<i32>} : memref<320x128xf32, #tpu.memory_space<vmem>>, vector<1x16xf32>,
        %get3A_847 = arith.constant 15 : i32
        %get3A_848 = arith.index_cast %get3A_847 : i32 to index
        %get3A_849 = arith.constant 32 : index
        %get3A_850 = tpu.vector_load %arg12[%get3A_848, %get3A_849] {strides = array<i32>} : memref<32x128xf32, #tpu.memory_space<vmem>>, vector<1x16xf32>,
        %get3A_851 = vector.shape_cast %get3A_850 : vector<1x16xf32> to vector<16xf32>
        %add3A_852 = arith.constant 16 : i32
        %add3A_853 = arith.addi %add3A_852, %scan3A_299 : i32
        %get3A_854 = arith.constant 1 : i32
        %get3A_855 = arith.index_cast %add3A_853 : i32 to index
        %get3A_856 = arith.index_cast %get3A_854 : i32 to index
        %get3A_857 = arith.constant 32 : index
        %get3A_858 = tpu.vector_load %arg10[%get3A_855, %get3A_856, %get3A_857] {strides = array<i32>} : memref<32x2x128xf32, #tpu.memory_space<vmem>>, vector<1x1x16xf32>,
        %get3A_859 = vector.shape_cast %get3A_858 : vector<1x1x16xf32> to vector<16xf32>
        %add3A_860 = arith.addf %get3A_851, %get3A_859 : vector<16xf32>
        %add3A_861 = arith.constant 240 : i32
        %add3A_862 = arith.addi %add3A_861, %scan3A_299 : i32
        %swap3A_863 = arith.index_cast %add3A_862 : i32 to index
        %swap3A_864 = arith.constant 32 : index
        %swap3A_865 = tpu.vector_load %arg13[%swap3A_863, %swap3A_864] {strides = array<i32>} : memref<320x128xf32, #tpu.memory_space<vmem>>, vector<1x16xf32>,
        %swap3A_866 = vector.shape_cast %swap3A_865 : vector<1x16xf32> to vector<16xf32>
        %swap3A_867 = vector.shape_cast %add3A_860 : vector<16xf32> to vector<1x16xf32>
        tpu.vector_store %arg13[%swap3A_863, %swap3A_864], %swap3A_867 {strides = array<i32>} : memref<320x128xf32, #tpu.memory_space<vmem>>, vector<1x16xf32>,
        %get3A_868 = arith.constant 15 : i32
        %get3A_869 = arith.index_cast %get3A_868 : i32 to index
        %get3A_870 = arith.constant 48 : index
        %get3A_871 = tpu.vector_load %arg12[%get3A_869, %get3A_870] {strides = array<i32>} : memref<32x128xf32, #tpu.memory_space<vmem>>, vector<1x16xf32>,
        %get3A_872 = vector.shape_cast %get3A_871 : vector<1x16xf32> to vector<16xf32>
        %add3A_873 = arith.constant 16 : i32
        %add3A_874 = arith.addi %add3A_873, %scan3A_299 : i32
        %get3A_875 = arith.constant 1 : i32
        %get3A_876 = arith.index_cast %add3A_874 : i32 to index
        %get3A_877 = arith.index_cast %get3A_875 : i32 to index
        %get3A_878 = arith.constant 48 : index
        %get3A_879 = tpu.vector_load %arg10[%get3A_876, %get3A_877, %get3A_878] {strides = array<i32>} : memref<32x2x128xf32, #tpu.memory_space<vmem>>, vector<1x1x16xf32>,
        %get3A_880 = vector.shape_cast %get3A_879 : vector<1x1x16xf32> to vector<16xf32>
        %add3A_881 = arith.addf %get3A_872, %get3A_880 : vector<16xf32>
        %add3A_882 = arith.constant 240 : i32
        %add3A_883 = arith.addi %add3A_882, %scan3A_299 : i32
        %swap3A_884 = arith.index_cast %add3A_883 : i32 to index
        %swap3A_885 = arith.constant 48 : index
        %swap3A_886 = tpu.vector_load %arg13[%swap3A_884, %swap3A_885] {strides = array<i32>} : memref<320x128xf32, #tpu.memory_space<vmem>>, vector<1x16xf32>,
        %swap3A_887 = vector.shape_cast %swap3A_886 : vector<1x16xf32> to vector<16xf32>
        %swap3A_888 = vector.shape_cast %add3A_881 : vector<16xf32> to vector<1x16xf32>
        tpu.vector_store %arg13[%swap3A_884, %swap3A_885], %swap3A_888 {strides = array<i32>} : memref<320x128xf32, #tpu.memory_space<vmem>>, vector<1x16xf32>,
        %get3A_889 = arith.constant 15 : i32
        %get3A_890 = arith.index_cast %get3A_889 : i32 to index
        %get3A_891 = arith.constant 64 : index
        %get3A_892 = tpu.vector_load %arg12[%get3A_890, %get3A_891] {strides = array<i32>} : memref<32x128xf32, #tpu.memory_space<vmem>>, vector<1x16xf32>,
        %get3A_893 = vector.shape_cast %get3A_892 : vector<1x16xf32> to vector<16xf32>
        %add3A_894 = arith.constant 16 : i32
        %add3A_895 = arith.addi %add3A_894, %scan3A_299 : i32
        %get3A_896 = arith.constant 1 : i32
        %get3A_897 = arith.index_cast %add3A_895 : i32 to index
        %get3A_898 = arith.index_cast %get3A_896 : i32 to index
        %get3A_899 = arith.constant 64 : index
        %get3A_900 = tpu.vector_load %arg10[%get3A_897, %get3A_898, %get3A_899] {strides = array<i32>} : memref<32x2x128xf32, #tpu.memory_space<vmem>>, vector<1x1x16xf32>,
        %get3A_901 = vector.shape_cast %get3A_900 : vector<1x1x16xf32> to vector<16xf32>
        %add3A_902 = arith.addf %get3A_893, %get3A_901 : vector<16xf32>
        %add3A_903 = arith.constant 240 : i32
        %add3A_904 = arith.addi %add3A_903, %scan3A_299 : i32
        %swap3A_905 = arith.index_cast %add3A_904 : i32 to index
        %swap3A_906 = arith.constant 64 : index
        %swap3A_907 = tpu.vector_load %arg13[%swap3A_905, %swap3A_906] {strides = array<i32>} : memref<320x128xf32, #tpu.memory_space<vmem>>, vector<1x16xf32>,
        %swap3A_908 = vector.shape_cast %swap3A_907 : vector<1x16xf32> to vector<16xf32>
        %swap3A_909 = vector.shape_cast %add3A_902 : vector<16xf32> to vector<1x16xf32>
        tpu.vector_store %arg13[%swap3A_905, %swap3A_906], %swap3A_909 {strides = array<i32>} : memref<320x128xf32, #tpu.memory_space<vmem>>, vector<1x16xf32>,
        %get3A_910 = arith.constant 15 : i32
        %get3A_911 = arith.index_cast %get3A_910 : i32 to index
        %get3A_912 = arith.constant 80 : index
        %get3A_913 = tpu.vector_load %arg12[%get3A_911, %get3A_912] {strides = array<i32>} : memref<32x128xf32, #tpu.memory_space<vmem>>, vector<1x16xf32>,
        %get3A_914 = vector.shape_cast %get3A_913 : vector<1x16xf32> to vector<16xf32>
        %add3A_915 = arith.constant 16 : i32
        %add3A_916 = arith.addi %add3A_915, %scan3A_299 : i32
        %get3A_917 = arith.constant 1 : i32
        %get3A_918 = arith.index_cast %add3A_916 : i32 to index
        %get3A_919 = arith.index_cast %get3A_917 : i32 to index
        %get3A_920 = arith.constant 80 : index
        %get3A_921 = tpu.vector_load %arg10[%get3A_918, %get3A_919, %get3A_920] {strides = array<i32>} : memref<32x2x128xf32, #tpu.memory_space<vmem>>, vector<1x1x16xf32>,
        %get3A_922 = vector.shape_cast %get3A_921 : vector<1x1x16xf32> to vector<16xf32>
        %add3A_923 = arith.addf %get3A_914, %get3A_922 : vector<16xf32>
        %add3A_924 = arith.constant 240 : i32
        %add3A_925 = arith.addi %add3A_924, %scan3A_299 : i32
        %swap3A_926 = arith.index_cast %add3A_925 : i32 to index
        %swap3A_927 = arith.constant 80 : index
        %swap3A_928 = tpu.vector_load %arg13[%swap3A_926, %swap3A_927] {strides = array<i32>} : memref<320x128xf32, #tpu.memory_space<vmem>>, vector<1x16xf32>,
        %swap3A_929 = vector.shape_cast %swap3A_928 : vector<1x16xf32> to vector<16xf32>
        %swap3A_930 = vector.shape_cast %add3A_923 : vector<16xf32> to vector<1x16xf32>
        tpu.vector_store %arg13[%swap3A_926, %swap3A_927], %swap3A_930 {strides = array<i32>} : memref<320x128xf32, #tpu.memory_space<vmem>>, vector<1x16xf32>,
        %get3A_931 = arith.constant 15 : i32
        %get3A_932 = arith.index_cast %get3A_931 : i32 to index
        %get3A_933 = arith.constant 96 : index
        %get3A_934 = tpu.vector_load %arg12[%get3A_932, %get3A_933] {strides = array<i32>} : memref<32x128xf32, #tpu.memory_space<vmem>>, vector<1x16xf32>,
        %get3A_935 = vector.shape_cast %get3A_934 : vector<1x16xf32> to vector<16xf32>
        %add3A_936 = arith.constant 16 : i32
        %add3A_937 = arith.addi %add3A_936, %scan3A_299 : i32
        %get3A_938 = arith.constant 1 : i32
        %get3A_939 = arith.index_cast %add3A_937 : i32 to index
        %get3A_940 = arith.index_cast %get3A_938 : i32 to index
        %get3A_941 = arith.constant 96 : index
        %get3A_942 = tpu.vector_load %arg10[%get3A_939, %get3A_940, %get3A_941] {strides = array<i32>} : memref<32x2x128xf32, #tpu.memory_space<vmem>>, vector<1x1x16xf32>,
        %get3A_943 = vector.shape_cast %get3A_942 : vector<1x1x16xf32> to vector<16xf32>
        %add3A_944 = arith.addf %get3A_935, %get3A_943 : vector<16xf32>
        %add3A_945 = arith.constant 240 : i32
        %add3A_946 = arith.addi %add3A_945, %scan3A_299 : i32
        %swap3A_947 = arith.index_cast %add3A_946 : i32 to index
        %swap3A_948 = arith.constant 96 : index
        %swap3A_949 = tpu.vector_load %arg13[%swap3A_947, %swap3A_948] {strides = array<i32>} : memref<320x128xf32, #tpu.memory_space<vmem>>, vector<1x16xf32>,
        %swap3A_950 = vector.shape_cast %swap3A_949 : vector<1x16xf32> to vector<16xf32>
        %swap3A_951 = vector.shape_cast %add3A_944 : vector<16xf32> to vector<1x16xf32>
        tpu.vector_store %arg13[%swap3A_947, %swap3A_948], %swap3A_951 {strides = array<i32>} : memref<320x128xf32, #tpu.memory_space<vmem>>, vector<1x16xf32>,
        %get3A_952 = arith.constant 15 : i32
        %get3A_953 = arith.index_cast %get3A_952 : i32 to index
        %get3A_954 = arith.constant 112 : index
        %get3A_955 = tpu.vector_load %arg12[%get3A_953, %get3A_954] {strides = array<i32>} : memref<32x128xf32, #tpu.memory_space<vmem>>, vector<1x16xf32>,
        %get3A_956 = vector.shape_cast %get3A_955 : vector<1x16xf32> to vector<16xf32>
        %add3A_957 = arith.constant 16 : i32
        %add3A_958 = arith.addi %add3A_957, %scan3A_299 : i32
        %get3A_959 = arith.constant 1 : i32
        %get3A_960 = arith.index_cast %add3A_958 : i32 to index
        %get3A_961 = arith.index_cast %get3A_959 : i32 to index
        %get3A_962 = arith.constant 112 : index
        %get3A_963 = tpu.vector_load %arg10[%get3A_960, %get3A_961, %get3A_962] {strides = array<i32>} : memref<32x2x128xf32, #tpu.memory_space<vmem>>, vector<1x1x16xf32>,
        %get3A_964 = vector.shape_cast %get3A_963 : vector<1x1x16xf32> to vector<16xf32>
        %add3A_965 = arith.addf %get3A_956, %get3A_964 : vector<16xf32>
        %add3A_966 = arith.constant 240 : i32
        %add3A_967 = arith.addi %add3A_966, %scan3A_299 : i32
        %swap3A_968 = arith.index_cast %add3A_967 : i32 to index
        %swap3A_969 = arith.constant 112 : index
        %swap3A_970 = tpu.vector_load %arg13[%swap3A_968, %swap3A_969] {strides = array<i32>} : memref<320x128xf32, #tpu.memory_space<vmem>>, vector<1x16xf32>,
        %swap3A_971 = vector.shape_cast %swap3A_970 : vector<1x16xf32> to vector<16xf32>
        %swap3A_972 = vector.shape_cast %add3A_965 : vector<16xf32> to vector<1x16xf32>
        tpu.vector_store %arg13[%swap3A_968, %swap3A_969], %swap3A_972 {strides = array<i32>} : memref<320x128xf32, #tpu.memory_space<vmem>>, vector<1x16xf32>,
        %scan3A_973 = arith.constant 0 : i32
        scf.yield %scan3A_973 : i32
      }
      %scan3A_258 = arith.constant 16 : i32
      %dma_start3A_259 = arith.constant 4 : i32
      %dma_start3A_260 = arith.constant 0 : i32
      %dma_start3A_261 = tpu.memref_slice %arg8[%dma_start3A_259, %dma_start3A_260] : memref<5x32xi32, #tpu.memory_space<vmem>> -> memref<1x32xi32, #tpu.memory_space<vmem>>
      %dma_start3A_262 = tpu.memref_squeeze %dma_start3A_261 : memref<1x32xi32, #tpu.memory_space<vmem>> -> memref<32xi32, #tpu.memory_space<vmem>>
      %dma_start3A_263 = arith.constant 0 : i32
      %dma_start3A_264 = arith.constant 0 : i32
      %dma_start3A_265 = arith.constant 0 : i32
      %dma_start3A_266 = tpu.memref_slice %arg2[%dma_start3A_263, %dma_start3A_264, %dma_start3A_265] : memref<200000x2x128xf32, #tpu.memory_space<hbm>> -> memref<200000x2x128xf32, #tpu.memory_space<hbm>>
      tpu.enqueue_indirect_dma source(%dma_start3A_266 : memref<200000x2x128xf32, #tpu.memory_space<hbm>>) target(%arg10 : memref<32x2x128xf32, #tpu.memory_space<vmem>>) offsets(%dma_start3A_262 : memref<32xi32, #tpu.memory_space<vmem>>) semaphore(%arg14 : memref<!tpu.dma_semaphore, #tpu.memory_space<semaphore_mem>>)
      %dma_wait3A_267 = arith.constant 3 : i32
      %dma_wait3A_268 = arith.constant 0 : i32
      %dma_wait3A_269 = tpu.memref_slice %arg8[%dma_wait3A_267, %dma_wait3A_268] : memref<5x32xi32, #tpu.memory_space<vmem>> -> memref<1x32xi32, #tpu.memory_space<vmem>>
      %dma_wait3A_270 = tpu.memref_squeeze %dma_wait3A_269 : memref<1x32xi32, #tpu.memory_space<vmem>> -> memref<32xi32, #tpu.memory_space<vmem>>
      %dma_wait3A_271 = arith.constant 0 : i32
      %dma_wait3A_272 = arith.constant 0 : i32
      %dma_wait3A_273 = arith.constant 0 : i32
      %dma_wait3A_274 = tpu.memref_slice %arg2[%dma_wait3A_271, %dma_wait3A_272, %dma_wait3A_273] : memref<200000x2x128xf32, #tpu.memory_space<hbm>> -> memref<200000x2x128xf32, #tpu.memory_space<hbm>>
      tpu.wait_indirect_dma semaphore(%arg15 : memref<!tpu.dma_semaphore, #tpu.memory_space<semaphore_mem>>) src(%dma_wait3A_274 : memref<200000x2x128xf32, #tpu.memory_space<hbm>>) dst(%arg11 : memref<32x2x128xf32, #tpu.memory_space<vmem>>)
      %scan3A_275 = arith.constant 0 : i32
      %scan3A_276 = arith.constant 0 : i32
      %scan3A_277 = arith.constant 16 : i32
      %scan3A_278 = arith.addi %scan3A_276, %scan3A_277 : i32
      %scan3A_279 = arith.constant 1 : i32
      %scan3A_280 = scf.for %scan3A_299 = %scan3A_276 to %scan3A_278 step %scan3A_279 iter_args(%scan3A_300 = %scan3A_275) -> (i32)  : i32 {
        %get3A_301 = arith.constant 6 : i32
        %get3A_302 = arith.index_cast %get3A_301 : i32 to index
        %get3A_303 = arith.constant 0 : index
        %get3A_304 = tpu.vector_load %arg12[%get3A_302, %get3A_303] {strides = array<i32>} : memref<32x128xf32, #tpu.memory_space<vmem>>, vector<1x16xf32>,
        %get3A_305 = vector.shape_cast %get3A_304 : vector<1x16xf32> to vector<16xf32>
        %add3A_306 = arith.constant 0 : i32
        %add3A_307 = arith.addi %add3A_306, %scan3A_299 : i32
        %get3A_308 = arith.constant 0 : i32
        %get3A_309 = arith.index_cast %add3A_307 : i32 to index
        %get3A_310 = arith.index_cast %get3A_308 : i32 to index
        %get3A_311 = arith.constant 0 : index
        %get3A_312 = tpu.vector_load %arg11[%get3A_309, %get3A_310, %get3A_311] {strides = array<i32>} : memref<32x2x128xf32, #tpu.memory_space<vmem>>, vector<1x1x16xf32>,
        %get3A_313 = vector.shape_cast %get3A_312 : vector<1x1x16xf32> to vector<16xf32>
        %add3A_314 = arith.addf %get3A_305, %get3A_313 : vector<16xf32>
        %add3A_315 = arith.constant 96 : i32
        %add3A_316 = arith.addi %add3A_315, %scan3A_299 : i32
        %swap3A_317 = arith.index_cast %add3A_316 : i32 to index
        %swap3A_318 = arith.constant 0 : index
        %swap3A_319 = tpu.vector_load %arg13[%swap3A_317, %swap3A_318] {strides = array<i32>} : memref<320x128xf32, #tpu.memory_space<vmem>>, vector<1x16xf32>,
        %swap3A_320 = vector.shape_cast %swap3A_319 : vector<1x16xf32> to vector<16xf32>
        %swap3A_321 = vector.shape_cast %add3A_314 : vector<16xf32> to vector<1x16xf32>
        tpu.vector_store %arg13[%swap3A_317, %swap3A_318], %swap3A_321 {strides = array<i32>} : memref<320x128xf32, #tpu.memory_space<vmem>>, vector<1x16xf32>,
        %get3A_322 = arith.constant 6 : i32
        %get3A_323 = arith.index_cast %get3A_322 : i32 to index
        %get3A_324 = arith.constant 16 : index
        %get3A_325 = tpu.vector_load %arg12[%get3A_323, %get3A_324] {strides = array<i32>} : memref<32x128xf32, #tpu.memory_space<vmem>>, vector<1x16xf32>,
        %get3A_326 = vector.shape_cast %get3A_325 : vector<1x16xf32> to vector<16xf32>
        %add3A_327 = arith.constant 0 : i32
        %add3A_328 = arith.addi %add3A_327, %scan3A_299 : i32
        %get3A_329 = arith.constant 0 : i32
        %get3A_330 = arith.index_cast %add3A_328 : i32 to index
        %get3A_331 = arith.index_cast %get3A_329 : i32 to index
        %get3A_332 = arith.constant 16 : index
        %get3A_333 = tpu.vector_load %arg11[%get3A_330, %get3A_331, %get3A_332] {strides = array<i32>} : memref<32x2x128xf32, #tpu.memory_space<vmem>>, vector<1x1x16xf32>,
        %get3A_334 = vector.shape_cast %get3A_333 : vector<1x1x16xf32> to vector<16xf32>
        %add3A_335 = arith.addf %get3A_326, %get3A_334 : vector<16xf32>
        %add3A_336 = arith.constant 96 : i32
        %add3A_337 = arith.addi %add3A_336, %scan3A_299 : i32
        %swap3A_338 = arith.index_cast %add3A_337 : i32 to index
        %swap3A_339 = arith.constant 16 : index
        %swap3A_340 = tpu.vector_load %arg13[%swap3A_338, %swap3A_339] {strides = array<i32>} : memref<320x128xf32, #tpu.memory_space<vmem>>, vector<1x16xf32>,
        %swap3A_341 = vector.shape_cast %swap3A_340 : vector<1x16xf32> to vector<16xf32>
        %swap3A_342 = vector.shape_cast %add3A_335 : vector<16xf32> to vector<1x16xf32>
        tpu.vector_store %arg13[%swap3A_338, %swap3A_339], %swap3A_342 {strides = array<i32>} : memref<320x128xf32, #tpu.memory_space<vmem>>, vector<1x16xf32>,
        %get3A_343 = arith.constant 6 : i32
        %get3A_344 = arith.index_cast %get3A_343 : i32 to index
        %get3A_345 = arith.constant 32 : index
        %get3A_346 = tpu.vector_load %arg12[%get3A_344, %get3A_345] {strides = array<i32>} : memref<32x128xf32, #tpu.memory_space<vmem>>, vector<1x16xf32>,
        %get3A_347 = vector.shape_cast %get3A_346 : vector<1x16xf32> to vector<16xf32>
        %add3A_348 = arith.constant 0 : i32
        %add3A_349 = arith.addi %add3A_348, %scan3A_299 : i32
        %get3A_350 = arith.constant 0 : i32
        %get3A_351 = arith.index_cast %add3A_349 : i32 to index
        %get3A_352 = arith.index_cast %get3A_350 : i32 to index
        %get3A_353 = arith.constant 32 : index
        %get3A_354 = tpu.vector_load %arg11[%get3A_351, %get3A_352, %get3A_353] {strides = array<i32>} : memref<32x2x128xf32, #tpu.memory_space<vmem>>, vector<1x1x16xf32>,
        %get3A_355 = vector.shape_cast %get3A_354 : vector<1x1x16xf32> to vector<16xf32>
        %add3A_356 = arith.addf %get3A_347, %get3A_355 : vector<16xf32>
        %add3A_357 = arith.constant 96 : i32
        %add3A_358 = arith.addi %add3A_357, %scan3A_299 : i32
        %swap3A_359 = arith.index_cast %add3A_358 : i32 to index
        %swap3A_360 = arith.constant 32 : index
        %swap3A_361 = tpu.vector_load %arg13[%swap3A_359, %swap3A_360] {strides = array<i32>} : memref<320x128xf32, #tpu.memory_space<vmem>>, vector<1x16xf32>,
        %swap3A_362 = vector.shape_cast %swap3A_361 : vector<1x16xf32> to vector<16xf32>
        %swap3A_363 = vector.shape_cast %add3A_356 : vector<16xf32> to vector<1x16xf32>
        tpu.vector_store %arg13[%swap3A_359, %swap3A_360], %swap3A_363 {strides = array<i32>} : memref<320x128xf32, #tpu.memory_space<vmem>>, vector<1x16xf32>,
        %get3A_364 = arith.constant 6 : i32
        %get3A_365 = arith.index_cast %get3A_364 : i32 to index
        %get3A_366 = arith.constant 48 : index
        %get3A_367 = tpu.vector_load %arg12[%get3A_365, %get3A_366] {strides = array<i32>} : memref<32x128xf32, #tpu.memory_space<vmem>>, vector<1x16xf32>,
        %get3A_368 = vector.shape_cast %get3A_367 : vector<1x16xf32> to vector<16xf32>
        %add3A_369 = arith.constant 0 : i32
        %add3A_370 = arith.addi %add3A_369, %scan3A_299 : i32
        %get3A_371 = arith.constant 0 : i32
        %get3A_372 = arith.index_cast %add3A_370 : i32 to index
        %get3A_373 = arith.index_cast %get3A_371 : i32 to index
        %get3A_374 = arith.constant 48 : index
        %get3A_375 = tpu.vector_load %arg11[%get3A_372, %get3A_373, %get3A_374] {strides = array<i32>} : memref<32x2x128xf32, #tpu.memory_space<vmem>>, vector<1x1x16xf32>,
        %get3A_376 = vector.shape_cast %get3A_375 : vector<1x1x16xf32> to vector<16xf32>
        %add3A_377 = arith.addf %get3A_368, %get3A_376 : vector<16xf32>
        %add3A_378 = arith.constant 96 : i32
        %add3A_379 = arith.addi %add3A_378, %scan3A_299 : i32
        %swap3A_380 = arith.index_cast %add3A_379 : i32 to index
        %swap3A_381 = arith.constant 48 : index
        %swap3A_382 = tpu.vector_load %arg13[%swap3A_380, %swap3A_381] {strides = array<i32>} : memref<320x128xf32, #tpu.memory_space<vmem>>, vector<1x16xf32>,
        %swap3A_383 = vector.shape_cast %swap3A_382 : vector<1x16xf32> to vector<16xf32>
        %swap3A_384 = vector.shape_cast %add3A_377 : vector<16xf32> to vector<1x16xf32>
        tpu.vector_store %arg13[%swap3A_380, %swap3A_381], %swap3A_384 {strides = array<i32>} : memref<320x128xf32, #tpu.memory_space<vmem>>, vector<1x16xf32>,
        %get3A_385 = arith.constant 6 : i32
        %get3A_386 = arith.index_cast %get3A_385 : i32 to index
        %get3A_387 = arith.constant 64 : index
        %get3A_388 = tpu.vector_load %arg12[%get3A_386, %get3A_387] {strides = array<i32>} : memref<32x128xf32, #tpu.memory_space<vmem>>, vector<1x16xf32>,
        %get3A_389 = vector.shape_cast %get3A_388 : vector<1x16xf32> to vector<16xf32>
        %add3A_390 = arith.constant 0 : i32
        %add3A_391 = arith.addi %add3A_390, %scan3A_299 : i32
        %get3A_392 = arith.constant 0 : i32
        %get3A_393 = arith.index_cast %add3A_391 : i32 to index
        %get3A_394 = arith.index_cast %get3A_392 : i32 to index
        %get3A_395 = arith.constant 64 : index
        %get3A_396 = tpu.vector_load %arg11[%get3A_393, %get3A_394, %get3A_395] {strides = array<i32>} : memref<32x2x128xf32, #tpu.memory_space<vmem>>, vector<1x1x16xf32>,
        %get3A_397 = vector.shape_cast %get3A_396 : vector<1x1x16xf32> to vector<16xf32>
        %add3A_398 = arith.addf %get3A_389, %get3A_397 : vector<16xf32>
        %add3A_399 = arith.constant 96 : i32
        %add3A_400 = arith.addi %add3A_399, %scan3A_299 : i32
        %swap3A_401 = arith.index_cast %add3A_400 : i32 to index
        %swap3A_402 = arith.constant 64 : index
        %swap3A_403 = tpu.vector_load %arg13[%swap3A_401, %swap3A_402] {strides = array<i32>} : memref<320x128xf32, #tpu.memory_space<vmem>>, vector<1x16xf32>,
        %swap3A_404 = vector.shape_cast %swap3A_403 : vector<1x16xf32> to vector<16xf32>
        %swap3A_405 = vector.shape_cast %add3A_398 : vector<16xf32> to vector<1x16xf32>
        tpu.vector_store %arg13[%swap3A_401, %swap3A_402], %swap3A_405 {strides = array<i32>} : memref<320x128xf32, #tpu.memory_space<vmem>>, vector<1x16xf32>,
        %get3A_406 = arith.constant 6 : i32
        %get3A_407 = arith.index_cast %get3A_406 : i32 to index
        %get3A_408 = arith.constant 80 : index
        %get3A_409 = tpu.vector_load %arg12[%get3A_407, %get3A_408] {strides = array<i32>} : memref<32x128xf32, #tpu.memory_space<vmem>>, vector<1x16xf32>,
        %get3A_410 = vector.shape_cast %get3A_409 : vector<1x16xf32> to vector<16xf32>
        %add3A_411 = arith.constant 0 : i32
        %add3A_412 = arith.addi %add3A_411, %scan3A_299 : i32
        %get3A_413 = arith.constant 0 : i32
        %get3A_414 = arith.index_cast %add3A_412 : i32 to index
        %get3A_415 = arith.index_cast %get3A_413 : i32 to index
        %get3A_416 = arith.constant 80 : index
        %get3A_417 = tpu.vector_load %arg11[%get3A_414, %get3A_415, %get3A_416] {strides = array<i32>} : memref<32x2x128xf32, #tpu.memory_space<vmem>>, vector<1x1x16xf32>,
        %get3A_418 = vector.shape_cast %get3A_417 : vector<1x1x16xf32> to vector<16xf32>
        %add3A_419 = arith.addf %get3A_410, %get3A_418 : vector<16xf32>
        %add3A_420 = arith.constant 96 : i32
        %add3A_421 = arith.addi %add3A_420, %scan3A_299 : i32
        %swap3A_422 = arith.index_cast %add3A_421 : i32 to index
        %swap3A_423 = arith.constant 80 : index
        %swap3A_424 = tpu.vector_load %arg13[%swap3A_422, %swap3A_423] {strides = array<i32>} : memref<320x128xf32, #tpu.memory_space<vmem>>, vector<1x16xf32>,
        %swap3A_425 = vector.shape_cast %swap3A_424 : vector<1x16xf32> to vector<16xf32>
        %swap3A_426 = vector.shape_cast %add3A_419 : vector<16xf32> to vector<1x16xf32>
        tpu.vector_store %arg13[%swap3A_422, %swap3A_423], %swap3A_426 {strides = array<i32>} : memref<320x128xf32, #tpu.memory_space<vmem>>, vector<1x16xf32>,
        %get3A_427 = arith.constant 6 : i32
        %get3A_428 = arith.index_cast %get3A_427 : i32 to index
        %get3A_429 = arith.constant 96 : index
        %get3A_430 = tpu.vector_load %arg12[%get3A_428, %get3A_429] {strides = array<i32>} : memref<32x128xf32, #tpu.memory_space<vmem>>, vector<1x16xf32>,
        %get3A_431 = vector.shape_cast %get3A_430 : vector<1x16xf32> to vector<16xf32>
        %add3A_432 = arith.constant 0 : i32
        %add3A_433 = arith.addi %add3A_432, %scan3A_299 : i32
        %get3A_434 = arith.constant 0 : i32
        %get3A_435 = arith.index_cast %add3A_433 : i32 to index
        %get3A_436 = arith.index_cast %get3A_434 : i32 to index
        %get3A_437 = arith.constant 96 : index
        %get3A_438 = tpu.vector_load %arg11[%get3A_435, %get3A_436, %get3A_437] {strides = array<i32>} : memref<32x2x128xf32, #tpu.memory_space<vmem>>, vector<1x1x16xf32>,
        %get3A_439 = vector.shape_cast %get3A_438 : vector<1x1x16xf32> to vector<16xf32>
        %add3A_440 = arith.addf %get3A_431, %get3A_439 : vector<16xf32>
        %add3A_441 = arith.constant 96 : i32
        %add3A_442 = arith.addi %add3A_441, %scan3A_299 : i32
        %swap3A_443 = arith.index_cast %add3A_442 : i32 to index
        %swap3A_444 = arith.constant 96 : index
        %swap3A_445 = tpu.vector_load %arg13[%swap3A_443, %swap3A_444] {strides = array<i32>} : memref<320x128xf32, #tpu.memory_space<vmem>>, vector<1x16xf32>,
        %swap3A_446 = vector.shape_cast %swap3A_445 : vector<1x16xf32> to vector<16xf32>
        %swap3A_447 = vector.shape_cast %add3A_440 : vector<16xf32> to vector<1x16xf32>
        tpu.vector_store %arg13[%swap3A_443, %swap3A_444], %swap3A_447 {strides = array<i32>} : memref<320x128xf32, #tpu.memory_space<vmem>>, vector<1x16xf32>,
        %get3A_448 = arith.constant 6 : i32
        %get3A_449 = arith.index_cast %get3A_448 : i32 to index
        %get3A_450 = arith.constant 112 : index
        %get3A_451 = tpu.vector_load %arg12[%get3A_449, %get3A_450] {strides = array<i32>} : memref<32x128xf32, #tpu.memory_space<vmem>>, vector<1x16xf32>,
        %get3A_452 = vector.shape_cast %get3A_451 : vector<1x16xf32> to vector<16xf32>
        %add3A_453 = arith.constant 0 : i32
        %add3A_454 = arith.addi %add3A_453, %scan3A_299 : i32
        %get3A_455 = arith.constant 0 : i32
        %get3A_456 = arith.index_cast %add3A_454 : i32 to index
        %get3A_457 = arith.index_cast %get3A_455 : i32 to index
        %get3A_458 = arith.constant 112 : index
        %get3A_459 = tpu.vector_load %arg11[%get3A_456, %get3A_457, %get3A_458] {strides = array<i32>} : memref<32x2x128xf32, #tpu.memory_space<vmem>>, vector<1x1x16xf32>,
        %get3A_460 = vector.shape_cast %get3A_459 : vector<1x1x16xf32> to vector<16xf32>
        %add3A_461 = arith.addf %get3A_452, %get3A_460 : vector<16xf32>
        %add3A_462 = arith.constant 96 : i32
        %add3A_463 = arith.addi %add3A_462, %scan3A_299 : i32
        %swap3A_464 = arith.index_cast %add3A_463 : i32 to index
        %swap3A_465 = arith.constant 112 : index
        %swap3A_466 = tpu.vector_load %arg13[%swap3A_464, %swap3A_465] {strides = array<i32>} : memref<320x128xf32, #tpu.memory_space<vmem>>, vector<1x16xf32>,
        %swap3A_467 = vector.shape_cast %swap3A_466 : vector<1x16xf32> to vector<16xf32>
        %swap3A_468 = vector.shape_cast %add3A_461 : vector<16xf32> to vector<1x16xf32>
        tpu.vector_store %arg13[%swap3A_464, %swap3A_465], %swap3A_468 {strides = array<i32>} : memref<320x128xf32, #tpu.memory_space<vmem>>, vector<1x16xf32>,
        %get3A_469 = arith.constant 7 : i32
        %get3A_470 = arith.index_cast %get3A_469 : i32 to index
        %get3A_471 = arith.constant 0 : index
        %get3A_472 = tpu.vector_load %arg12[%get3A_470, %get3A_471] {strides = array<i32>} : memref<32x128xf32, #tpu.memory_space<vmem>>, vector<1x16xf32>,
        %get3A_473 = vector.shape_cast %get3A_472 : vector<1x16xf32> to vector<16xf32>
        %add3A_474 = arith.constant 0 : i32
        %add3A_475 = arith.addi %add3A_474, %scan3A_299 : i32
        %get3A_476 = arith.constant 1 : i32
        %get3A_477 = arith.index_cast %add3A_475 : i32 to index
        %get3A_478 = arith.index_cast %get3A_476 : i32 to index
        %get3A_479 = arith.constant 0 : index
        %get3A_480 = tpu.vector_load %arg11[%get3A_477, %get3A_478, %get3A_479] {strides = array<i32>} : memref<32x2x128xf32, #tpu.memory_space<vmem>>, vector<1x1x16xf32>,
        %get3A_481 = vector.shape_cast %get3A_480 : vector<1x1x16xf32> to vector<16xf32>
        %add3A_482 = arith.addf %get3A_473, %get3A_481 : vector<16xf32>
        %add3A_483 = arith.constant 112 : i32
        %add3A_484 = arith.addi %add3A_483, %scan3A_299 : i32
        %swap3A_485 = arith.index_cast %add3A_484 : i32 to index
        %swap3A_486 = arith.constant 0 : index
        %swap3A_487 = tpu.vector_load %arg13[%swap3A_485, %swap3A_486] {strides = array<i32>} : memref<320x128xf32, #tpu.memory_space<vmem>>, vector<1x16xf32>,
        %swap3A_488 = vector.shape_cast %swap3A_487 : vector<1x16xf32> to vector<16xf32>
        %swap3A_489 = vector.shape_cast %add3A_482 : vector<16xf32> to vector<1x16xf32>
        tpu.vector_store %arg13[%swap3A_485, %swap3A_486], %swap3A_489 {strides = array<i32>} : memref<320x128xf32, #tpu.memory_space<vmem>>, vector<1x16xf32>,
        %get3A_490 = arith.constant 7 : i32
        %get3A_491 = arith.index_cast %get3A_490 : i32 to index
        %get3A_492 = arith.constant 16 : index
        %get3A_493 = tpu.vector_load %arg12[%get3A_491, %get3A_492] {strides = array<i32>} : memref<32x128xf32, #tpu.memory_space<vmem>>, vector<1x16xf32>,
        %get3A_494 = vector.shape_cast %get3A_493 : vector<1x16xf32> to vector<16xf32>
        %add3A_495 = arith.constant 0 : i32
        %add3A_496 = arith.addi %add3A_495, %scan3A_299 : i32
        %get3A_497 = arith.constant 1 : i32
        %get3A_498 = arith.index_cast %add3A_496 : i32 to index
        %get3A_499 = arith.index_cast %get3A_497 : i32 to index
        %get3A_500 = arith.constant 16 : index
        %get3A_501 = tpu.vector_load %arg11[%get3A_498, %get3A_499, %get3A_500] {strides = array<i32>} : memref<32x2x128xf32, #tpu.memory_space<vmem>>, vector<1x1x16xf32>,
        %get3A_502 = vector.shape_cast %get3A_501 : vector<1x1x16xf32> to vector<16xf32>
        %add3A_503 = arith.addf %get3A_494, %get3A_502 : vector<16xf32>
        %add3A_504 = arith.constant 112 : i32
        %add3A_505 = arith.addi %add3A_504, %scan3A_299 : i32
        %swap3A_506 = arith.index_cast %add3A_505 : i32 to index
        %swap3A_507 = arith.constant 16 : index
        %swap3A_508 = tpu.vector_load %arg13[%swap3A_506, %swap3A_507] {strides = array<i32>} : memref<320x128xf32, #tpu.memory_space<vmem>>, vector<1x16xf32>,
        %swap3A_509 = vector.shape_cast %swap3A_508 : vector<1x16xf32> to vector<16xf32>
        %swap3A_510 = vector.shape_cast %add3A_503 : vector<16xf32> to vector<1x16xf32>
        tpu.vector_store %arg13[%swap3A_506, %swap3A_507], %swap3A_510 {strides = array<i32>} : memref<320x128xf32, #tpu.memory_space<vmem>>, vector<1x16xf32>,
        %get3A_511 = arith.constant 7 : i32
        %get3A_512 = arith.index_cast %get3A_511 : i32 to index
        %get3A_513 = arith.constant 32 : index
        %get3A_514 = tpu.vector_load %arg12[%get3A_512, %get3A_513] {strides = array<i32>} : memref<32x128xf32, #tpu.memory_space<vmem>>, vector<1x16xf32>,
        %get3A_515 = vector.shape_cast %get3A_514 : vector<1x16xf32> to vector<16xf32>
        %add3A_516 = arith.constant 0 : i32
        %add3A_517 = arith.addi %add3A_516, %scan3A_299 : i32
        %get3A_518 = arith.constant 1 : i32
        %get3A_519 = arith.index_cast %add3A_517 : i32 to index
        %get3A_520 = arith.index_cast %get3A_518 : i32 to index
        %get3A_521 = arith.constant 32 : index
        %get3A_522 = tpu.vector_load %arg11[%get3A_519, %get3A_520, %get3A_521] {strides = array<i32>} : memref<32x2x128xf32, #tpu.memory_space<vmem>>, vector<1x1x16xf32>,
        %get3A_523 = vector.shape_cast %get3A_522 : vector<1x1x16xf32> to vector<16xf32>
        %add3A_524 = arith.addf %get3A_515, %get3A_523 : vector<16xf32>
        %add3A_525 = arith.constant 112 : i32
        %add3A_526 = arith.addi %add3A_525, %scan3A_299 : i32
        %swap3A_527 = arith.index_cast %add3A_526 : i32 to index
        %swap3A_528 = arith.constant 32 : index
        %swap3A_529 = tpu.vector_load %arg13[%swap3A_527, %swap3A_528] {strides = array<i32>} : memref<320x128xf32, #tpu.memory_space<vmem>>, vector<1x16xf32>,
        %swap3A_530 = vector.shape_cast %swap3A_529 : vector<1x16xf32> to vector<16xf32>
        %swap3A_531 = vector.shape_cast %add3A_524 : vector<16xf32> to vector<1x16xf32>
        tpu.vector_store %arg13[%swap3A_527, %swap3A_528], %swap3A_531 {strides = array<i32>} : memref<320x128xf32, #tpu.memory_space<vmem>>, vector<1x16xf32>,
        %get3A_532 = arith.constant 7 : i32
        %get3A_533 = arith.index_cast %get3A_532 : i32 to index
        %get3A_534 = arith.constant 48 : index
        %get3A_535 = tpu.vector_load %arg12[%get3A_533, %get3A_534] {strides = array<i32>} : memref<32x128xf32, #tpu.memory_space<vmem>>, vector<1x16xf32>,
        %get3A_536 = vector.shape_cast %get3A_535 : vector<1x16xf32> to vector<16xf32>
        %add3A_537 = arith.constant 0 : i32
        %add3A_538 = arith.addi %add3A_537, %scan3A_299 : i32
        %get3A_539 = arith.constant 1 : i32
        %get3A_540 = arith.index_cast %add3A_538 : i32 to index
        %get3A_541 = arith.index_cast %get3A_539 : i32 to index
        %get3A_542 = arith.constant 48 : index
        %get3A_543 = tpu.vector_load %arg11[%get3A_540, %get3A_541, %get3A_542] {strides = array<i32>} : memref<32x2x128xf32, #tpu.memory_space<vmem>>, vector<1x1x16xf32>,
        %get3A_544 = vector.shape_cast %get3A_543 : vector<1x1x16xf32> to vector<16xf32>
        %add3A_545 = arith.addf %get3A_536, %get3A_544 : vector<16xf32>
        %add3A_546 = arith.constant 112 : i32
        %add3A_547 = arith.addi %add3A_546, %scan3A_299 : i32
        %swap3A_548 = arith.index_cast %add3A_547 : i32 to index
        %swap3A_549 = arith.constant 48 : index
        %swap3A_550 = tpu.vector_load %arg13[%swap3A_548, %swap3A_549] {strides = array<i32>} : memref<320x128xf32, #tpu.memory_space<vmem>>, vector<1x16xf32>,
        %swap3A_551 = vector.shape_cast %swap3A_550 : vector<1x16xf32> to vector<16xf32>
        %swap3A_552 = vector.shape_cast %add3A_545 : vector<16xf32> to vector<1x16xf32>
        tpu.vector_store %arg13[%swap3A_548, %swap3A_549], %swap3A_552 {strides = array<i32>} : memref<320x128xf32, #tpu.memory_space<vmem>>, vector<1x16xf32>,
        %get3A_553 = arith.constant 7 : i32
        %get3A_554 = arith.index_cast %get3A_553 : i32 to index
        %get3A_555 = arith.constant 64 : index
        %get3A_556 = tpu.vector_load %arg12[%get3A_554, %get3A_555] {strides = array<i32>} : memref<32x128xf32, #tpu.memory_space<vmem>>, vector<1x16xf32>,
        %get3A_557 = vector.shape_cast %get3A_556 : vector<1x16xf32> to vector<16xf32>
        %add3A_558 = arith.constant 0 : i32
        %add3A_559 = arith.addi %add3A_558, %scan3A_299 : i32
        %get3A_560 = arith.constant 1 : i32
        %get3A_561 = arith.index_cast %add3A_559 : i32 to index
        %get3A_562 = arith.index_cast %get3A_560 : i32 to index
        %get3A_563 = arith.constant 64 : index
        %get3A_564 = tpu.vector_load %arg11[%get3A_561, %get3A_562, %get3A_563] {strides = array<i32>} : memref<32x2x128xf32, #tpu.memory_space<vmem>>, vector<1x1x16xf32>,
        %get3A_565 = vector.shape_cast %get3A_564 : vector<1x1x16xf32> to vector<16xf32>
        %add3A_566 = arith.addf %get3A_557, %get3A_565 : vector<16xf32>
        %add3A_567 = arith.constant 112 : i32
        %add3A_568 = arith.addi %add3A_567, %scan3A_299 : i32
        %swap3A_569 = arith.index_cast %add3A_568 : i32 to index
        %swap3A_570 = arith.constant 64 : index
        %swap3A_571 = tpu.vector_load %arg13[%swap3A_569, %swap3A_570] {strides = array<i32>} : memref<320x128xf32, #tpu.memory_space<vmem>>, vector<1x16xf32>,
        %swap3A_572 = vector.shape_cast %swap3A_571 : vector<1x16xf32> to vector<16xf32>
        %swap3A_573 = vector.shape_cast %add3A_566 : vector<16xf32> to vector<1x16xf32>
        tpu.vector_store %arg13[%swap3A_569, %swap3A_570], %swap3A_573 {strides = array<i32>} : memref<320x128xf32, #tpu.memory_space<vmem>>, vector<1x16xf32>,
        %get3A_574 = arith.constant 7 : i32
        %get3A_575 = arith.index_cast %get3A_574 : i32 to index
        %get3A_576 = arith.constant 80 : index
        %get3A_577 = tpu.vector_load %arg12[%get3A_575, %get3A_576] {strides = array<i32>} : memref<32x128xf32, #tpu.memory_space<vmem>>, vector<1x16xf32>,
        %get3A_578 = vector.shape_cast %get3A_577 : vector<1x16xf32> to vector<16xf32>
        %add3A_579 = arith.constant 0 : i32
        %add3A_580 = arith.addi %add3A_579, %scan3A_299 : i32
        %get3A_581 = arith.constant 1 : i32
        %get3A_582 = arith.index_cast %add3A_580 : i32 to index
        %get3A_583 = arith.index_cast %get3A_581 : i32 to index
        %get3A_584 = arith.constant 80 : index
        %get3A_585 = tpu.vector_load %arg11[%get3A_582, %get3A_583, %get3A_584] {strides = array<i32>} : memref<32x2x128xf32, #tpu.memory_space<vmem>>, vector<1x1x16xf32>,
        %get3A_586 = vector.shape_cast %get3A_585 : vector<1x1x16xf32> to vector<16xf32>
        %add3A_587 = arith.addf %get3A_578, %get3A_586 : vector<16xf32>
        %add3A_588 = arith.constant 112 : i32
        %add3A_589 = arith.addi %add3A_588, %scan3A_299 : i32
        %swap3A_590 = arith.index_cast %add3A_589 : i32 to index
        %swap3A_591 = arith.constant 80 : index
        %swap3A_592 = tpu.vector_load %arg13[%swap3A_590, %swap3A_591] {strides = array<i32>} : memref<320x128xf32, #tpu.memory_space<vmem>>, vector<1x16xf32>,
        %swap3A_593 = vector.shape_cast %swap3A_592 : vector<1x16xf32> to vector<16xf32>
        %swap3A_594 = vector.shape_cast %add3A_587 : vector<16xf32> to vector<1x16xf32>
        tpu.vector_store %arg13[%swap3A_590, %swap3A_591], %swap3A_594 {strides = array<i32>} : memref<320x128xf32, #tpu.memory_space<vmem>>, vector<1x16xf32>,
        %get3A_595 = arith.constant 7 : i32
        %get3A_596 = arith.index_cast %get3A_595 : i32 to index
        %get3A_597 = arith.constant 96 : index
        %get3A_598 = tpu.vector_load %arg12[%get3A_596, %get3A_597] {strides = array<i32>} : memref<32x128xf32, #tpu.memory_space<vmem>>, vector<1x16xf32>,
        %get3A_599 = vector.shape_cast %get3A_598 : vector<1x16xf32> to vector<16xf32>
        %add3A_600 = arith.constant 0 : i32
        %add3A_601 = arith.addi %add3A_600, %scan3A_299 : i32
        %get3A_602 = arith.constant 1 : i32
        %get3A_603 = arith.index_cast %add3A_601 : i32 to index
        %get3A_604 = arith.index_cast %get3A_602 : i32 to index
        %get3A_605 = arith.constant 96 : index
        %get3A_606 = tpu.vector_load %arg11[%get3A_603, %get3A_604, %get3A_605] {strides = array<i32>} : memref<32x2x128xf32, #tpu.memory_space<vmem>>, vector<1x1x16xf32>,
        %get3A_607 = vector.shape_cast %get3A_606 : vector<1x1x16xf32> to vector<16xf32>
        %add3A_608 = arith.addf %get3A_599, %get3A_607 : vector<16xf32>
        %add3A_609 = arith.constant 112 : i32
        %add3A_610 = arith.addi %add3A_609, %scan3A_299 : i32
        %swap3A_611 = arith.index_cast %add3A_610 : i32 to index
        %swap3A_612 = arith.constant 96 : index
        %swap3A_613 = tpu.vector_load %arg13[%swap3A_611, %swap3A_612] {strides = array<i32>} : memref<320x128xf32, #tpu.memory_space<vmem>>, vector<1x16xf32>,
        %swap3A_614 = vector.shape_cast %swap3A_613 : vector<1x16xf32> to vector<16xf32>
        %swap3A_615 = vector.shape_cast %add3A_608 : vector<16xf32> to vector<1x16xf32>
        tpu.vector_store %arg13[%swap3A_611, %swap3A_612], %swap3A_615 {strides = array<i32>} : memref<320x128xf32, #tpu.memory_space<vmem>>, vector<1x16xf32>,
        %get3A_616 = arith.constant 7 : i32
        %get3A_617 = arith.index_cast %get3A_616 : i32 to index
        %get3A_618 = arith.constant 112 : index
        %get3A_619 = tpu.vector_load %arg12[%get3A_617, %get3A_618] {strides = array<i32>} : memref<32x128xf32, #tpu.memory_space<vmem>>, vector<1x16xf32>,
        %get3A_620 = vector.shape_cast %get3A_619 : vector<1x16xf32> to vector<16xf32>
        %add3A_621 = arith.constant 0 : i32
        %add3A_622 = arith.addi %add3A_621, %scan3A_299 : i32
        %get3A_623 = arith.constant 1 : i32
        %get3A_624 = arith.index_cast %add3A_622 : i32 to index
        %get3A_625 = arith.index_cast %get3A_623 : i32 to index
        %get3A_626 = arith.constant 112 : index
        %get3A_627 = tpu.vector_load %arg11[%get3A_624, %get3A_625, %get3A_626] {strides = array<i32>} : memref<32x2x128xf32, #tpu.memory_space<vmem>>, vector<1x1x16xf32>,
        %get3A_628 = vector.shape_cast %get3A_627 : vector<1x1x16xf32> to vector<16xf32>
        %add3A_629 = arith.addf %get3A_620, %get3A_628 : vector<16xf32>
        %add3A_630 = arith.constant 112 : i32
        %add3A_631 = arith.addi %add3A_630, %scan3A_299 : i32
        %swap3A_632 = arith.index_cast %add3A_631 : i32 to index
        %swap3A_633 = arith.constant 112 : index
        %swap3A_634 = tpu.vector_load %arg13[%swap3A_632, %swap3A_633] {strides = array<i32>} : memref<320x128xf32, #tpu.memory_space<vmem>>, vector<1x16xf32>,
        %swap3A_635 = vector.shape_cast %swap3A_634 : vector<1x16xf32> to vector<16xf32>
        %swap3A_636 = vector.shape_cast %add3A_629 : vector<16xf32> to vector<1x16xf32>
        tpu.vector_store %arg13[%swap3A_632, %swap3A_633], %swap3A_636 {strides = array<i32>} : memref<320x128xf32, #tpu.memory_space<vmem>>, vector<1x16xf32>,
        %get3A_637 = arith.constant 16 : i32
        %get3A_638 = arith.index_cast %get3A_637 : i32 to index
        %get3A_639 = arith.constant 0 : index
        %get3A_640 = tpu.vector_load %arg12[%get3A_638, %get3A_639] {strides = array<i32>} : memref<32x128xf32, #tpu.memory_space<vmem>>, vector<1x16xf32>,
        %get3A_641 = vector.shape_cast %get3A_640 : vector<1x16xf32> to vector<16xf32>
        %add3A_642 = arith.constant 16 : i32
        %add3A_643 = arith.addi %add3A_642, %scan3A_299 : i32
        %get3A_644 = arith.constant 0 : i32
        %get3A_645 = arith.index_cast %add3A_643 : i32 to index
        %get3A_646 = arith.index_cast %get3A_644 : i32 to index
        %get3A_647 = arith.constant 0 : index
        %get3A_648 = tpu.vector_load %arg11[%get3A_645, %get3A_646, %get3A_647] {strides = array<i32>} : memref<32x2x128xf32, #tpu.memory_space<vmem>>, vector<1x1x16xf32>,
        %get3A_649 = vector.shape_cast %get3A_648 : vector<1x1x16xf32> to vector<16xf32>
        %add3A_650 = arith.addf %get3A_641, %get3A_649 : vector<16xf32>
        %add3A_651 = arith.constant 256 : i32
        %add3A_652 = arith.addi %add3A_651, %scan3A_299 : i32
        %swap3A_653 = arith.index_cast %add3A_652 : i32 to index
        %swap3A_654 = arith.constant 0 : index
        %swap3A_655 = tpu.vector_load %arg13[%swap3A_653, %swap3A_654] {strides = array<i32>} : memref<320x128xf32, #tpu.memory_space<vmem>>, vector<1x16xf32>,
        %swap3A_656 = vector.shape_cast %swap3A_655 : vector<1x16xf32> to vector<16xf32>
        %swap3A_657 = vector.shape_cast %add3A_650 : vector<16xf32> to vector<1x16xf32>
        tpu.vector_store %arg13[%swap3A_653, %swap3A_654], %swap3A_657 {strides = array<i32>} : memref<320x128xf32, #tpu.memory_space<vmem>>, vector<1x16xf32>,
        %get3A_658 = arith.constant 16 : i32
        %get3A_659 = arith.index_cast %get3A_658 : i32 to index
        %get3A_660 = arith.constant 16 : index
        %get3A_661 = tpu.vector_load %arg12[%get3A_659, %get3A_660] {strides = array<i32>} : memref<32x128xf32, #tpu.memory_space<vmem>>, vector<1x16xf32>,
        %get3A_662 = vector.shape_cast %get3A_661 : vector<1x16xf32> to vector<16xf32>
        %add3A_663 = arith.constant 16 : i32
        %add3A_664 = arith.addi %add3A_663, %scan3A_299 : i32
        %get3A_665 = arith.constant 0 : i32
        %get3A_666 = arith.index_cast %add3A_664 : i32 to index
        %get3A_667 = arith.index_cast %get3A_665 : i32 to index
        %get3A_668 = arith.constant 16 : index
        %get3A_669 = tpu.vector_load %arg11[%get3A_666, %get3A_667, %get3A_668] {strides = array<i32>} : memref<32x2x128xf32, #tpu.memory_space<vmem>>, vector<1x1x16xf32>,
        %get3A_670 = vector.shape_cast %get3A_669 : vector<1x1x16xf32> to vector<16xf32>
        %add3A_671 = arith.addf %get3A_662, %get3A_670 : vector<16xf32>
        %add3A_672 = arith.constant 256 : i32
        %add3A_673 = arith.addi %add3A_672, %scan3A_299 : i32
        %swap3A_674 = arith.index_cast %add3A_673 : i32 to index
        %swap3A_675 = arith.constant 16 : index
        %swap3A_676 = tpu.vector_load %arg13[%swap3A_674, %swap3A_675] {strides = array<i32>} : memref<320x128xf32, #tpu.memory_space<vmem>>, vector<1x16xf32>,
        %swap3A_677 = vector.shape_cast %swap3A_676 : vector<1x16xf32> to vector<16xf32>
        %swap3A_678 = vector.shape_cast %add3A_671 : vector<16xf32> to vector<1x16xf32>
        tpu.vector_store %arg13[%swap3A_674, %swap3A_675], %swap3A_678 {strides = array<i32>} : memref<320x128xf32, #tpu.memory_space<vmem>>, vector<1x16xf32>,
        %get3A_679 = arith.constant 16 : i32
        %get3A_680 = arith.index_cast %get3A_679 : i32 to index
        %get3A_681 = arith.constant 32 : index
        %get3A_682 = tpu.vector_load %arg12[%get3A_680, %get3A_681] {strides = array<i32>} : memref<32x128xf32, #tpu.memory_space<vmem>>, vector<1x16xf32>,
        %get3A_683 = vector.shape_cast %get3A_682 : vector<1x16xf32> to vector<16xf32>
        %add3A_684 = arith.constant 16 : i32
        %add3A_685 = arith.addi %add3A_684, %scan3A_299 : i32
        %get3A_686 = arith.constant 0 : i32
        %get3A_687 = arith.index_cast %add3A_685 : i32 to index
        %get3A_688 = arith.index_cast %get3A_686 : i32 to index
        %get3A_689 = arith.constant 32 : index
        %get3A_690 = tpu.vector_load %arg11[%get3A_687, %get3A_688, %get3A_689] {strides = array<i32>} : memref<32x2x128xf32, #tpu.memory_space<vmem>>, vector<1x1x16xf32>,
        %get3A_691 = vector.shape_cast %get3A_690 : vector<1x1x16xf32> to vector<16xf32>
        %add3A_692 = arith.addf %get3A_683, %get3A_691 : vector<16xf32>
        %add3A_693 = arith.constant 256 : i32
        %add3A_694 = arith.addi %add3A_693, %scan3A_299 : i32
        %swap3A_695 = arith.index_cast %add3A_694 : i32 to index
        %swap3A_696 = arith.constant 32 : index
        %swap3A_697 = tpu.vector_load %arg13[%swap3A_695, %swap3A_696] {strides = array<i32>} : memref<320x128xf32, #tpu.memory_space<vmem>>, vector<1x16xf32>,
        %swap3A_698 = vector.shape_cast %swap3A_697 : vector<1x16xf32> to vector<16xf32>
        %swap3A_699 = vector.shape_cast %add3A_692 : vector<16xf32> to vector<1x16xf32>
        tpu.vector_store %arg13[%swap3A_695, %swap3A_696], %swap3A_699 {strides = array<i32>} : memref<320x128xf32, #tpu.memory_space<vmem>>, vector<1x16xf32>,
        %get3A_700 = arith.constant 16 : i32
        %get3A_701 = arith.index_cast %get3A_700 : i32 to index
        %get3A_702 = arith.constant 48 : index
        %get3A_703 = tpu.vector_load %arg12[%get3A_701, %get3A_702] {strides = array<i32>} : memref<32x128xf32, #tpu.memory_space<vmem>>, vector<1x16xf32>,
        %get3A_704 = vector.shape_cast %get3A_703 : vector<1x16xf32> to vector<16xf32>
        %add3A_705 = arith.constant 16 : i32
        %add3A_706 = arith.addi %add3A_705, %scan3A_299 : i32
        %get3A_707 = arith.constant 0 : i32
        %get3A_708 = arith.index_cast %add3A_706 : i32 to index
        %get3A_709 = arith.index_cast %get3A_707 : i32 to index
        %get3A_710 = arith.constant 48 : index
        %get3A_711 = tpu.vector_load %arg11[%get3A_708, %get3A_709, %get3A_710] {strides = array<i32>} : memref<32x2x128xf32, #tpu.memory_space<vmem>>, vector<1x1x16xf32>,
        %get3A_712 = vector.shape_cast %get3A_711 : vector<1x1x16xf32> to vector<16xf32>
        %add3A_713 = arith.addf %get3A_704, %get3A_712 : vector<16xf32>
        %add3A_714 = arith.constant 256 : i32
        %add3A_715 = arith.addi %add3A_714, %scan3A_299 : i32
        %swap3A_716 = arith.index_cast %add3A_715 : i32 to index
        %swap3A_717 = arith.constant 48 : index
        %swap3A_718 = tpu.vector_load %arg13[%swap3A_716, %swap3A_717] {strides = array<i32>} : memref<320x128xf32, #tpu.memory_space<vmem>>, vector<1x16xf32>,
        %swap3A_719 = vector.shape_cast %swap3A_718 : vector<1x16xf32> to vector<16xf32>
        %swap3A_720 = vector.shape_cast %add3A_713 : vector<16xf32> to vector<1x16xf32>
        tpu.vector_store %arg13[%swap3A_716, %swap3A_717], %swap3A_720 {strides = array<i32>} : memref<320x128xf32, #tpu.memory_space<vmem>>, vector<1x16xf32>,
        %get3A_721 = arith.constant 16 : i32
        %get3A_722 = arith.index_cast %get3A_721 : i32 to index
        %get3A_723 = arith.constant 64 : index
        %get3A_724 = tpu.vector_load %arg12[%get3A_722, %get3A_723] {strides = array<i32>} : memref<32x128xf32, #tpu.memory_space<vmem>>, vector<1x16xf32>,
        %get3A_725 = vector.shape_cast %get3A_724 : vector<1x16xf32> to vector<16xf32>
        %add3A_726 = arith.constant 16 : i32
        %add3A_727 = arith.addi %add3A_726, %scan3A_299 : i32
        %get3A_728 = arith.constant 0 : i32
        %get3A_729 = arith.index_cast %add3A_727 : i32 to index
        %get3A_730 = arith.index_cast %get3A_728 : i32 to index
        %get3A_731 = arith.constant 64 : index
        %get3A_732 = tpu.vector_load %arg11[%get3A_729, %get3A_730, %get3A_731] {strides = array<i32>} : memref<32x2x128xf32, #tpu.memory_space<vmem>>, vector<1x1x16xf32>,
        %get3A_733 = vector.shape_cast %get3A_732 : vector<1x1x16xf32> to vector<16xf32>
        %add3A_734 = arith.addf %get3A_725, %get3A_733 : vector<16xf32>
        %add3A_735 = arith.constant 256 : i32
        %add3A_736 = arith.addi %add3A_735, %scan3A_299 : i32
        %swap3A_737 = arith.index_cast %add3A_736 : i32 to index
        %swap3A_738 = arith.constant 64 : index
        %swap3A_739 = tpu.vector_load %arg13[%swap3A_737, %swap3A_738] {strides = array<i32>} : memref<320x128xf32, #tpu.memory_space<vmem>>, vector<1x16xf32>,
        %swap3A_740 = vector.shape_cast %swap3A_739 : vector<1x16xf32> to vector<16xf32>
        %swap3A_741 = vector.shape_cast %add3A_734 : vector<16xf32> to vector<1x16xf32>
        tpu.vector_store %arg13[%swap3A_737, %swap3A_738], %swap3A_741 {strides = array<i32>} : memref<320x128xf32, #tpu.memory_space<vmem>>, vector<1x16xf32>,
        %get3A_742 = arith.constant 16 : i32
        %get3A_743 = arith.index_cast %get3A_742 : i32 to index
        %get3A_744 = arith.constant 80 : index
        %get3A_745 = tpu.vector_load %arg12[%get3A_743, %get3A_744] {strides = array<i32>} : memref<32x128xf32, #tpu.memory_space<vmem>>, vector<1x16xf32>,
        %get3A_746 = vector.shape_cast %get3A_745 : vector<1x16xf32> to vector<16xf32>
        %add3A_747 = arith.constant 16 : i32
        %add3A_748 = arith.addi %add3A_747, %scan3A_299 : i32
        %get3A_749 = arith.constant 0 : i32
        %get3A_750 = arith.index_cast %add3A_748 : i32 to index
        %get3A_751 = arith.index_cast %get3A_749 : i32 to index
        %get3A_752 = arith.constant 80 : index
        %get3A_753 = tpu.vector_load %arg11[%get3A_750, %get3A_751, %get3A_752] {strides = array<i32>} : memref<32x2x128xf32, #tpu.memory_space<vmem>>, vector<1x1x16xf32>,
        %get3A_754 = vector.shape_cast %get3A_753 : vector<1x1x16xf32> to vector<16xf32>
        %add3A_755 = arith.addf %get3A_746, %get3A_754 : vector<16xf32>
        %add3A_756 = arith.constant 256 : i32
        %add3A_757 = arith.addi %add3A_756, %scan3A_299 : i32
        %swap3A_758 = arith.index_cast %add3A_757 : i32 to index
        %swap3A_759 = arith.constant 80 : index
        %swap3A_760 = tpu.vector_load %arg13[%swap3A_758, %swap3A_759] {strides = array<i32>} : memref<320x128xf32, #tpu.memory_space<vmem>>, vector<1x16xf32>,
        %swap3A_761 = vector.shape_cast %swap3A_760 : vector<1x16xf32> to vector<16xf32>
        %swap3A_762 = vector.shape_cast %add3A_755 : vector<16xf32> to vector<1x16xf32>
        tpu.vector_store %arg13[%swap3A_758, %swap3A_759], %swap3A_762 {strides = array<i32>} : memref<320x128xf32, #tpu.memory_space<vmem>>, vector<1x16xf32>,
        %get3A_763 = arith.constant 16 : i32
        %get3A_764 = arith.index_cast %get3A_763 : i32 to index
        %get3A_765 = arith.constant 96 : index
        %get3A_766 = tpu.vector_load %arg12[%get3A_764, %get3A_765] {strides = array<i32>} : memref<32x128xf32, #tpu.memory_space<vmem>>, vector<1x16xf32>,
        %get3A_767 = vector.shape_cast %get3A_766 : vector<1x16xf32> to vector<16xf32>
        %add3A_768 = arith.constant 16 : i32
        %add3A_769 = arith.addi %add3A_768, %scan3A_299 : i32
        %get3A_770 = arith.constant 0 : i32
        %get3A_771 = arith.index_cast %add3A_769 : i32 to index
        %get3A_772 = arith.index_cast %get3A_770 : i32 to index
        %get3A_773 = arith.constant 96 : index
        %get3A_774 = tpu.vector_load %arg11[%get3A_771, %get3A_772, %get3A_773] {strides = array<i32>} : memref<32x2x128xf32, #tpu.memory_space<vmem>>, vector<1x1x16xf32>,
        %get3A_775 = vector.shape_cast %get3A_774 : vector<1x1x16xf32> to vector<16xf32>
        %add3A_776 = arith.addf %get3A_767, %get3A_775 : vector<16xf32>
        %add3A_777 = arith.constant 256 : i32
        %add3A_778 = arith.addi %add3A_777, %scan3A_299 : i32
        %swap3A_779 = arith.index_cast %add3A_778 : i32 to index
        %swap3A_780 = arith.constant 96 : index
        %swap3A_781 = tpu.vector_load %arg13[%swap3A_779, %swap3A_780] {strides = array<i32>} : memref<320x128xf32, #tpu.memory_space<vmem>>, vector<1x16xf32>,
        %swap3A_782 = vector.shape_cast %swap3A_781 : vector<1x16xf32> to vector<16xf32>
        %swap3A_783 = vector.shape_cast %add3A_776 : vector<16xf32> to vector<1x16xf32>
        tpu.vector_store %arg13[%swap3A_779, %swap3A_780], %swap3A_783 {strides = array<i32>} : memref<320x128xf32, #tpu.memory_space<vmem>>, vector<1x16xf32>,
        %get3A_784 = arith.constant 16 : i32
        %get3A_785 = arith.index_cast %get3A_784 : i32 to index
        %get3A_786 = arith.constant 112 : index
        %get3A_787 = tpu.vector_load %arg12[%get3A_785, %get3A_786] {strides = array<i32>} : memref<32x128xf32, #tpu.memory_space<vmem>>, vector<1x16xf32>,
        %get3A_788 = vector.shape_cast %get3A_787 : vector<1x16xf32> to vector<16xf32>
        %add3A_789 = arith.constant 16 : i32
        %add3A_790 = arith.addi %add3A_789, %scan3A_299 : i32
        %get3A_791 = arith.constant 0 : i32
        %get3A_792 = arith.index_cast %add3A_790 : i32 to index
        %get3A_793 = arith.index_cast %get3A_791 : i32 to index
        %get3A_794 = arith.constant 112 : index
        %get3A_795 = tpu.vector_load %arg11[%get3A_792, %get3A_793, %get3A_794] {strides = array<i32>} : memref<32x2x128xf32, #tpu.memory_space<vmem>>, vector<1x1x16xf32>,
        %get3A_796 = vector.shape_cast %get3A_795 : vector<1x1x16xf32> to vector<16xf32>
        %add3A_797 = arith.addf %get3A_788, %get3A_796 : vector<16xf32>
        %add3A_798 = arith.constant 256 : i32
        %add3A_799 = arith.addi %add3A_798, %scan3A_299 : i32
        %swap3A_800 = arith.index_cast %add3A_799 : i32 to index
        %swap3A_801 = arith.constant 112 : index
        %swap3A_802 = tpu.vector_load %arg13[%swap3A_800, %swap3A_801] {strides = array<i32>} : memref<320x128xf32, #tpu.memory_space<vmem>>, vector<1x16xf32>,
        %swap3A_803 = vector.shape_cast %swap3A_802 : vector<1x16xf32> to vector<16xf32>
        %swap3A_804 = vector.shape_cast %add3A_797 : vector<16xf32> to vector<1x16xf32>
        tpu.vector_store %arg13[%swap3A_800, %swap3A_801], %swap3A_804 {strides = array<i32>} : memref<320x128xf32, #tpu.memory_space<vmem>>, vector<1x16xf32>,
        %get3A_805 = arith.constant 17 : i32
        %get3A_806 = arith.index_cast %get3A_805 : i32 to index
        %get3A_807 = arith.constant 0 : index
        %get3A_808 = tpu.vector_load %arg12[%get3A_806, %get3A_807] {strides = array<i32>} : memref<32x128xf32, #tpu.memory_space<vmem>>, vector<1x16xf32>,
        %get3A_809 = vector.shape_cast %get3A_808 : vector<1x16xf32> to vector<16xf32>
        %add3A_810 = arith.constant 16 : i32
        %add3A_811 = arith.addi %add3A_810, %scan3A_299 : i32
        %get3A_812 = arith.constant 1 : i32
        %get3A_813 = arith.index_cast %add3A_811 : i32 to index
        %get3A_814 = arith.index_cast %get3A_812 : i32 to index
        %get3A_815 = arith.constant 0 : index
        %get3A_816 = tpu.vector_load %arg11[%get3A_813, %get3A_814, %get3A_815] {strides = array<i32>} : memref<32x2x128xf32, #tpu.memory_space<vmem>>, vector<1x1x16xf32>,
        %get3A_817 = vector.shape_cast %get3A_816 : vector<1x1x16xf32> to vector<16xf32>
        %add3A_818 = arith.addf %get3A_809, %get3A_817 : vector<16xf32>
        %add3A_819 = arith.constant 272 : i32
        %add3A_820 = arith.addi %add3A_819, %scan3A_299 : i32
        %swap3A_821 = arith.index_cast %add3A_820 : i32 to index
        %swap3A_822 = arith.constant 0 : index
        %swap3A_823 = tpu.vector_load %arg13[%swap3A_821, %swap3A_822] {strides = array<i32>} : memref<320x128xf32, #tpu.memory_space<vmem>>, vector<1x16xf32>,
        %swap3A_824 = vector.shape_cast %swap3A_823 : vector<1x16xf32> to vector<16xf32>
        %swap3A_825 = vector.shape_cast %add3A_818 : vector<16xf32> to vector<1x16xf32>
        tpu.vector_store %arg13[%swap3A_821, %swap3A_822], %swap3A_825 {strides = array<i32>} : memref<320x128xf32, #tpu.memory_space<vmem>>, vector<1x16xf32>,
        %get3A_826 = arith.constant 17 : i32
        %get3A_827 = arith.index_cast %get3A_826 : i32 to index
        %get3A_828 = arith.constant 16 : index
        %get3A_829 = tpu.vector_load %arg12[%get3A_827, %get3A_828] {strides = array<i32>} : memref<32x128xf32, #tpu.memory_space<vmem>>, vector<1x16xf32>,
        %get3A_830 = vector.shape_cast %get3A_829 : vector<1x16xf32> to vector<16xf32>
        %add3A_831 = arith.constant 16 : i32
        %add3A_832 = arith.addi %add3A_831, %scan3A_299 : i32
        %get3A_833 = arith.constant 1 : i32
        %get3A_834 = arith.index_cast %add3A_832 : i32 to index
        %get3A_835 = arith.index_cast %get3A_833 : i32 to index
        %get3A_836 = arith.constant 16 : index
        %get3A_837 = tpu.vector_load %arg11[%get3A_834, %get3A_835, %get3A_836] {strides = array<i32>} : memref<32x2x128xf32, #tpu.memory_space<vmem>>, vector<1x1x16xf32>,
        %get3A_838 = vector.shape_cast %get3A_837 : vector<1x1x16xf32> to vector<16xf32>
        %add3A_839 = arith.addf %get3A_830, %get3A_838 : vector<16xf32>
        %add3A_840 = arith.constant 272 : i32
        %add3A_841 = arith.addi %add3A_840, %scan3A_299 : i32
        %swap3A_842 = arith.index_cast %add3A_841 : i32 to index
        %swap3A_843 = arith.constant 16 : index
        %swap3A_844 = tpu.vector_load %arg13[%swap3A_842, %swap3A_843] {strides = array<i32>} : memref<320x128xf32, #tpu.memory_space<vmem>>, vector<1x16xf32>,
        %swap3A_845 = vector.shape_cast %swap3A_844 : vector<1x16xf32> to vector<16xf32>
        %swap3A_846 = vector.shape_cast %add3A_839 : vector<16xf32> to vector<1x16xf32>
        tpu.vector_store %arg13[%swap3A_842, %swap3A_843], %swap3A_846 {strides = array<i32>} : memref<320x128xf32, #tpu.memory_space<vmem>>, vector<1x16xf32>,
        %get3A_847 = arith.constant 17 : i32
        %get3A_848 = arith.index_cast %get3A_847 : i32 to index
        %get3A_849 = arith.constant 32 : index
        %get3A_850 = tpu.vector_load %arg12[%get3A_848, %get3A_849] {strides = array<i32>} : memref<32x128xf32, #tpu.memory_space<vmem>>, vector<1x16xf32>,
        %get3A_851 = vector.shape_cast %get3A_850 : vector<1x16xf32> to vector<16xf32>
        %add3A_852 = arith.constant 16 : i32
        %add3A_853 = arith.addi %add3A_852, %scan3A_299 : i32
        %get3A_854 = arith.constant 1 : i32
        %get3A_855 = arith.index_cast %add3A_853 : i32 to index
        %get3A_856 = arith.index_cast %get3A_854 : i32 to index
        %get3A_857 = arith.constant 32 : index
        %get3A_858 = tpu.vector_load %arg11[%get3A_855, %get3A_856, %get3A_857] {strides = array<i32>} : memref<32x2x128xf32, #tpu.memory_space<vmem>>, vector<1x1x16xf32>,
        %get3A_859 = vector.shape_cast %get3A_858 : vector<1x1x16xf32> to vector<16xf32>
        %add3A_860 = arith.addf %get3A_851, %get3A_859 : vector<16xf32>
        %add3A_861 = arith.constant 272 : i32
        %add3A_862 = arith.addi %add3A_861, %scan3A_299 : i32
        %swap3A_863 = arith.index_cast %add3A_862 : i32 to index
        %swap3A_864 = arith.constant 32 : index
        %swap3A_865 = tpu.vector_load %arg13[%swap3A_863, %swap3A_864] {strides = array<i32>} : memref<320x128xf32, #tpu.memory_space<vmem>>, vector<1x16xf32>,
        %swap3A_866 = vector.shape_cast %swap3A_865 : vector<1x16xf32> to vector<16xf32>
        %swap3A_867 = vector.shape_cast %add3A_860 : vector<16xf32> to vector<1x16xf32>
        tpu.vector_store %arg13[%swap3A_863, %swap3A_864], %swap3A_867 {strides = array<i32>} : memref<320x128xf32, #tpu.memory_space<vmem>>, vector<1x16xf32>,
        %get3A_868 = arith.constant 17 : i32
        %get3A_869 = arith.index_cast %get3A_868 : i32 to index
        %get3A_870 = arith.constant 48 : index
        %get3A_871 = tpu.vector_load %arg12[%get3A_869, %get3A_870] {strides = array<i32>} : memref<32x128xf32, #tpu.memory_space<vmem>>, vector<1x16xf32>,
        %get3A_872 = vector.shape_cast %get3A_871 : vector<1x16xf32> to vector<16xf32>
        %add3A_873 = arith.constant 16 : i32
        %add3A_874 = arith.addi %add3A_873, %scan3A_299 : i32
        %get3A_875 = arith.constant 1 : i32
        %get3A_876 = arith.index_cast %add3A_874 : i32 to index
        %get3A_877 = arith.index_cast %get3A_875 : i32 to index
        %get3A_878 = arith.constant 48 : index
        %get3A_879 = tpu.vector_load %arg11[%get3A_876, %get3A_877, %get3A_878] {strides = array<i32>} : memref<32x2x128xf32, #tpu.memory_space<vmem>>, vector<1x1x16xf32>,
        %get3A_880 = vector.shape_cast %get3A_879 : vector<1x1x16xf32> to vector<16xf32>
        %add3A_881 = arith.addf %get3A_872, %get3A_880 : vector<16xf32>
        %add3A_882 = arith.constant 272 : i32
        %add3A_883 = arith.addi %add3A_882, %scan3A_299 : i32
        %swap3A_884 = arith.index_cast %add3A_883 : i32 to index
        %swap3A_885 = arith.constant 48 : index
        %swap3A_886 = tpu.vector_load %arg13[%swap3A_884, %swap3A_885] {strides = array<i32>} : memref<320x128xf32, #tpu.memory_space<vmem>>, vector<1x16xf32>,
        %swap3A_887 = vector.shape_cast %swap3A_886 : vector<1x16xf32> to vector<16xf32>
        %swap3A_888 = vector.shape_cast %add3A_881 : vector<16xf32> to vector<1x16xf32>
        tpu.vector_store %arg13[%swap3A_884, %swap3A_885], %swap3A_888 {strides = array<i32>} : memref<320x128xf32, #tpu.memory_space<vmem>>, vector<1x16xf32>,
        %get3A_889 = arith.constant 17 : i32
        %get3A_890 = arith.index_cast %get3A_889 : i32 to index
        %get3A_891 = arith.constant 64 : index
        %get3A_892 = tpu.vector_load %arg12[%get3A_890, %get3A_891] {strides = array<i32>} : memref<32x128xf32, #tpu.memory_space<vmem>>, vector<1x16xf32>,
        %get3A_893 = vector.shape_cast %get3A_892 : vector<1x16xf32> to vector<16xf32>
        %add3A_894 = arith.constant 16 : i32
        %add3A_895 = arith.addi %add3A_894, %scan3A_299 : i32
        %get3A_896 = arith.constant 1 : i32
        %get3A_897 = arith.index_cast %add3A_895 : i32 to index
        %get3A_898 = arith.index_cast %get3A_896 : i32 to index
        %get3A_899 = arith.constant 64 : index
        %get3A_900 = tpu.vector_load %arg11[%get3A_897, %get3A_898, %get3A_899] {strides = array<i32>} : memref<32x2x128xf32, #tpu.memory_space<vmem>>, vector<1x1x16xf32>,
        %get3A_901 = vector.shape_cast %get3A_900 : vector<1x1x16xf32> to vector<16xf32>
        %add3A_902 = arith.addf %get3A_893, %get3A_901 : vector<16xf32>
        %add3A_903 = arith.constant 272 : i32
        %add3A_904 = arith.addi %add3A_903, %scan3A_299 : i32
        %swap3A_905 = arith.index_cast %add3A_904 : i32 to index
        %swap3A_906 = arith.constant 64 : index
        %swap3A_907 = tpu.vector_load %arg13[%swap3A_905, %swap3A_906] {strides = array<i32>} : memref<320x128xf32, #tpu.memory_space<vmem>>, vector<1x16xf32>,
        %swap3A_908 = vector.shape_cast %swap3A_907 : vector<1x16xf32> to vector<16xf32>
        %swap3A_909 = vector.shape_cast %add3A_902 : vector<16xf32> to vector<1x16xf32>
        tpu.vector_store %arg13[%swap3A_905, %swap3A_906], %swap3A_909 {strides = array<i32>} : memref<320x128xf32, #tpu.memory_space<vmem>>, vector<1x16xf32>,
        %get3A_910 = arith.constant 17 : i32
        %get3A_911 = arith.index_cast %get3A_910 : i32 to index
        %get3A_912 = arith.constant 80 : index
        %get3A_913 = tpu.vector_load %arg12[%get3A_911, %get3A_912] {strides = array<i32>} : memref<32x128xf32, #tpu.memory_space<vmem>>, vector<1x16xf32>,
        %get3A_914 = vector.shape_cast %get3A_913 : vector<1x16xf32> to vector<16xf32>
        %add3A_915 = arith.constant 16 : i32
        %add3A_916 = arith.addi %add3A_915, %scan3A_299 : i32
        %get3A_917 = arith.constant 1 : i32
        %get3A_918 = arith.index_cast %add3A_916 : i32 to index
        %get3A_919 = arith.index_cast %get3A_917 : i32 to index
        %get3A_920 = arith.constant 80 : index
        %get3A_921 = tpu.vector_load %arg11[%get3A_918, %get3A_919, %get3A_920] {strides = array<i32>} : memref<32x2x128xf32, #tpu.memory_space<vmem>>, vector<1x1x16xf32>,
        %get3A_922 = vector.shape_cast %get3A_921 : vector<1x1x16xf32> to vector<16xf32>
        %add3A_923 = arith.addf %get3A_914, %get3A_922 : vector<16xf32>
        %add3A_924 = arith.constant 272 : i32
        %add3A_925 = arith.addi %add3A_924, %scan3A_299 : i32
        %swap3A_926 = arith.index_cast %add3A_925 : i32 to index
        %swap3A_927 = arith.constant 80 : index
        %swap3A_928 = tpu.vector_load %arg13[%swap3A_926, %swap3A_927] {strides = array<i32>} : memref<320x128xf32, #tpu.memory_space<vmem>>, vector<1x16xf32>,
        %swap3A_929 = vector.shape_cast %swap3A_928 : vector<1x16xf32> to vector<16xf32>
        %swap3A_930 = vector.shape_cast %add3A_923 : vector<16xf32> to vector<1x16xf32>
        tpu.vector_store %arg13[%swap3A_926, %swap3A_927], %swap3A_930 {strides = array<i32>} : memref<320x128xf32, #tpu.memory_space<vmem>>, vector<1x16xf32>,
        %get3A_931 = arith.constant 17 : i32
        %get3A_932 = arith.index_cast %get3A_931 : i32 to index
        %get3A_933 = arith.constant 96 : index
        %get3A_934 = tpu.vector_load %arg12[%get3A_932, %get3A_933] {strides = array<i32>} : memref<32x128xf32, #tpu.memory_space<vmem>>, vector<1x16xf32>,
        %get3A_935 = vector.shape_cast %get3A_934 : vector<1x16xf32> to vector<16xf32>
        %add3A_936 = arith.constant 16 : i32
        %add3A_937 = arith.addi %add3A_936, %scan3A_299 : i32
        %get3A_938 = arith.constant 1 : i32
        %get3A_939 = arith.index_cast %add3A_937 : i32 to index
        %get3A_940 = arith.index_cast %get3A_938 : i32 to index
        %get3A_941 = arith.constant 96 : index
        %get3A_942 = tpu.vector_load %arg11[%get3A_939, %get3A_940, %get3A_941] {strides = array<i32>} : memref<32x2x128xf32, #tpu.memory_space<vmem>>, vector<1x1x16xf32>,
        %get3A_943 = vector.shape_cast %get3A_942 : vector<1x1x16xf32> to vector<16xf32>
        %add3A_944 = arith.addf %get3A_935, %get3A_943 : vector<16xf32>
        %add3A_945 = arith.constant 272 : i32
        %add3A_946 = arith.addi %add3A_945, %scan3A_299 : i32
        %swap3A_947 = arith.index_cast %add3A_946 : i32 to index
        %swap3A_948 = arith.constant 96 : index
        %swap3A_949 = tpu.vector_load %arg13[%swap3A_947, %swap3A_948] {strides = array<i32>} : memref<320x128xf32, #tpu.memory_space<vmem>>, vector<1x16xf32>,
        %swap3A_950 = vector.shape_cast %swap3A_949 : vector<1x16xf32> to vector<16xf32>
        %swap3A_951 = vector.shape_cast %add3A_944 : vector<16xf32> to vector<1x16xf32>
        tpu.vector_store %arg13[%swap3A_947, %swap3A_948], %swap3A_951 {strides = array<i32>} : memref<320x128xf32, #tpu.memory_space<vmem>>, vector<1x16xf32>,
        %get3A_952 = arith.constant 17 : i32
        %get3A_953 = arith.index_cast %get3A_952 : i32 to index
        %get3A_954 = arith.constant 112 : index
        %get3A_955 = tpu.vector_load %arg12[%get3A_953, %get3A_954] {strides = array<i32>} : memref<32x128xf32, #tpu.memory_space<vmem>>, vector<1x16xf32>,
        %get3A_956 = vector.shape_cast %get3A_955 : vector<1x16xf32> to vector<16xf32>
        %add3A_957 = arith.constant 16 : i32
        %add3A_958 = arith.addi %add3A_957, %scan3A_299 : i32
        %get3A_959 = arith.constant 1 : i32
        %get3A_960 = arith.index_cast %add3A_958 : i32 to index
        %get3A_961 = arith.index_cast %get3A_959 : i32 to index
        %get3A_962 = arith.constant 112 : index
        %get3A_963 = tpu.vector_load %arg11[%get3A_960, %get3A_961, %get3A_962] {strides = array<i32>} : memref<32x2x128xf32, #tpu.memory_space<vmem>>, vector<1x1x16xf32>,
        %get3A_964 = vector.shape_cast %get3A_963 : vector<1x1x16xf32> to vector<16xf32>
        %add3A_965 = arith.addf %get3A_956, %get3A_964 : vector<16xf32>
        %add3A_966 = arith.constant 272 : i32
        %add3A_967 = arith.addi %add3A_966, %scan3A_299 : i32
        %swap3A_968 = arith.index_cast %add3A_967 : i32 to index
        %swap3A_969 = arith.constant 112 : index
        %swap3A_970 = tpu.vector_load %arg13[%swap3A_968, %swap3A_969] {strides = array<i32>} : memref<320x128xf32, #tpu.memory_space<vmem>>, vector<1x16xf32>,
        %swap3A_971 = vector.shape_cast %swap3A_970 : vector<1x16xf32> to vector<16xf32>
        %swap3A_972 = vector.shape_cast %add3A_965 : vector<16xf32> to vector<1x16xf32>
        tpu.vector_store %arg13[%swap3A_968, %swap3A_969], %swap3A_972 {strides = array<i32>} : memref<320x128xf32, #tpu.memory_space<vmem>>, vector<1x16xf32>,
        %scan3A_973 = arith.constant 0 : i32
        scf.yield %scan3A_973 : i32
      }
      %scan3A_281 = arith.constant 16 : i32
      %dma_wait3A_282 = arith.constant 4 : i32
      %dma_wait3A_283 = arith.constant 0 : i32
      %dma_wait3A_284 = tpu.memref_slice %arg8[%dma_wait3A_282, %dma_wait3A_283] : memref<5x32xi32, #tpu.memory_space<vmem>> -> memref<1x32xi32, #tpu.memory_space<vmem>>
      %dma_wait3A_285 = tpu.memref_squeeze %dma_wait3A_284 : memref<1x32xi32, #tpu.memory_space<vmem>> -> memref<32xi32, #tpu.memory_space<vmem>>
      %dma_wait3A_286 = arith.constant 0 : i32
      %dma_wait3A_287 = arith.constant 0 : i32
      %dma_wait3A_288 = arith.constant 0 : i32
      %dma_wait3A_289 = tpu.memref_slice %arg2[%dma_wait3A_286, %dma_wait3A_287, %dma_wait3A_288] : memref<200000x2x128xf32, #tpu.memory_space<hbm>> -> memref<200000x2x128xf32, #tpu.memory_space<hbm>>
      tpu.wait_indirect_dma semaphore(%arg14 : memref<!tpu.dma_semaphore, #tpu.memory_space<semaphore_mem>>) src(%dma_wait3A_289 : memref<200000x2x128xf32, #tpu.memory_space<hbm>>) dst(%arg10 : memref<32x2x128xf32, #tpu.memory_space<vmem>>)
      %scan3A_290 = arith.constant 0 : i32
      %scan3A_291 = arith.constant 0 : i32
      %scan3A_292 = arith.constant 16 : i32
      %scan3A_293 = arith.addi %scan3A_291, %scan3A_292 : i32
      %scan3A_294 = arith.constant 1 : i32
      %scan3A_295 = scf.for %scan3A_299 = %scan3A_291 to %scan3A_293 step %scan3A_294 iter_args(%scan3A_300 = %scan3A_290) -> (i32)  : i32 {
        %get3A_301 = arith.constant 8 : i32
        %get3A_302 = arith.index_cast %get3A_301 : i32 to index
        %get3A_303 = arith.constant 0 : index
        %get3A_304 = tpu.vector_load %arg12[%get3A_302, %get3A_303] {strides = array<i32>} : memref<32x128xf32, #tpu.memory_space<vmem>>, vector<1x16xf32>,
        %get3A_305 = vector.shape_cast %get3A_304 : vector<1x16xf32> to vector<16xf32>
        %add3A_306 = arith.constant 0 : i32
        %add3A_307 = arith.addi %add3A_306, %scan3A_299 : i32
        %get3A_308 = arith.constant 0 : i32
        %get3A_309 = arith.index_cast %add3A_307 : i32 to index
        %get3A_310 = arith.index_cast %get3A_308 : i32 to index
        %get3A_311 = arith.constant 0 : index
        %get3A_312 = tpu.vector_load %arg10[%get3A_309, %get3A_310, %get3A_311] {strides = array<i32>} : memref<32x2x128xf32, #tpu.memory_space<vmem>>, vector<1x1x16xf32>,
        %get3A_313 = vector.shape_cast %get3A_312 : vector<1x1x16xf32> to vector<16xf32>
        %add3A_314 = arith.addf %get3A_305, %get3A_313 : vector<16xf32>
        %add3A_315 = arith.constant 128 : i32
        %add3A_316 = arith.addi %add3A_315, %scan3A_299 : i32
        %swap3A_317 = arith.index_cast %add3A_316 : i32 to index
        %swap3A_318 = arith.constant 0 : index
        %swap3A_319 = tpu.vector_load %arg13[%swap3A_317, %swap3A_318] {strides = array<i32>} : memref<320x128xf32, #tpu.memory_space<vmem>>, vector<1x16xf32>,
        %swap3A_320 = vector.shape_cast %swap3A_319 : vector<1x16xf32> to vector<16xf32>
        %swap3A_321 = vector.shape_cast %add3A_314 : vector<16xf32> to vector<1x16xf32>
        tpu.vector_store %arg13[%swap3A_317, %swap3A_318], %swap3A_321 {strides = array<i32>} : memref<320x128xf32, #tpu.memory_space<vmem>>, vector<1x16xf32>,
        %get3A_322 = arith.constant 8 : i32
        %get3A_323 = arith.index_cast %get3A_322 : i32 to index
        %get3A_324 = arith.constant 16 : index
        %get3A_325 = tpu.vector_load %arg12[%get3A_323, %get3A_324] {strides = array<i32>} : memref<32x128xf32, #tpu.memory_space<vmem>>, vector<1x16xf32>,
        %get3A_326 = vector.shape_cast %get3A_325 : vector<1x16xf32> to vector<16xf32>
        %add3A_327 = arith.constant 0 : i32
        %add3A_328 = arith.addi %add3A_327, %scan3A_299 : i32
        %get3A_329 = arith.constant 0 : i32
        %get3A_330 = arith.index_cast %add3A_328 : i32 to index
        %get3A_331 = arith.index_cast %get3A_329 : i32 to index
        %get3A_332 = arith.constant 16 : index
        %get3A_333 = tpu.vector_load %arg10[%get3A_330, %get3A_331, %get3A_332] {strides = array<i32>} : memref<32x2x128xf32, #tpu.memory_space<vmem>>, vector<1x1x16xf32>,
        %get3A_334 = vector.shape_cast %get3A_333 : vector<1x1x16xf32> to vector<16xf32>
        %add3A_335 = arith.addf %get3A_326, %get3A_334 : vector<16xf32>
        %add3A_336 = arith.constant 128 : i32
        %add3A_337 = arith.addi %add3A_336, %scan3A_299 : i32
        %swap3A_338 = arith.index_cast %add3A_337 : i32 to index
        %swap3A_339 = arith.constant 16 : index
        %swap3A_340 = tpu.vector_load %arg13[%swap3A_338, %swap3A_339] {strides = array<i32>} : memref<320x128xf32, #tpu.memory_space<vmem>>, vector<1x16xf32>,
        %swap3A_341 = vector.shape_cast %swap3A_340 : vector<1x16xf32> to vector<16xf32>
        %swap3A_342 = vector.shape_cast %add3A_335 : vector<16xf32> to vector<1x16xf32>
        tpu.vector_store %arg13[%swap3A_338, %swap3A_339], %swap3A_342 {strides = array<i32>} : memref<320x128xf32, #tpu.memory_space<vmem>>, vector<1x16xf32>,
        %get3A_343 = arith.constant 8 : i32
        %get3A_344 = arith.index_cast %get3A_343 : i32 to index
        %get3A_345 = arith.constant 32 : index
        %get3A_346 = tpu.vector_load %arg12[%get3A_344, %get3A_345] {strides = array<i32>} : memref<32x128xf32, #tpu.memory_space<vmem>>, vector<1x16xf32>,
        %get3A_347 = vector.shape_cast %get3A_346 : vector<1x16xf32> to vector<16xf32>
        %add3A_348 = arith.constant 0 : i32
        %add3A_349 = arith.addi %add3A_348, %scan3A_299 : i32
        %get3A_350 = arith.constant 0 : i32
        %get3A_351 = arith.index_cast %add3A_349 : i32 to index
        %get3A_352 = arith.index_cast %get3A_350 : i32 to index
        %get3A_353 = arith.constant 32 : index
        %get3A_354 = tpu.vector_load %arg10[%get3A_351, %get3A_352, %get3A_353] {strides = array<i32>} : memref<32x2x128xf32, #tpu.memory_space<vmem>>, vector<1x1x16xf32>,
        %get3A_355 = vector.shape_cast %get3A_354 : vector<1x1x16xf32> to vector<16xf32>
        %add3A_356 = arith.addf %get3A_347, %get3A_355 : vector<16xf32>
        %add3A_357 = arith.constant 128 : i32
        %add3A_358 = arith.addi %add3A_357, %scan3A_299 : i32
        %swap3A_359 = arith.index_cast %add3A_358 : i32 to index
        %swap3A_360 = arith.constant 32 : index
        %swap3A_361 = tpu.vector_load %arg13[%swap3A_359, %swap3A_360] {strides = array<i32>} : memref<320x128xf32, #tpu.memory_space<vmem>>, vector<1x16xf32>,
        %swap3A_362 = vector.shape_cast %swap3A_361 : vector<1x16xf32> to vector<16xf32>
        %swap3A_363 = vector.shape_cast %add3A_356 : vector<16xf32> to vector<1x16xf32>
        tpu.vector_store %arg13[%swap3A_359, %swap3A_360], %swap3A_363 {strides = array<i32>} : memref<320x128xf32, #tpu.memory_space<vmem>>, vector<1x16xf32>,
        %get3A_364 = arith.constant 8 : i32
        %get3A_365 = arith.index_cast %get3A_364 : i32 to index
        %get3A_366 = arith.constant 48 : index
        %get3A_367 = tpu.vector_load %arg12[%get3A_365, %get3A_366] {strides = array<i32>} : memref<32x128xf32, #tpu.memory_space<vmem>>, vector<1x16xf32>,
        %get3A_368 = vector.shape_cast %get3A_367 : vector<1x16xf32> to vector<16xf32>
        %add3A_369 = arith.constant 0 : i32
        %add3A_370 = arith.addi %add3A_369, %scan3A_299 : i32
        %get3A_371 = arith.constant 0 : i32
        %get3A_372 = arith.index_cast %add3A_370 : i32 to index
        %get3A_373 = arith.index_cast %get3A_371 : i32 to index
        %get3A_374 = arith.constant 48 : index
        %get3A_375 = tpu.vector_load %arg10[%get3A_372, %get3A_373, %get3A_374] {strides = array<i32>} : memref<32x2x128xf32, #tpu.memory_space<vmem>>, vector<1x1x16xf32>,
        %get3A_376 = vector.shape_cast %get3A_375 : vector<1x1x16xf32> to vector<16xf32>
        %add3A_377 = arith.addf %get3A_368, %get3A_376 : vector<16xf32>
        %add3A_378 = arith.constant 128 : i32
        %add3A_379 = arith.addi %add3A_378, %scan3A_299 : i32
        %swap3A_380 = arith.index_cast %add3A_379 : i32 to index
        %swap3A_381 = arith.constant 48 : index
        %swap3A_382 = tpu.vector_load %arg13[%swap3A_380, %swap3A_381] {strides = array<i32>} : memref<320x128xf32, #tpu.memory_space<vmem>>, vector<1x16xf32>,
        %swap3A_383 = vector.shape_cast %swap3A_382 : vector<1x16xf32> to vector<16xf32>
        %swap3A_384 = vector.shape_cast %add3A_377 : vector<16xf32> to vector<1x16xf32>
        tpu.vector_store %arg13[%swap3A_380, %swap3A_381], %swap3A_384 {strides = array<i32>} : memref<320x128xf32, #tpu.memory_space<vmem>>, vector<1x16xf32>,
        %get3A_385 = arith.constant 8 : i32
        %get3A_386 = arith.index_cast %get3A_385 : i32 to index
        %get3A_387 = arith.constant 64 : index
        %get3A_388 = tpu.vector_load %arg12[%get3A_386, %get3A_387] {strides = array<i32>} : memref<32x128xf32, #tpu.memory_space<vmem>>, vector<1x16xf32>,
        %get3A_389 = vector.shape_cast %get3A_388 : vector<1x16xf32> to vector<16xf32>
        %add3A_390 = arith.constant 0 : i32
        %add3A_391 = arith.addi %add3A_390, %scan3A_299 : i32
        %get3A_392 = arith.constant 0 : i32
        %get3A_393 = arith.index_cast %add3A_391 : i32 to index
        %get3A_394 = arith.index_cast %get3A_392 : i32 to index
        %get3A_395 = arith.constant 64 : index
        %get3A_396 = tpu.vector_load %arg10[%get3A_393, %get3A_394, %get3A_395] {strides = array<i32>} : memref<32x2x128xf32, #tpu.memory_space<vmem>>, vector<1x1x16xf32>,
        %get3A_397 = vector.shape_cast %get3A_396 : vector<1x1x16xf32> to vector<16xf32>
        %add3A_398 = arith.addf %get3A_389, %get3A_397 : vector<16xf32>
        %add3A_399 = arith.constant 128 : i32
        %add3A_400 = arith.addi %add3A_399, %scan3A_299 : i32
        %swap3A_401 = arith.index_cast %add3A_400 : i32 to index
        %swap3A_402 = arith.constant 64 : index
        %swap3A_403 = tpu.vector_load %arg13[%swap3A_401, %swap3A_402] {strides = array<i32>} : memref<320x128xf32, #tpu.memory_space<vmem>>, vector<1x16xf32>,
        %swap3A_404 = vector.shape_cast %swap3A_403 : vector<1x16xf32> to vector<16xf32>
        %swap3A_405 = vector.shape_cast %add3A_398 : vector<16xf32> to vector<1x16xf32>
        tpu.vector_store %arg13[%swap3A_401, %swap3A_402], %swap3A_405 {strides = array<i32>} : memref<320x128xf32, #tpu.memory_space<vmem>>, vector<1x16xf32>,
        %get3A_406 = arith.constant 8 : i32
        %get3A_407 = arith.index_cast %get3A_406 : i32 to index
        %get3A_408 = arith.constant 80 : index
        %get3A_409 = tpu.vector_load %arg12[%get3A_407, %get3A_408] {strides = array<i32>} : memref<32x128xf32, #tpu.memory_space<vmem>>, vector<1x16xf32>,
        %get3A_410 = vector.shape_cast %get3A_409 : vector<1x16xf32> to vector<16xf32>
        %add3A_411 = arith.constant 0 : i32
        %add3A_412 = arith.addi %add3A_411, %scan3A_299 : i32
        %get3A_413 = arith.constant 0 : i32
        %get3A_414 = arith.index_cast %add3A_412 : i32 to index
        %get3A_415 = arith.index_cast %get3A_413 : i32 to index
        %get3A_416 = arith.constant 80 : index
        %get3A_417 = tpu.vector_load %arg10[%get3A_414, %get3A_415, %get3A_416] {strides = array<i32>} : memref<32x2x128xf32, #tpu.memory_space<vmem>>, vector<1x1x16xf32>,
        %get3A_418 = vector.shape_cast %get3A_417 : vector<1x1x16xf32> to vector<16xf32>
        %add3A_419 = arith.addf %get3A_410, %get3A_418 : vector<16xf32>
        %add3A_420 = arith.constant 128 : i32
        %add3A_421 = arith.addi %add3A_420, %scan3A_299 : i32
        %swap3A_422 = arith.index_cast %add3A_421 : i32 to index
        %swap3A_423 = arith.constant 80 : index
        %swap3A_424 = tpu.vector_load %arg13[%swap3A_422, %swap3A_423] {strides = array<i32>} : memref<320x128xf32, #tpu.memory_space<vmem>>, vector<1x16xf32>,
        %swap3A_425 = vector.shape_cast %swap3A_424 : vector<1x16xf32> to vector<16xf32>
        %swap3A_426 = vector.shape_cast %add3A_419 : vector<16xf32> to vector<1x16xf32>
        tpu.vector_store %arg13[%swap3A_422, %swap3A_423], %swap3A_426 {strides = array<i32>} : memref<320x128xf32, #tpu.memory_space<vmem>>, vector<1x16xf32>,
        %get3A_427 = arith.constant 8 : i32
        %get3A_428 = arith.index_cast %get3A_427 : i32 to index
        %get3A_429 = arith.constant 96 : index
        %get3A_430 = tpu.vector_load %arg12[%get3A_428, %get3A_429] {strides = array<i32>} : memref<32x128xf32, #tpu.memory_space<vmem>>, vector<1x16xf32>,
        %get3A_431 = vector.shape_cast %get3A_430 : vector<1x16xf32> to vector<16xf32>
        %add3A_432 = arith.constant 0 : i32
        %add3A_433 = arith.addi %add3A_432, %scan3A_299 : i32
        %get3A_434 = arith.constant 0 : i32
        %get3A_435 = arith.index_cast %add3A_433 : i32 to index
        %get3A_436 = arith.index_cast %get3A_434 : i32 to index
        %get3A_437 = arith.constant 96 : index
        %get3A_438 = tpu.vector_load %arg10[%get3A_435, %get3A_436, %get3A_437] {strides = array<i32>} : memref<32x2x128xf32, #tpu.memory_space<vmem>>, vector<1x1x16xf32>,
        %get3A_439 = vector.shape_cast %get3A_438 : vector<1x1x16xf32> to vector<16xf32>
        %add3A_440 = arith.addf %get3A_431, %get3A_439 : vector<16xf32>
        %add3A_441 = arith.constant 128 : i32
        %add3A_442 = arith.addi %add3A_441, %scan3A_299 : i32
        %swap3A_443 = arith.index_cast %add3A_442 : i32 to index
        %swap3A_444 = arith.constant 96 : index
        %swap3A_445 = tpu.vector_load %arg13[%swap3A_443, %swap3A_444] {strides = array<i32>} : memref<320x128xf32, #tpu.memory_space<vmem>>, vector<1x16xf32>,
        %swap3A_446 = vector.shape_cast %swap3A_445 : vector<1x16xf32> to vector<16xf32>
        %swap3A_447 = vector.shape_cast %add3A_440 : vector<16xf32> to vector<1x16xf32>
        tpu.vector_store %arg13[%swap3A_443, %swap3A_444], %swap3A_447 {strides = array<i32>} : memref<320x128xf32, #tpu.memory_space<vmem>>, vector<1x16xf32>,
        %get3A_448 = arith.constant 8 : i32
        %get3A_449 = arith.index_cast %get3A_448 : i32 to index
        %get3A_450 = arith.constant 112 : index
        %get3A_451 = tpu.vector_load %arg12[%get3A_449, %get3A_450] {strides = array<i32>} : memref<32x128xf32, #tpu.memory_space<vmem>>, vector<1x16xf32>,
        %get3A_452 = vector.shape_cast %get3A_451 : vector<1x16xf32> to vector<16xf32>
        %add3A_453 = arith.constant 0 : i32
        %add3A_454 = arith.addi %add3A_453, %scan3A_299 : i32
        %get3A_455 = arith.constant 0 : i32
        %get3A_456 = arith.index_cast %add3A_454 : i32 to index
        %get3A_457 = arith.index_cast %get3A_455 : i32 to index
        %get3A_458 = arith.constant 112 : index
        %get3A_459 = tpu.vector_load %arg10[%get3A_456, %get3A_457, %get3A_458] {strides = array<i32>} : memref<32x2x128xf32, #tpu.memory_space<vmem>>, vector<1x1x16xf32>,
        %get3A_460 = vector.shape_cast %get3A_459 : vector<1x1x16xf32> to vector<16xf32>
        %add3A_461 = arith.addf %get3A_452, %get3A_460 : vector<16xf32>
        %add3A_462 = arith.constant 128 : i32
        %add3A_463 = arith.addi %add3A_462, %scan3A_299 : i32
        %swap3A_464 = arith.index_cast %add3A_463 : i32 to index
        %swap3A_465 = arith.constant 112 : index
        %swap3A_466 = tpu.vector_load %arg13[%swap3A_464, %swap3A_465] {strides = array<i32>} : memref<320x128xf32, #tpu.memory_space<vmem>>, vector<1x16xf32>,
        %swap3A_467 = vector.shape_cast %swap3A_466 : vector<1x16xf32> to vector<16xf32>
        %swap3A_468 = vector.shape_cast %add3A_461 : vector<16xf32> to vector<1x16xf32>
        tpu.vector_store %arg13[%swap3A_464, %swap3A_465], %swap3A_468 {strides = array<i32>} : memref<320x128xf32, #tpu.memory_space<vmem>>, vector<1x16xf32>,
        %get3A_469 = arith.constant 9 : i32
        %get3A_470 = arith.index_cast %get3A_469 : i32 to index
        %get3A_471 = arith.constant 0 : index
        %get3A_472 = tpu.vector_load %arg12[%get3A_470, %get3A_471] {strides = array<i32>} : memref<32x128xf32, #tpu.memory_space<vmem>>, vector<1x16xf32>,
        %get3A_473 = vector.shape_cast %get3A_472 : vector<1x16xf32> to vector<16xf32>
        %add3A_474 = arith.constant 0 : i32
        %add3A_475 = arith.addi %add3A_474, %scan3A_299 : i32
        %get3A_476 = arith.constant 1 : i32
        %get3A_477 = arith.index_cast %add3A_475 : i32 to index
        %get3A_478 = arith.index_cast %get3A_476 : i32 to index
        %get3A_479 = arith.constant 0 : index
        %get3A_480 = tpu.vector_load %arg10[%get3A_477, %get3A_478, %get3A_479] {strides = array<i32>} : memref<32x2x128xf32, #tpu.memory_space<vmem>>, vector<1x1x16xf32>,
        %get3A_481 = vector.shape_cast %get3A_480 : vector<1x1x16xf32> to vector<16xf32>
        %add3A_482 = arith.addf %get3A_473, %get3A_481 : vector<16xf32>
        %add3A_483 = arith.constant 144 : i32
        %add3A_484 = arith.addi %add3A_483, %scan3A_299 : i32
        %swap3A_485 = arith.index_cast %add3A_484 : i32 to index
        %swap3A_486 = arith.constant 0 : index
        %swap3A_487 = tpu.vector_load %arg13[%swap3A_485, %swap3A_486] {strides = array<i32>} : memref<320x128xf32, #tpu.memory_space<vmem>>, vector<1x16xf32>,
        %swap3A_488 = vector.shape_cast %swap3A_487 : vector<1x16xf32> to vector<16xf32>
        %swap3A_489 = vector.shape_cast %add3A_482 : vector<16xf32> to vector<1x16xf32>
        tpu.vector_store %arg13[%swap3A_485, %swap3A_486], %swap3A_489 {strides = array<i32>} : memref<320x128xf32, #tpu.memory_space<vmem>>, vector<1x16xf32>,
        %get3A_490 = arith.constant 9 : i32
        %get3A_491 = arith.index_cast %get3A_490 : i32 to index
        %get3A_492 = arith.constant 16 : index
        %get3A_493 = tpu.vector_load %arg12[%get3A_491, %get3A_492] {strides = array<i32>} : memref<32x128xf32, #tpu.memory_space<vmem>>, vector<1x16xf32>,
        %get3A_494 = vector.shape_cast %get3A_493 : vector<1x16xf32> to vector<16xf32>
        %add3A_495 = arith.constant 0 : i32
        %add3A_496 = arith.addi %add3A_495, %scan3A_299 : i32
        %get3A_497 = arith.constant 1 : i32
        %get3A_498 = arith.index_cast %add3A_496 : i32 to index
        %get3A_499 = arith.index_cast %get3A_497 : i32 to index
        %get3A_500 = arith.constant 16 : index
        %get3A_501 = tpu.vector_load %arg10[%get3A_498, %get3A_499, %get3A_500] {strides = array<i32>} : memref<32x2x128xf32, #tpu.memory_space<vmem>>, vector<1x1x16xf32>,
        %get3A_502 = vector.shape_cast %get3A_501 : vector<1x1x16xf32> to vector<16xf32>
        %add3A_503 = arith.addf %get3A_494, %get3A_502 : vector<16xf32>
        %add3A_504 = arith.constant 144 : i32
        %add3A_505 = arith.addi %add3A_504, %scan3A_299 : i32
        %swap3A_506 = arith.index_cast %add3A_505 : i32 to index
        %swap3A_507 = arith.constant 16 : index
        %swap3A_508 = tpu.vector_load %arg13[%swap3A_506, %swap3A_507] {strides = array<i32>} : memref<320x128xf32, #tpu.memory_space<vmem>>, vector<1x16xf32>,
        %swap3A_509 = vector.shape_cast %swap3A_508 : vector<1x16xf32> to vector<16xf32>
        %swap3A_510 = vector.shape_cast %add3A_503 : vector<16xf32> to vector<1x16xf32>
        tpu.vector_store %arg13[%swap3A_506, %swap3A_507], %swap3A_510 {strides = array<i32>} : memref<320x128xf32, #tpu.memory_space<vmem>>, vector<1x16xf32>,
        %get3A_511 = arith.constant 9 : i32
        %get3A_512 = arith.index_cast %get3A_511 : i32 to index
        %get3A_513 = arith.constant 32 : index
        %get3A_514 = tpu.vector_load %arg12[%get3A_512, %get3A_513] {strides = array<i32>} : memref<32x128xf32, #tpu.memory_space<vmem>>, vector<1x16xf32>,
        %get3A_515 = vector.shape_cast %get3A_514 : vector<1x16xf32> to vector<16xf32>
        %add3A_516 = arith.constant 0 : i32
        %add3A_517 = arith.addi %add3A_516, %scan3A_299 : i32
        %get3A_518 = arith.constant 1 : i32
        %get3A_519 = arith.index_cast %add3A_517 : i32 to index
        %get3A_520 = arith.index_cast %get3A_518 : i32 to index
        %get3A_521 = arith.constant 32 : index
        %get3A_522 = tpu.vector_load %arg10[%get3A_519, %get3A_520, %get3A_521] {strides = array<i32>} : memref<32x2x128xf32, #tpu.memory_space<vmem>>, vector<1x1x16xf32>,
        %get3A_523 = vector.shape_cast %get3A_522 : vector<1x1x16xf32> to vector<16xf32>
        %add3A_524 = arith.addf %get3A_515, %get3A_523 : vector<16xf32>
        %add3A_525 = arith.constant 144 : i32
        %add3A_526 = arith.addi %add3A_525, %scan3A_299 : i32
        %swap3A_527 = arith.index_cast %add3A_526 : i32 to index
        %swap3A_528 = arith.constant 32 : index
        %swap3A_529 = tpu.vector_load %arg13[%swap3A_527, %swap3A_528] {strides = array<i32>} : memref<320x128xf32, #tpu.memory_space<vmem>>, vector<1x16xf32>,
        %swap3A_530 = vector.shape_cast %swap3A_529 : vector<1x16xf32> to vector<16xf32>
        %swap3A_531 = vector.shape_cast %add3A_524 : vector<16xf32> to vector<1x16xf32>
        tpu.vector_store %arg13[%swap3A_527, %swap3A_528], %swap3A_531 {strides = array<i32>} : memref<320x128xf32, #tpu.memory_space<vmem>>, vector<1x16xf32>,
        %get3A_532 = arith.constant 9 : i32
        %get3A_533 = arith.index_cast %get3A_532 : i32 to index
        %get3A_534 = arith.constant 48 : index
        %get3A_535 = tpu.vector_load %arg12[%get3A_533, %get3A_534] {strides = array<i32>} : memref<32x128xf32, #tpu.memory_space<vmem>>, vector<1x16xf32>,
        %get3A_536 = vector.shape_cast %get3A_535 : vector<1x16xf32> to vector<16xf32>
        %add3A_537 = arith.constant 0 : i32
        %add3A_538 = arith.addi %add3A_537, %scan3A_299 : i32
        %get3A_539 = arith.constant 1 : i32
        %get3A_540 = arith.index_cast %add3A_538 : i32 to index
        %get3A_541 = arith.index_cast %get3A_539 : i32 to index
        %get3A_542 = arith.constant 48 : index
        %get3A_543 = tpu.vector_load %arg10[%get3A_540, %get3A_541, %get3A_542] {strides = array<i32>} : memref<32x2x128xf32, #tpu.memory_space<vmem>>, vector<1x1x16xf32>,
        %get3A_544 = vector.shape_cast %get3A_543 : vector<1x1x16xf32> to vector<16xf32>
        %add3A_545 = arith.addf %get3A_536, %get3A_544 : vector<16xf32>
        %add3A_546 = arith.constant 144 : i32
        %add3A_547 = arith.addi %add3A_546, %scan3A_299 : i32
        %swap3A_548 = arith.index_cast %add3A_547 : i32 to index
        %swap3A_549 = arith.constant 48 : index
        %swap3A_550 = tpu.vector_load %arg13[%swap3A_548, %swap3A_549] {strides = array<i32>} : memref<320x128xf32, #tpu.memory_space<vmem>>, vector<1x16xf32>,
        %swap3A_551 = vector.shape_cast %swap3A_550 : vector<1x16xf32> to vector<16xf32>
        %swap3A_552 = vector.shape_cast %add3A_545 : vector<16xf32> to vector<1x16xf32>
        tpu.vector_store %arg13[%swap3A_548, %swap3A_549], %swap3A_552 {strides = array<i32>} : memref<320x128xf32, #tpu.memory_space<vmem>>, vector<1x16xf32>,
        %get3A_553 = arith.constant 9 : i32
        %get3A_554 = arith.index_cast %get3A_553 : i32 to index
        %get3A_555 = arith.constant 64 : index
        %get3A_556 = tpu.vector_load %arg12[%get3A_554, %get3A_555] {strides = array<i32>} : memref<32x128xf32, #tpu.memory_space<vmem>>, vector<1x16xf32>,
        %get3A_557 = vector.shape_cast %get3A_556 : vector<1x16xf32> to vector<16xf32>
        %add3A_558 = arith.constant 0 : i32
        %add3A_559 = arith.addi %add3A_558, %scan3A_299 : i32
        %get3A_560 = arith.constant 1 : i32
        %get3A_561 = arith.index_cast %add3A_559 : i32 to index
        %get3A_562 = arith.index_cast %get3A_560 : i32 to index
        %get3A_563 = arith.constant 64 : index
        %get3A_564 = tpu.vector_load %arg10[%get3A_561, %get3A_562, %get3A_563] {strides = array<i32>} : memref<32x2x128xf32, #tpu.memory_space<vmem>>, vector<1x1x16xf32>,
        %get3A_565 = vector.shape_cast %get3A_564 : vector<1x1x16xf32> to vector<16xf32>
        %add3A_566 = arith.addf %get3A_557, %get3A_565 : vector<16xf32>
        %add3A_567 = arith.constant 144 : i32
        %add3A_568 = arith.addi %add3A_567, %scan3A_299 : i32
        %swap3A_569 = arith.index_cast %add3A_568 : i32 to index
        %swap3A_570 = arith.constant 64 : index
        %swap3A_571 = tpu.vector_load %arg13[%swap3A_569, %swap3A_570] {strides = array<i32>} : memref<320x128xf32, #tpu.memory_space<vmem>>, vector<1x16xf32>,
        %swap3A_572 = vector.shape_cast %swap3A_571 : vector<1x16xf32> to vector<16xf32>
        %swap3A_573 = vector.shape_cast %add3A_566 : vector<16xf32> to vector<1x16xf32>
        tpu.vector_store %arg13[%swap3A_569, %swap3A_570], %swap3A_573 {strides = array<i32>} : memref<320x128xf32, #tpu.memory_space<vmem>>, vector<1x16xf32>,
        %get3A_574 = arith.constant 9 : i32
        %get3A_575 = arith.index_cast %get3A_574 : i32 to index
        %get3A_576 = arith.constant 80 : index
        %get3A_577 = tpu.vector_load %arg12[%get3A_575, %get3A_576] {strides = array<i32>} : memref<32x128xf32, #tpu.memory_space<vmem>>, vector<1x16xf32>,
        %get3A_578 = vector.shape_cast %get3A_577 : vector<1x16xf32> to vector<16xf32>
        %add3A_579 = arith.constant 0 : i32
        %add3A_580 = arith.addi %add3A_579, %scan3A_299 : i32
        %get3A_581 = arith.constant 1 : i32
        %get3A_582 = arith.index_cast %add3A_580 : i32 to index
        %get3A_583 = arith.index_cast %get3A_581 : i32 to index
        %get3A_584 = arith.constant 80 : index
        %get3A_585 = tpu.vector_load %arg10[%get3A_582, %get3A_583, %get3A_584] {strides = array<i32>} : memref<32x2x128xf32, #tpu.memory_space<vmem>>, vector<1x1x16xf32>,
        %get3A_586 = vector.shape_cast %get3A_585 : vector<1x1x16xf32> to vector<16xf32>
        %add3A_587 = arith.addf %get3A_578, %get3A_586 : vector<16xf32>
        %add3A_588 = arith.constant 144 : i32
        %add3A_589 = arith.addi %add3A_588, %scan3A_299 : i32
        %swap3A_590 = arith.index_cast %add3A_589 : i32 to index
        %swap3A_591 = arith.constant 80 : index
        %swap3A_592 = tpu.vector_load %arg13[%swap3A_590, %swap3A_591] {strides = array<i32>} : memref<320x128xf32, #tpu.memory_space<vmem>>, vector<1x16xf32>,
        %swap3A_593 = vector.shape_cast %swap3A_592 : vector<1x16xf32> to vector<16xf32>
        %swap3A_594 = vector.shape_cast %add3A_587 : vector<16xf32> to vector<1x16xf32>
        tpu.vector_store %arg13[%swap3A_590, %swap3A_591], %swap3A_594 {strides = array<i32>} : memref<320x128xf32, #tpu.memory_space<vmem>>, vector<1x16xf32>,
        %get3A_595 = arith.constant 9 : i32
        %get3A_596 = arith.index_cast %get3A_595 : i32 to index
        %get3A_597 = arith.constant 96 : index
        %get3A_598 = tpu.vector_load %arg12[%get3A_596, %get3A_597] {strides = array<i32>} : memref<32x128xf32, #tpu.memory_space<vmem>>, vector<1x16xf32>,
        %get3A_599 = vector.shape_cast %get3A_598 : vector<1x16xf32> to vector<16xf32>
        %add3A_600 = arith.constant 0 : i32
        %add3A_601 = arith.addi %add3A_600, %scan3A_299 : i32
        %get3A_602 = arith.constant 1 : i32
        %get3A_603 = arith.index_cast %add3A_601 : i32 to index
        %get3A_604 = arith.index_cast %get3A_602 : i32 to index
        %get3A_605 = arith.constant 96 : index
        %get3A_606 = tpu.vector_load %arg10[%get3A_603, %get3A_604, %get3A_605] {strides = array<i32>} : memref<32x2x128xf32, #tpu.memory_space<vmem>>, vector<1x1x16xf32>,
        %get3A_607 = vector.shape_cast %get3A_606 : vector<1x1x16xf32> to vector<16xf32>
        %add3A_608 = arith.addf %get3A_599, %get3A_607 : vector<16xf32>
        %add3A_609 = arith.constant 144 : i32
        %add3A_610 = arith.addi %add3A_609, %scan3A_299 : i32
        %swap3A_611 = arith.index_cast %add3A_610 : i32 to index
        %swap3A_612 = arith.constant 96 : index
        %swap3A_613 = tpu.vector_load %arg13[%swap3A_611, %swap3A_612] {strides = array<i32>} : memref<320x128xf32, #tpu.memory_space<vmem>>, vector<1x16xf32>,
        %swap3A_614 = vector.shape_cast %swap3A_613 : vector<1x16xf32> to vector<16xf32>
        %swap3A_615 = vector.shape_cast %add3A_608 : vector<16xf32> to vector<1x16xf32>
        tpu.vector_store %arg13[%swap3A_611, %swap3A_612], %swap3A_615 {strides = array<i32>} : memref<320x128xf32, #tpu.memory_space<vmem>>, vector<1x16xf32>,
        %get3A_616 = arith.constant 9 : i32
        %get3A_617 = arith.index_cast %get3A_616 : i32 to index
        %get3A_618 = arith.constant 112 : index
        %get3A_619 = tpu.vector_load %arg12[%get3A_617, %get3A_618] {strides = array<i32>} : memref<32x128xf32, #tpu.memory_space<vmem>>, vector<1x16xf32>,
        %get3A_620 = vector.shape_cast %get3A_619 : vector<1x16xf32> to vector<16xf32>
        %add3A_621 = arith.constant 0 : i32
        %add3A_622 = arith.addi %add3A_621, %scan3A_299 : i32
        %get3A_623 = arith.constant 1 : i32
        %get3A_624 = arith.index_cast %add3A_622 : i32 to index
        %get3A_625 = arith.index_cast %get3A_623 : i32 to index
        %get3A_626 = arith.constant 112 : index
        %get3A_627 = tpu.vector_load %arg10[%get3A_624, %get3A_625, %get3A_626] {strides = array<i32>} : memref<32x2x128xf32, #tpu.memory_space<vmem>>, vector<1x1x16xf32>,
        %get3A_628 = vector.shape_cast %get3A_627 : vector<1x1x16xf32> to vector<16xf32>
        %add3A_629 = arith.addf %get3A_620, %get3A_628 : vector<16xf32>
        %add3A_630 = arith.constant 144 : i32
        %add3A_631 = arith.addi %add3A_630, %scan3A_299 : i32
        %swap3A_632 = arith.index_cast %add3A_631 : i32 to index
        %swap3A_633 = arith.constant 112 : index
        %swap3A_634 = tpu.vector_load %arg13[%swap3A_632, %swap3A_633] {strides = array<i32>} : memref<320x128xf32, #tpu.memory_space<vmem>>, vector<1x16xf32>,
        %swap3A_635 = vector.shape_cast %swap3A_634 : vector<1x16xf32> to vector<16xf32>
        %swap3A_636 = vector.shape_cast %add3A_629 : vector<16xf32> to vector<1x16xf32>
        tpu.vector_store %arg13[%swap3A_632, %swap3A_633], %swap3A_636 {strides = array<i32>} : memref<320x128xf32, #tpu.memory_space<vmem>>, vector<1x16xf32>,
        %get3A_637 = arith.constant 18 : i32
        %get3A_638 = arith.index_cast %get3A_637 : i32 to index
        %get3A_639 = arith.constant 0 : index
        %get3A_640 = tpu.vector_load %arg12[%get3A_638, %get3A_639] {strides = array<i32>} : memref<32x128xf32, #tpu.memory_space<vmem>>, vector<1x16xf32>,
        %get3A_641 = vector.shape_cast %get3A_640 : vector<1x16xf32> to vector<16xf32>
        %add3A_642 = arith.constant 16 : i32
        %add3A_643 = arith.addi %add3A_642, %scan3A_299 : i32
        %get3A_644 = arith.constant 0 : i32
        %get3A_645 = arith.index_cast %add3A_643 : i32 to index
        %get3A_646 = arith.index_cast %get3A_644 : i32 to index
        %get3A_647 = arith.constant 0 : index
        %get3A_648 = tpu.vector_load %arg10[%get3A_645, %get3A_646, %get3A_647] {strides = array<i32>} : memref<32x2x128xf32, #tpu.memory_space<vmem>>, vector<1x1x16xf32>,
        %get3A_649 = vector.shape_cast %get3A_648 : vector<1x1x16xf32> to vector<16xf32>
        %add3A_650 = arith.addf %get3A_641, %get3A_649 : vector<16xf32>
        %add3A_651 = arith.constant 288 : i32
        %add3A_652 = arith.addi %add3A_651, %scan3A_299 : i32
        %swap3A_653 = arith.index_cast %add3A_652 : i32 to index
        %swap3A_654 = arith.constant 0 : index
        %swap3A_655 = tpu.vector_load %arg13[%swap3A_653, %swap3A_654] {strides = array<i32>} : memref<320x128xf32, #tpu.memory_space<vmem>>, vector<1x16xf32>,
        %swap3A_656 = vector.shape_cast %swap3A_655 : vector<1x16xf32> to vector<16xf32>
        %swap3A_657 = vector.shape_cast %add3A_650 : vector<16xf32> to vector<1x16xf32>
        tpu.vector_store %arg13[%swap3A_653, %swap3A_654], %swap3A_657 {strides = array<i32>} : memref<320x128xf32, #tpu.memory_space<vmem>>, vector<1x16xf32>,
        %get3A_658 = arith.constant 18 : i32
        %get3A_659 = arith.index_cast %get3A_658 : i32 to index
        %get3A_660 = arith.constant 16 : index
        %get3A_661 = tpu.vector_load %arg12[%get3A_659, %get3A_660] {strides = array<i32>} : memref<32x128xf32, #tpu.memory_space<vmem>>, vector<1x16xf32>,
        %get3A_662 = vector.shape_cast %get3A_661 : vector<1x16xf32> to vector<16xf32>
        %add3A_663 = arith.constant 16 : i32
        %add3A_664 = arith.addi %add3A_663, %scan3A_299 : i32
        %get3A_665 = arith.constant 0 : i32
        %get3A_666 = arith.index_cast %add3A_664 : i32 to index
        %get3A_667 = arith.index_cast %get3A_665 : i32 to index
        %get3A_668 = arith.constant 16 : index
        %get3A_669 = tpu.vector_load %arg10[%get3A_666, %get3A_667, %get3A_668] {strides = array<i32>} : memref<32x2x128xf32, #tpu.memory_space<vmem>>, vector<1x1x16xf32>,
        %get3A_670 = vector.shape_cast %get3A_669 : vector<1x1x16xf32> to vector<16xf32>
        %add3A_671 = arith.addf %get3A_662, %get3A_670 : vector<16xf32>
        %add3A_672 = arith.constant 288 : i32
        %add3A_673 = arith.addi %add3A_672, %scan3A_299 : i32
        %swap3A_674 = arith.index_cast %add3A_673 : i32 to index
        %swap3A_675 = arith.constant 16 : index
        %swap3A_676 = tpu.vector_load %arg13[%swap3A_674, %swap3A_675] {strides = array<i32>} : memref<320x128xf32, #tpu.memory_space<vmem>>, vector<1x16xf32>,
        %swap3A_677 = vector.shape_cast %swap3A_676 : vector<1x16xf32> to vector<16xf32>
        %swap3A_678 = vector.shape_cast %add3A_671 : vector<16xf32> to vector<1x16xf32>
        tpu.vector_store %arg13[%swap3A_674, %swap3A_675], %swap3A_678 {strides = array<i32>} : memref<320x128xf32, #tpu.memory_space<vmem>>, vector<1x16xf32>,
        %get3A_679 = arith.constant 18 : i32
        %get3A_680 = arith.index_cast %get3A_679 : i32 to index
        %get3A_681 = arith.constant 32 : index
        %get3A_682 = tpu.vector_load %arg12[%get3A_680, %get3A_681] {strides = array<i32>} : memref<32x128xf32, #tpu.memory_space<vmem>>, vector<1x16xf32>,
        %get3A_683 = vector.shape_cast %get3A_682 : vector<1x16xf32> to vector<16xf32>
        %add3A_684 = arith.constant 16 : i32
        %add3A_685 = arith.addi %add3A_684, %scan3A_299 : i32
        %get3A_686 = arith.constant 0 : i32
        %get3A_687 = arith.index_cast %add3A_685 : i32 to index
        %get3A_688 = arith.index_cast %get3A_686 : i32 to index
        %get3A_689 = arith.constant 32 : index
        %get3A_690 = tpu.vector_load %arg10[%get3A_687, %get3A_688, %get3A_689] {strides = array<i32>} : memref<32x2x128xf32, #tpu.memory_space<vmem>>, vector<1x1x16xf32>,
        %get3A_691 = vector.shape_cast %get3A_690 : vector<1x1x16xf32> to vector<16xf32>
        %add3A_692 = arith.addf %get3A_683, %get3A_691 : vector<16xf32>
        %add3A_693 = arith.constant 288 : i32
        %add3A_694 = arith.addi %add3A_693, %scan3A_299 : i32
        %swap3A_695 = arith.index_cast %add3A_694 : i32 to index
        %swap3A_696 = arith.constant 32 : index
        %swap3A_697 = tpu.vector_load %arg13[%swap3A_695, %swap3A_696] {strides = array<i32>} : memref<320x128xf32, #tpu.memory_space<vmem>>, vector<1x16xf32>,
        %swap3A_698 = vector.shape_cast %swap3A_697 : vector<1x16xf32> to vector<16xf32>
        %swap3A_699 = vector.shape_cast %add3A_692 : vector<16xf32> to vector<1x16xf32>
        tpu.vector_store %arg13[%swap3A_695, %swap3A_696], %swap3A_699 {strides = array<i32>} : memref<320x128xf32, #tpu.memory_space<vmem>>, vector<1x16xf32>,
        %get3A_700 = arith.constant 18 : i32
        %get3A_701 = arith.index_cast %get3A_700 : i32 to index
        %get3A_702 = arith.constant 48 : index
        %get3A_703 = tpu.vector_load %arg12[%get3A_701, %get3A_702] {strides = array<i32>} : memref<32x128xf32, #tpu.memory_space<vmem>>, vector<1x16xf32>,
        %get3A_704 = vector.shape_cast %get3A_703 : vector<1x16xf32> to vector<16xf32>
        %add3A_705 = arith.constant 16 : i32
        %add3A_706 = arith.addi %add3A_705, %scan3A_299 : i32
        %get3A_707 = arith.constant 0 : i32
        %get3A_708 = arith.index_cast %add3A_706 : i32 to index
        %get3A_709 = arith.index_cast %get3A_707 : i32 to index
        %get3A_710 = arith.constant 48 : index
        %get3A_711 = tpu.vector_load %arg10[%get3A_708, %get3A_709, %get3A_710] {strides = array<i32>} : memref<32x2x128xf32, #tpu.memory_space<vmem>>, vector<1x1x16xf32>,
        %get3A_712 = vector.shape_cast %get3A_711 : vector<1x1x16xf32> to vector<16xf32>
        %add3A_713 = arith.addf %get3A_704, %get3A_712 : vector<16xf32>
        %add3A_714 = arith.constant 288 : i32
        %add3A_715 = arith.addi %add3A_714, %scan3A_299 : i32
        %swap3A_716 = arith.index_cast %add3A_715 : i32 to index
        %swap3A_717 = arith.constant 48 : index
        %swap3A_718 = tpu.vector_load %arg13[%swap3A_716, %swap3A_717] {strides = array<i32>} : memref<320x128xf32, #tpu.memory_space<vmem>>, vector<1x16xf32>,
        %swap3A_719 = vector.shape_cast %swap3A_718 : vector<1x16xf32> to vector<16xf32>
        %swap3A_720 = vector.shape_cast %add3A_713 : vector<16xf32> to vector<1x16xf32>
        tpu.vector_store %arg13[%swap3A_716, %swap3A_717], %swap3A_720 {strides = array<i32>} : memref<320x128xf32, #tpu.memory_space<vmem>>, vector<1x16xf32>,
        %get3A_721 = arith.constant 18 : i32
        %get3A_722 = arith.index_cast %get3A_721 : i32 to index
        %get3A_723 = arith.constant 64 : index
        %get3A_724 = tpu.vector_load %arg12[%get3A_722, %get3A_723] {strides = array<i32>} : memref<32x128xf32, #tpu.memory_space<vmem>>, vector<1x16xf32>,
        %get3A_725 = vector.shape_cast %get3A_724 : vector<1x16xf32> to vector<16xf32>
        %add3A_726 = arith.constant 16 : i32
        %add3A_727 = arith.addi %add3A_726, %scan3A_299 : i32
        %get3A_728 = arith.constant 0 : i32
        %get3A_729 = arith.index_cast %add3A_727 : i32 to index
        %get3A_730 = arith.index_cast %get3A_728 : i32 to index
        %get3A_731 = arith.constant 64 : index
        %get3A_732 = tpu.vector_load %arg10[%get3A_729, %get3A_730, %get3A_731] {strides = array<i32>} : memref<32x2x128xf32, #tpu.memory_space<vmem>>, vector<1x1x16xf32>,
        %get3A_733 = vector.shape_cast %get3A_732 : vector<1x1x16xf32> to vector<16xf32>
        %add3A_734 = arith.addf %get3A_725, %get3A_733 : vector<16xf32>
        %add3A_735 = arith.constant 288 : i32
        %add3A_736 = arith.addi %add3A_735, %scan3A_299 : i32
        %swap3A_737 = arith.index_cast %add3A_736 : i32 to index
        %swap3A_738 = arith.constant 64 : index
        %swap3A_739 = tpu.vector_load %arg13[%swap3A_737, %swap3A_738] {strides = array<i32>} : memref<320x128xf32, #tpu.memory_space<vmem>>, vector<1x16xf32>,
        %swap3A_740 = vector.shape_cast %swap3A_739 : vector<1x16xf32> to vector<16xf32>
        %swap3A_741 = vector.shape_cast %add3A_734 : vector<16xf32> to vector<1x16xf32>
        tpu.vector_store %arg13[%swap3A_737, %swap3A_738], %swap3A_741 {strides = array<i32>} : memref<320x128xf32, #tpu.memory_space<vmem>>, vector<1x16xf32>,
        %get3A_742 = arith.constant 18 : i32
        %get3A_743 = arith.index_cast %get3A_742 : i32 to index
        %get3A_744 = arith.constant 80 : index
        %get3A_745 = tpu.vector_load %arg12[%get3A_743, %get3A_744] {strides = array<i32>} : memref<32x128xf32, #tpu.memory_space<vmem>>, vector<1x16xf32>,
        %get3A_746 = vector.shape_cast %get3A_745 : vector<1x16xf32> to vector<16xf32>
        %add3A_747 = arith.constant 16 : i32
        %add3A_748 = arith.addi %add3A_747, %scan3A_299 : i32
        %get3A_749 = arith.constant 0 : i32
        %get3A_750 = arith.index_cast %add3A_748 : i32 to index
        %get3A_751 = arith.index_cast %get3A_749 : i32 to index
        %get3A_752 = arith.constant 80 : index
        %get3A_753 = tpu.vector_load %arg10[%get3A_750, %get3A_751, %get3A_752] {strides = array<i32>} : memref<32x2x128xf32, #tpu.memory_space<vmem>>, vector<1x1x16xf32>,
        %get3A_754 = vector.shape_cast %get3A_753 : vector<1x1x16xf32> to vector<16xf32>
        %add3A_755 = arith.addf %get3A_746, %get3A_754 : vector<16xf32>
        %add3A_756 = arith.constant 288 : i32
        %add3A_757 = arith.addi %add3A_756, %scan3A_299 : i32
        %swap3A_758 = arith.index_cast %add3A_757 : i32 to index
        %swap3A_759 = arith.constant 80 : index
        %swap3A_760 = tpu.vector_load %arg13[%swap3A_758, %swap3A_759] {strides = array<i32>} : memref<320x128xf32, #tpu.memory_space<vmem>>, vector<1x16xf32>,
        %swap3A_761 = vector.shape_cast %swap3A_760 : vector<1x16xf32> to vector<16xf32>
        %swap3A_762 = vector.shape_cast %add3A_755 : vector<16xf32> to vector<1x16xf32>
        tpu.vector_store %arg13[%swap3A_758, %swap3A_759], %swap3A_762 {strides = array<i32>} : memref<320x128xf32, #tpu.memory_space<vmem>>, vector<1x16xf32>,
        %get3A_763 = arith.constant 18 : i32
        %get3A_764 = arith.index_cast %get3A_763 : i32 to index
        %get3A_765 = arith.constant 96 : index
        %get3A_766 = tpu.vector_load %arg12[%get3A_764, %get3A_765] {strides = array<i32>} : memref<32x128xf32, #tpu.memory_space<vmem>>, vector<1x16xf32>,
        %get3A_767 = vector.shape_cast %get3A_766 : vector<1x16xf32> to vector<16xf32>
        %add3A_768 = arith.constant 16 : i32
        %add3A_769 = arith.addi %add3A_768, %scan3A_299 : i32
        %get3A_770 = arith.constant 0 : i32
        %get3A_771 = arith.index_cast %add3A_769 : i32 to index
        %get3A_772 = arith.index_cast %get3A_770 : i32 to index
        %get3A_773 = arith.constant 96 : index
        %get3A_774 = tpu.vector_load %arg10[%get3A_771, %get3A_772, %get3A_773] {strides = array<i32>} : memref<32x2x128xf32, #tpu.memory_space<vmem>>, vector<1x1x16xf32>,
        %get3A_775 = vector.shape_cast %get3A_774 : vector<1x1x16xf32> to vector<16xf32>
        %add3A_776 = arith.addf %get3A_767, %get3A_775 : vector<16xf32>
        %add3A_777 = arith.constant 288 : i32
        %add3A_778 = arith.addi %add3A_777, %scan3A_299 : i32
        %swap3A_779 = arith.index_cast %add3A_778 : i32 to index
        %swap3A_780 = arith.constant 96 : index
        %swap3A_781 = tpu.vector_load %arg13[%swap3A_779, %swap3A_780] {strides = array<i32>} : memref<320x128xf32, #tpu.memory_space<vmem>>, vector<1x16xf32>,
        %swap3A_782 = vector.shape_cast %swap3A_781 : vector<1x16xf32> to vector<16xf32>
        %swap3A_783 = vector.shape_cast %add3A_776 : vector<16xf32> to vector<1x16xf32>
        tpu.vector_store %arg13[%swap3A_779, %swap3A_780], %swap3A_783 {strides = array<i32>} : memref<320x128xf32, #tpu.memory_space<vmem>>, vector<1x16xf32>,
        %get3A_784 = arith.constant 18 : i32
        %get3A_785 = arith.index_cast %get3A_784 : i32 to index
        %get3A_786 = arith.constant 112 : index
        %get3A_787 = tpu.vector_load %arg12[%get3A_785, %get3A_786] {strides = array<i32>} : memref<32x128xf32, #tpu.memory_space<vmem>>, vector<1x16xf32>,
        %get3A_788 = vector.shape_cast %get3A_787 : vector<1x16xf32> to vector<16xf32>
        %add3A_789 = arith.constant 16 : i32
        %add3A_790 = arith.addi %add3A_789, %scan3A_299 : i32
        %get3A_791 = arith.constant 0 : i32
        %get3A_792 = arith.index_cast %add3A_790 : i32 to index
        %get3A_793 = arith.index_cast %get3A_791 : i32 to index
        %get3A_794 = arith.constant 112 : index
        %get3A_795 = tpu.vector_load %arg10[%get3A_792, %get3A_793, %get3A_794] {strides = array<i32>} : memref<32x2x128xf32, #tpu.memory_space<vmem>>, vector<1x1x16xf32>,
        %get3A_796 = vector.shape_cast %get3A_795 : vector<1x1x16xf32> to vector<16xf32>
        %add3A_797 = arith.addf %get3A_788, %get3A_796 : vector<16xf32>
        %add3A_798 = arith.constant 288 : i32
        %add3A_799 = arith.addi %add3A_798, %scan3A_299 : i32
        %swap3A_800 = arith.index_cast %add3A_799 : i32 to index
        %swap3A_801 = arith.constant 112 : index
        %swap3A_802 = tpu.vector_load %arg13[%swap3A_800, %swap3A_801] {strides = array<i32>} : memref<320x128xf32, #tpu.memory_space<vmem>>, vector<1x16xf32>,
        %swap3A_803 = vector.shape_cast %swap3A_802 : vector<1x16xf32> to vector<16xf32>
        %swap3A_804 = vector.shape_cast %add3A_797 : vector<16xf32> to vector<1x16xf32>
        tpu.vector_store %arg13[%swap3A_800, %swap3A_801], %swap3A_804 {strides = array<i32>} : memref<320x128xf32, #tpu.memory_space<vmem>>, vector<1x16xf32>,
        %get3A_805 = arith.constant 19 : i32
        %get3A_806 = arith.index_cast %get3A_805 : i32 to index
        %get3A_807 = arith.constant 0 : index
        %get3A_808 = tpu.vector_load %arg12[%get3A_806, %get3A_807] {strides = array<i32>} : memref<32x128xf32, #tpu.memory_space<vmem>>, vector<1x16xf32>,
        %get3A_809 = vector.shape_cast %get3A_808 : vector<1x16xf32> to vector<16xf32>
        %add3A_810 = arith.constant 16 : i32
        %add3A_811 = arith.addi %add3A_810, %scan3A_299 : i32
        %get3A_812 = arith.constant 1 : i32
        %get3A_813 = arith.index_cast %add3A_811 : i32 to index
        %get3A_814 = arith.index_cast %get3A_812 : i32 to index
        %get3A_815 = arith.constant 0 : index
        %get3A_816 = tpu.vector_load %arg10[%get3A_813, %get3A_814, %get3A_815] {strides = array<i32>} : memref<32x2x128xf32, #tpu.memory_space<vmem>>, vector<1x1x16xf32>,
        %get3A_817 = vector.shape_cast %get3A_816 : vector<1x1x16xf32> to vector<16xf32>
        %add3A_818 = arith.addf %get3A_809, %get3A_817 : vector<16xf32>
        %add3A_819 = arith.constant 304 : i32
        %add3A_820 = arith.addi %add3A_819, %scan3A_299 : i32
        %swap3A_821 = arith.index_cast %add3A_820 : i32 to index
        %swap3A_822 = arith.constant 0 : index
        %swap3A_823 = tpu.vector_load %arg13[%swap3A_821, %swap3A_822] {strides = array<i32>} : memref<320x128xf32, #tpu.memory_space<vmem>>, vector<1x16xf32>,
        %swap3A_824 = vector.shape_cast %swap3A_823 : vector<1x16xf32> to vector<16xf32>
        %swap3A_825 = vector.shape_cast %add3A_818 : vector<16xf32> to vector<1x16xf32>
        tpu.vector_store %arg13[%swap3A_821, %swap3A_822], %swap3A_825 {strides = array<i32>} : memref<320x128xf32, #tpu.memory_space<vmem>>, vector<1x16xf32>,
        %get3A_826 = arith.constant 19 : i32
        %get3A_827 = arith.index_cast %get3A_826 : i32 to index
        %get3A_828 = arith.constant 16 : index
        %get3A_829 = tpu.vector_load %arg12[%get3A_827, %get3A_828] {strides = array<i32>} : memref<32x128xf32, #tpu.memory_space<vmem>>, vector<1x16xf32>,
        %get3A_830 = vector.shape_cast %get3A_829 : vector<1x16xf32> to vector<16xf32>
        %add3A_831 = arith.constant 16 : i32
        %add3A_832 = arith.addi %add3A_831, %scan3A_299 : i32
        %get3A_833 = arith.constant 1 : i32
        %get3A_834 = arith.index_cast %add3A_832 : i32 to index
        %get3A_835 = arith.index_cast %get3A_833 : i32 to index
        %get3A_836 = arith.constant 16 : index
        %get3A_837 = tpu.vector_load %arg10[%get3A_834, %get3A_835, %get3A_836] {strides = array<i32>} : memref<32x2x128xf32, #tpu.memory_space<vmem>>, vector<1x1x16xf32>,
        %get3A_838 = vector.shape_cast %get3A_837 : vector<1x1x16xf32> to vector<16xf32>
        %add3A_839 = arith.addf %get3A_830, %get3A_838 : vector<16xf32>
        %add3A_840 = arith.constant 304 : i32
        %add3A_841 = arith.addi %add3A_840, %scan3A_299 : i32
        %swap3A_842 = arith.index_cast %add3A_841 : i32 to index
        %swap3A_843 = arith.constant 16 : index
        %swap3A_844 = tpu.vector_load %arg13[%swap3A_842, %swap3A_843] {strides = array<i32>} : memref<320x128xf32, #tpu.memory_space<vmem>>, vector<1x16xf32>,
        %swap3A_845 = vector.shape_cast %swap3A_844 : vector<1x16xf32> to vector<16xf32>
        %swap3A_846 = vector.shape_cast %add3A_839 : vector<16xf32> to vector<1x16xf32>
        tpu.vector_store %arg13[%swap3A_842, %swap3A_843], %swap3A_846 {strides = array<i32>} : memref<320x128xf32, #tpu.memory_space<vmem>>, vector<1x16xf32>,
        %get3A_847 = arith.constant 19 : i32
        %get3A_848 = arith.index_cast %get3A_847 : i32 to index
        %get3A_849 = arith.constant 32 : index
        %get3A_850 = tpu.vector_load %arg12[%get3A_848, %get3A_849] {strides = array<i32>} : memref<32x128xf32, #tpu.memory_space<vmem>>, vector<1x16xf32>,
        %get3A_851 = vector.shape_cast %get3A_850 : vector<1x16xf32> to vector<16xf32>
        %add3A_852 = arith.constant 16 : i32
        %add3A_853 = arith.addi %add3A_852, %scan3A_299 : i32
        %get3A_854 = arith.constant 1 : i32
        %get3A_855 = arith.index_cast %add3A_853 : i32 to index
        %get3A_856 = arith.index_cast %get3A_854 : i32 to index
        %get3A_857 = arith.constant 32 : index
        %get3A_858 = tpu.vector_load %arg10[%get3A_855, %get3A_856, %get3A_857] {strides = array<i32>} : memref<32x2x128xf32, #tpu.memory_space<vmem>>, vector<1x1x16xf32>,
        %get3A_859 = vector.shape_cast %get3A_858 : vector<1x1x16xf32> to vector<16xf32>
        %add3A_860 = arith.addf %get3A_851, %get3A_859 : vector<16xf32>
        %add3A_861 = arith.constant 304 : i32
        %add3A_862 = arith.addi %add3A_861, %scan3A_299 : i32
        %swap3A_863 = arith.index_cast %add3A_862 : i32 to index
        %swap3A_864 = arith.constant 32 : index
        %swap3A_865 = tpu.vector_load %arg13[%swap3A_863, %swap3A_864] {strides = array<i32>} : memref<320x128xf32, #tpu.memory_space<vmem>>, vector<1x16xf32>,
        %swap3A_866 = vector.shape_cast %swap3A_865 : vector<1x16xf32> to vector<16xf32>
        %swap3A_867 = vector.shape_cast %add3A_860 : vector<16xf32> to vector<1x16xf32>
        tpu.vector_store %arg13[%swap3A_863, %swap3A_864], %swap3A_867 {strides = array<i32>} : memref<320x128xf32, #tpu.memory_space<vmem>>, vector<1x16xf32>,
        %get3A_868 = arith.constant 19 : i32
        %get3A_869 = arith.index_cast %get3A_868 : i32 to index
        %get3A_870 = arith.constant 48 : index
        %get3A_871 = tpu.vector_load %arg12[%get3A_869, %get3A_870] {strides = array<i32>} : memref<32x128xf32, #tpu.memory_space<vmem>>, vector<1x16xf32>,
        %get3A_872 = vector.shape_cast %get3A_871 : vector<1x16xf32> to vector<16xf32>
        %add3A_873 = arith.constant 16 : i32
        %add3A_874 = arith.addi %add3A_873, %scan3A_299 : i32
        %get3A_875 = arith.constant 1 : i32
        %get3A_876 = arith.index_cast %add3A_874 : i32 to index
        %get3A_877 = arith.index_cast %get3A_875 : i32 to index
        %get3A_878 = arith.constant 48 : index
        %get3A_879 = tpu.vector_load %arg10[%get3A_876, %get3A_877, %get3A_878] {strides = array<i32>} : memref<32x2x128xf32, #tpu.memory_space<vmem>>, vector<1x1x16xf32>,
        %get3A_880 = vector.shape_cast %get3A_879 : vector<1x1x16xf32> to vector<16xf32>
        %add3A_881 = arith.addf %get3A_872, %get3A_880 : vector<16xf32>
        %add3A_882 = arith.constant 304 : i32
        %add3A_883 = arith.addi %add3A_882, %scan3A_299 : i32
        %swap3A_884 = arith.index_cast %add3A_883 : i32 to index
        %swap3A_885 = arith.constant 48 : index
        %swap3A_886 = tpu.vector_load %arg13[%swap3A_884, %swap3A_885] {strides = array<i32>} : memref<320x128xf32, #tpu.memory_space<vmem>>, vector<1x16xf32>,
        %swap3A_887 = vector.shape_cast %swap3A_886 : vector<1x16xf32> to vector<16xf32>
        %swap3A_888 = vector.shape_cast %add3A_881 : vector<16xf32> to vector<1x16xf32>
        tpu.vector_store %arg13[%swap3A_884, %swap3A_885], %swap3A_888 {strides = array<i32>} : memref<320x128xf32, #tpu.memory_space<vmem>>, vector<1x16xf32>,
        %get3A_889 = arith.constant 19 : i32
        %get3A_890 = arith.index_cast %get3A_889 : i32 to index
        %get3A_891 = arith.constant 64 : index
        %get3A_892 = tpu.vector_load %arg12[%get3A_890, %get3A_891] {strides = array<i32>} : memref<32x128xf32, #tpu.memory_space<vmem>>, vector<1x16xf32>,
        %get3A_893 = vector.shape_cast %get3A_892 : vector<1x16xf32> to vector<16xf32>
        %add3A_894 = arith.constant 16 : i32
        %add3A_895 = arith.addi %add3A_894, %scan3A_299 : i32
        %get3A_896 = arith.constant 1 : i32
        %get3A_897 = arith.index_cast %add3A_895 : i32 to index
        %get3A_898 = arith.index_cast %get3A_896 : i32 to index
        %get3A_899 = arith.constant 64 : index
        %get3A_900 = tpu.vector_load %arg10[%get3A_897, %get3A_898, %get3A_899] {strides = array<i32>} : memref<32x2x128xf32, #tpu.memory_space<vmem>>, vector<1x1x16xf32>,
        %get3A_901 = vector.shape_cast %get3A_900 : vector<1x1x16xf32> to vector<16xf32>
        %add3A_902 = arith.addf %get3A_893, %get3A_901 : vector<16xf32>
        %add3A_903 = arith.constant 304 : i32
        %add3A_904 = arith.addi %add3A_903, %scan3A_299 : i32
        %swap3A_905 = arith.index_cast %add3A_904 : i32 to index
        %swap3A_906 = arith.constant 64 : index
        %swap3A_907 = tpu.vector_load %arg13[%swap3A_905, %swap3A_906] {strides = array<i32>} : memref<320x128xf32, #tpu.memory_space<vmem>>, vector<1x16xf32>,
        %swap3A_908 = vector.shape_cast %swap3A_907 : vector<1x16xf32> to vector<16xf32>
        %swap3A_909 = vector.shape_cast %add3A_902 : vector<16xf32> to vector<1x16xf32>
        tpu.vector_store %arg13[%swap3A_905, %swap3A_906], %swap3A_909 {strides = array<i32>} : memref<320x128xf32, #tpu.memory_space<vmem>>, vector<1x16xf32>,
        %get3A_910 = arith.constant 19 : i32
        %get3A_911 = arith.index_cast %get3A_910 : i32 to index
        %get3A_912 = arith.constant 80 : index
        %get3A_913 = tpu.vector_load %arg12[%get3A_911, %get3A_912] {strides = array<i32>} : memref<32x128xf32, #tpu.memory_space<vmem>>, vector<1x16xf32>,
        %get3A_914 = vector.shape_cast %get3A_913 : vector<1x16xf32> to vector<16xf32>
        %add3A_915 = arith.constant 16 : i32
        %add3A_916 = arith.addi %add3A_915, %scan3A_299 : i32
        %get3A_917 = arith.constant 1 : i32
        %get3A_918 = arith.index_cast %add3A_916 : i32 to index
        %get3A_919 = arith.index_cast %get3A_917 : i32 to index
        %get3A_920 = arith.constant 80 : index
        %get3A_921 = tpu.vector_load %arg10[%get3A_918, %get3A_919, %get3A_920] {strides = array<i32>} : memref<32x2x128xf32, #tpu.memory_space<vmem>>, vector<1x1x16xf32>,
        %get3A_922 = vector.shape_cast %get3A_921 : vector<1x1x16xf32> to vector<16xf32>
        %add3A_923 = arith.addf %get3A_914, %get3A_922 : vector<16xf32>
        %add3A_924 = arith.constant 304 : i32
        %add3A_925 = arith.addi %add3A_924, %scan3A_299 : i32
        %swap3A_926 = arith.index_cast %add3A_925 : i32 to index
        %swap3A_927 = arith.constant 80 : index
        %swap3A_928 = tpu.vector_load %arg13[%swap3A_926, %swap3A_927] {strides = array<i32>} : memref<320x128xf32, #tpu.memory_space<vmem>>, vector<1x16xf32>,
        %swap3A_929 = vector.shape_cast %swap3A_928 : vector<1x16xf32> to vector<16xf32>
        %swap3A_930 = vector.shape_cast %add3A_923 : vector<16xf32> to vector<1x16xf32>
        tpu.vector_store %arg13[%swap3A_926, %swap3A_927], %swap3A_930 {strides = array<i32>} : memref<320x128xf32, #tpu.memory_space<vmem>>, vector<1x16xf32>,
        %get3A_931 = arith.constant 19 : i32
        %get3A_932 = arith.index_cast %get3A_931 : i32 to index
        %get3A_933 = arith.constant 96 : index
        %get3A_934 = tpu.vector_load %arg12[%get3A_932, %get3A_933] {strides = array<i32>} : memref<32x128xf32, #tpu.memory_space<vmem>>, vector<1x16xf32>,
        %get3A_935 = vector.shape_cast %get3A_934 : vector<1x16xf32> to vector<16xf32>
        %add3A_936 = arith.constant 16 : i32
        %add3A_937 = arith.addi %add3A_936, %scan3A_299 : i32
        %get3A_938 = arith.constant 1 : i32
        %get3A_939 = arith.index_cast %add3A_937 : i32 to index
        %get3A_940 = arith.index_cast %get3A_938 : i32 to index
        %get3A_941 = arith.constant 96 : index
        %get3A_942 = tpu.vector_load %arg10[%get3A_939, %get3A_940, %get3A_941] {strides = array<i32>} : memref<32x2x128xf32, #tpu.memory_space<vmem>>, vector<1x1x16xf32>,
        %get3A_943 = vector.shape_cast %get3A_942 : vector<1x1x16xf32> to vector<16xf32>
        %add3A_944 = arith.addf %get3A_935, %get3A_943 : vector<16xf32>
        %add3A_945 = arith.constant 304 : i32
        %add3A_946 = arith.addi %add3A_945, %scan3A_299 : i32
        %swap3A_947 = arith.index_cast %add3A_946 : i32 to index
        %swap3A_948 = arith.constant 96 : index
        %swap3A_949 = tpu.vector_load %arg13[%swap3A_947, %swap3A_948] {strides = array<i32>} : memref<320x128xf32, #tpu.memory_space<vmem>>, vector<1x16xf32>,
        %swap3A_950 = vector.shape_cast %swap3A_949 : vector<1x16xf32> to vector<16xf32>
        %swap3A_951 = vector.shape_cast %add3A_944 : vector<16xf32> to vector<1x16xf32>
        tpu.vector_store %arg13[%swap3A_947, %swap3A_948], %swap3A_951 {strides = array<i32>} : memref<320x128xf32, #tpu.memory_space<vmem>>, vector<1x16xf32>,
        %get3A_952 = arith.constant 19 : i32
        %get3A_953 = arith.index_cast %get3A_952 : i32 to index
        %get3A_954 = arith.constant 112 : index
        %get3A_955 = tpu.vector_load %arg12[%get3A_953, %get3A_954] {strides = array<i32>} : memref<32x128xf32, #tpu.memory_space<vmem>>, vector<1x16xf32>,
        %get3A_956 = vector.shape_cast %get3A_955 : vector<1x16xf32> to vector<16xf32>
        %add3A_957 = arith.constant 16 : i32
        %add3A_958 = arith.addi %add3A_957, %scan3A_299 : i32
        %get3A_959 = arith.constant 1 : i32
        %get3A_960 = arith.index_cast %add3A_958 : i32 to index
        %get3A_961 = arith.index_cast %get3A_959 : i32 to index
        %get3A_962 = arith.constant 112 : index
        %get3A_963 = tpu.vector_load %arg10[%get3A_960, %get3A_961, %get3A_962] {strides = array<i32>} : memref<32x2x128xf32, #tpu.memory_space<vmem>>, vector<1x1x16xf32>,
        %get3A_964 = vector.shape_cast %get3A_963 : vector<1x1x16xf32> to vector<16xf32>
        %add3A_965 = arith.addf %get3A_956, %get3A_964 : vector<16xf32>
        %add3A_966 = arith.constant 304 : i32
        %add3A_967 = arith.addi %add3A_966, %scan3A_299 : i32
        %swap3A_968 = arith.index_cast %add3A_967 : i32 to index
        %swap3A_969 = arith.constant 112 : index
        %swap3A_970 = tpu.vector_load %arg13[%swap3A_968, %swap3A_969] {strides = array<i32>} : memref<320x128xf32, #tpu.memory_space<vmem>>, vector<1x16xf32>,
        %swap3A_971 = vector.shape_cast %swap3A_970 : vector<1x16xf32> to vector<16xf32>
        %swap3A_972 = vector.shape_cast %add3A_965 : vector<16xf32> to vector<1x16xf32>
        tpu.vector_store %arg13[%swap3A_968, %swap3A_969], %swap3A_972 {strides = array<i32>} : memref<320x128xf32, #tpu.memory_space<vmem>>, vector<1x16xf32>,
        %scan3A_973 = arith.constant 0 : i32
        scf.yield %scan3A_973 : i32
      }
      %scan3A_296 = arith.constant 16 : i32
      %mul3A_297 = arith.constant 320 : i32
      %mul3A_298 = arith.muli %add3A, %mul3A_297 : i32
      "tpu.region"() ({
        %run_scoped3A = tpu.sem_alloc : memref<!tpu.dma_semaphore, #tpu.memory_space<semaphore_mem>>
        %dma_start3A_299 = arith.constant 0 : i32
        %dma_start3A_300 = tpu.memref_slice %arg6[%mul3A_298, %dma_start3A_299] : memref<8000x128xf32, #tpu.memory_space<hbm>> -> memref<320x128xf32, #tpu.memory_space<hbm>>
        %dma_start3A_301 = arith.constant 0 : i32
        %dma_start3A_302 = tpu.memref_slice %arg6[%mul3A_298, %dma_start3A_301] : memref<8000x128xf32, #tpu.memory_space<hbm>> -> memref<320x128xf32, #tpu.memory_space<hbm>>
        tpu.enqueue_dma source(%arg13 : memref<320x128xf32, #tpu.memory_space<vmem>>) target(%dma_start3A_302 : memref<320x128xf32, #tpu.memory_space<hbm>>) target_semaphore(%run_scoped3A : memref<!tpu.dma_semaphore, #tpu.memory_space<semaphore_mem>>)
        %dma_wait3A_303 = arith.constant 0 : i32
        %dma_wait3A_304 = tpu.memref_slice %arg6[%mul3A_298, %dma_wait3A_303] : memref<8000x128xf32, #tpu.memory_space<hbm>> -> memref<320x128xf32, #tpu.memory_space<hbm>>
        %dma_wait3A_305 = arith.constant 0 : i32
        %dma_wait3A_306 = tpu.memref_slice %arg6[%mul3A_298, %dma_wait3A_305] : memref<8000x128xf32, #tpu.memory_space<hbm>> -> memref<320x128xf32, #tpu.memory_space<hbm>>
        tpu.wait_dma2 semaphore(%run_scoped3A : memref<!tpu.dma_semaphore, #tpu.memory_space<semaphore_mem>>) src(%arg13 : memref<320x128xf32, #tpu.memory_space<vmem>>) dst(%dma_wait3A_306 : memref<320x128xf32, #tpu.memory_space<hbm>>)
        tpu.yield
      }) : () -> ()
    } else {
    }
    return
  }
}

module attributes {stable_mosaic.version = 14 : i64} {
  func.func @body(%arg0: i32, %arg1: memref<50x16x256xf32, #tpu.memory_space<vmem>>, %arg2: memref<500x16x256xf32, #tpu.memory_space<vmem>>) attributes {dimension_semantics = [#tpu.dimension_semantics<arbitrary>], iteration_bounds = array<i64: 1>, scalar_prefetch = 0 : i64, scratch_operands = 0 : i64, tpu.core_type = #tpu.core_type<tc>, window_params = [{pipeline_mode = #tpu.pipeline_mode<synchronous>, transform_indices = @transform_0, window_bounds = array<i64: 50, 16, 256>}, {pipeline_mode = #tpu.pipeline_mode<synchronous>, transform_indices = @transform_1, window_bounds = array<i64: 500, 16, 256>}]} {
    %get3A = arith.constant 0 : index
    %get3A_0 = arith.constant 0 : index
    %get3A_1 = arith.constant 0 : index
    %get3A_2 = vector.load %arg1[%get3A, %get3A_0, %get3A_1] : memref<50x16x256xf32, #tpu.memory_space<vmem>>, vector<50x16x256xf32>
    %ne3A = arith.constant 0.000000e+00 : f32
    %ne3A_3 = vector.broadcast %ne3A : f32 to vector<50x16x256xf32>
    %ne3A_4 = arith.cmpf one, %get3A_2, %ne3A_3 : vector<50x16x256xf32>
    %convert_element_type3A = arith.extui %ne3A_4 : vector<50x16x256xi1> to vector<50x16x256xi32>
    %convert_element_type3A_5 = arith.sitofp %convert_element_type3A : vector<50x16x256xi32> to vector<50x16x256xf32>
    %broadcast_in_dim3A = vector.shape_cast %convert_element_type3A_5 : vector<50x16x256xf32> to vector<50x1x16x256xf32>
    %broadcast_in_dim3A_6 = vector.shape_cast %broadcast_in_dim3A : vector<50x1x16x256xf32> to vector<50x1x16x256xf32>
    %broadcast_in_dim3A_7 = vector.broadcast %broadcast_in_dim3A_6 : vector<50x1x16x256xf32> to vector<50x10x16x256xf32>
    %reshape3A = vector.shape_cast %broadcast_in_dim3A_7 : vector<50x10x16x256xf32> to vector<500x16x256xf32>
    %swap3A = arith.constant 0 : index
    %swap3A_8 = arith.constant 0 : index
    %swap3A_9 = arith.constant 0 : index
    %swap3A_10 = vector.load %arg2[%swap3A, %swap3A_8, %swap3A_9] : memref<500x16x256xf32, #tpu.memory_space<vmem>>, vector<500x16x256xf32>
    tpu.vector_store %arg2[%swap3A, %swap3A_8, %swap3A_9], %reshape3A {strides = array<i32>} : memref<500x16x256xf32, #tpu.memory_space<vmem>>, vector<500x16x256xf32>,
    return
  }
  func.func @transform_0(%arg0: i32) -> (i32, i32, i32) {
    %c0_i32 = arith.constant 0 : i32
    %c0_i32_0 = arith.constant 0 : i32
    %c0_i32_1 = arith.constant 0 : i32
    %c0_i32_2 = arith.constant 0 : i32
    return %c0_i32, %c0_i32_0, %c0_i32_1 : i32, i32, i32
  }
  func.func @transform_1(%arg0: i32) -> (i32, i32, i32) {
    %c0_i32 = arith.constant 0 : i32
    %c0_i32_0 = arith.constant 0 : i32
    %c0_i32_1 = arith.constant 0 : i32
    %c0_i32_2 = arith.constant 0 : i32
    return %c0_i32, %c0_i32_0, %c0_i32_1 : i32, i32, i32
  }
}

</mosaic_0001>

<sc_bundles>
// kernel: kernel.4.cloned.1.call-start
scs
__scs_entry_jumppad:
0x0: {  	(pc) =	sbr.rel $0x88, $3  }
0x1: {  	(tag) =	ssettag $0x0;
	lr =	simm.s32 $0x1  }
0x2: {  	[smem:$0x3F9D] =	sst lr;
	_ =	strace $0xD0000000  }
0x3: {  	_ = 	snop  }
0x4: {  	_ = 	snop  }
0x5: {  	_ = 	snop  }
0x6: {  	_ = 	snop  }
0x7: {  	_ = 	snop  }
__scs_overlays_trampoline_lowered:
0x8: {  	[smem:$0x3FAC] =	sst s0  }
0x9: {  	[smem:$0x3FAD] =	sst s1  }
0xa: {  	[smem:$0x3FAE] =	sst s2  }
0xb: {  	[smem:$0x3FAF] =	sst s3  }
0xc: {  	[smem:$0x3FB0] =	sst s4  }
0xd: {  	[smem:$0x3FB1] =	sst s5  }
0xe: {  	[smem:$0x3FB2] =	sst s6  }
0xf: {  	[smem:$0x3FB3] =	sst s7  }
0x10: {  	[smem:$0x3FB4] =	sst s8  }
0x11: {  	[smem:$0x3FB5] =	sst s9;
	s0 =	simm.s32 @!p0 $0x0  }
0x12: {  	s1 =	sld [smem:$0x3F9B];
	s0 =	simm.s32 @p0 $0x1  }
0x13: {  	[smem:$0x3FB6] =	sst s0;
	s0 =	simm.s32 @!p1 $0x0  }
0x14: {  	s2 =	sld [smem:$0x3F9A];
	s0 =	simm.s32 @p1 $0x1  }
0x15: {  	[smem:$0x3FB7] =	sst s0;
	s0 =	simm.s32 @!p2 $0x0  }
0x16: {  	s3 =	sld [smem:$0x3FDB];
	s0 =	simm.s32 @p2 $0x1  }
0x17: {  	s4 =	simm.s32 $0x1BF5;
	[smem:$0x3FB9] =	sst s0  }
0x18: {  	s0 =	sld [smem:$0x3F9C];
	_ =	swait.ge [sflag:s4], $0x0  }
0x19: {  	s7 =	sld [smem:$0x3F9D]  }
0x1a: {  	s8 =	sadd.s32 $0xFFFFE003, lr  }
0x1b: {  	s9 =	sadd.s32 $0xFFFFFEF7, lr;
	s5 =	simm.s32 $0xFFFFFFFF;
	p2 =	slt.u32 s8, $0xFFFFF086  }
0x1c: {  	p1 =	slt.u32 s9, $0xF7A;
	s5 =	simm.s32 @!p2 $0x0  }
0x1d: {  	s5 =	simm.s32 @p1 $0x1;
	p0 =	seq.s32 s7, s2  }
0x1e: {  	s7 =	smul.u32 @!p0 $0xF7A, s2;
	p2 =	seq.s32 @!p0 s5, $0x0  }
0x1f: {  	s9 =	smul.u32 $0xF7A, s1;
	s8 =	simm.s32 @!p0 $0x1BF5;
	p2 =	por !p2, p0  }
0x20: {  	[sflag:s8] =	ssyncset.s32 @!p0 $0xFFFFF086;
	s6 =	sadd.s32 @!p0 s3, s7;
	s7 =	simm.s32 @!p0 $0x108  }
0x21: {  	s3 =	sadd.s32 s3, s9;
	s6 =	sadd.s32 @!p0 $0x88, s6;
	s7 =	simm.s32 @p2 $0x1082  }
0x22: {  	[simem:s7], [sflag:s8] =	dma.local @!p0 [hbm:s6], $0xF7A  }
0x23: {  	s9 =	sor.u32 $0xD0000000, s2;
	s6 =	simm.s32 $0x108;
	_ =	swait.ge @!p0 [sflag:s8], $0x0  }
0x24: {  	s3 =	sadd.s32 $0x88, s3;
	s6 =	simm.s32 @!p1 $0x1082;
	[sflag:s4] =	ssyncset.s32 $0xFFFFF086  }
0x25: {  	[simem:s6], [sflag:s4] =	dma.local [hbm:s3], $0xF7A  }
0x26: {  	[smem:$0x3F9D] =	sst s1;
	(tag) =	ssettag s2;
	_ =	strace s9  }
0x27: {  	s1 =	sld [smem:$0x3FAD]  }
0x28: {  	s2 =	sld [smem:$0x3FAE]  }
0x29: {  	s4 =	sld [smem:$0x3FB0]  }
0x2a: {  	p0 =	seq.s32 s5, $0x0;
	s5 =	sld [smem:$0x3FB1]  }
0x2b: {  	s6 =	sld [smem:$0x3FB2]  }
0x2c: {  	s7 =	sld [smem:$0x3FB3]  }
0x2d: {  	s3 =	simm.s32 $0x108;
	s8 =	sld [smem:$0x3FB4]  }
0x2e: {  	s3 =	simm.s32 @!p0 $0x1082;
	s9 =	sld [smem:$0x3FB5]  }
0x2f: {  	lr =	sadd.s32 s0, s3;
	s0 =	sld [smem:$0x3FAC]  }
0x30: {  	s3 =	sld [smem:$0x3FAF]  }
0x31: {  	[smem:$0x3FB8] =	sst s10  }
0x32: {  	s10 =	sld [smem:$0x3FB6];
	_ =	sdelay $0x3  }
0x33: {  	p0 =	seq.s32 s10, $0x1;
	s10 =	sld [smem:$0x3FB8];
	_ =	sdelay $0x3  }
0x34: {  	[smem:$0x3FB8] =	sst s10  }
0x35: {  	s10 =	sld [smem:$0x3FB7];
	_ =	sdelay $0x3  }
0x36: {  	p1 =	seq.s32 s10, $0x1;
	s10 =	sld [smem:$0x3FB8];
	_ =	sdelay $0x3  }
0x37: {  	[smem:$0x3FB8] =	sst s10  }
0x38: {  	s10 =	sld [smem:$0x3FB9]  }
0x39: {  	_ = 	snop;
	(pc) =	sbr.ind lr, $3  }
0x3a: {  	_ = 	snop  }
0x3b: {  	_ = 	snop  }
0x3c: {  	p2 =	seq.s32 s10, $0x1;
	s10 =	sld [smem:$0x3FB8]  }
0x3d: {  	_ =	shalt  }
0x3e: {  	_ =	shalt  }
0x3f: {  	_ =	shalt  }
0x40: {  	_ =	shalt  }
0x41: {  	_ =	shalt  }
0x42: {  	_ =	shalt  }
0x43: {  	_ =	shalt  }
0x44: {  	_ =	shalt  }
0x45: {  	_ =	shalt  }
0x46: {  	_ =	shalt  }
0x47: {  	_ =	shalt  }
0x48: {  	_ =	shalt  }
0x49: {  	_ =	shalt  }
0x4a: {  	_ =	shalt  }
0x4b: {  	_ =	shalt  }
0x4c: {  	_ =	shalt  }
0x4d: {  	_ =	shalt  }
0x4e: {  	_ =	shalt  }
0x4f: {  	_ =	shalt  }
0x50: {  	_ =	shalt  }
0x51: {  	_ =	shalt  }
0x52: {  	_ =	shalt  }
0x53: {  	_ =	shalt  }
0x54: {  	_ =	shalt  }
0x55: {  	_ =	shalt  }
0x56: {  	_ =	shalt  }
0x57: {  	_ =	shalt  }
0x58: {  	_ =	shalt  }
0x59: {  	_ =	shalt  }
0x5a: {  	_ =	shalt  }
0x5b: {  	_ =	shalt  }
0x5c: {  	_ =	shalt  }
0x5d: {  	_ =	shalt  }
0x5e: {  	_ =	shalt  }
0x5f: {  	_ =	shalt  }
0x60: {  	_ =	shalt  }
0x61: {  	_ =	shalt  }
0x62: {  	_ =	shalt  }
0x63: {  	_ =	shalt  }
0x64: {  	_ =	shalt  }
0x65: {  	_ =	shalt  }
0x66: {  	_ =	shalt  }
0x67: {  	_ =	shalt  }
0x68: {  	_ =	shalt  }
0x69: {  	_ =	shalt  }
0x6a: {  	_ =	shalt  }
0x6b: {  	_ =	shalt  }
0x6c: {  	_ =	shalt  }
0x6d: {  	_ =	shalt  }
0x6e: {  	_ =	shalt  }
0x6f: {  	_ =	shalt  }
0x70: {  	_ =	shalt  }
0x71: {  	_ =	shalt  }
0x72: {  	_ =	shalt  }
0x73: {  	_ =	shalt  }
0x74: {  	_ =	shalt  }
0x75: {  	_ =	shalt  }
0x76: {  	_ =	shalt  }
0x77: {  	_ =	shalt  }
0x78: {  	_ =	shalt  }
0x79: {  	_ =	shalt  }
0x7a: {  	_ =	shalt  }
0x7b: {  	_ =	shalt  }
0x7c: {  	_ =	shalt  }
0x7d: {  	_ =	shalt  }
0x7e: {  	_ =	shalt  }
0x7f: {  	_ =	shalt  }
0x80: {  	_ =	shalt  }
0x81: {  	_ =	shalt  }
0x82: {  	_ =	shalt  }
0x83: {  	_ =	shalt  }
0x84: {  	_ =	shalt  }
0x85: {  	_ =	shalt  }
0x86: {  	_ =	shalt  }
0x87: {  	_ =	shalt  }
.Lfunc_end0:
.L_simem_size_0:
called_computation_lowered:
.L_overlay_start_0:
0x88: {  	s2 =	sld [smem:$0x3FD9]  }
0x89: {  	s3 =	sld [smem:$0x3FFE];
	_ =	sdelay $0x1  }
0x8a: {  	s1 =	srdreg.scid  }
0x8b: {  	s0 =	sand.u32 $0x1, s1  }
0x8c: {  	s14 =	sshll.u32 s0, $0xA;
	s2 =	sadd.s32 s3, s2  }
0x8d: {  	s2 =	sadd.s32 s2, s14  }
0x8e: {  	[smem:$0x3FC4] =	sst s2  }
0x8f: {  	_ = 	snop  }
0x90: {  	s2 =	sld [smem:$0x3FD0];
	_ =	sdelay $0x1  }
0x91: {  	s15 =	sld [smem:$0x3FC7]  }
0x92: {  	s5 =	simm.s32 $0xA;
	s6 =	simm.s32 $0x10;
	s4 =	sld [smem:$0x3FC6]  }
0x93: {  	[smem:s6], [sflag:s5] =	dma.local [hbm:s2], $0x1  }
0x94: {  	_ =	swait.eq [sflag:s5], $0x1  }
0x95: {  	[sflag:s5] =	ssyncset.done $0x0  }
0x96: {  	[sflag:s5] =	ssyncadd.s32 $0xFFFFFFFF  }
0x97: {  	s16 =	sld [smem:$0x10];
	(tm) =	ssettm $0x1  }
0x98: {  	s17 =	sld [smem:$0x3FFB];
	_ =	sdelay $0x3  }
0x99: {  	_ =	strace s17  }
0x9a: {  	s5 =	sld [smem:$0x3FFC];
	_ =	sdelay $0x3  }
0x9b: {  	_ =	strace s5  }
0x9c: {  	s5 =	sld [smem:$0x3FFD];
	_ =	sdelay $0x3  }
0x9d: {  	_ =	strace s5  }
0x9e: {  	_ =	strace $0x8FFFFFFF  }
0x9f: {  	s18 =	sld [smem:$0x3FDB];
	_ =	sdelay $0x1  }
0xa0: {  	s19 =	simm.s32 $_scs_section_size  }
0xa1: {  	s7 =	simm.s32 $_size__tile_overlayer_lowered;
	s8 =	simm.s32 $_tile_overlayer_lowered  }
0xa2: {  	s22 =	simm.s32 $0x1BFF;
	s21 =	sshll.u32 s8, $0x1;
	s5 =	sadd.s32 s19, s18  }
0xa3: {  	s9 =	simm.s32 $0x0;
	s20 =	sshll.u32 s7, $0x1;
	s7 =	sadd.s32 s21, s5  }
0xa4: {  	[timem:s9], [sflag:s22] =	dma.local [hbm:s7], s20  }
0xa5: {  	_ =	swait.ge [sflag:s22], s20  }
0xa6: {  	s6 =	ssub.s32 $0x0, s20;
	[sflag:s22] =	ssyncset.done $0x0  }
0xa7: {  	[sflag:s22] =	ssyncadd.s32 s6;
	_ =	sdelay $0x1  }
0xa8: {  	s23 =	simm.s32 $0x1B8B  }
0xa9: {  	_ =	swait.ge [sflag:s23], $0x1  }
0xaa: {  	[sflag:s23] =	ssyncset.done $0x0  }
0xab: {  	s25 =	simm.s32 $0x1B8E;
	s24 =	sld [smem:$0x3FFE];
	[sflag:s23] =	ssyncadd.s32 $0xFFFFFFFF  }
0xac: {  	s26 =	simm.s32 $execute0_lowered;
	[smem:$0x3FD2] =	sst s25  }
0xad: {  	s7 =	sshll.u32 s26, $0x1;
	_ =	strace $0x80000046;
	[dreg:$0x1] =	wrdreg $0xFFFFFFFF  }
0xae: {  	s28 =	simm.s32 $_size_execute0_lowered;
	s5 =	sadd.s32 s5, s7;
	[dreg:$0x0] =	wrdreg $0x0  }
0xaf: {  	s7 =	sshll.u32 s28, $0x1;
	[dreg:$0x2] =	wrdreg s5  }
0xb0: {  	[dreg:$0x3] =	wrdreg s7  }
0xb1: {  	[dreg:$0x4] =	wrdreg $0xC0  }
0xb2: {  	_ =	task [dreg:s9], $0x5FFFF  }
0xb3: {  	[dreg:$0x1] =	wrdreg $0xFFFFFFFF  }
0xb4: {  	[dreg:$0x0] =	wrdreg $0x60  }
0xb5: {  	[dreg:$0x2] =	wrdreg s15  }
0xb6: {  	[dreg:$0x3] =	wrdreg s4  }
0xb7: {  	[dreg:$0x4] =	wrdreg s24  }
0xb8: {  	[dreg:$0x5] =	wrdreg s16  }
0xb9: {  	[dreg:$0x6] =	wrdreg $0x9  }
0xba: {  	_ =	task.clear_ibuf [dreg:s9], $0x7FFFF;
	_ =	strace $0x90000046  }
0xbb: {  	s29 =	simm.s32 $0x9;
	_ =	strace $0x80000048  }
0xbc: {  	_ =	swait.ge [sflag:s29], $0x1  }
0xbd: {  	[sflag:s29] =	ssyncadd.s32 $0xFFFFFFFF  }
0xbe: {  	_ =	strace $0x90000048  }
0xbf: {  	_ =	sfence  }
0xc0: {  	s30 =	sld [smem:$0x0];
	_ =	sdelay $0x2  }
0xc1: {  	s31 =	sshll.u32 s1, $0xD;
	s1 =	sshrl.u32 s1, $0x2  }
0xc2: {  	s3 =	sand.u32 $0x4000, s31;
	s1 =	sadd.s32 s1, s30  }
0xc3: {  	s0 =	sor.u32 s3, s0;
	s1 =	sshll.u32 s1, $0x11  }
0xc4: {  	s0 =	sor.u32 s1, s0  }
0xc5: {  	s0 =	sadd.s32 $0x8F2B, s0  }
0xc6: {  	[sflag:s0] =	ssyncadd.remote.s32 $0x1  }
0xc7: {  	_ =	sfence.sel $0xFFFF  }
0xc8: {  	[dreg:$0x0] =	wrdreg $0xFFFFFFFF;
	(pc) =	sbr.abs _section_cstart, $3  }
0xc9: {  	[dreg:$0x1] =	wrdreg $0xFFFFFFFF  }
0xca: {  	_ =	task.clear_ibuf [dreg:s9], $0x2FFFF;
	_ =	strace $0x9FFFFFFF  }
0xcb: {  	(tm) =	ssettm $0x7FFFFFFF  }
tec
execute0_lowered:
.L_overlay_start_1:
0x0: {  	(tag) =	ssettag $0x1  }
0x1: {  	s3 =	srdreg.scid;
	s0 =	stileid.u32  }
0x2: {  	s8 =	sand.u32 $0x1, s3;
	s7 =	sshll.u32 s0, $0x1  }
0x3: {  	s7 =	sor.u32 s8, s7  }
0x4: {  	s1 =	rddreg [dreg:$0x0];
	p0 =	sgt.u32 s7, $0x18  }
.Ltmp0:
0x5: {  	s2 =	rddreg [dreg:$0x1];
	(pc) =	sbr.rel @p0 .LBB2_13-.Ltmp0, $4  }
0x6: {  	s5 =	rddreg [dreg:$0x2]  }
0x7: {  	s6 =	rddreg [dreg:$0x3];
	s4 =	simm.s32 $0x0  }
0x8: {  	[smem:$0x7FF] =	sst s4  }
0x9: {  	s3 =	rddreg [dreg:$0x4];
	_ =	strace $0x80000047  }
0xa: {  	s9 =	sshll.u32 s7, $0x4  }
0xb: {  	s10 =	smul.u32 $0x1400, s7;
	s8 =	ssub.s32 $0x2, s8;
	s11 =	sadd.s32 $0x600, s5  }
0xc: {  	s31 =	sshll.u32 s7, $0x5;
	s12 =	simm.s32 $0x4580;
	s13 =	simm.s32 $0x100  }
0xd: {  	s14 =	simm.s32 $0x580;
	s15 =	simm.s32 $0x180;
	s16 =	simm.s32 $0x2580  }
0xe: {  	s17 =	simm.s32 $0x3;
	s18 =	simm.s32 $0x1;
	s19 =	simm.s32 $0x200  }
0xf: {  	s20 =	simm.s32 $0x2;
	s21 =	simm.s32 $0x280;
	s22 =	simm.s32 $0x300  }
0x10: {  	s23 =	simm.s32 $0x5580;
	s24 =	simm.s32 $0x0;
	s9 =	sadd.s32 s9, s5  }
0x11: {  	s30 =	sshrl.u32 s8, $0x1;
	s7 =	sadd.s32 s11, s31;
	s11 =	simm.s32 $0x20  }
0x12: {  	s5 =	sadd.s32 $0xA00, s9;
	s6 =	sadd.s32 s6, s10;
	s8 =	ssub.s32 s8, s30  }
0x13: {  	s9 =	simm.s32 $0x4;
	s10 =	simm.s32 $0x500;
	s8 =	smax.u32 s8, $0x1  }
.LBB2_2:
0x14: {  	s25 =	simm.s32 $0x0  }
0x15: {  	[tilespmem:s25], [sflag:$0x4] =	stream.linear.gather [hbm4b:s7+s25], $0x100, $0x38;
	[tilespmem:$0xF580] =	vst v63  }
0x16: {  	_ =	swait.ge [sflag:s9], $0x100  }
0x17: {  	[sflag:s9] =	ssyncset.done $0x0  }
0x18: {  	[sflag:s9] =	ssyncadd.s32 $0xFFFFFF00  }
0x19: {  	[tilespmem:s10], [sflag:$0x4] =	stream.linear.gather [hbm4b:s5+s25], $0x80, $0x38;
	[tilespmem:$0xF580] =	vst v63  }
0x1a: {  	_ =	swait.ge [sflag:s9], $0x80  }
0x1b: {  	[sflag:s9] =	ssyncset.done $0x0  }
0x1c: {  	[sflag:s9] =	ssyncadd.s32 $0xFFFFFF80  }
0x1d: {  	[tilespmem:s12], [sflag:$0x3] =	stream.indirect.gather [hbm4b:s2+s11], $0x80, s10, s11, $0xb8;
	[tilespmem:$0xF580] =	vst v63  }
0x1e: {  	v0 =	vld [tilespmem:$0x0]  }
0x1f: {  	v1 =	vld [tilespmem:$0x80]  }
0x20: {  	v2 =	vld [tilespmem:$0x0]  }
0x21: {  	v3 =	vld [tilespmem:$0x80]  }
0x22: {  	v4 =	vld [tilespmem:$0x0]  }
0x23: {  	v5 =	vld [tilespmem:$0x80]  }
0x24: {  	v6 =	vld [tilespmem:$0x0];
	v0 =	vmul.u32 $0xA, v0  }
0x25: {  	v7 =	vld [tilespmem:$0x80];
	v1 =	vmul.u32 $0xA, v1;
	v2 =	vmul.u32 $0xA, v2  }
0x26: {  	[tilespmem:$0x100] =	vst v0;
	v0 =	vmul.u32 $0xA, v3;
	v3 =	vld [tilespmem:$0x0]  }
0x27: {  	v63 =	vld [tilespmem:$0x80];
	[tilespmem:$0x110] =	vst v1;
	v1 =	vor.u32 $0x1, v2;
	v2 =	vmul.u32 $0xA, v4  }
0x28: {  	[tilespmem:$0x180] =	vst v1;
	v1 =	vmul.u32 $0xA, v5;
	v0 =	vor.u32 $0x1, v0  }
0x29: {  	[tilespmem:$0x190] =	vst v0;
	v0 =	vadd.s32 $0x2, v2;
	v2 =	vmul.u32 $0xA, v6  }
0x2a: {  	[tilespmem:$0x200] =	vst v0;
	v0 =	vadd.s32 $0x2, v1;
	v1 =	vmul.u32 $0xA, v7  }
0x2b: {  	[tilespmem:$0x210] =	vst v0;
	v0 =	vadd.s32 $0x3, v2;
	v2 =	vmul.u32 $0xA, v3  }
0x2c: {  	[tilespmem:$0x280] =	vst v0;
	v0 =	vadd.s32 $0x3, v1;
	v1 =	vmul.u32 $0xA, v63  }
0x2d: {  	[tilespmem:$0x290] =	vst v0;
	v0 =	vadd.s32 $0x4, v2  }
0x2e: {  	[tilespmem:$0x300] =	vst v0;
	v0 =	vadd.s32 $0x4, v1  }
0x2f: {  	[tilespmem:$0x310] =	vst v0  }
0x30: {  	[tilespmem:s14], [sflag:$0x1] =	stream.indirect.gather [hbm4b:s1+s11], $0x100, s13, s11, $0xb8;
	[tilespmem:$0xF580] =	vst v63  }
0x31: {  	_ = 	snop  }
0x32: {  	[tilespmem:s16], [sflag:$0x2] =	stream.indirect.gather [hbm4b:s1+s11], $0x100, s15, s11, $0xb8;
	[tilespmem:$0xF580] =	vst v63  }
0x33: {  	_ =	swait.ge [sflag:s17], $0x1000  }
0x34: {  	[sflag:s17] =	ssyncset.done $0x0  }
0x35: {  	[sflag:s17] =	ssyncadd.s32 $0xFFFFF000  }
0x36: {  	_ =	swait.ge [sflag:s18], $0x2000  }
0x37: {  	[sflag:s18] =	ssyncset.done $0x0  }
0x38: {  	[sflag:s18] =	ssyncadd.s32 $0xFFFFE000  }
0x39: {  	s25 =	simm.s32 $0x1580;
	v0 =	vld [tilespmem:$0x4580]  }
0x3a: {  	v1 =	vld [tilespmem:s25+$0xFFFFF000];
	_ =	sdelay $0x4  }
0x3b: {  	v0 =	vadd.f32 v1, v0  }
0x3c: {  	s26 =	simm.s32 $0x0  }
0x3d: {  	[tilespmem:s26+$0x5580] =	vst v0  }
0x3e: {  	v0 =	vld [tilespmem:$0x4590]  }
0x3f: {  	v1 =	vld [tilespmem:s25+$0xFFFFF010];
	_ =	sdelay $0x4  }
0x40: {  	v0 =	vadd.f32 v1, v0;
	_ =	sdelay $0x1  }
0x41: {  	[tilespmem:s26+$0x5590] =	vst v0  }
0x42: {  	v0 =	vld [tilespmem:$0x45A0]  }
0x43: {  	v1 =	vld [tilespmem:s25+$0xFFFFF020];
	_ =	sdelay $0x4  }
0x44: {  	v0 =	vadd.f32 v1, v0;
	_ =	sdelay $0x1  }
0x45: {  	[tilespmem:s26+$0x55A0] =	vst v0  }
0x46: {  	v0 =	vld [tilespmem:$0x45B0]  }
0x47: {  	v1 =	vld [tilespmem:s25+$0xFFFFF030];
	_ =	sdelay $0x4  }
0x48: {  	v0 =	vadd.f32 v1, v0;
	_ =	sdelay $0x1  }
0x49: {  	[tilespmem:s26+$0x55B0] =	vst v0  }
0x4a: {  	v0 =	vld [tilespmem:$0x45C0]  }
0x4b: {  	v1 =	vld [tilespmem:s25+$0xFFFFF040];
	_ =	sdelay $0x4  }
0x4c: {  	v0 =	vadd.f32 v1, v0;
	_ =	sdelay $0x1  }
0x4d: {  	[tilespmem:s26+$0x55C0] =	vst v0  }
0x4e: {  	v0 =	vld [tilespmem:$0x45D0]  }
0x4f: {  	v1 =	vld [tilespmem:s25+$0xFFFFF050];
	_ =	sdelay $0x4  }
0x50: {  	v0 =	vadd.f32 v1, v0;
	_ =	sdelay $0x1  }
0x51: {  	[tilespmem:s26+$0x55D0] =	vst v0  }
0x52: {  	v0 =	vld [tilespmem:$0x45E0]  }
0x53: {  	v1 =	vld [tilespmem:s25+$0xFFFFF060];
	_ =	sdelay $0x4  }
0x54: {  	v0 =	vadd.f32 v1, v0;
	_ =	sdelay $0x1  }
0x55: {  	[tilespmem:s26+$0x55E0] =	vst v0  }
0x56: {  	v0 =	vld [tilespmem:$0x45F0]  }
0x57: {  	v1 =	vld [tilespmem:s25+$0xFFFFF070];
	_ =	sdelay $0x4  }
0x58: {  	v0 =	vadd.f32 v1, v0;
	_ =	sdelay $0x1  }
0x59: {  	[tilespmem:s26+$0x55F0] =	vst v0  }
0x5a: {  	v0 =	vld [tilespmem:$0x4600]  }
0x5b: {  	v1 =	vld [tilespmem:s25+$0xFFFFF080];
	_ =	sdelay $0x4  }
0x5c: {  	v0 =	vadd.f32 v1, v0;
	_ =	sdelay $0x1  }
0x5d: {  	[tilespmem:s26+$0x5D80] =	vst v0  }
0x5e: {  	v0 =	vld [tilespmem:$0x4610]  }
0x5f: {  	v1 =	vld [tilespmem:s25+$0xFFFFF090];
	_ =	sdelay $0x4  }
0x60: {  	v0 =	vadd.f32 v1, v0;
	_ =	sdelay $0x1  }
0x61: {  	[tilespmem:s26+$0x5D90] =	vst v0  }
0x62: {  	v0 =	vld [tilespmem:$0x4620]  }
0x63: {  	v1 =	vld [tilespmem:s25+$0xFFFFF0A0];
	_ =	sdelay $0x4  }
0x64: {  	v0 =	vadd.f32 v1, v0;
	_ =	sdelay $0x1  }
0x65: {  	[tilespmem:s26+$0x5DA0] =	vst v0  }
0x66: {  	v0 =	vld [tilespmem:$0x4630]  }
0x67: {  	v1 =	vld [tilespmem:s25+$0xFFFFF0B0];
	_ =	sdelay $0x4  }
0x68: {  	v0 =	vadd.f32 v1, v0;
	_ =	sdelay $0x1  }
0x69: {  	[tilespmem:s26+$0x5DB0] =	vst v0  }
0x6a: {  	v0 =	vld [tilespmem:$0x4640]  }
0x6b: {  	v1 =	vld [tilespmem:s25+$0xFFFFF0C0];
	_ =	sdelay $0x4  }
0x6c: {  	v0 =	vadd.f32 v1, v0;
	_ =	sdelay $0x1  }
0x6d: {  	[tilespmem:s26+$0x5DC0] =	vst v0  }
0x6e: {  	v0 =	vld [tilespmem:$0x4650]  }
0x6f: {  	v1 =	vld [tilespmem:s25+$0xFFFFF0D0];
	_ =	sdelay $0x4  }
0x70: {  	v0 =	vadd.f32 v1, v0;
	_ =	sdelay $0x1  }
0x71: {  	[tilespmem:s26+$0x5DD0] =	vst v0  }
0x72: {  	v0 =	vld [tilespmem:$0x4660]  }
0x73: {  	v1 =	vld [tilespmem:s25+$0xFFFFF0E0];
	_ =	sdelay $0x4  }
0x74: {  	v0 =	vadd.f32 v1, v0;
	_ =	sdelay $0x1  }
0x75: {  	[tilespmem:s26+$0x5DE0] =	vst v0  }
0x76: {  	v0 =	vld [tilespmem:$0x4670]  }
0x77: {  	v1 =	vld [tilespmem:s25+$0xFFFFF0F0];
	_ =	sdelay $0x4  }
0x78: {  	v0 =	vadd.f32 v1, v0;
	_ =	sdelay $0x1  }
0x79: {  	[tilespmem:s26+$0x5DF0] =	vst v0  }
0x7a: {  	v0 =	vld [tilespmem:$0x4A80]  }
0x7b: {  	v1 =	vld [tilespmem:s25+$0x0];
	_ =	sdelay $0x4  }
0x7c: {  	v0 =	vadd.f32 v1, v0;
	_ =	sdelay $0x1  }
0x7d: {  	[tilespmem:s26+$0xA580] =	vst v0  }
0x7e: {  	v0 =	vld [tilespmem:$0x4A90]  }
0x7f: {  	v1 =	vld [tilespmem:s25+$0x10];
	_ =	sdelay $0x4  }
0x80: {  	v0 =	vadd.f32 v1, v0;
	_ =	sdelay $0x1  }
0x81: {  	[tilespmem:s26+$0xA590] =	vst v0  }
0x82: {  	v0 =	vld [tilespmem:$0x4AA0]  }
0x83: {  	v1 =	vld [tilespmem:s25+$0x20];
	_ =	sdelay $0x4  }
0x84: {  	v0 =	vadd.f32 v1, v0;
	_ =	sdelay $0x1  }
0x85: {  	[tilespmem:s26+$0xA5A0] =	vst v0  }
0x86: {  	v0 =	vld [tilespmem:$0x4AB0]  }
0x87: {  	v1 =	vld [tilespmem:s25+$0x30];
	_ =	sdelay $0x4  }
0x88: {  	v0 =	vadd.f32 v1, v0;
	_ =	sdelay $0x1  }
0x89: {  	[tilespmem:s26+$0xA5B0] =	vst v0  }
0x8a: {  	v0 =	vld [tilespmem:$0x4AC0]  }
0x8b: {  	v1 =	vld [tilespmem:s25+$0x40];
	_ =	sdelay $0x4  }
0x8c: {  	v0 =	vadd.f32 v1, v0;
	_ =	sdelay $0x1  }
0x8d: {  	[tilespmem:s26+$0xA5C0] =	vst v0  }
0x8e: {  	v0 =	vld [tilespmem:$0x4AD0]  }
0x8f: {  	v1 =	vld [tilespmem:s25+$0x50];
	_ =	sdelay $0x4  }
0x90: {  	v0 =	vadd.f32 v1, v0;
	_ =	sdelay $0x1  }
0x91: {  	[tilespmem:s26+$0xA5D0] =	vst v0  }
0x92: {  	v0 =	vld [tilespmem:$0x4AE0]  }
0x93: {  	v1 =	vld [tilespmem:s25+$0x60];
	_ =	sdelay $0x4  }
0x94: {  	v0 =	vadd.f32 v1, v0;
	_ =	sdelay $0x1  }
0x95: {  	[tilespmem:s26+$0xA5E0] =	vst v0  }
0x96: {  	v0 =	vld [tilespmem:$0x4AF0]  }
0x97: {  	v1 =	vld [tilespmem:s25+$0x70];
	_ =	sdelay $0x4  }
0x98: {  	v0 =	vadd.f32 v1, v0;
	_ =	sdelay $0x1  }
0x99: {  	[tilespmem:s26+$0xA5F0] =	vst v0  }
0x9a: {  	v0 =	vld [tilespmem:$0x4B00]  }
0x9b: {  	v1 =	vld [tilespmem:s25+$0x80];
	_ =	sdelay $0x4  }
0x9c: {  	v0 =	vadd.f32 v1, v0;
	_ =	sdelay $0x1  }
0x9d: {  	[tilespmem:s26+$0xAD80] =	vst v0  }
0x9e: {  	v0 =	vld [tilespmem:$0x4B10]  }
0x9f: {  	v1 =	vld [tilespmem:s25+$0x90];
	_ =	sdelay $0x4  }
0xa0: {  	v0 =	vadd.f32 v1, v0;
	_ =	sdelay $0x1  }
0xa1: {  	[tilespmem:s26+$0xAD90] =	vst v0  }
0xa2: {  	v0 =	vld [tilespmem:$0x4B20]  }
0xa3: {  	v1 =	vld [tilespmem:s25+$0xA0];
	_ =	sdelay $0x4  }
0xa4: {  	v0 =	vadd.f32 v1, v0;
	_ =	sdelay $0x1  }
0xa5: {  	[tilespmem:s26+$0xADA0] =	vst v0  }
0xa6: {  	v0 =	vld [tilespmem:$0x4B30]  }
0xa7: {  	v1 =	vld [tilespmem:s25+$0xB0];
	_ =	sdelay $0x4  }
0xa8: {  	v0 =	vadd.f32 v1, v0;
	_ =	sdelay $0x1  }
0xa9: {  	[tilespmem:s26+$0xADB0] =	vst v0  }
0xaa: {  	v0 =	vld [tilespmem:$0x4B40]  }
0xab: {  	s29 =	simm.s32 $0x200;
	s28 =	simm.s32 $0x1580;
	v1 =	vld [tilespmem:s25+$0xC0]  }
.LBB2_3:
0xac: {  	_ = 	snop  }
0xad: {  	p0 =	sne.s32 s29, $0x1E00  }
0xae: {  	s25 =	sadd.s32 $0x100, s25;
	s30 =	smov.u32 s29;
	s29 =	sadd.s32 $0x200, s29  }
0xaf: {  	_ = 	snop  }
0xb0: {  	v0 =	vadd.f32 v1, v0;
	_ =	sdelay $0x1  }
0xb1: {  	[tilespmem:s26+$0xADC0] =	vst v0  }
0xb2: {  	v0 =	vld [tilespmem:$0x4B50]  }
0xb3: {  	v1 =	vld [tilespmem:s28+$0xD0];
	_ =	sdelay $0x4  }
0xb4: {  	v0 =	vadd.f32 v1, v0;
	_ =	sdelay $0x1  }
0xb5: {  	[tilespmem:s26+$0xADD0] =	vst v0  }
0xb6: {  	v0 =	vld [tilespmem:$0x4B60]  }
0xb7: {  	v1 =	vld [tilespmem:s28+$0xE0];
	_ =	sdelay $0x4  }
0xb8: {  	v0 =	vadd.f32 v1, v0;
	_ =	sdelay $0x1  }
0xb9: {  	[tilespmem:s26+$0xADE0] =	vst v0  }
0xba: {  	v0 =	vld [tilespmem:$0x4B70]  }
0xbb: {  	v1 =	vld [tilespmem:s28+$0xF0];
	s28 =	smov.u32 s25;
	_ =	sdelay $0x4  }
0xbc: {  	v0 =	vadd.f32 v1, v0;
	_ =	sdelay $0x1  }
0xbd: {  	[tilespmem:s26+$0xADF0] =	vst v0  }
0xbe: {  	v0 =	vld [tilespmem:$0x4580]  }
0xbf: {  	v1 =	vld [tilespmem:s25+$0xFFFFF000];
	_ =	sdelay $0x4  }
0xc0: {  	v0 =	vadd.f32 v1, v0  }
0xc1: {  	s26 =	sshra.s32 s30, $0x2  }
0xc2: {  	[tilespmem:s26+$0x5580] =	vst v0  }
0xc3: {  	v0 =	vld [tilespmem:$0x4590]  }
0xc4: {  	v1 =	vld [tilespmem:s25+$0xFFFFF010];
	_ =	sdelay $0x4  }
0xc5: {  	v0 =	vadd.f32 v1, v0;
	_ =	sdelay $0x1  }
0xc6: {  	[tilespmem:s26+$0x5590] =	vst v0  }
0xc7: {  	v0 =	vld [tilespmem:$0x45A0]  }
0xc8: {  	v1 =	vld [tilespmem:s25+$0xFFFFF020];
	_ =	sdelay $0x4  }
0xc9: {  	v0 =	vadd.f32 v1, v0;
	_ =	sdelay $0x1  }
0xca: {  	[tilespmem:s26+$0x55A0] =	vst v0  }
0xcb: {  	v0 =	vld [tilespmem:$0x45B0]  }
0xcc: {  	v1 =	vld [tilespmem:s25+$0xFFFFF030];
	_ =	sdelay $0x4  }
0xcd: {  	v0 =	vadd.f32 v1, v0;
	_ =	sdelay $0x1  }
0xce: {  	[tilespmem:s26+$0x55B0] =	vst v0  }
0xcf: {  	v0 =	vld [tilespmem:$0x45C0]  }
0xd0: {  	v1 =	vld [tilespmem:s25+$0xFFFFF040];
	_ =	sdelay $0x4  }
0xd1: {  	v0 =	vadd.f32 v1, v0;
	_ =	sdelay $0x1  }
0xd2: {  	[tilespmem:s26+$0x55C0] =	vst v0  }
0xd3: {  	v0 =	vld [tilespmem:$0x45D0]  }
0xd4: {  	v1 =	vld [tilespmem:s25+$0xFFFFF050];
	_ =	sdelay $0x4  }
0xd5: {  	v0 =	vadd.f32 v1, v0;
	_ =	sdelay $0x1  }
0xd6: {  	[tilespmem:s26+$0x55D0] =	vst v0  }
0xd7: {  	v0 =	vld [tilespmem:$0x45E0]  }
0xd8: {  	v1 =	vld [tilespmem:s25+$0xFFFFF060];
	_ =	sdelay $0x4  }
0xd9: {  	v0 =	vadd.f32 v1, v0;
	_ =	sdelay $0x1  }
0xda: {  	[tilespmem:s26+$0x55E0] =	vst v0  }
0xdb: {  	v0 =	vld [tilespmem:$0x45F0]  }
0xdc: {  	v1 =	vld [tilespmem:s25+$0xFFFFF070];
	_ =	sdelay $0x4  }
0xdd: {  	v0 =	vadd.f32 v1, v0;
	_ =	sdelay $0x1  }
0xde: {  	[tilespmem:s26+$0x55F0] =	vst v0  }
0xdf: {  	v0 =	vld [tilespmem:$0x4600]  }
0xe0: {  	v1 =	vld [tilespmem:s25+$0xFFFFF080];
	_ =	sdelay $0x4  }
0xe1: {  	v0 =	vadd.f32 v1, v0;
	_ =	sdelay $0x1  }
0xe2: {  	[tilespmem:s26+$0x5D80] =	vst v0  }
0xe3: {  	v0 =	vld [tilespmem:$0x4610]  }
0xe4: {  	v1 =	vld [tilespmem:s25+$0xFFFFF090];
	_ =	sdelay $0x4  }
0xe5: {  	v0 =	vadd.f32 v1, v0;
	_ =	sdelay $0x1  }
0xe6: {  	[tilespmem:s26+$0x5D90] =	vst v0  }
0xe7: {  	v0 =	vld [tilespmem:$0x4620]  }
0xe8: {  	v1 =	vld [tilespmem:s25+$0xFFFFF0A0];
	_ =	sdelay $0x4  }
0xe9: {  	v0 =	vadd.f32 v1, v0;
	_ =	sdelay $0x1  }
0xea: {  	[tilespmem:s26+$0x5DA0] =	vst v0  }
0xeb: {  	v0 =	vld [tilespmem:$0x4630]  }
0xec: {  	v1 =	vld [tilespmem:s25+$0xFFFFF0B0];
	_ =	sdelay $0x4  }
0xed: {  	v0 =	vadd.f32 v1, v0;
	_ =	sdelay $0x1  }
0xee: {  	[tilespmem:s26+$0x5DB0] =	vst v0  }
0xef: {  	v0 =	vld [tilespmem:$0x4640]  }
0xf0: {  	v1 =	vld [tilespmem:s25+$0xFFFFF0C0];
	_ =	sdelay $0x4  }
0xf1: {  	v0 =	vadd.f32 v1, v0;
	_ =	sdelay $0x1  }
0xf2: {  	[tilespmem:s26+$0x5DC0] =	vst v0  }
0xf3: {  	v0 =	vld [tilespmem:$0x4650]  }
0xf4: {  	v1 =	vld [tilespmem:s25+$0xFFFFF0D0];
	_ =	sdelay $0x4  }
0xf5: {  	v0 =	vadd.f32 v1, v0;
	_ =	sdelay $0x1  }
0xf6: {  	[tilespmem:s26+$0x5DD0] =	vst v0  }
0xf7: {  	v0 =	vld [tilespmem:$0x4660]  }
0xf8: {  	v1 =	vld [tilespmem:s25+$0xFFFFF0E0];
	_ =	sdelay $0x4  }
0xf9: {  	v0 =	vadd.f32 v1, v0;
	_ =	sdelay $0x1  }
0xfa: {  	[tilespmem:s26+$0x5DE0] =	vst v0  }
0xfb: {  	v0 =	vld [tilespmem:$0x4670]  }
0xfc: {  	v1 =	vld [tilespmem:s25+$0xFFFFF0F0];
	_ =	sdelay $0x4  }
0xfd: {  	v0 =	vadd.f32 v1, v0;
	_ =	sdelay $0x1  }
0xfe: {  	[tilespmem:s26+$0x5DF0] =	vst v0  }
0xff: {  	v0 =	vld [tilespmem:$0x4A80]  }
0x100: {  	v1 =	vld [tilespmem:s25+$0x0];
	_ =	sdelay $0x4  }
0x101: {  	v0 =	vadd.f32 v1, v0;
	_ =	sdelay $0x1  }
0x102: {  	[tilespmem:s26+$0xA580] =	vst v0  }
0x103: {  	v0 =	vld [tilespmem:$0x4A90]  }
0x104: {  	v1 =	vld [tilespmem:s25+$0x10];
	_ =	sdelay $0x4  }
0x105: {  	v0 =	vadd.f32 v1, v0;
	_ =	sdelay $0x1  }
0x106: {  	[tilespmem:s26+$0xA590] =	vst v0  }
0x107: {  	v0 =	vld [tilespmem:$0x4AA0]  }
0x108: {  	v1 =	vld [tilespmem:s25+$0x20];
	_ =	sdelay $0x4  }
0x109: {  	v0 =	vadd.f32 v1, v0;
	_ =	sdelay $0x1  }
0x10a: {  	[tilespmem:s26+$0xA5A0] =	vst v0  }
0x10b: {  	v0 =	vld [tilespmem:$0x4AB0]  }
0x10c: {  	v1 =	vld [tilespmem:s25+$0x30];
	_ =	sdelay $0x4  }
0x10d: {  	v0 =	vadd.f32 v1, v0;
	_ =	sdelay $0x1  }
0x10e: {  	[tilespmem:s26+$0xA5B0] =	vst v0  }
0x10f: {  	v0 =	vld [tilespmem:$0x4AC0]  }
0x110: {  	v1 =	vld [tilespmem:s25+$0x40];
	_ =	sdelay $0x4  }
0x111: {  	v0 =	vadd.f32 v1, v0;
	_ =	sdelay $0x1  }
0x112: {  	[tilespmem:s26+$0xA5C0] =	vst v0  }
0x113: {  	v0 =	vld [tilespmem:$0x4AD0]  }
0x114: {  	v1 =	vld [tilespmem:s25+$0x50];
	_ =	sdelay $0x4  }
0x115: {  	v0 =	vadd.f32 v1, v0;
	_ =	sdelay $0x1  }
0x116: {  	[tilespmem:s26+$0xA5D0] =	vst v0  }
0x117: {  	v0 =	vld [tilespmem:$0x4AE0]  }
0x118: {  	v1 =	vld [tilespmem:s25+$0x60];
	_ =	sdelay $0x4  }
0x119: {  	v0 =	vadd.f32 v1, v0;
	_ =	sdelay $0x1  }
0x11a: {  	[tilespmem:s26+$0xA5E0] =	vst v0  }
0x11b: {  	v0 =	vld [tilespmem:$0x4AF0]  }
0x11c: {  	v1 =	vld [tilespmem:s25+$0x70];
	_ =	sdelay $0x4  }
0x11d: {  	v0 =	vadd.f32 v1, v0;
	_ =	sdelay $0x1  }
0x11e: {  	[tilespmem:s26+$0xA5F0] =	vst v0  }
0x11f: {  	v0 =	vld [tilespmem:$0x4B00]  }
0x120: {  	v1 =	vld [tilespmem:s25+$0x80];
	_ =	sdelay $0x4  }
0x121: {  	v0 =	vadd.f32 v1, v0;
	_ =	sdelay $0x1  }
0x122: {  	[tilespmem:s26+$0xAD80] =	vst v0  }
0x123: {  	v0 =	vld [tilespmem:$0x4B10]  }
0x124: {  	v1 =	vld [tilespmem:s25+$0x90];
	_ =	sdelay $0x4  }
0x125: {  	v0 =	vadd.f32 v1, v0;
	_ =	sdelay $0x1  }
0x126: {  	[tilespmem:s26+$0xAD90] =	vst v0  }
0x127: {  	v0 =	vld [tilespmem:$0x4B20]  }
0x128: {  	v1 =	vld [tilespmem:s25+$0xA0];
	_ =	sdelay $0x4  }
0x129: {  	v0 =	vadd.f32 v1, v0;
	_ =	sdelay $0x1  }
0x12a: {  	[tilespmem:s26+$0xADA0] =	vst v0  }
0x12b: {  	v0 =	vld [tilespmem:$0x4B30]  }
0x12c: {  	v1 =	vld [tilespmem:s25+$0xB0];
	_ =	sdelay $0x4  }
.Ltmp1:
0x12d: {  	v0 =	vadd.f32 v1, v0;
	(pc) =	sbr.rel @p0 .LBB2_3-.Ltmp1, $4  }
0x12e: {  	_ = 	snop  }
0x12f: {  	[tilespmem:s26+$0xADB0] =	vst v0  }
0x130: {  	v0 =	vld [tilespmem:$0x4B40]  }
0x131: {  	v1 =	vld [tilespmem:s25+$0xC0]  }
0x132: {  	_ =	sdelay $0x3  }
0x133: {  	v0 =	vadd.f32 v1, v0;
	_ =	sdelay $0x1  }
0x134: {  	[tilespmem:s26+$0xADC0] =	vst v0  }
0x135: {  	v0 =	vld [tilespmem:$0x4B50]  }
0x136: {  	v1 =	vld [tilespmem:s28+$0xD0];
	_ =	sdelay $0x4  }
0x137: {  	v0 =	vadd.f32 v1, v0;
	_ =	sdelay $0x1  }
0x138: {  	[tilespmem:s26+$0xADD0] =	vst v0  }
0x139: {  	v0 =	vld [tilespmem:$0x4B60]  }
0x13a: {  	v1 =	vld [tilespmem:s28+$0xE0];
	_ =	sdelay $0x4  }
0x13b: {  	v0 =	vadd.f32 v1, v0;
	_ =	sdelay $0x1  }
0x13c: {  	[tilespmem:s26+$0xADE0] =	vst v0  }
0x13d: {  	v0 =	vld [tilespmem:$0x4B70]  }
0x13e: {  	v1 =	vld [tilespmem:s28+$0xF0];
	_ =	sdelay $0x4  }
0x13f: {  	v0 =	vadd.f32 v1, v0;
	_ =	sdelay $0x1  }
0x140: {  	[tilespmem:s26+$0xADF0] =	vst v0  }
0x141: {  	[tilespmem:s14], [sflag:$0x1] =	stream.indirect.gather [hbm4b:s1+s11], $0x100, s19, s11, $0xb8;
	[tilespmem:$0xF580] =	vst v63  }
0x142: {  	_ =	swait.ge [sflag:s20], $0x2000  }
0x143: {  	[sflag:s20] =	ssyncset.done $0x0  }
0x144: {  	[sflag:s20] =	ssyncadd.s32 $0xFFFFE000  }
0x145: {  	s25 =	simm.s32 $0x3580;
	v0 =	vld [tilespmem:$0x4680]  }
0x146: {  	v1 =	vld [tilespmem:s25+$0xFFFFF000];
	_ =	sdelay $0x4  }
0x147: {  	v0 =	vadd.f32 v1, v0  }
0x148: {  	s26 =	simm.s32 $0x0  }
0x149: {  	[tilespmem:s26+$0x6580] =	vst v0  }
0x14a: {  	v0 =	vld [tilespmem:$0x4690]  }
0x14b: {  	v1 =	vld [tilespmem:s25+$0xFFFFF010];
	_ =	sdelay $0x4  }
0x14c: {  	v0 =	vadd.f32 v1, v0;
	_ =	sdelay $0x1  }
0x14d: {  	[tilespmem:s26+$0x6590] =	vst v0  }
0x14e: {  	v0 =	vld [tilespmem:$0x46A0]  }
0x14f: {  	v1 =	vld [tilespmem:s25+$0xFFFFF020];
	_ =	sdelay $0x4  }
0x150: {  	v0 =	vadd.f32 v1, v0;
	_ =	sdelay $0x1  }
0x151: {  	[tilespmem:s26+$0x65A0] =	vst v0  }
0x152: {  	v0 =	vld [tilespmem:$0x46B0]  }
0x153: {  	v1 =	vld [tilespmem:s25+$0xFFFFF030];
	_ =	sdelay $0x4  }
0x154: {  	v0 =	vadd.f32 v1, v0;
	_ =	sdelay $0x1  }
0x155: {  	[tilespmem:s26+$0x65B0] =	vst v0  }
0x156: {  	v0 =	vld [tilespmem:$0x46C0]  }
0x157: {  	v1 =	vld [tilespmem:s25+$0xFFFFF040];
	_ =	sdelay $0x4  }
0x158: {  	v0 =	vadd.f32 v1, v0;
	_ =	sdelay $0x1  }
0x159: {  	[tilespmem:s26+$0x65C0] =	vst v0  }
0x15a: {  	v0 =	vld [tilespmem:$0x46D0]  }
0x15b: {  	v1 =	vld [tilespmem:s25+$0xFFFFF050];
	_ =	sdelay $0x4  }
0x15c: {  	v0 =	vadd.f32 v1, v0;
	_ =	sdelay $0x1  }
0x15d: {  	[tilespmem:s26+$0x65D0] =	vst v0  }
0x15e: {  	v0 =	vld [tilespmem:$0x46E0]  }
0x15f: {  	v1 =	vld [tilespmem:s25+$0xFFFFF060];
	_ =	sdelay $0x4  }
0x160: {  	v0 =	vadd.f32 v1, v0;
	_ =	sdelay $0x1  }
0x161: {  	[tilespmem:s26+$0x65E0] =	vst v0  }
0x162: {  	v0 =	vld [tilespmem:$0x46F0]  }
0x163: {  	v1 =	vld [tilespmem:s25+$0xFFFFF070];
	_ =	sdelay $0x4  }
0x164: {  	v0 =	vadd.f32 v1, v0;
	_ =	sdelay $0x1  }
0x165: {  	[tilespmem:s26+$0x65F0] =	vst v0  }
0x166: {  	v0 =	vld [tilespmem:$0x4700]  }
0x167: {  	v1 =	vld [tilespmem:s25+$0xFFFFF080];
	_ =	sdelay $0x4  }
0x168: {  	v0 =	vadd.f32 v1, v0;
	_ =	sdelay $0x1  }
0x169: {  	[tilespmem:s26+$0x6D80] =	vst v0  }
0x16a: {  	v0 =	vld [tilespmem:$0x4710]  }
0x16b: {  	v1 =	vld [tilespmem:s25+$0xFFFFF090];
	_ =	sdelay $0x4  }
0x16c: {  	v0 =	vadd.f32 v1, v0;
	_ =	sdelay $0x1  }
0x16d: {  	[tilespmem:s26+$0x6D90] =	vst v0  }
0x16e: {  	v0 =	vld [tilespmem:$0x4720]  }
0x16f: {  	v1 =	vld [tilespmem:s25+$0xFFFFF0A0];
	_ =	sdelay $0x4  }
0x170: {  	v0 =	vadd.f32 v1, v0;
	_ =	sdelay $0x1  }
0x171: {  	[tilespmem:s26+$0x6DA0] =	vst v0  }
0x172: {  	v0 =	vld [tilespmem:$0x4730]  }
0x173: {  	v1 =	vld [tilespmem:s25+$0xFFFFF0B0];
	_ =	sdelay $0x4  }
0x174: {  	v0 =	vadd.f32 v1, v0;
	_ =	sdelay $0x1  }
0x175: {  	[tilespmem:s26+$0x6DB0] =	vst v0  }
0x176: {  	v0 =	vld [tilespmem:$0x4740]  }
0x177: {  	v1 =	vld [tilespmem:s25+$0xFFFFF0C0];
	_ =	sdelay $0x4  }
0x178: {  	v0 =	vadd.f32 v1, v0;
	_ =	sdelay $0x1  }
0x179: {  	[tilespmem:s26+$0x6DC0] =	vst v0  }
0x17a: {  	v0 =	vld [tilespmem:$0x4750]  }
0x17b: {  	v1 =	vld [tilespmem:s25+$0xFFFFF0D0];
	_ =	sdelay $0x4  }
0x17c: {  	v0 =	vadd.f32 v1, v0;
	_ =	sdelay $0x1  }
0x17d: {  	[tilespmem:s26+$0x6DD0] =	vst v0  }
0x17e: {  	v0 =	vld [tilespmem:$0x4760]  }
0x17f: {  	v1 =	vld [tilespmem:s25+$0xFFFFF0E0];
	_ =	sdelay $0x4  }
0x180: {  	v0 =	vadd.f32 v1, v0;
	_ =	sdelay $0x1  }
0x181: {  	[tilespmem:s26+$0x6DE0] =	vst v0  }
0x182: {  	v0 =	vld [tilespmem:$0x4770]  }
0x183: {  	v1 =	vld [tilespmem:s25+$0xFFFFF0F0];
	_ =	sdelay $0x4  }
0x184: {  	v0 =	vadd.f32 v1, v0;
	_ =	sdelay $0x1  }
0x185: {  	[tilespmem:s26+$0x6DF0] =	vst v0  }
0x186: {  	v0 =	vld [tilespmem:$0x4B80]  }
0x187: {  	v1 =	vld [tilespmem:s25+$0x0];
	_ =	sdelay $0x4  }
0x188: {  	v0 =	vadd.f32 v1, v0;
	_ =	sdelay $0x1  }
0x189: {  	[tilespmem:s26+$0xB580] =	vst v0  }
0x18a: {  	v0 =	vld [tilespmem:$0x4B90]  }
0x18b: {  	v1 =	vld [tilespmem:s25+$0x10];
	_ =	sdelay $0x4  }
0x18c: {  	v0 =	vadd.f32 v1, v0;
	_ =	sdelay $0x1  }
0x18d: {  	[tilespmem:s26+$0xB590] =	vst v0  }
0x18e: {  	v0 =	vld [tilespmem:$0x4BA0]  }
0x18f: {  	v1 =	vld [tilespmem:s25+$0x20];
	_ =	sdelay $0x4  }
0x190: {  	v0 =	vadd.f32 v1, v0;
	_ =	sdelay $0x1  }
0x191: {  	[tilespmem:s26+$0xB5A0] =	vst v0  }
0x192: {  	v0 =	vld [tilespmem:$0x4BB0]  }
0x193: {  	v1 =	vld [tilespmem:s25+$0x30];
	_ =	sdelay $0x4  }
0x194: {  	v0 =	vadd.f32 v1, v0;
	_ =	sdelay $0x1  }
0x195: {  	[tilespmem:s26+$0xB5B0] =	vst v0  }
0x196: {  	v0 =	vld [tilespmem:$0x4BC0]  }
0x197: {  	v1 =	vld [tilespmem:s25+$0x40];
	_ =	sdelay $0x4  }
0x198: {  	v0 =	vadd.f32 v1, v0;
	_ =	sdelay $0x1  }
0x199: {  	[tilespmem:s26+$0xB5C0] =	vst v0  }
0x19a: {  	v0 =	vld [tilespmem:$0x4BD0]  }
0x19b: {  	v1 =	vld [tilespmem:s25+$0x50];
	_ =	sdelay $0x4  }
0x19c: {  	v0 =	vadd.f32 v1, v0;
	_ =	sdelay $0x1  }
0x19d: {  	[tilespmem:s26+$0xB5D0] =	vst v0  }
0x19e: {  	v0 =	vld [tilespmem:$0x4BE0]  }
0x19f: {  	v1 =	vld [tilespmem:s25+$0x60];
	_ =	sdelay $0x4  }
0x1a0: {  	v0 =	vadd.f32 v1, v0;
	_ =	sdelay $0x1  }
0x1a1: {  	[tilespmem:s26+$0xB5E0] =	vst v0  }
0x1a2: {  	v0 =	vld [tilespmem:$0x4BF0]  }
0x1a3: {  	v1 =	vld [tilespmem:s25+$0x70];
	_ =	sdelay $0x4  }
0x1a4: {  	v0 =	vadd.f32 v1, v0;
	_ =	sdelay $0x1  }
0x1a5: {  	[tilespmem:s26+$0xB5F0] =	vst v0  }
0x1a6: {  	v0 =	vld [tilespmem:$0x4C00]  }
0x1a7: {  	v1 =	vld [tilespmem:s25+$0x80];
	_ =	sdelay $0x4  }
0x1a8: {  	v0 =	vadd.f32 v1, v0;
	_ =	sdelay $0x1  }
0x1a9: {  	[tilespmem:s26+$0xBD80] =	vst v0  }
0x1aa: {  	v0 =	vld [tilespmem:$0x4C10]  }
0x1ab: {  	v1 =	vld [tilespmem:s25+$0x90];
	_ =	sdelay $0x4  }
0x1ac: {  	v0 =	vadd.f32 v1, v0;
	_ =	sdelay $0x1  }
0x1ad: {  	[tilespmem:s26+$0xBD90] =	vst v0  }
0x1ae: {  	v0 =	vld [tilespmem:$0x4C20]  }
0x1af: {  	v1 =	vld [tilespmem:s25+$0xA0];
	_ =	sdelay $0x4  }
0x1b0: {  	v0 =	vadd.f32 v1, v0;
	_ =	sdelay $0x1  }
0x1b1: {  	[tilespmem:s26+$0xBDA0] =	vst v0  }
0x1b2: {  	v0 =	vld [tilespmem:$0x4C30]  }
0x1b3: {  	v1 =	vld [tilespmem:s25+$0xB0];
	_ =	sdelay $0x4  }
0x1b4: {  	v0 =	vadd.f32 v1, v0;
	_ =	sdelay $0x1  }
0x1b5: {  	[tilespmem:s26+$0xBDB0] =	vst v0  }
0x1b6: {  	v0 =	vld [tilespmem:$0x4C40]  }
0x1b7: {  	s29 =	simm.s32 $0x200;
	s28 =	simm.s32 $0x3580;
	v1 =	vld [tilespmem:s25+$0xC0]  }
.LBB2_5:
0x1b8: {  	_ = 	snop  }
0x1b9: {  	p0 =	sne.s32 s29, $0x1E00  }
0x1ba: {  	s25 =	sadd.s32 $0x100, s25;
	s30 =	smov.u32 s29;
	s29 =	sadd.s32 $0x200, s29  }
0x1bb: {  	_ = 	snop  }
0x1bc: {  	v0 =	vadd.f32 v1, v0;
	_ =	sdelay $0x1  }
0x1bd: {  	[tilespmem:s26+$0xBDC0] =	vst v0  }
0x1be: {  	v0 =	vld [tilespmem:$0x4C50]  }
0x1bf: {  	v1 =	vld [tilespmem:s28+$0xD0];
	_ =	sdelay $0x4  }
0x1c0: {  	v0 =	vadd.f32 v1, v0;
	_ =	sdelay $0x1  }
0x1c1: {  	[tilespmem:s26+$0xBDD0] =	vst v0  }
0x1c2: {  	v0 =	vld [tilespmem:$0x4C60]  }
0x1c3: {  	v1 =	vld [tilespmem:s28+$0xE0];
	_ =	sdelay $0x4  }
0x1c4: {  	v0 =	vadd.f32 v1, v0;
	_ =	sdelay $0x1  }
0x1c5: {  	[tilespmem:s26+$0xBDE0] =	vst v0  }
0x1c6: {  	v0 =	vld [tilespmem:$0x4C70]  }
0x1c7: {  	v1 =	vld [tilespmem:s28+$0xF0];
	s28 =	smov.u32 s25;
	_ =	sdelay $0x4  }
0x1c8: {  	v0 =	vadd.f32 v1, v0;
	_ =	sdelay $0x1  }
0x1c9: {  	[tilespmem:s26+$0xBDF0] =	vst v0  }
0x1ca: {  	v0 =	vld [tilespmem:$0x4680]  }
0x1cb: {  	v1 =	vld [tilespmem:s25+$0xFFFFF000];
	_ =	sdelay $0x4  }
0x1cc: {  	v0 =	vadd.f32 v1, v0  }
0x1cd: {  	s26 =	sshra.s32 s30, $0x2  }
0x1ce: {  	[tilespmem:s26+$0x6580] =	vst v0  }
0x1cf: {  	v0 =	vld [tilespmem:$0x4690]  }
0x1d0: {  	v1 =	vld [tilespmem:s25+$0xFFFFF010];
	_ =	sdelay $0x4  }
0x1d1: {  	v0 =	vadd.f32 v1, v0;
	_ =	sdelay $0x1  }
0x1d2: {  	[tilespmem:s26+$0x6590] =	vst v0  }
0x1d3: {  	v0 =	vld [tilespmem:$0x46A0]  }
0x1d4: {  	v1 =	vld [tilespmem:s25+$0xFFFFF020];
	_ =	sdelay $0x4  }
0x1d5: {  	v0 =	vadd.f32 v1, v0;
	_ =	sdelay $0x1  }
0x1d6: {  	[tilespmem:s26+$0x65A0] =	vst v0  }
0x1d7: {  	v0 =	vld [tilespmem:$0x46B0]  }
0x1d8: {  	v1 =	vld [tilespmem:s25+$0xFFFFF030];
	_ =	sdelay $0x4  }
0x1d9: {  	v0 =	vadd.f32 v1, v0;
	_ =	sdelay $0x1  }
0x1da: {  	[tilespmem:s26+$0x65B0] =	vst v0  }
0x1db: {  	v0 =	vld [tilespmem:$0x46C0]  }
0x1dc: {  	v1 =	vld [tilespmem:s25+$0xFFFFF040];
	_ =	sdelay $0x4  }
0x1dd: {  	v0 =	vadd.f32 v1, v0;
	_ =	sdelay $0x1  }
0x1de: {  	[tilespmem:s26+$0x65C0] =	vst v0  }
0x1df: {  	v0 =	vld [tilespmem:$0x46D0]  }
0x1e0: {  	v1 =	vld [tilespmem:s25+$0xFFFFF050];
	_ =	sdelay $0x4  }
0x1e1: {  	v0 =	vadd.f32 v1, v0;
	_ =	sdelay $0x1  }
0x1e2: {  	[tilespmem:s26+$0x65D0] =	vst v0  }
0x1e3: {  	v0 =	vld [tilespmem:$0x46E0]  }
0x1e4: {  	v1 =	vld [tilespmem:s25+$0xFFFFF060];
	_ =	sdelay $0x4  }
0x1e5: {  	v0 =	vadd.f32 v1, v0;
	_ =	sdelay $0x1  }
0x1e6: {  	[tilespmem:s26+$0x65E0] =	vst v0  }
0x1e7: {  	v0 =	vld [tilespmem:$0x46F0]  }
0x1e8: {  	v1 =	vld [tilespmem:s25+$0xFFFFF070];
	_ =	sdelay $0x4  }
0x1e9: {  	v0 =	vadd.f32 v1, v0;
	_ =	sdelay $0x1  }
0x1ea: {  	[tilespmem:s26+$0x65F0] =	vst v0  }
0x1eb: {  	v0 =	vld [tilespmem:$0x4700]  }
0x1ec: {  	v1 =	vld [tilespmem:s25+$0xFFFFF080];
	_ =	sdelay $0x4  }
0x1ed: {  	v0 =	vadd.f32 v1, v0;
	_ =	sdelay $0x1  }
0x1ee: {  	[tilespmem:s26+$0x6D80] =	vst v0  }
0x1ef: {  	v0 =	vld [tilespmem:$0x4710]  }
0x1f0: {  	v1 =	vld [tilespmem:s25+$0xFFFFF090];
	_ =	sdelay $0x4  }
0x1f1: {  	v0 =	vadd.f32 v1, v0;
	_ =	sdelay $0x1  }
0x1f2: {  	[tilespmem:s26+$0x6D90] =	vst v0  }
0x1f3: {  	v0 =	vld [tilespmem:$0x4720]  }
0x1f4: {  	v1 =	vld [tilespmem:s25+$0xFFFFF0A0];
	_ =	sdelay $0x4  }
0x1f5: {  	v0 =	vadd.f32 v1, v0;
	_ =	sdelay $0x1  }
0x1f6: {  	[tilespmem:s26+$0x6DA0] =	vst v0  }
0x1f7: {  	v0 =	vld [tilespmem:$0x4730]  }
0x1f8: {  	v1 =	vld [tilespmem:s25+$0xFFFFF0B0];
	_ =	sdelay $0x4  }
0x1f9: {  	v0 =	vadd.f32 v1, v0;
	_ =	sdelay $0x1  }
0x1fa: {  	[tilespmem:s26+$0x6DB0] =	vst v0  }
0x1fb: {  	v0 =	vld [tilespmem:$0x4740]  }
0x1fc: {  	v1 =	vld [tilespmem:s25+$0xFFFFF0C0];
	_ =	sdelay $0x4  }
0x1fd: {  	v0 =	vadd.f32 v1, v0;
	_ =	sdelay $0x1  }
0x1fe: {  	[tilespmem:s26+$0x6DC0] =	vst v0  }
0x1ff: {  	v0 =	vld [tilespmem:$0x4750]  }
0x200: {  	v1 =	vld [tilespmem:s25+$0xFFFFF0D0];
	_ =	sdelay $0x4  }
0x201: {  	v0 =	vadd.f32 v1, v0;
	_ =	sdelay $0x1  }
0x202: {  	[tilespmem:s26+$0x6DD0] =	vst v0  }
0x203: {  	v0 =	vld [tilespmem:$0x4760]  }
0x204: {  	v1 =	vld [tilespmem:s25+$0xFFFFF0E0];
	_ =	sdelay $0x4  }
0x205: {  	v0 =	vadd.f32 v1, v0;
	_ =	sdelay $0x1  }
0x206: {  	[tilespmem:s26+$0x6DE0] =	vst v0  }
0x207: {  	v0 =	vld [tilespmem:$0x4770]  }
0x208: {  	v1 =	vld [tilespmem:s25+$0xFFFFF0F0];
	_ =	sdelay $0x4  }
0x209: {  	v0 =	vadd.f32 v1, v0;
	_ =	sdelay $0x1  }
0x20a: {  	[tilespmem:s26+$0x6DF0] =	vst v0  }
0x20b: {  	v0 =	vld [tilespmem:$0x4B80]  }
0x20c: {  	v1 =	vld [tilespmem:s25+$0x0];
	_ =	sdelay $0x4  }
0x20d: {  	v0 =	vadd.f32 v1, v0;
	_ =	sdelay $0x1  }
0x20e: {  	[tilespmem:s26+$0xB580] =	vst v0  }
0x20f: {  	v0 =	vld [tilespmem:$0x4B90]  }
0x210: {  	v1 =	vld [tilespmem:s25+$0x10];
	_ =	sdelay $0x4  }
0x211: {  	v0 =	vadd.f32 v1, v0;
	_ =	sdelay $0x1  }
0x212: {  	[tilespmem:s26+$0xB590] =	vst v0  }
0x213: {  	v0 =	vld [tilespmem:$0x4BA0]  }
0x214: {  	v1 =	vld [tilespmem:s25+$0x20];
	_ =	sdelay $0x4  }
0x215: {  	v0 =	vadd.f32 v1, v0;
	_ =	sdelay $0x1  }
0x216: {  	[tilespmem:s26+$0xB5A0] =	vst v0  }
0x217: {  	v0 =	vld [tilespmem:$0x4BB0]  }
0x218: {  	v1 =	vld [tilespmem:s25+$0x30];
	_ =	sdelay $0x4  }
0x219: {  	v0 =	vadd.f32 v1, v0;
	_ =	sdelay $0x1  }
0x21a: {  	[tilespmem:s26+$0xB5B0] =	vst v0  }
0x21b: {  	v0 =	vld [tilespmem:$0x4BC0]  }
0x21c: {  	v1 =	vld [tilespmem:s25+$0x40];
	_ =	sdelay $0x4  }
0x21d: {  	v0 =	vadd.f32 v1, v0;
	_ =	sdelay $0x1  }
0x21e: {  	[tilespmem:s26+$0xB5C0] =	vst v0  }
0x21f: {  	v0 =	vld [tilespmem:$0x4BD0]  }
0x220: {  	v1 =	vld [tilespmem:s25+$0x50];
	_ =	sdelay $0x4  }
0x221: {  	v0 =	vadd.f32 v1, v0;
	_ =	sdelay $0x1  }
0x222: {  	[tilespmem:s26+$0xB5D0] =	vst v0  }
0x223: {  	v0 =	vld [tilespmem:$0x4BE0]  }
0x224: {  	v1 =	vld [tilespmem:s25+$0x60];
	_ =	sdelay $0x4  }
0x225: {  	v0 =	vadd.f32 v1, v0;
	_ =	sdelay $0x1  }
0x226: {  	[tilespmem:s26+$0xB5E0] =	vst v0  }
0x227: {  	v0 =	vld [tilespmem:$0x4BF0]  }
0x228: {  	v1 =	vld [tilespmem:s25+$0x70];
	_ =	sdelay $0x4  }
0x229: {  	v0 =	vadd.f32 v1, v0;
	_ =	sdelay $0x1  }
0x22a: {  	[tilespmem:s26+$0xB5F0] =	vst v0  }
0x22b: {  	v0 =	vld [tilespmem:$0x4C00]  }
0x22c: {  	v1 =	vld [tilespmem:s25+$0x80];
	_ =	sdelay $0x4  }
0x22d: {  	v0 =	vadd.f32 v1, v0;
	_ =	sdelay $0x1  }
0x22e: {  	[tilespmem:s26+$0xBD80] =	vst v0  }
0x22f: {  	v0 =	vld [tilespmem:$0x4C10]  }
0x230: {  	v1 =	vld [tilespmem:s25+$0x90];
	_ =	sdelay $0x4  }
0x231: {  	v0 =	vadd.f32 v1, v0;
	_ =	sdelay $0x1  }
0x232: {  	[tilespmem:s26+$0xBD90] =	vst v0  }
0x233: {  	v0 =	vld [tilespmem:$0x4C20]  }
0x234: {  	v1 =	vld [tilespmem:s25+$0xA0];
	_ =	sdelay $0x4  }
0x235: {  	v0 =	vadd.f32 v1, v0;
	_ =	sdelay $0x1  }
0x236: {  	[tilespmem:s26+$0xBDA0] =	vst v0  }
0x237: {  	v0 =	vld [tilespmem:$0x4C30]  }
0x238: {  	v1 =	vld [tilespmem:s25+$0xB0];
	_ =	sdelay $0x4  }
.Ltmp2:
0x239: {  	v0 =	vadd.f32 v1, v0;
	(pc) =	sbr.rel @p0 .LBB2_5-.Ltmp2, $4  }
0x23a: {  	_ = 	snop  }
0x23b: {  	[tilespmem:s26+$0xBDB0] =	vst v0  }
0x23c: {  	v0 =	vld [tilespmem:$0x4C40]  }
0x23d: {  	v1 =	vld [tilespmem:s25+$0xC0]  }
0x23e: {  	_ =	sdelay $0x3  }
0x23f: {  	v0 =	vadd.f32 v1, v0;
	_ =	sdelay $0x1  }
0x240: {  	[tilespmem:s26+$0xBDC0] =	vst v0  }
0x241: {  	v0 =	vld [tilespmem:$0x4C50]  }
0x242: {  	v1 =	vld [tilespmem:s28+$0xD0];
	_ =	sdelay $0x4  }
0x243: {  	v0 =	vadd.f32 v1, v0;
	_ =	sdelay $0x1  }
0x244: {  	[tilespmem:s26+$0xBDD0] =	vst v0  }
0x245: {  	v0 =	vld [tilespmem:$0x4C60]  }
0x246: {  	v1 =	vld [tilespmem:s28+$0xE0];
	_ =	sdelay $0x4  }
0x247: {  	v0 =	vadd.f32 v1, v0;
	_ =	sdelay $0x1  }
0x248: {  	[tilespmem:s26+$0xBDE0] =	vst v0  }
0x249: {  	v0 =	vld [tilespmem:$0x4C70]  }
0x24a: {  	v1 =	vld [tilespmem:s28+$0xF0];
	_ =	sdelay $0x4  }
0x24b: {  	v0 =	vadd.f32 v1, v0;
	_ =	sdelay $0x1  }
0x24c: {  	[tilespmem:s26+$0xBDF0] =	vst v0  }
0x24d: {  	[tilespmem:s16], [sflag:$0x2] =	stream.indirect.gather [hbm4b:s1+s11], $0x100, s21, s11, $0xb8;
	[tilespmem:$0xF580] =	vst v63  }
0x24e: {  	_ =	swait.ge [sflag:s18], $0x2000  }
0x24f: {  	[sflag:s18] =	ssyncset.done $0x0  }
0x250: {  	[sflag:s18] =	ssyncadd.s32 $0xFFFFE000  }
0x251: {  	s25 =	simm.s32 $0x1580;
	v0 =	vld [tilespmem:$0x4780]  }
0x252: {  	v1 =	vld [tilespmem:s25+$0xFFFFF000];
	_ =	sdelay $0x4  }
0x253: {  	v0 =	vadd.f32 v1, v0  }
0x254: {  	s26 =	simm.s32 $0x0  }
0x255: {  	[tilespmem:s26+$0x7580] =	vst v0  }
0x256: {  	v0 =	vld [tilespmem:$0x4790]  }
0x257: {  	v1 =	vld [tilespmem:s25+$0xFFFFF010];
	_ =	sdelay $0x4  }
0x258: {  	v0 =	vadd.f32 v1, v0;
	_ =	sdelay $0x1  }
0x259: {  	[tilespmem:s26+$0x7590] =	vst v0  }
0x25a: {  	v0 =	vld [tilespmem:$0x47A0]  }
0x25b: {  	v1 =	vld [tilespmem:s25+$0xFFFFF020];
	_ =	sdelay $0x4  }
0x25c: {  	v0 =	vadd.f32 v1, v0;
	_ =	sdelay $0x1  }
0x25d: {  	[tilespmem:s26+$0x75A0] =	vst v0  }
0x25e: {  	v0 =	vld [tilespmem:$0x47B0]  }
0x25f: {  	v1 =	vld [tilespmem:s25+$0xFFFFF030];
	_ =	sdelay $0x4  }
0x260: {  	v0 =	vadd.f32 v1, v0;
	_ =	sdelay $0x1  }
0x261: {  	[tilespmem:s26+$0x75B0] =	vst v0  }
0x262: {  	v0 =	vld [tilespmem:$0x47C0]  }
0x263: {  	v1 =	vld [tilespmem:s25+$0xFFFFF040];
	_ =	sdelay $0x4  }
0x264: {  	v0 =	vadd.f32 v1, v0;
	_ =	sdelay $0x1  }
0x265: {  	[tilespmem:s26+$0x75C0] =	vst v0  }
0x266: {  	v0 =	vld [tilespmem:$0x47D0]  }
0x267: {  	v1 =	vld [tilespmem:s25+$0xFFFFF050];
	_ =	sdelay $0x4  }
0x268: {  	v0 =	vadd.f32 v1, v0;
	_ =	sdelay $0x1  }
0x269: {  	[tilespmem:s26+$0x75D0] =	vst v0  }
0x26a: {  	v0 =	vld [tilespmem:$0x47E0]  }
0x26b: {  	v1 =	vld [tilespmem:s25+$0xFFFFF060];
	_ =	sdelay $0x4  }
0x26c: {  	v0 =	vadd.f32 v1, v0;
	_ =	sdelay $0x1  }
0x26d: {  	[tilespmem:s26+$0x75E0] =	vst v0  }
0x26e: {  	v0 =	vld [tilespmem:$0x47F0]  }
0x26f: {  	v1 =	vld [tilespmem:s25+$0xFFFFF070];
	_ =	sdelay $0x4  }
0x270: {  	v0 =	vadd.f32 v1, v0;
	_ =	sdelay $0x1  }
0x271: {  	[tilespmem:s26+$0x75F0] =	vst v0  }
0x272: {  	v0 =	vld [tilespmem:$0x4800]  }
0x273: {  	v1 =	vld [tilespmem:s25+$0xFFFFF080];
	_ =	sdelay $0x4  }
0x274: {  	v0 =	vadd.f32 v1, v0;
	_ =	sdelay $0x1  }
0x275: {  	[tilespmem:s26+$0x7D80] =	vst v0  }
0x276: {  	v0 =	vld [tilespmem:$0x4810]  }
0x277: {  	v1 =	vld [tilespmem:s25+$0xFFFFF090];
	_ =	sdelay $0x4  }
0x278: {  	v0 =	vadd.f32 v1, v0;
	_ =	sdelay $0x1  }
0x279: {  	[tilespmem:s26+$0x7D90] =	vst v0  }
0x27a: {  	v0 =	vld [tilespmem:$0x4820]  }
0x27b: {  	v1 =	vld [tilespmem:s25+$0xFFFFF0A0];
	_ =	sdelay $0x4  }
0x27c: {  	v0 =	vadd.f32 v1, v0;
	_ =	sdelay $0x1  }
0x27d: {  	[tilespmem:s26+$0x7DA0] =	vst v0  }
0x27e: {  	v0 =	vld [tilespmem:$0x4830]  }
0x27f: {  	v1 =	vld [tilespmem:s25+$0xFFFFF0B0];
	_ =	sdelay $0x4  }
0x280: {  	v0 =	vadd.f32 v1, v0;
	_ =	sdelay $0x1  }
0x281: {  	[tilespmem:s26+$0x7DB0] =	vst v0  }
0x282: {  	v0 =	vld [tilespmem:$0x4840]  }
0x283: {  	v1 =	vld [tilespmem:s25+$0xFFFFF0C0];
	_ =	sdelay $0x4  }
0x284: {  	v0 =	vadd.f32 v1, v0;
	_ =	sdelay $0x1  }
0x285: {  	[tilespmem:s26+$0x7DC0] =	vst v0  }
0x286: {  	v0 =	vld [tilespmem:$0x4850]  }
0x287: {  	v1 =	vld [tilespmem:s25+$0xFFFFF0D0];
	_ =	sdelay $0x4  }
0x288: {  	v0 =	vadd.f32 v1, v0;
	_ =	sdelay $0x1  }
0x289: {  	[tilespmem:s26+$0x7DD0] =	vst v0  }
0x28a: {  	v0 =	vld [tilespmem:$0x4860]  }
0x28b: {  	v1 =	vld [tilespmem:s25+$0xFFFFF0E0];
	_ =	sdelay $0x4  }
0x28c: {  	v0 =	vadd.f32 v1, v0;
	_ =	sdelay $0x1  }
0x28d: {  	[tilespmem:s26+$0x7DE0] =	vst v0  }
0x28e: {  	v0 =	vld [tilespmem:$0x4870]  }
0x28f: {  	v1 =	vld [tilespmem:s25+$0xFFFFF0F0];
	_ =	sdelay $0x4  }
0x290: {  	v0 =	vadd.f32 v1, v0;
	_ =	sdelay $0x1  }
0x291: {  	[tilespmem:s26+$0x7DF0] =	vst v0  }
0x292: {  	v0 =	vld [tilespmem:$0x4C80]  }
0x293: {  	v1 =	vld [tilespmem:s25+$0x0];
	_ =	sdelay $0x4  }
0x294: {  	v0 =	vadd.f32 v1, v0;
	_ =	sdelay $0x1  }
0x295: {  	[tilespmem:s26+$0xC580] =	vst v0  }
0x296: {  	v0 =	vld [tilespmem:$0x4C90]  }
0x297: {  	v1 =	vld [tilespmem:s25+$0x10];
	_ =	sdelay $0x4  }
0x298: {  	v0 =	vadd.f32 v1, v0;
	_ =	sdelay $0x1  }
0x299: {  	[tilespmem:s26+$0xC590] =	vst v0  }
0x29a: {  	v0 =	vld [tilespmem:$0x4CA0]  }
0x29b: {  	v1 =	vld [tilespmem:s25+$0x20];
	_ =	sdelay $0x4  }
0x29c: {  	v0 =	vadd.f32 v1, v0;
	_ =	sdelay $0x1  }
0x29d: {  	[tilespmem:s26+$0xC5A0] =	vst v0  }
0x29e: {  	v0 =	vld [tilespmem:$0x4CB0]  }
0x29f: {  	v1 =	vld [tilespmem:s25+$0x30];
	_ =	sdelay $0x4  }
0x2a0: {  	v0 =	vadd.f32 v1, v0;
	_ =	sdelay $0x1  }
0x2a1: {  	[tilespmem:s26+$0xC5B0] =	vst v0  }
0x2a2: {  	v0 =	vld [tilespmem:$0x4CC0]  }
0x2a3: {  	v1 =	vld [tilespmem:s25+$0x40];
	_ =	sdelay $0x4  }
0x2a4: {  	v0 =	vadd.f32 v1, v0;
	_ =	sdelay $0x1  }
0x2a5: {  	[tilespmem:s26+$0xC5C0] =	vst v0  }
0x2a6: {  	v0 =	vld [tilespmem:$0x4CD0]  }
0x2a7: {  	v1 =	vld [tilespmem:s25+$0x50];
	_ =	sdelay $0x4  }
0x2a8: {  	v0 =	vadd.f32 v1, v0;
	_ =	sdelay $0x1  }
0x2a9: {  	[tilespmem:s26+$0xC5D0] =	vst v0  }
0x2aa: {  	v0 =	vld [tilespmem:$0x4CE0]  }
0x2ab: {  	v1 =	vld [tilespmem:s25+$0x60];
	_ =	sdelay $0x4  }
0x2ac: {  	v0 =	vadd.f32 v1, v0;
	_ =	sdelay $0x1  }
0x2ad: {  	[tilespmem:s26+$0xC5E0] =	vst v0  }
0x2ae: {  	v0 =	vld [tilespmem:$0x4CF0]  }
0x2af: {  	v1 =	vld [tilespmem:s25+$0x70];
	_ =	sdelay $0x4  }
0x2b0: {  	v0 =	vadd.f32 v1, v0;
	_ =	sdelay $0x1  }
0x2b1: {  	[tilespmem:s26+$0xC5F0] =	vst v0  }
0x2b2: {  	v0 =	vld [tilespmem:$0x4D00]  }
0x2b3: {  	v1 =	vld [tilespmem:s25+$0x80];
	_ =	sdelay $0x4  }
0x2b4: {  	v0 =	vadd.f32 v1, v0;
	_ =	sdelay $0x1  }
0x2b5: {  	[tilespmem:s26+$0xCD80] =	vst v0  }
0x2b6: {  	v0 =	vld [tilespmem:$0x4D10]  }
0x2b7: {  	v1 =	vld [tilespmem:s25+$0x90];
	_ =	sdelay $0x4  }
0x2b8: {  	v0 =	vadd.f32 v1, v0;
	_ =	sdelay $0x1  }
0x2b9: {  	[tilespmem:s26+$0xCD90] =	vst v0  }
0x2ba: {  	v0 =	vld [tilespmem:$0x4D20]  }
0x2bb: {  	v1 =	vld [tilespmem:s25+$0xA0];
	_ =	sdelay $0x4  }
0x2bc: {  	v0 =	vadd.f32 v1, v0;
	_ =	sdelay $0x1  }
0x2bd: {  	[tilespmem:s26+$0xCDA0] =	vst v0  }
0x2be: {  	v0 =	vld [tilespmem:$0x4D30]  }
0x2bf: {  	v1 =	vld [tilespmem:s25+$0xB0];
	_ =	sdelay $0x4  }
0x2c0: {  	v0 =	vadd.f32 v1, v0;
	_ =	sdelay $0x1  }
0x2c1: {  	[tilespmem:s26+$0xCDB0] =	vst v0  }
0x2c2: {  	v0 =	vld [tilespmem:$0x4D40]  }
0x2c3: {  	s29 =	simm.s32 $0x200;
	s28 =	simm.s32 $0x1580;
	v1 =	vld [tilespmem:s25+$0xC0]  }
.LBB2_7:
0x2c4: {  	_ = 	snop  }
0x2c5: {  	p0 =	sne.s32 s29, $0x1E00  }
0x2c6: {  	s25 =	sadd.s32 $0x100, s25;
	s30 =	smov.u32 s29;
	s29 =	sadd.s32 $0x200, s29  }
0x2c7: {  	_ = 	snop  }
0x2c8: {  	v0 =	vadd.f32 v1, v0;
	_ =	sdelay $0x1  }
0x2c9: {  	[tilespmem:s26+$0xCDC0] =	vst v0  }
0x2ca: {  	v0 =	vld [tilespmem:$0x4D50]  }
0x2cb: {  	v1 =	vld [tilespmem:s28+$0xD0];
	_ =	sdelay $0x4  }
0x2cc: {  	v0 =	vadd.f32 v1, v0;
	_ =	sdelay $0x1  }
0x2cd: {  	[tilespmem:s26+$0xCDD0] =	vst v0  }
0x2ce: {  	v0 =	vld [tilespmem:$0x4D60]  }
0x2cf: {  	v1 =	vld [tilespmem:s28+$0xE0];
	_ =	sdelay $0x4  }
0x2d0: {  	v0 =	vadd.f32 v1, v0;
	_ =	sdelay $0x1  }
0x2d1: {  	[tilespmem:s26+$0xCDE0] =	vst v0  }
0x2d2: {  	v0 =	vld [tilespmem:$0x4D70]  }
0x2d3: {  	v1 =	vld [tilespmem:s28+$0xF0];
	s28 =	smov.u32 s25;
	_ =	sdelay $0x4  }
0x2d4: {  	v0 =	vadd.f32 v1, v0;
	_ =	sdelay $0x1  }
0x2d5: {  	[tilespmem:s26+$0xCDF0] =	vst v0  }
0x2d6: {  	v0 =	vld [tilespmem:$0x4780]  }
0x2d7: {  	v1 =	vld [tilespmem:s25+$0xFFFFF000];
	_ =	sdelay $0x4  }
0x2d8: {  	v0 =	vadd.f32 v1, v0  }
0x2d9: {  	s26 =	sshra.s32 s30, $0x2  }
0x2da: {  	[tilespmem:s26+$0x7580] =	vst v0  }
0x2db: {  	v0 =	vld [tilespmem:$0x4790]  }
0x2dc: {  	v1 =	vld [tilespmem:s25+$0xFFFFF010];
	_ =	sdelay $0x4  }
0x2dd: {  	v0 =	vadd.f32 v1, v0;
	_ =	sdelay $0x1  }
0x2de: {  	[tilespmem:s26+$0x7590] =	vst v0  }
0x2df: {  	v0 =	vld [tilespmem:$0x47A0]  }
0x2e0: {  	v1 =	vld [tilespmem:s25+$0xFFFFF020];
	_ =	sdelay $0x4  }
0x2e1: {  	v0 =	vadd.f32 v1, v0;
	_ =	sdelay $0x1  }
0x2e2: {  	[tilespmem:s26+$0x75A0] =	vst v0  }
0x2e3: {  	v0 =	vld [tilespmem:$0x47B0]  }
0x2e4: {  	v1 =	vld [tilespmem:s25+$0xFFFFF030];
	_ =	sdelay $0x4  }
0x2e5: {  	v0 =	vadd.f32 v1, v0;
	_ =	sdelay $0x1  }
0x2e6: {  	[tilespmem:s26+$0x75B0] =	vst v0  }
0x2e7: {  	v0 =	vld [tilespmem:$0x47C0]  }
0x2e8: {  	v1 =	vld [tilespmem:s25+$0xFFFFF040];
	_ =	sdelay $0x4  }
0x2e9: {  	v0 =	vadd.f32 v1, v0;
	_ =	sdelay $0x1  }
0x2ea: {  	[tilespmem:s26+$0x75C0] =	vst v0  }
0x2eb: {  	v0 =	vld [tilespmem:$0x47D0]  }
0x2ec: {  	v1 =	vld [tilespmem:s25+$0xFFFFF050];
	_ =	sdelay $0x4  }
0x2ed: {  	v0 =	vadd.f32 v1, v0;
	_ =	sdelay $0x1  }
0x2ee: {  	[tilespmem:s26+$0x75D0] =	vst v0  }
0x2ef: {  	v0 =	vld [tilespmem:$0x47E0]  }
0x2f0: {  	v1 =	vld [tilespmem:s25+$0xFFFFF060];
	_ =	sdelay $0x4  }
0x2f1: {  	v0 =	vadd.f32 v1, v0;
	_ =	sdelay $0x1  }
0x2f2: {  	[tilespmem:s26+$0x75E0] =	vst v0  }
0x2f3: {  	v0 =	vld [tilespmem:$0x47F0]  }
0x2f4: {  	v1 =	vld [tilespmem:s25+$0xFFFFF070];
	_ =	sdelay $0x4  }
0x2f5: {  	v0 =	vadd.f32 v1, v0;
	_ =	sdelay $0x1  }
0x2f6: {  	[tilespmem:s26+$0x75F0] =	vst v0  }
0x2f7: {  	v0 =	vld [tilespmem:$0x4800]  }
0x2f8: {  	v1 =	vld [tilespmem:s25+$0xFFFFF080];
	_ =	sdelay $0x4  }
0x2f9: {  	v0 =	vadd.f32 v1, v0;
	_ =	sdelay $0x1  }
0x2fa: {  	[tilespmem:s26+$0x7D80] =	vst v0  }
0x2fb: {  	v0 =	vld [tilespmem:$0x4810]  }
0x2fc: {  	v1 =	vld [tilespmem:s25+$0xFFFFF090];
	_ =	sdelay $0x4  }
0x2fd: {  	v0 =	vadd.f32 v1, v0;
	_ =	sdelay $0x1  }
0x2fe: {  	[tilespmem:s26+$0x7D90] =	vst v0  }
0x2ff: {  	v0 =	vld [tilespmem:$0x4820]  }
0x300: {  	v1 =	vld [tilespmem:s25+$0xFFFFF0A0];
	_ =	sdelay $0x4  }
0x301: {  	v0 =	vadd.f32 v1, v0;
	_ =	sdelay $0x1  }
0x302: {  	[tilespmem:s26+$0x7DA0] =	vst v0  }
0x303: {  	v0 =	vld [tilespmem:$0x4830]  }
0x304: {  	v1 =	vld [tilespmem:s25+$0xFFFFF0B0];
	_ =	sdelay $0x4  }
0x305: {  	v0 =	vadd.f32 v1, v0;
	_ =	sdelay $0x1  }
0x306: {  	[tilespmem:s26+$0x7DB0] =	vst v0  }
0x307: {  	v0 =	vld [tilespmem:$0x4840]  }
0x308: {  	v1 =	vld [tilespmem:s25+$0xFFFFF0C0];
	_ =	sdelay $0x4  }
0x309: {  	v0 =	vadd.f32 v1, v0;
	_ =	sdelay $0x1  }
0x30a: {  	[tilespmem:s26+$0x7DC0] =	vst v0  }
0x30b: {  	v0 =	vld [tilespmem:$0x4850]  }
0x30c: {  	v1 =	vld [tilespmem:s25+$0xFFFFF0D0];
	_ =	sdelay $0x4  }
0x30d: {  	v0 =	vadd.f32 v1, v0;
	_ =	sdelay $0x1  }
0x30e: {  	[tilespmem:s26+$0x7DD0] =	vst v0  }
0x30f: {  	v0 =	vld [tilespmem:$0x4860]  }
0x310: {  	v1 =	vld [tilespmem:s25+$0xFFFFF0E0];
	_ =	sdelay $0x4  }
0x311: {  	v0 =	vadd.f32 v1, v0;
	_ =	sdelay $0x1  }
0x312: {  	[tilespmem:s26+$0x7DE0] =	vst v0  }
0x313: {  	v0 =	vld [tilespmem:$0x4870]  }
0x314: {  	v1 =	vld [tilespmem:s25+$0xFFFFF0F0];
	_ =	sdelay $0x4  }
0x315: {  	v0 =	vadd.f32 v1, v0;
	_ =	sdelay $0x1  }
0x316: {  	[tilespmem:s26+$0x7DF0] =	vst v0  }
0x317: {  	v0 =	vld [tilespmem:$0x4C80]  }
0x318: {  	v1 =	vld [tilespmem:s25+$0x0];
	_ =	sdelay $0x4  }
0x319: {  	v0 =	vadd.f32 v1, v0;
	_ =	sdelay $0x1  }
0x31a: {  	[tilespmem:s26+$0xC580] =	vst v0  }
0x31b: {  	v0 =	vld [tilespmem:$0x4C90]  }
0x31c: {  	v1 =	vld [tilespmem:s25+$0x10];
	_ =	sdelay $0x4  }
0x31d: {  	v0 =	vadd.f32 v1, v0;
	_ =	sdelay $0x1  }
0x31e: {  	[tilespmem:s26+$0xC590] =	vst v0  }
0x31f: {  	v0 =	vld [tilespmem:$0x4CA0]  }
0x320: {  	v1 =	vld [tilespmem:s25+$0x20];
	_ =	sdelay $0x4  }
0x321: {  	v0 =	vadd.f32 v1, v0;
	_ =	sdelay $0x1  }
0x322: {  	[tilespmem:s26+$0xC5A0] =	vst v0  }
0x323: {  	v0 =	vld [tilespmem:$0x4CB0]  }
0x324: {  	v1 =	vld [tilespmem:s25+$0x30];
	_ =	sdelay $0x4  }
0x325: {  	v0 =	vadd.f32 v1, v0;
	_ =	sdelay $0x1  }
0x326: {  	[tilespmem:s26+$0xC5B0] =	vst v0  }
0x327: {  	v0 =	vld [tilespmem:$0x4CC0]  }
0x328: {  	v1 =	vld [tilespmem:s25+$0x40];
	_ =	sdelay $0x4  }
0x329: {  	v0 =	vadd.f32 v1, v0;
	_ =	sdelay $0x1  }
0x32a: {  	[tilespmem:s26+$0xC5C0] =	vst v0  }
0x32b: {  	v0 =	vld [tilespmem:$0x4CD0]  }
0x32c: {  	v1 =	vld [tilespmem:s25+$0x50];
	_ =	sdelay $0x4  }
0x32d: {  	v0 =	vadd.f32 v1, v0;
	_ =	sdelay $0x1  }
0x32e: {  	[tilespmem:s26+$0xC5D0] =	vst v0  }
0x32f: {  	v0 =	vld [tilespmem:$0x4CE0]  }
0x330: {  	v1 =	vld [tilespmem:s25+$0x60];
	_ =	sdelay $0x4  }
0x331: {  	v0 =	vadd.f32 v1, v0;
	_ =	sdelay $0x1  }
0x332: {  	[tilespmem:s26+$0xC5E0] =	vst v0  }
0x333: {  	v0 =	vld [tilespmem:$0x4CF0]  }
0x334: {  	v1 =	vld [tilespmem:s25+$0x70];
	_ =	sdelay $0x4  }
0x335: {  	v0 =	vadd.f32 v1, v0;
	_ =	sdelay $0x1  }
0x336: {  	[tilespmem:s26+$0xC5F0] =	vst v0  }
0x337: {  	v0 =	vld [tilespmem:$0x4D00]  }
0x338: {  	v1 =	vld [tilespmem:s25+$0x80];
	_ =	sdelay $0x4  }
0x339: {  	v0 =	vadd.f32 v1, v0;
	_ =	sdelay $0x1  }
0x33a: {  	[tilespmem:s26+$0xCD80] =	vst v0  }
0x33b: {  	v0 =	vld [tilespmem:$0x4D10]  }
0x33c: {  	v1 =	vld [tilespmem:s25+$0x90];
	_ =	sdelay $0x4  }
0x33d: {  	v0 =	vadd.f32 v1, v0;
	_ =	sdelay $0x1  }
0x33e: {  	[tilespmem:s26+$0xCD90] =	vst v0  }
0x33f: {  	v0 =	vld [tilespmem:$0x4D20]  }
0x340: {  	v1 =	vld [tilespmem:s25+$0xA0];
	_ =	sdelay $0x4  }
0x341: {  	v0 =	vadd.f32 v1, v0;
	_ =	sdelay $0x1  }
0x342: {  	[tilespmem:s26+$0xCDA0] =	vst v0  }
0x343: {  	v0 =	vld [tilespmem:$0x4D30]  }
0x344: {  	v1 =	vld [tilespmem:s25+$0xB0];
	_ =	sdelay $0x4  }
.Ltmp3:
0x345: {  	v0 =	vadd.f32 v1, v0;
	(pc) =	sbr.rel @p0 .LBB2_7-.Ltmp3, $4  }
0x346: {  	_ = 	snop  }
0x347: {  	[tilespmem:s26+$0xCDB0] =	vst v0  }
0x348: {  	v0 =	vld [tilespmem:$0x4D40]  }
0x349: {  	v1 =	vld [tilespmem:s25+$0xC0]  }
0x34a: {  	_ =	sdelay $0x3  }
0x34b: {  	v0 =	vadd.f32 v1, v0;
	_ =	sdelay $0x1  }
0x34c: {  	[tilespmem:s26+$0xCDC0] =	vst v0  }
0x34d: {  	v0 =	vld [tilespmem:$0x4D50]  }
0x34e: {  	v1 =	vld [tilespmem:s28+$0xD0];
	_ =	sdelay $0x4  }
0x34f: {  	v0 =	vadd.f32 v1, v0;
	_ =	sdelay $0x1  }
0x350: {  	[tilespmem:s26+$0xCDD0] =	vst v0  }
0x351: {  	v0 =	vld [tilespmem:$0x4D60]  }
0x352: {  	v1 =	vld [tilespmem:s28+$0xE0];
	_ =	sdelay $0x4  }
0x353: {  	v0 =	vadd.f32 v1, v0;
	_ =	sdelay $0x1  }
0x354: {  	[tilespmem:s26+$0xCDE0] =	vst v0  }
0x355: {  	v0 =	vld [tilespmem:$0x4D70]  }
0x356: {  	v1 =	vld [tilespmem:s28+$0xF0];
	_ =	sdelay $0x4  }
0x357: {  	v0 =	vadd.f32 v1, v0;
	_ =	sdelay $0x1  }
0x358: {  	[tilespmem:s26+$0xCDF0] =	vst v0  }
0x359: {  	[tilespmem:s14], [sflag:$0x1] =	stream.indirect.gather [hbm4b:s1+s11], $0x100, s22, s11, $0xb8;
	[tilespmem:$0xF580] =	vst v63  }
0x35a: {  	_ =	swait.ge [sflag:s20], $0x2000  }
0x35b: {  	[sflag:s20] =	ssyncset.done $0x0  }
0x35c: {  	[sflag:s20] =	ssyncadd.s32 $0xFFFFE000  }
0x35d: {  	s25 =	simm.s32 $0x3580;
	v0 =	vld [tilespmem:$0x4880]  }
0x35e: {  	v1 =	vld [tilespmem:s25+$0xFFFFF000];
	_ =	sdelay $0x4  }
0x35f: {  	v0 =	vadd.f32 v1, v0  }
0x360: {  	s26 =	simm.s32 $0x0  }
0x361: {  	[tilespmem:s26+$0x8580] =	vst v0  }
0x362: {  	v0 =	vld [tilespmem:$0x4890]  }
0x363: {  	v1 =	vld [tilespmem:s25+$0xFFFFF010];
	_ =	sdelay $0x4  }
0x364: {  	v0 =	vadd.f32 v1, v0;
	_ =	sdelay $0x1  }
0x365: {  	[tilespmem:s26+$0x8590] =	vst v0  }
0x366: {  	v0 =	vld [tilespmem:$0x48A0]  }
0x367: {  	v1 =	vld [tilespmem:s25+$0xFFFFF020];
	_ =	sdelay $0x4  }
0x368: {  	v0 =	vadd.f32 v1, v0;
	_ =	sdelay $0x1  }
0x369: {  	[tilespmem:s26+$0x85A0] =	vst v0  }
0x36a: {  	v0 =	vld [tilespmem:$0x48B0]  }
0x36b: {  	v1 =	vld [tilespmem:s25+$0xFFFFF030];
	_ =	sdelay $0x4  }
0x36c: {  	v0 =	vadd.f32 v1, v0;
	_ =	sdelay $0x1  }
0x36d: {  	[tilespmem:s26+$0x85B0] =	vst v0  }
0x36e: {  	v0 =	vld [tilespmem:$0x48C0]  }
0x36f: {  	v1 =	vld [tilespmem:s25+$0xFFFFF040];
	_ =	sdelay $0x4  }
0x370: {  	v0 =	vadd.f32 v1, v0;
	_ =	sdelay $0x1  }
0x371: {  	[tilespmem:s26+$0x85C0] =	vst v0  }
0x372: {  	v0 =	vld [tilespmem:$0x48D0]  }
0x373: {  	v1 =	vld [tilespmem:s25+$0xFFFFF050];
	_ =	sdelay $0x4  }
0x374: {  	v0 =	vadd.f32 v1, v0;
	_ =	sdelay $0x1  }
0x375: {  	[tilespmem:s26+$0x85D0] =	vst v0  }
0x376: {  	v0 =	vld [tilespmem:$0x48E0]  }
0x377: {  	v1 =	vld [tilespmem:s25+$0xFFFFF060];
	_ =	sdelay $0x4  }
0x378: {  	v0 =	vadd.f32 v1, v0;
	_ =	sdelay $0x1  }
0x379: {  	[tilespmem:s26+$0x85E0] =	vst v0  }
0x37a: {  	v0 =	vld [tilespmem:$0x48F0]  }
0x37b: {  	v1 =	vld [tilespmem:s25+$0xFFFFF070];
	_ =	sdelay $0x4  }
0x37c: {  	v0 =	vadd.f32 v1, v0;
	_ =	sdelay $0x1  }
0x37d: {  	[tilespmem:s26+$0x85F0] =	vst v0  }
0x37e: {  	v0 =	vld [tilespmem:$0x4900]  }
0x37f: {  	v1 =	vld [tilespmem:s25+$0xFFFFF080];
	_ =	sdelay $0x4  }
0x380: {  	v0 =	vadd.f32 v1, v0;
	_ =	sdelay $0x1  }
0x381: {  	[tilespmem:s26+$0x8D80] =	vst v0  }
0x382: {  	v0 =	vld [tilespmem:$0x4910]  }
0x383: {  	v1 =	vld [tilespmem:s25+$0xFFFFF090];
	_ =	sdelay $0x4  }
0x384: {  	v0 =	vadd.f32 v1, v0;
	_ =	sdelay $0x1  }
0x385: {  	[tilespmem:s26+$0x8D90] =	vst v0  }
0x386: {  	v0 =	vld [tilespmem:$0x4920]  }
0x387: {  	v1 =	vld [tilespmem:s25+$0xFFFFF0A0];
	_ =	sdelay $0x4  }
0x388: {  	v0 =	vadd.f32 v1, v0;
	_ =	sdelay $0x1  }
0x389: {  	[tilespmem:s26+$0x8DA0] =	vst v0  }
0x38a: {  	v0 =	vld [tilespmem:$0x4930]  }
0x38b: {  	v1 =	vld [tilespmem:s25+$0xFFFFF0B0];
	_ =	sdelay $0x4  }
0x38c: {  	v0 =	vadd.f32 v1, v0;
	_ =	sdelay $0x1  }
0x38d: {  	[tilespmem:s26+$0x8DB0] =	vst v0  }
0x38e: {  	v0 =	vld [tilespmem:$0x4940]  }
0x38f: {  	v1 =	vld [tilespmem:s25+$0xFFFFF0C0];
	_ =	sdelay $0x4  }
0x390: {  	v0 =	vadd.f32 v1, v0;
	_ =	sdelay $0x1  }
0x391: {  	[tilespmem:s26+$0x8DC0] =	vst v0  }
0x392: {  	v0 =	vld [tilespmem:$0x4950]  }
0x393: {  	v1 =	vld [tilespmem:s25+$0xFFFFF0D0];
	_ =	sdelay $0x4  }
0x394: {  	v0 =	vadd.f32 v1, v0;
	_ =	sdelay $0x1  }
0x395: {  	[tilespmem:s26+$0x8DD0] =	vst v0  }
0x396: {  	v0 =	vld [tilespmem:$0x4960]  }
0x397: {  	v1 =	vld [tilespmem:s25+$0xFFFFF0E0];
	_ =	sdelay $0x4  }
0x398: {  	v0 =	vadd.f32 v1, v0;
	_ =	sdelay $0x1  }
0x399: {  	[tilespmem:s26+$0x8DE0] =	vst v0  }
0x39a: {  	v0 =	vld [tilespmem:$0x4970]  }
0x39b: {  	v1 =	vld [tilespmem:s25+$0xFFFFF0F0];
	_ =	sdelay $0x4  }
0x39c: {  	v0 =	vadd.f32 v1, v0;
	_ =	sdelay $0x1  }
0x39d: {  	[tilespmem:s26+$0x8DF0] =	vst v0  }
0x39e: {  	v0 =	vld [tilespmem:$0x4D80]  }
0x39f: {  	v1 =	vld [tilespmem:s25+$0x0];
	_ =	sdelay $0x4  }
0x3a0: {  	v0 =	vadd.f32 v1, v0;
	_ =	sdelay $0x1  }
0x3a1: {  	[tilespmem:s26+$0xD580] =	vst v0  }
0x3a2: {  	v0 =	vld [tilespmem:$0x4D90]  }
0x3a3: {  	v1 =	vld [tilespmem:s25+$0x10];
	_ =	sdelay $0x4  }
0x3a4: {  	v0 =	vadd.f32 v1, v0;
	_ =	sdelay $0x1  }
0x3a5: {  	[tilespmem:s26+$0xD590] =	vst v0  }
0x3a6: {  	v0 =	vld [tilespmem:$0x4DA0]  }
0x3a7: {  	v1 =	vld [tilespmem:s25+$0x20];
	_ =	sdelay $0x4  }
0x3a8: {  	v0 =	vadd.f32 v1, v0;
	_ =	sdelay $0x1  }
0x3a9: {  	[tilespmem:s26+$0xD5A0] =	vst v0  }
0x3aa: {  	v0 =	vld [tilespmem:$0x4DB0]  }
0x3ab: {  	v1 =	vld [tilespmem:s25+$0x30];
	_ =	sdelay $0x4  }
0x3ac: {  	v0 =	vadd.f32 v1, v0;
	_ =	sdelay $0x1  }
0x3ad: {  	[tilespmem:s26+$0xD5B0] =	vst v0  }
0x3ae: {  	v0 =	vld [tilespmem:$0x4DC0]  }
0x3af: {  	v1 =	vld [tilespmem:s25+$0x40];
	_ =	sdelay $0x4  }
0x3b0: {  	v0 =	vadd.f32 v1, v0;
	_ =	sdelay $0x1  }
0x3b1: {  	[tilespmem:s26+$0xD5C0] =	vst v0  }
0x3b2: {  	v0 =	vld [tilespmem:$0x4DD0]  }
0x3b3: {  	v1 =	vld [tilespmem:s25+$0x50];
	_ =	sdelay $0x4  }
0x3b4: {  	v0 =	vadd.f32 v1, v0;
	_ =	sdelay $0x1  }
0x3b5: {  	[tilespmem:s26+$0xD5D0] =	vst v0  }
0x3b6: {  	v0 =	vld [tilespmem:$0x4DE0]  }
0x3b7: {  	v1 =	vld [tilespmem:s25+$0x60];
	_ =	sdelay $0x4  }
0x3b8: {  	v0 =	vadd.f32 v1, v0;
	_ =	sdelay $0x1  }
0x3b9: {  	[tilespmem:s26+$0xD5E0] =	vst v0  }
0x3ba: {  	v0 =	vld [tilespmem:$0x4DF0]  }
0x3bb: {  	v1 =	vld [tilespmem:s25+$0x70];
	_ =	sdelay $0x4  }
0x3bc: {  	v0 =	vadd.f32 v1, v0;
	_ =	sdelay $0x1  }
0x3bd: {  	[tilespmem:s26+$0xD5F0] =	vst v0  }
0x3be: {  	v0 =	vld [tilespmem:$0x4E00]  }
0x3bf: {  	v1 =	vld [tilespmem:s25+$0x80];
	_ =	sdelay $0x4  }
0x3c0: {  	v0 =	vadd.f32 v1, v0;
	_ =	sdelay $0x1  }
0x3c1: {  	[tilespmem:s26+$0xDD80] =	vst v0  }
0x3c2: {  	v0 =	vld [tilespmem:$0x4E10]  }
0x3c3: {  	v1 =	vld [tilespmem:s25+$0x90];
	_ =	sdelay $0x4  }
0x3c4: {  	v0 =	vadd.f32 v1, v0;
	_ =	sdelay $0x1  }
0x3c5: {  	[tilespmem:s26+$0xDD90] =	vst v0  }
0x3c6: {  	v0 =	vld [tilespmem:$0x4E20]  }
0x3c7: {  	v1 =	vld [tilespmem:s25+$0xA0];
	_ =	sdelay $0x4  }
0x3c8: {  	v0 =	vadd.f32 v1, v0;
	_ =	sdelay $0x1  }
0x3c9: {  	[tilespmem:s26+$0xDDA0] =	vst v0  }
0x3ca: {  	v0 =	vld [tilespmem:$0x4E30]  }
0x3cb: {  	v1 =	vld [tilespmem:s25+$0xB0];
	_ =	sdelay $0x4  }
0x3cc: {  	v0 =	vadd.f32 v1, v0;
	_ =	sdelay $0x1  }
0x3cd: {  	[tilespmem:s26+$0xDDB0] =	vst v0  }
0x3ce: {  	v0 =	vld [tilespmem:$0x4E40]  }
0x3cf: {  	s29 =	simm.s32 $0x200;
	s28 =	simm.s32 $0x3580;
	v1 =	vld [tilespmem:s25+$0xC0]  }
.LBB2_9:
0x3d0: {  	_ = 	snop  }
0x3d1: {  	p0 =	sne.s32 s29, $0x1E00  }
0x3d2: {  	s25 =	sadd.s32 $0x100, s25;
	s30 =	smov.u32 s29;
	s29 =	sadd.s32 $0x200, s29  }
0x3d3: {  	_ = 	snop  }
0x3d4: {  	v0 =	vadd.f32 v1, v0;
	_ =	sdelay $0x1  }
0x3d5: {  	[tilespmem:s26+$0xDDC0] =	vst v0  }
0x3d6: {  	v0 =	vld [tilespmem:$0x4E50]  }
0x3d7: {  	v1 =	vld [tilespmem:s28+$0xD0];
	_ =	sdelay $0x4  }
0x3d8: {  	v0 =	vadd.f32 v1, v0;
	_ =	sdelay $0x1  }
0x3d9: {  	[tilespmem:s26+$0xDDD0] =	vst v0  }
0x3da: {  	v0 =	vld [tilespmem:$0x4E60]  }
0x3db: {  	v1 =	vld [tilespmem:s28+$0xE0];
	_ =	sdelay $0x4  }
0x3dc: {  	v0 =	vadd.f32 v1, v0;
	_ =	sdelay $0x1  }
0x3dd: {  	[tilespmem:s26+$0xDDE0] =	vst v0  }
0x3de: {  	v0 =	vld [tilespmem:$0x4E70]  }
0x3df: {  	v1 =	vld [tilespmem:s28+$0xF0];
	s28 =	smov.u32 s25;
	_ =	sdelay $0x4  }
0x3e0: {  	v0 =	vadd.f32 v1, v0;
	_ =	sdelay $0x1  }
0x3e1: {  	[tilespmem:s26+$0xDDF0] =	vst v0  }
0x3e2: {  	v0 =	vld [tilespmem:$0x4880]  }
0x3e3: {  	v1 =	vld [tilespmem:s25+$0xFFFFF000];
	_ =	sdelay $0x4  }
0x3e4: {  	v0 =	vadd.f32 v1, v0  }
0x3e5: {  	s26 =	sshra.s32 s30, $0x2  }
0x3e6: {  	[tilespmem:s26+$0x8580] =	vst v0  }
0x3e7: {  	v0 =	vld [tilespmem:$0x4890]  }
0x3e8: {  	v1 =	vld [tilespmem:s25+$0xFFFFF010];
	_ =	sdelay $0x4  }
0x3e9: {  	v0 =	vadd.f32 v1, v0;
	_ =	sdelay $0x1  }
0x3ea: {  	[tilespmem:s26+$0x8590] =	vst v0  }
0x3eb: {  	v0 =	vld [tilespmem:$0x48A0]  }
0x3ec: {  	v1 =	vld [tilespmem:s25+$0xFFFFF020];
	_ =	sdelay $0x4  }
0x3ed: {  	v0 =	vadd.f32 v1, v0;
	_ =	sdelay $0x1  }
0x3ee: {  	[tilespmem:s26+$0x85A0] =	vst v0  }
0x3ef: {  	v0 =	vld [tilespmem:$0x48B0]  }
0x3f0: {  	v1 =	vld [tilespmem:s25+$0xFFFFF030];
	_ =	sdelay $0x4  }
0x3f1: {  	v0 =	vadd.f32 v1, v0;
	_ =	sdelay $0x1  }
0x3f2: {  	[tilespmem:s26+$0x85B0] =	vst v0  }
0x3f3: {  	v0 =	vld [tilespmem:$0x48C0]  }
0x3f4: {  	v1 =	vld [tilespmem:s25+$0xFFFFF040];
	_ =	sdelay $0x4  }
0x3f5: {  	v0 =	vadd.f32 v1, v0;
	_ =	sdelay $0x1  }
0x3f6: {  	[tilespmem:s26+$0x85C0] =	vst v0  }
0x3f7: {  	v0 =	vld [tilespmem:$0x48D0]  }
0x3f8: {  	v1 =	vld [tilespmem:s25+$0xFFFFF050];
	_ =	sdelay $0x4  }
0x3f9: {  	v0 =	vadd.f32 v1, v0;
	_ =	sdelay $0x1  }
0x3fa: {  	[tilespmem:s26+$0x85D0] =	vst v0  }
0x3fb: {  	v0 =	vld [tilespmem:$0x48E0]  }
0x3fc: {  	v1 =	vld [tilespmem:s25+$0xFFFFF060];
	_ =	sdelay $0x4  }
0x3fd: {  	v0 =	vadd.f32 v1, v0;
	_ =	sdelay $0x1  }
0x3fe: {  	[tilespmem:s26+$0x85E0] =	vst v0  }
0x3ff: {  	v0 =	vld [tilespmem:$0x48F0]  }
0x400: {  	v1 =	vld [tilespmem:s25+$0xFFFFF070];
	_ =	sdelay $0x4  }
0x401: {  	v0 =	vadd.f32 v1, v0;
	_ =	sdelay $0x1  }
0x402: {  	[tilespmem:s26+$0x85F0] =	vst v0  }
0x403: {  	v0 =	vld [tilespmem:$0x4900]  }
0x404: {  	v1 =	vld [tilespmem:s25+$0xFFFFF080];
	_ =	sdelay $0x4  }
0x405: {  	v0 =	vadd.f32 v1, v0;
	_ =	sdelay $0x1  }
0x406: {  	[tilespmem:s26+$0x8D80] =	vst v0  }
0x407: {  	v0 =	vld [tilespmem:$0x4910]  }
0x408: {  	v1 =	vld [tilespmem:s25+$0xFFFFF090];
	_ =	sdelay $0x4  }
0x409: {  	v0 =	vadd.f32 v1, v0;
	_ =	sdelay $0x1  }
0x40a: {  	[tilespmem:s26+$0x8D90] =	vst v0  }
0x40b: {  	v0 =	vld [tilespmem:$0x4920]  }
0x40c: {  	v1 =	vld [tilespmem:s25+$0xFFFFF0A0];
	_ =	sdelay $0x4  }
0x40d: {  	v0 =	vadd.f32 v1, v0;
	_ =	sdelay $0x1  }
0x40e: {  	[tilespmem:s26+$0x8DA0] =	vst v0  }
0x40f: {  	v0 =	vld [tilespmem:$0x4930]  }
0x410: {  	v1 =	vld [tilespmem:s25+$0xFFFFF0B0];
	_ =	sdelay $0x4  }
0x411: {  	v0 =	vadd.f32 v1, v0;
	_ =	sdelay $0x1  }
0x412: {  	[tilespmem:s26+$0x8DB0] =	vst v0  }
0x413: {  	v0 =	vld [tilespmem:$0x4940]  }
0x414: {  	v1 =	vld [tilespmem:s25+$0xFFFFF0C0];
	_ =	sdelay $0x4  }
0x415: {  	v0 =	vadd.f32 v1, v0;
	_ =	sdelay $0x1  }
0x416: {  	[tilespmem:s26+$0x8DC0] =	vst v0  }
0x417: {  	v0 =	vld [tilespmem:$0x4950]  }
0x418: {  	v1 =	vld [tilespmem:s25+$0xFFFFF0D0];
	_ =	sdelay $0x4  }
0x419: {  	v0 =	vadd.f32 v1, v0;
	_ =	sdelay $0x1  }
0x41a: {  	[tilespmem:s26+$0x8DD0] =	vst v0  }
0x41b: {  	v0 =	vld [tilespmem:$0x4960]  }
0x41c: {  	v1 =	vld [tilespmem:s25+$0xFFFFF0E0];
	_ =	sdelay $0x4  }
0x41d: {  	v0 =	vadd.f32 v1, v0;
	_ =	sdelay $0x1  }
0x41e: {  	[tilespmem:s26+$0x8DE0] =	vst v0  }
0x41f: {  	v0 =	vld [tilespmem:$0x4970]  }
0x420: {  	v1 =	vld [tilespmem:s25+$0xFFFFF0F0];
	_ =	sdelay $0x4  }
0x421: {  	v0 =	vadd.f32 v1, v0;
	_ =	sdelay $0x1  }
0x422: {  	[tilespmem:s26+$0x8DF0] =	vst v0  }
0x423: {  	v0 =	vld [tilespmem:$0x4D80]  }
0x424: {  	v1 =	vld [tilespmem:s25+$0x0];
	_ =	sdelay $0x4  }
0x425: {  	v0 =	vadd.f32 v1, v0;
	_ =	sdelay $0x1  }
0x426: {  	[tilespmem:s26+$0xD580] =	vst v0  }
0x427: {  	v0 =	vld [tilespmem:$0x4D90]  }
0x428: {  	v1 =	vld [tilespmem:s25+$0x10];
	_ =	sdelay $0x4  }
0x429: {  	v0 =	vadd.f32 v1, v0;
	_ =	sdelay $0x1  }
0x42a: {  	[tilespmem:s26+$0xD590] =	vst v0  }
0x42b: {  	v0 =	vld [tilespmem:$0x4DA0]  }
0x42c: {  	v1 =	vld [tilespmem:s25+$0x20];
	_ =	sdelay $0x4  }
0x42d: {  	v0 =	vadd.f32 v1, v0;
	_ =	sdelay $0x1  }
0x42e: {  	[tilespmem:s26+$0xD5A0] =	vst v0  }
0x42f: {  	v0 =	vld [tilespmem:$0x4DB0]  }
0x430: {  	v1 =	vld [tilespmem:s25+$0x30];
	_ =	sdelay $0x4  }
0x431: {  	v0 =	vadd.f32 v1, v0;
	_ =	sdelay $0x1  }
0x432: {  	[tilespmem:s26+$0xD5B0] =	vst v0  }
0x433: {  	v0 =	vld [tilespmem:$0x4DC0]  }
0x434: {  	v1 =	vld [tilespmem:s25+$0x40];
	_ =	sdelay $0x4  }
0x435: {  	v0 =	vadd.f32 v1, v0;
	_ =	sdelay $0x1  }
0x436: {  	[tilespmem:s26+$0xD5C0] =	vst v0  }
0x437: {  	v0 =	vld [tilespmem:$0x4DD0]  }
0x438: {  	v1 =	vld [tilespmem:s25+$0x50];
	_ =	sdelay $0x4  }
0x439: {  	v0 =	vadd.f32 v1, v0;
	_ =	sdelay $0x1  }
0x43a: {  	[tilespmem:s26+$0xD5D0] =	vst v0  }
0x43b: {  	v0 =	vld [tilespmem:$0x4DE0]  }
0x43c: {  	v1 =	vld [tilespmem:s25+$0x60];
	_ =	sdelay $0x4  }
0x43d: {  	v0 =	vadd.f32 v1, v0;
	_ =	sdelay $0x1  }
0x43e: {  	[tilespmem:s26+$0xD5E0] =	vst v0  }
0x43f: {  	v0 =	vld [tilespmem:$0x4DF0]  }
0x440: {  	v1 =	vld [tilespmem:s25+$0x70];
	_ =	sdelay $0x4  }
0x441: {  	v0 =	vadd.f32 v1, v0;
	_ =	sdelay $0x1  }
0x442: {  	[tilespmem:s26+$0xD5F0] =	vst v0  }
0x443: {  	v0 =	vld [tilespmem:$0x4E00]  }
0x444: {  	v1 =	vld [tilespmem:s25+$0x80];
	_ =	sdelay $0x4  }
0x445: {  	v0 =	vadd.f32 v1, v0;
	_ =	sdelay $0x1  }
0x446: {  	[tilespmem:s26+$0xDD80] =	vst v0  }
0x447: {  	v0 =	vld [tilespmem:$0x4E10]  }
0x448: {  	v1 =	vld [tilespmem:s25+$0x90];
	_ =	sdelay $0x4  }
0x449: {  	v0 =	vadd.f32 v1, v0;
	_ =	sdelay $0x1  }
0x44a: {  	[tilespmem:s26+$0xDD90] =	vst v0  }
0x44b: {  	v0 =	vld [tilespmem:$0x4E20]  }
0x44c: {  	v1 =	vld [tilespmem:s25+$0xA0];
	_ =	sdelay $0x4  }
0x44d: {  	v0 =	vadd.f32 v1, v0;
	_ =	sdelay $0x1  }
0x44e: {  	[tilespmem:s26+$0xDDA0] =	vst v0  }
0x44f: {  	v0 =	vld [tilespmem:$0x4E30]  }
0x450: {  	v1 =	vld [tilespmem:s25+$0xB0];
	_ =	sdelay $0x4  }
.Ltmp4:
0x451: {  	v0 =	vadd.f32 v1, v0;
	(pc) =	sbr.rel @p0 .LBB2_9-.Ltmp4, $4  }
0x452: {  	_ = 	snop  }
0x453: {  	[tilespmem:s26+$0xDDB0] =	vst v0  }
0x454: {  	v0 =	vld [tilespmem:$0x4E40]  }
0x455: {  	v1 =	vld [tilespmem:s25+$0xC0]  }
0x456: {  	_ =	sdelay $0x3  }
0x457: {  	v0 =	vadd.f32 v1, v0;
	_ =	sdelay $0x1  }
0x458: {  	[tilespmem:s26+$0xDDC0] =	vst v0  }
0x459: {  	v0 =	vld [tilespmem:$0x4E50]  }
0x45a: {  	v1 =	vld [tilespmem:s28+$0xD0];
	_ =	sdelay $0x4  }
0x45b: {  	v0 =	vadd.f32 v1, v0;
	_ =	sdelay $0x1  }
0x45c: {  	[tilespmem:s26+$0xDDD0] =	vst v0  }
0x45d: {  	v0 =	vld [tilespmem:$0x4E60]  }
0x45e: {  	v1 =	vld [tilespmem:s28+$0xE0];
	_ =	sdelay $0x4  }
0x45f: {  	v0 =	vadd.f32 v1, v0;
	_ =	sdelay $0x1  }
0x460: {  	[tilespmem:s26+$0xDDE0] =	vst v0  }
0x461: {  	v0 =	vld [tilespmem:$0x4E70]  }
0x462: {  	v1 =	vld [tilespmem:s28+$0xF0];
	_ =	sdelay $0x4  }
0x463: {  	v0 =	vadd.f32 v1, v0;
	_ =	sdelay $0x1  }
0x464: {  	[tilespmem:s26+$0xDDF0] =	vst v0  }
0x465: {  	_ =	swait.ge [sflag:s18], $0x2000  }
0x466: {  	[sflag:s18] =	ssyncset.done $0x0  }
0x467: {  	[sflag:s18] =	ssyncadd.s32 $0xFFFFE000  }
0x468: {  	s25 =	simm.s32 $0x1580;
	v0 =	vld [tilespmem:$0x4980]  }
0x469: {  	v1 =	vld [tilespmem:s25+$0xFFFFF000];
	_ =	sdelay $0x4  }
0x46a: {  	v0 =	vadd.f32 v1, v0  }
0x46b: {  	s26 =	simm.s32 $0x0  }
0x46c: {  	[tilespmem:s26+$0x9580] =	vst v0  }
0x46d: {  	v0 =	vld [tilespmem:$0x4990]  }
0x46e: {  	v1 =	vld [tilespmem:s25+$0xFFFFF010];
	_ =	sdelay $0x4  }
0x46f: {  	v0 =	vadd.f32 v1, v0;
	_ =	sdelay $0x1  }
0x470: {  	[tilespmem:s26+$0x9590] =	vst v0  }
0x471: {  	v0 =	vld [tilespmem:$0x49A0]  }
0x472: {  	v1 =	vld [tilespmem:s25+$0xFFFFF020];
	_ =	sdelay $0x4  }
0x473: {  	v0 =	vadd.f32 v1, v0;
	_ =	sdelay $0x1  }
0x474: {  	[tilespmem:s26+$0x95A0] =	vst v0  }
0x475: {  	v0 =	vld [tilespmem:$0x49B0]  }
0x476: {  	v1 =	vld [tilespmem:s25+$0xFFFFF030];
	_ =	sdelay $0x4  }
0x477: {  	v0 =	vadd.f32 v1, v0;
	_ =	sdelay $0x1  }
0x478: {  	[tilespmem:s26+$0x95B0] =	vst v0  }
0x479: {  	v0 =	vld [tilespmem:$0x49C0]  }
0x47a: {  	v1 =	vld [tilespmem:s25+$0xFFFFF040];
	_ =	sdelay $0x4  }
0x47b: {  	v0 =	vadd.f32 v1, v0;
	_ =	sdelay $0x1  }
0x47c: {  	[tilespmem:s26+$0x95C0] =	vst v0  }
0x47d: {  	v0 =	vld [tilespmem:$0x49D0]  }
0x47e: {  	v1 =	vld [tilespmem:s25+$0xFFFFF050];
	_ =	sdelay $0x4  }
0x47f: {  	v0 =	vadd.f32 v1, v0;
	_ =	sdelay $0x1  }
0x480: {  	[tilespmem:s26+$0x95D0] =	vst v0  }
0x481: {  	v0 =	vld [tilespmem:$0x49E0]  }
0x482: {  	v1 =	vld [tilespmem:s25+$0xFFFFF060];
	_ =	sdelay $0x4  }
0x483: {  	v0 =	vadd.f32 v1, v0;
	_ =	sdelay $0x1  }
0x484: {  	[tilespmem:s26+$0x95E0] =	vst v0  }
0x485: {  	v0 =	vld [tilespmem:$0x49F0]  }
0x486: {  	v1 =	vld [tilespmem:s25+$0xFFFFF070];
	_ =	sdelay $0x4  }
0x487: {  	v0 =	vadd.f32 v1, v0;
	_ =	sdelay $0x1  }
0x488: {  	[tilespmem:s26+$0x95F0] =	vst v0  }
0x489: {  	v0 =	vld [tilespmem:$0x4A00]  }
0x48a: {  	v1 =	vld [tilespmem:s25+$0xFFFFF080];
	_ =	sdelay $0x4  }
0x48b: {  	v0 =	vadd.f32 v1, v0;
	_ =	sdelay $0x1  }
0x48c: {  	[tilespmem:s26+$0x9D80] =	vst v0  }
0x48d: {  	v0 =	vld [tilespmem:$0x4A10]  }
0x48e: {  	v1 =	vld [tilespmem:s25+$0xFFFFF090];
	_ =	sdelay $0x4  }
0x48f: {  	v0 =	vadd.f32 v1, v0;
	_ =	sdelay $0x1  }
0x490: {  	[tilespmem:s26+$0x9D90] =	vst v0  }
0x491: {  	v0 =	vld [tilespmem:$0x4A20]  }
0x492: {  	v1 =	vld [tilespmem:s25+$0xFFFFF0A0];
	_ =	sdelay $0x4  }
0x493: {  	v0 =	vadd.f32 v1, v0;
	_ =	sdelay $0x1  }
0x494: {  	[tilespmem:s26+$0x9DA0] =	vst v0  }
0x495: {  	v0 =	vld [tilespmem:$0x4A30]  }
0x496: {  	v1 =	vld [tilespmem:s25+$0xFFFFF0B0];
	_ =	sdelay $0x4  }
0x497: {  	v0 =	vadd.f32 v1, v0;
	_ =	sdelay $0x1  }
0x498: {  	[tilespmem:s26+$0x9DB0] =	vst v0  }
0x499: {  	v0 =	vld [tilespmem:$0x4A40]  }
0x49a: {  	v1 =	vld [tilespmem:s25+$0xFFFFF0C0];
	_ =	sdelay $0x4  }
0x49b: {  	v0 =	vadd.f32 v1, v0;
	_ =	sdelay $0x1  }
0x49c: {  	[tilespmem:s26+$0x9DC0] =	vst v0  }
0x49d: {  	v0 =	vld [tilespmem:$0x4A50]  }
0x49e: {  	v1 =	vld [tilespmem:s25+$0xFFFFF0D0];
	_ =	sdelay $0x4  }
0x49f: {  	v0 =	vadd.f32 v1, v0;
	_ =	sdelay $0x1  }
0x4a0: {  	[tilespmem:s26+$0x9DD0] =	vst v0  }
0x4a1: {  	v0 =	vld [tilespmem:$0x4A60]  }
0x4a2: {  	v1 =	vld [tilespmem:s25+$0xFFFFF0E0];
	_ =	sdelay $0x4  }
0x4a3: {  	v0 =	vadd.f32 v1, v0;
	_ =	sdelay $0x1  }
0x4a4: {  	[tilespmem:s26+$0x9DE0] =	vst v0  }
0x4a5: {  	v0 =	vld [tilespmem:$0x4A70]  }
0x4a6: {  	v1 =	vld [tilespmem:s25+$0xFFFFF0F0];
	_ =	sdelay $0x4  }
0x4a7: {  	v0 =	vadd.f32 v1, v0;
	_ =	sdelay $0x1  }
0x4a8: {  	[tilespmem:s26+$0x9DF0] =	vst v0  }
0x4a9: {  	v0 =	vld [tilespmem:$0x4E80]  }
0x4aa: {  	v1 =	vld [tilespmem:s25+$0x0];
	_ =	sdelay $0x4  }
0x4ab: {  	v0 =	vadd.f32 v1, v0;
	_ =	sdelay $0x1  }
0x4ac: {  	[tilespmem:s26+$0xE580] =	vst v0  }
0x4ad: {  	v0 =	vld [tilespmem:$0x4E90]  }
0x4ae: {  	v1 =	vld [tilespmem:s25+$0x10];
	_ =	sdelay $0x4  }
0x4af: {  	v0 =	vadd.f32 v1, v0;
	_ =	sdelay $0x1  }
0x4b0: {  	[tilespmem:s26+$0xE590] =	vst v0  }
0x4b1: {  	v0 =	vld [tilespmem:$0x4EA0]  }
0x4b2: {  	v1 =	vld [tilespmem:s25+$0x20];
	_ =	sdelay $0x4  }
0x4b3: {  	v0 =	vadd.f32 v1, v0;
	_ =	sdelay $0x1  }
0x4b4: {  	[tilespmem:s26+$0xE5A0] =	vst v0  }
0x4b5: {  	v0 =	vld [tilespmem:$0x4EB0]  }
0x4b6: {  	v1 =	vld [tilespmem:s25+$0x30];
	_ =	sdelay $0x4  }
0x4b7: {  	v0 =	vadd.f32 v1, v0;
	_ =	sdelay $0x1  }
0x4b8: {  	[tilespmem:s26+$0xE5B0] =	vst v0  }
0x4b9: {  	v0 =	vld [tilespmem:$0x4EC0]  }
0x4ba: {  	v1 =	vld [tilespmem:s25+$0x40];
	_ =	sdelay $0x4  }
0x4bb: {  	v0 =	vadd.f32 v1, v0;
	_ =	sdelay $0x1  }
0x4bc: {  	[tilespmem:s26+$0xE5C0] =	vst v0  }
0x4bd: {  	v0 =	vld [tilespmem:$0x4ED0]  }
0x4be: {  	v1 =	vld [tilespmem:s25+$0x50];
	_ =	sdelay $0x4  }
0x4bf: {  	v0 =	vadd.f32 v1, v0;
	_ =	sdelay $0x1  }
0x4c0: {  	[tilespmem:s26+$0xE5D0] =	vst v0  }
0x4c1: {  	v0 =	vld [tilespmem:$0x4EE0]  }
0x4c2: {  	v1 =	vld [tilespmem:s25+$0x60];
	_ =	sdelay $0x4  }
0x4c3: {  	v0 =	vadd.f32 v1, v0;
	_ =	sdelay $0x1  }
0x4c4: {  	[tilespmem:s26+$0xE5E0] =	vst v0  }
0x4c5: {  	v0 =	vld [tilespmem:$0x4EF0]  }
0x4c6: {  	v1 =	vld [tilespmem:s25+$0x70];
	_ =	sdelay $0x4  }
0x4c7: {  	v0 =	vadd.f32 v1, v0;
	_ =	sdelay $0x1  }
0x4c8: {  	[tilespmem:s26+$0xE5F0] =	vst v0  }
0x4c9: {  	v0 =	vld [tilespmem:$0x4F00]  }
0x4ca: {  	v1 =	vld [tilespmem:s25+$0x80];
	_ =	sdelay $0x4  }
0x4cb: {  	v0 =	vadd.f32 v1, v0;
	_ =	sdelay $0x1  }
0x4cc: {  	[tilespmem:s26+$0xED80] =	vst v0  }
0x4cd: {  	v0 =	vld [tilespmem:$0x4F10]  }
0x4ce: {  	v1 =	vld [tilespmem:s25+$0x90];
	_ =	sdelay $0x4  }
0x4cf: {  	v0 =	vadd.f32 v1, v0;
	_ =	sdelay $0x1  }
0x4d0: {  	[tilespmem:s26+$0xED90] =	vst v0  }
0x4d1: {  	v0 =	vld [tilespmem:$0x4F20]  }
0x4d2: {  	v1 =	vld [tilespmem:s25+$0xA0];
	_ =	sdelay $0x4  }
0x4d3: {  	v0 =	vadd.f32 v1, v0;
	_ =	sdelay $0x1  }
0x4d4: {  	[tilespmem:s26+$0xEDA0] =	vst v0  }
0x4d5: {  	v0 =	vld [tilespmem:$0x4F30]  }
0x4d6: {  	v1 =	vld [tilespmem:s25+$0xB0];
	_ =	sdelay $0x4  }
0x4d7: {  	v0 =	vadd.f32 v1, v0;
	_ =	sdelay $0x1  }
0x4d8: {  	[tilespmem:s26+$0xEDB0] =	vst v0  }
0x4d9: {  	v0 =	vld [tilespmem:$0x4F40]  }
0x4da: {  	s29 =	simm.s32 $0x200;
	s28 =	simm.s32 $0x1580;
	v1 =	vld [tilespmem:s25+$0xC0]  }
.LBB2_11:
0x4db: {  	_ = 	snop  }
0x4dc: {  	p0 =	sne.s32 s29, $0x1E00  }
0x4dd: {  	s25 =	sadd.s32 $0x100, s25;
	s30 =	smov.u32 s29;
	s29 =	sadd.s32 $0x200, s29  }
0x4de: {  	_ = 	snop  }
0x4df: {  	v0 =	vadd.f32 v1, v0;
	_ =	sdelay $0x1  }
0x4e0: {  	[tilespmem:s26+$0xEDC0] =	vst v0  }
0x4e1: {  	v0 =	vld [tilespmem:$0x4F50]  }
0x4e2: {  	v1 =	vld [tilespmem:s28+$0xD0];
	_ =	sdelay $0x4  }
0x4e3: {  	v0 =	vadd.f32 v1, v0;
	_ =	sdelay $0x1  }
0x4e4: {  	[tilespmem:s26+$0xEDD0] =	vst v0  }
0x4e5: {  	v0 =	vld [tilespmem:$0x4F60]  }
0x4e6: {  	v1 =	vld [tilespmem:s28+$0xE0];
	_ =	sdelay $0x4  }
0x4e7: {  	v0 =	vadd.f32 v1, v0;
	_ =	sdelay $0x1  }
0x4e8: {  	[tilespmem:s26+$0xEDE0] =	vst v0  }
0x4e9: {  	v0 =	vld [tilespmem:$0x4F70]  }
0x4ea: {  	v1 =	vld [tilespmem:s28+$0xF0];
	s28 =	smov.u32 s25;
	_ =	sdelay $0x4  }
0x4eb: {  	v0 =	vadd.f32 v1, v0;
	_ =	sdelay $0x1  }
0x4ec: {  	[tilespmem:s26+$0xEDF0] =	vst v0  }
0x4ed: {  	v0 =	vld [tilespmem:$0x4980]  }
0x4ee: {  	v1 =	vld [tilespmem:s25+$0xFFFFF000];
	_ =	sdelay $0x4  }
0x4ef: {  	v0 =	vadd.f32 v1, v0  }
0x4f0: {  	s26 =	sshra.s32 s30, $0x2  }
0x4f1: {  	[tilespmem:s26+$0x9580] =	vst v0  }
0x4f2: {  	v0 =	vld [tilespmem:$0x4990]  }
0x4f3: {  	v1 =	vld [tilespmem:s25+$0xFFFFF010];
	_ =	sdelay $0x4  }
0x4f4: {  	v0 =	vadd.f32 v1, v0;
	_ =	sdelay $0x1  }
0x4f5: {  	[tilespmem:s26+$0x9590] =	vst v0  }
0x4f6: {  	v0 =	vld [tilespmem:$0x49A0]  }
0x4f7: {  	v1 =	vld [tilespmem:s25+$0xFFFFF020];
	_ =	sdelay $0x4  }
0x4f8: {  	v0 =	vadd.f32 v1, v0;
	_ =	sdelay $0x1  }
0x4f9: {  	[tilespmem:s26+$0x95A0] =	vst v0  }
0x4fa: {  	v0 =	vld [tilespmem:$0x49B0]  }
0x4fb: {  	v1 =	vld [tilespmem:s25+$0xFFFFF030];
	_ =	sdelay $0x4  }
0x4fc: {  	v0 =	vadd.f32 v1, v0;
	_ =	sdelay $0x1  }
0x4fd: {  	[tilespmem:s26+$0x95B0] =	vst v0  }
0x4fe: {  	v0 =	vld [tilespmem:$0x49C0]  }
0x4ff: {  	v1 =	vld [tilespmem:s25+$0xFFFFF040];
	_ =	sdelay $0x4  }
0x500: {  	v0 =	vadd.f32 v1, v0;
	_ =	sdelay $0x1  }
0x501: {  	[tilespmem:s26+$0x95C0] =	vst v0  }
0x502: {  	v0 =	vld [tilespmem:$0x49D0]  }
0x503: {  	v1 =	vld [tilespmem:s25+$0xFFFFF050];
	_ =	sdelay $0x4  }
0x504: {  	v0 =	vadd.f32 v1, v0;
	_ =	sdelay $0x1  }
0x505: {  	[tilespmem:s26+$0x95D0] =	vst v0  }
0x506: {  	v0 =	vld [tilespmem:$0x49E0]  }
0x507: {  	v1 =	vld [tilespmem:s25+$0xFFFFF060];
	_ =	sdelay $0x4  }
0x508: {  	v0 =	vadd.f32 v1, v0;
	_ =	sdelay $0x1  }
0x509: {  	[tilespmem:s26+$0x95E0] =	vst v0  }
0x50a: {  	v0 =	vld [tilespmem:$0x49F0]  }
0x50b: {  	v1 =	vld [tilespmem:s25+$0xFFFFF070];
	_ =	sdelay $0x4  }
0x50c: {  	v0 =	vadd.f32 v1, v0;
	_ =	sdelay $0x1  }
0x50d: {  	[tilespmem:s26+$0x95F0] =	vst v0  }
0x50e: {  	v0 =	vld [tilespmem:$0x4A00]  }
0x50f: {  	v1 =	vld [tilespmem:s25+$0xFFFFF080];
	_ =	sdelay $0x4  }
0x510: {  	v0 =	vadd.f32 v1, v0;
	_ =	sdelay $0x1  }
0x511: {  	[tilespmem:s26+$0x9D80] =	vst v0  }
0x512: {  	v0 =	vld [tilespmem:$0x4A10]  }
0x513: {  	v1 =	vld [tilespmem:s25+$0xFFFFF090];
	_ =	sdelay $0x4  }
0x514: {  	v0 =	vadd.f32 v1, v0;
	_ =	sdelay $0x1  }
0x515: {  	[tilespmem:s26+$0x9D90] =	vst v0  }
0x516: {  	v0 =	vld [tilespmem:$0x4A20]  }
0x517: {  	v1 =	vld [tilespmem:s25+$0xFFFFF0A0];
	_ =	sdelay $0x4  }
0x518: {  	v0 =	vadd.f32 v1, v0;
	_ =	sdelay $0x1  }
0x519: {  	[tilespmem:s26+$0x9DA0] =	vst v0  }
0x51a: {  	v0 =	vld [tilespmem:$0x4A30]  }
0x51b: {  	v1 =	vld [tilespmem:s25+$0xFFFFF0B0];
	_ =	sdelay $0x4  }
0x51c: {  	v0 =	vadd.f32 v1, v0;
	_ =	sdelay $0x1  }
0x51d: {  	[tilespmem:s26+$0x9DB0] =	vst v0  }
0x51e: {  	v0 =	vld [tilespmem:$0x4A40]  }
0x51f: {  	v1 =	vld [tilespmem:s25+$0xFFFFF0C0];
	_ =	sdelay $0x4  }
0x520: {  	v0 =	vadd.f32 v1, v0;
	_ =	sdelay $0x1  }
0x521: {  	[tilespmem:s26+$0x9DC0] =	vst v0  }
0x522: {  	v0 =	vld [tilespmem:$0x4A50]  }
0x523: {  	v1 =	vld [tilespmem:s25+$0xFFFFF0D0];
	_ =	sdelay $0x4  }
0x524: {  	v0 =	vadd.f32 v1, v0;
	_ =	sdelay $0x1  }
0x525: {  	[tilespmem:s26+$0x9DD0] =	vst v0  }
0x526: {  	v0 =	vld [tilespmem:$0x4A60]  }
0x527: {  	v1 =	vld [tilespmem:s25+$0xFFFFF0E0];
	_ =	sdelay $0x4  }
0x528: {  	v0 =	vadd.f32 v1, v0;
	_ =	sdelay $0x1  }
0x529: {  	[tilespmem:s26+$0x9DE0] =	vst v0  }
0x52a: {  	v0 =	vld [tilespmem:$0x4A70]  }
0x52b: {  	v1 =	vld [tilespmem:s25+$0xFFFFF0F0];
	_ =	sdelay $0x4  }
0x52c: {  	v0 =	vadd.f32 v1, v0;
	_ =	sdelay $0x1  }
0x52d: {  	[tilespmem:s26+$0x9DF0] =	vst v0  }
0x52e: {  	v0 =	vld [tilespmem:$0x4E80]  }
0x52f: {  	v1 =	vld [tilespmem:s25+$0x0];
	_ =	sdelay $0x4  }
0x530: {  	v0 =	vadd.f32 v1, v0;
	_ =	sdelay $0x1  }
0x531: {  	[tilespmem:s26+$0xE580] =	vst v0  }
0x532: {  	v0 =	vld [tilespmem:$0x4E90]  }
0x533: {  	v1 =	vld [tilespmem:s25+$0x10];
	_ =	sdelay $0x4  }
0x534: {  	v0 =	vadd.f32 v1, v0;
	_ =	sdelay $0x1  }
0x535: {  	[tilespmem:s26+$0xE590] =	vst v0  }
0x536: {  	v0 =	vld [tilespmem:$0x4EA0]  }
0x537: {  	v1 =	vld [tilespmem:s25+$0x20];
	_ =	sdelay $0x4  }
0x538: {  	v0 =	vadd.f32 v1, v0;
	_ =	sdelay $0x1  }
0x539: {  	[tilespmem:s26+$0xE5A0] =	vst v0  }
0x53a: {  	v0 =	vld [tilespmem:$0x4EB0]  }
0x53b: {  	v1 =	vld [tilespmem:s25+$0x30];
	_ =	sdelay $0x4  }
0x53c: {  	v0 =	vadd.f32 v1, v0;
	_ =	sdelay $0x1  }
0x53d: {  	[tilespmem:s26+$0xE5B0] =	vst v0  }
0x53e: {  	v0 =	vld [tilespmem:$0x4EC0]  }
0x53f: {  	v1 =	vld [tilespmem:s25+$0x40];
	_ =	sdelay $0x4  }
0x540: {  	v0 =	vadd.f32 v1, v0;
	_ =	sdelay $0x1  }
0x541: {  	[tilespmem:s26+$0xE5C0] =	vst v0  }
0x542: {  	v0 =	vld [tilespmem:$0x4ED0]  }
0x543: {  	v1 =	vld [tilespmem:s25+$0x50];
	_ =	sdelay $0x4  }
0x544: {  	v0 =	vadd.f32 v1, v0;
	_ =	sdelay $0x1  }
0x545: {  	[tilespmem:s26+$0xE5D0] =	vst v0  }
0x546: {  	v0 =	vld [tilespmem:$0x4EE0]  }
0x547: {  	v1 =	vld [tilespmem:s25+$0x60];
	_ =	sdelay $0x4  }
0x548: {  	v0 =	vadd.f32 v1, v0;
	_ =	sdelay $0x1  }
0x549: {  	[tilespmem:s26+$0xE5E0] =	vst v0  }
0x54a: {  	v0 =	vld [tilespmem:$0x4EF0]  }
0x54b: {  	v1 =	vld [tilespmem:s25+$0x70];
	_ =	sdelay $0x4  }
0x54c: {  	v0 =	vadd.f32 v1, v0;
	_ =	sdelay $0x1  }
0x54d: {  	[tilespmem:s26+$0xE5F0] =	vst v0  }
0x54e: {  	v0 =	vld [tilespmem:$0x4F00]  }
0x54f: {  	v1 =	vld [tilespmem:s25+$0x80];
	_ =	sdelay $0x4  }
0x550: {  	v0 =	vadd.f32 v1, v0;
	_ =	sdelay $0x1  }
0x551: {  	[tilespmem:s26+$0xED80] =	vst v0  }
0x552: {  	v0 =	vld [tilespmem:$0x4F10]  }
0x553: {  	v1 =	vld [tilespmem:s25+$0x90];
	_ =	sdelay $0x4  }
0x554: {  	v0 =	vadd.f32 v1, v0;
	_ =	sdelay $0x1  }
0x555: {  	[tilespmem:s26+$0xED90] =	vst v0  }
0x556: {  	v0 =	vld [tilespmem:$0x4F20]  }
0x557: {  	v1 =	vld [tilespmem:s25+$0xA0];
	_ =	sdelay $0x4  }
0x558: {  	v0 =	vadd.f32 v1, v0;
	_ =	sdelay $0x1  }
0x559: {  	[tilespmem:s26+$0xEDA0] =	vst v0  }
0x55a: {  	v0 =	vld [tilespmem:$0x4F30]  }
0x55b: {  	v1 =	vld [tilespmem:s25+$0xB0];
	_ =	sdelay $0x4  }
.Ltmp5:
0x55c: {  	v0 =	vadd.f32 v1, v0;
	(pc) =	sbr.rel @p0 .LBB2_11-.Ltmp5, $4  }
0x55d: {  	_ = 	snop  }
0x55e: {  	[tilespmem:s26+$0xEDB0] =	vst v0  }
0x55f: {  	v0 =	vld [tilespmem:$0x4F40]  }
0x560: {  	v1 =	vld [tilespmem:s25+$0xC0]  }
0x561: {  	_ =	sdelay $0x3  }
0x562: {  	v0 =	vadd.f32 v1, v0;
	_ =	sdelay $0x1  }
0x563: {  	[tilespmem:s26+$0xEDC0] =	vst v0  }
0x564: {  	v0 =	vld [tilespmem:$0x4F50]  }
0x565: {  	v61 =	vld [tilespmem:s28+$0xD0];
	_ =	sdelay $0x4  }
0x566: {  	v0 =	vadd.f32 v61, v0;
	_ =	sdelay $0x1  }
0x567: {  	[tilespmem:s26+$0xEDD0] =	vst v0  }
0x568: {  	v0 =	vld [tilespmem:$0x4F60]  }
0x569: {  	v62 =	vld [tilespmem:s28+$0xE0];
	_ =	sdelay $0x4  }
0x56a: {  	v0 =	vadd.f32 v62, v0;
	_ =	sdelay $0x1  }
0x56b: {  	[tilespmem:s26+$0xEDE0] =	vst v0  }
0x56c: {  	v0 =	vld [tilespmem:$0x4F70]  }
0x56d: {  	v63 =	vld [tilespmem:s28+$0xF0];
	_ =	sdelay $0x4  }
0x56e: {  	s24 =	sadd.s32 $0x1, s24;
	v0 =	vadd.f32 v63, v0  }
0x56f: {  	p0 =	sne.s32 s24, s8  }
.Ltmp6:
0x570: {  	[tilespmem:s26+$0xEDF0] =	vst v0;
	(pc) =	sbr.rel @p0 .LBB2_2-.Ltmp6, $4  }
0x571: {  	[hbm4b:s6+s4] =	stream.linear.scatter [tilespmem:s23], [sflag:$0x4], $0xA000, $0x38;
	[tilespmem:$0xF580] =	vst v63  }
0x572: {  	_ =	swait.ge [sflag:s9], $0xA000  }
0x573: {  	[sflag:s9] =	ssyncset.done $0x0  }
0x574: {  	[sflag:s9] =	ssyncadd.s32 $0xFFFF6000  }
.LBB2_13:
0x575: {  	_ =	sfence.sel $0x180000  }
0x576: {  	[bflag:$0x0] =	sbarrier.arrive $0xFFFF  }
0x577: {  	p0 =	sne.s32 s0, $0x0;
	_ =	strace $0x90000047  }
0x578: {  	s0 =	sadd.s32 @!p0 $0x100000, s3;
	[bflag:$0x2] =	sbarrier.arrive $0xFFFF  }
0x579: {  	[sflag:s0] =	ssyncadd.tile.s32 @!p0 $0x1;
	_ =	shalt  }
.Lfunc_end2:
_tile_overlayer_lowered:
.L_overlay_start_2:
0x57a: {  	(tag) =	ssettag $0x2  }
0x57b: {  	s0 =	rddreg [dreg:$0x0];
	s2 =	stileid.u32  }
0x57c: {  	s1 =	rddreg [dreg:$0x1];
	p0 =	sne.s32 s2, $0x0  }
0x57d: {  	s3 =	rddreg [dreg:$0x2];
	[bflag:$0x3] =	sbarrier.arrive $0xFFFF;
	s2 =	simm.s32 @!p0 $0x1C04  }
0x57e: {  	[timem:s3], [sflag:s2] =	dma.local @!p0 [hbm:s0], s1  }
0x57f: {  	s0 =	simm.s32 @!p0 $0x4  }
0x580: {  	_ =	swait.ge @!p0 [sflag:s0], s1  }
0x581: {  	s1 =	ssub.s32 @!p0 $0x0, s1;
	[sflag:s0] =	ssyncset.done @!p0 $0x0  }
0x582: {  	[sflag:s0] =	ssyncadd.s32 @!p0 s1  }
0x583: {  	[bflag:$0x3] =	sbarrier.arrive $0xFFFF  }
0x584: {  	_ =	shalt  }

</sc_bundles>
